<compile_context>
chip_gen: v7x
topology: tpu7x:2x2x1
jax: 0.10.2.dev20260603
libtpu: 0.0.44.dev20260713+nightly
codegen_flags: <defaults>
</compile_context>

<pallas_src>
import jax
import jax.numpy as jnp
from jax import lax
from jax.experimental import pallas as pl
from jax.experimental.pallas import tpu as pltpu
from jax.experimental.pallas import tpu_sc as plsc

RATIO = 0.1
CLASS_NUM = 100000
LAST_DIM = 64
BATCH = 16384

NUM_TILES = 32
STEPS = 7
BC = 512
NBLK = 196
LAST_BASE = 99584
VW = 256
SNAP = 128
MW = 256
GCHUNK = 32
MCAP = 1024
LCH = 2048


def _iota16():
    return lax.iota(jnp.int32, 16)


def _splat_i32(x):
    return jnp.full((16,), x, dtype=jnp.int32)


def _sc_body(feat2_hbm, lbl_hbm, mean_in, var_in, used_in,
             mean_out, var_out, used_out,
             LBLC0, LBLC1, MYL, MIDX, SUMF, SQF, COUNT, PCLS, WOFF,
             MT, VT, FEAT, MSK, USEDB,
             sem_mt, sem_vt, sem_f, sem_u, sem_l0, sem_l1):
    wid = lax.axis_index("s") * 2 + lax.axis_index("c")
    iota = _iota16()
    lane0 = iota == 0
    zf16 = jnp.zeros((16,), jnp.float32)
    onef16 = jnp.ones((16,), jnp.float32)
    wid_v = jnp.full((16,), wid, dtype=jnp.int32)

    lbufs = (LBLC0, LBLC1)
    lsems = (sem_l0, sem_l1)
    pltpu.make_async_copy(lbl_hbm.at[pl.ds(0, LCH)], LBLC0, sem_l0).start()

    @pl.loop(0, (BC * LAST_DIM) // 16)
    def _zero_acc(i):
        SUMF[pl.ds(i * 16, 16)] = zf16
        SQF[pl.ds(i * 16, 16)] = zf16

    @pl.loop(0, BC // 16)
    def _zero_cnt(i):
        COUNT[pl.ds(i * 16, 16)] = zf16

    wpv = jnp.zeros((16,), jnp.int32)
    for ch in range(BATCH // LCH):
        buf = lbufs[ch % 2]
        pltpu.make_async_copy(
            lbl_hbm.at[pl.ds(ch * LCH, LCH)], buf, lsems[ch % 2]).wait()
        if ch + 1 < BATCH // LCH:
            pltpu.make_async_copy(
                lbl_hbm.at[pl.ds((ch + 1) * LCH, LCH)],
                lbufs[(ch + 1) % 2], lsems[(ch + 1) % 2]).start()

        def route_body(v, wpv, _buf=buf, _ch=ch):
            l = _buf[pl.ds(v * 16, 16)]
            owner = lax.shift_right_logical(l, 9) & 31
            m = (owner == wid_v) | ((wid_v == 3) & (l >= LAST_BASE))
            pos = wpv + plsc.cumsum(jnp.where(m, 1, 0)) - 1
            packed = (l * 16384) | (_ch * LCH + v * 16 + iota)
            plsc.store_scatter(MYL, [pos], packed, mask=m)
            return wpv + plsc.all_reduce_population_count(m)

        wpv = lax.fori_loop(0, LCH // 16, route_body, wpv, unroll=4)
    mylen = jnp.max(wpv)

    @pl.loop(0, STEPS)
    def _step(s):
        blk = s * NUM_TILES + wid

        @pl.when(blk < NBLK)
        def _do_step():
            base = jnp.minimum(blk * BC, LAST_BASE)
            base_v = jnp.full((16,), base, dtype=jnp.int32)

            cp_mt = pltpu.make_async_copy(
                mean_in.at[:, pl.ds(base, MW)], MT, sem_mt)
            cp_mt.start()
            cp_u = pltpu.make_async_copy(
                used_in.at[pl.ds(base, BC)], USEDB, sem_u)
            cp_u.start()
            cp_vt0 = pltpu.make_async_copy(
                var_in.at[:, pl.ds(base, VW)], VT, sem_vt)
            cp_vt0.start()

            @pl.loop(0, 16)
            def _fchunk(fc):
                fbase = fc * MCAP

                @pl.when(fbase < mylen)
                def _do_chunk():
                    def filt_body(v, wpv2):
                        gpos = fbase + v * 16
                        p = MYL[pl.ds(gpos, 16)]
                        l = lax.shift_right_logical(p, 14)
                        lc = l - base_v
                        m = ((lc >= 0) & (lc < BC)
                             & ((gpos + iota) < mylen))
                        pos = wpv2 + plsc.cumsum(jnp.where(m, 1, 0)) - 1
                        q = (lc * 16384) | (p & 16383)
                        plsc.store_scatter(MIDX, [pos], q, mask=m)
                        return wpv2 + plsc.all_reduce_population_count(m)

                    wpv2 = lax.fori_loop(0, MCAP // 16, filt_body,
                                         jnp.zeros((16,), jnp.int32),
                                         unroll=4)
                    wp = jnp.max(wpv2)

                    def gchunk_body(g, _):
                        off = g * GCHUNK
                        for v4 in range(GCHUNK // 16):
                            p16 = MIDX[pl.ds(off + v4 * 16, 16)]
                            MSK[pl.ds(v4 * 16, 16)] = \
                                lax.shift_right_logical(p16 & 16383, 1)
                        pltpu.async_copy(
                            feat2_hbm.at[MSK], FEAT, sem_f).wait()
                        nitems = jnp.minimum(GCHUNK, wp - off)

                        def item_body(k, _):
                            p = plsc.load_gather(MIDX, [_splat_i32(off + k)])
                            cv = lax.shift_right_logical(p, 14)
                            item = p & 16383
                            halfoff = (item & 1) * LAST_DIM
                            ks = _splat_i32(k)
                            for j in range(4):
                                f = plsc.load_gather(
                                    FEAT, [ks, halfoff + (j * 16 + iota)])
                                idx = (j * 16 + iota) * BC + cv
                                plsc.addupdate_scatter(SUMF, [idx], f)
                                plsc.addupdate_scatter(SQF, [idx], f * f)
                            plsc.addupdate_scatter(COUNT, [cv], onef16,
                                                   mask=lane0)
                            return 0

                        lax.fori_loop(0, nitems, item_body, 0)
                        return 0

                    lax.fori_loop(0, pl.cdiv(wp, GCHUNK), gchunk_body, 0)

            WOFF[pl.ds(0, 16)] = jnp.zeros((16,), jnp.int32)

            def pres_body(v, npv):
                c = COUNT[pl.ds(v * 16, 16)]
                m = c > 0.0
                pos = npv + plsc.cumsum(jnp.where(m, 1, 0)) - 1
                plsc.store_scatter(PCLS, [pos], v * 16 + iota, mask=m)
                npv2 = npv + plsc.all_reduce_population_count(m)

                @pl.when((v & 7) == 7)
                def _snap():
                    w1 = lax.shift_right_logical(v, 3) + 1
                    plsc.store_scatter(WOFF, [w1 * 16 + iota], npv2)

                return npv2

            npv = lax.fori_loop(0, BC // 16, pres_body,
                                jnp.zeros((16,), jnp.int32))
            npres = jnp.max(npv)

            cp_u.wait()
            for mw in range(BC // MW):
                if mw > 0:
                    pltpu.make_async_copy(
                        MT, mean_out.at[:, pl.ds(base + (mw - 1) * MW, MW)],
                        sem_mt).wait()
                    cp_mtw = pltpu.make_async_copy(
                        mean_in.at[:, pl.ds(base + mw * MW, MW)], MT, sem_mt)
                    cp_mtw.start()
                    cp_mtw.wait()
                else:
                    cp_mt.wait()

                wr = MW // SNAP
                mlo = jnp.max(plsc.load_gather(
                    WOFF, [_splat_i32(mw * wr * 16)]))
                mhi = jnp.max(plsc.load_gather(
                    WOFF, [_splat_i32((mw + 1) * wr * 16)]))
                mhi = jnp.minimum(mhi, npres)

                def mean_group(g, _, _mw=mw):
                    k16 = g * 16 + iota
                    cvec = PCLS[pl.ds(g * 16, 16)]
                    cm_ = cvec - _mw * MW
                    valid = (k16 < npres) & (cm_ >= 0) & (cm_ < MW)
                    cidx = jnp.where(valid, cvec, 0)
                    cmw = jnp.where(valid, cm_, 0)
                    n = plsc.load_gather(COUNT, [cidx])
                    u = plsc.load_gather(USEDB, [cidx])
                    used = u != 0.0
                    rn = 1.0 / n

                    def dim_body(d, _):
                        dsp = _splat_i32(d)
                        idx = d * BC + cidx
                        sv = plsc.load_gather(SUMF, [idx])
                        om = plsc.load_gather(MT, [dsp, cmw])
                        cm = sv * rn
                        nm = jnp.where(used,
                                       RATIO * cm + (1.0 - RATIO) * om, cm)
                        plsc.store_scatter(MT, [dsp, cmw], nm, mask=valid)
                        sq = plsc.load_gather(SQF, [idx])
                        sq = sq - 2.0 * nm * sv + n * nm * nm
                        plsc.store_scatter(SQF, [idx], sq, mask=valid)
                        plsc.store_scatter(SUMF, [idx], zf16, mask=valid)
                        return 0

                    lax.fori_loop(0, LAST_DIM, dim_body, 0)
                    return 0

                lax.fori_loop(lax.shift_right_logical(mlo, 4),
                              pl.cdiv(mhi, 16), mean_group, 0)

                pltpu.make_async_copy(
                    MT, mean_out.at[:, pl.ds(base + mw * MW, MW)],
                    sem_mt).start()

            cp_mo = pltpu.make_async_copy(
                MT, mean_out.at[:, pl.ds(base + (BC // MW - 1) * MW, MW)],
                sem_mt)

            for w in range(BC // VW):
                if w > 0:
                    pltpu.make_async_copy(
                        VT, var_out.at[:, pl.ds(base + (w - 1) * VW, VW)],
                        sem_vt).wait()
                    cp_vtw = pltpu.make_async_copy(
                        var_in.at[:, pl.ds(base + w * VW, VW)], VT, sem_vt)
                    cp_vtw.start()
                    cp_vtw.wait()
                else:
                    cp_vt0.wait()

                vwr = VW // SNAP
                lo = jnp.max(plsc.load_gather(
                    WOFF, [_splat_i32(w * vwr * 16)]))
                hi = jnp.max(plsc.load_gather(
                    WOFF, [_splat_i32((w + 1) * vwr * 16)]))
                hi = jnp.minimum(hi, npres)

                def var_group(g, _, _w=w):
                    k16 = g * 16 + iota
                    cvec = PCLS[pl.ds(g * 16, 16)]
                    cw = cvec - _w * VW
                    valid = (k16 < npres) & (cw >= 0) & (cw < VW)
                    cidx = jnp.where(valid, cvec, 0)
                    cwc = jnp.where(valid, cw, 0)
                    n = plsc.load_gather(COUNT, [cidx])
                    u = plsc.load_gather(USEDB, [cidx])
                    used = u != 0.0
                    rd = jnp.where(n > 1.0, 1.0 / (n - 1.0), 1.0)

                    def dim_body(d, _):
                        dsp = _splat_i32(d)
                        idxs = d * BC + cidx
                        sq = plsc.load_gather(SQF, [idxs])
                        ov = plsc.load_gather(VT, [dsp, cwc])
                        vc = sq * rd
                        nv = jnp.where(used,
                                       RATIO * vc + (1.0 - RATIO) * ov, vc)
                        plsc.store_scatter(VT, [dsp, cwc], nv, mask=valid)
                        plsc.store_scatter(SQF, [idxs], zf16, mask=valid)
                        return 0

                    lax.fori_loop(0, LAST_DIM, dim_body, 0, unroll=4)
                    nu = jnp.where(used, u, 1.0)
                    plsc.store_scatter(USEDB, [cidx], nu, mask=valid)
                    plsc.store_scatter(COUNT, [cidx], zf16, mask=valid)
                    return 0

                lax.fori_loop(lax.shift_right_logical(lo, 4),
                              pl.cdiv(hi, 16), var_group, 0)

                pltpu.make_async_copy(
                    VT, var_out.at[:, pl.ds(base + w * VW, VW)],
                    sem_vt).start()

            pltpu.make_async_copy(
                VT, var_out.at[:, pl.ds(base + (BC // VW - 1) * VW, VW)],
                sem_vt).wait()
            cp_uo = pltpu.make_async_copy(
                USEDB, used_out.at[pl.ds(base, BC)], sem_u)
            cp_uo.start()
            cp_uo.wait()
            cp_mo.wait()


@jax.jit
def _run(feature, labels, feature_mean, feature_var, feature_used):
    mean_t = feature_mean.T
    var_t = feature_var.T
    feat2 = feature.reshape(BATCH // 2, 128)

    mesh = plsc.VectorSubcoreMesh(core_axis_name="c", subcore_axis_name="s")
    sck = pl.kernel(
        _sc_body,
        out_type=(
            jax.ShapeDtypeStruct((LAST_DIM, CLASS_NUM), jnp.float32),
            jax.ShapeDtypeStruct((LAST_DIM, CLASS_NUM), jnp.float32),
            jax.ShapeDtypeStruct((CLASS_NUM,), jnp.float32),
        ),
        mesh=mesh,
        compiler_params=pltpu.CompilerParams(
            needs_layout_passes=False, use_tc_tiling_on_sc=True),
        scratch_types=[
            pltpu.VMEM((LCH,), jnp.int32),
            pltpu.VMEM((LCH,), jnp.int32),
            pltpu.VMEM((BATCH + 16,), jnp.int32),
            pltpu.VMEM((MCAP + 16,), jnp.int32),
            pltpu.VMEM((LAST_DIM * BC,), jnp.float32),
            pltpu.VMEM((LAST_DIM * BC,), jnp.float32),
            pltpu.VMEM((BC,), jnp.float32),
            pltpu.VMEM((BC + 16,), jnp.int32),
            pltpu.VMEM((5 * 16,), jnp.int32),
            pltpu.VMEM((LAST_DIM, MW), jnp.float32),
            pltpu.VMEM((LAST_DIM, VW), jnp.float32),
            pltpu.VMEM((GCHUNK, 128), jnp.float32),
            pltpu.VMEM((GCHUNK,), jnp.int32),
            pltpu.VMEM((BC,), jnp.float32),
            pltpu.SemaphoreType.DMA,
            pltpu.SemaphoreType.DMA,
            pltpu.SemaphoreType.DMA,
            pltpu.SemaphoreType.DMA,
            pltpu.SemaphoreType.DMA,
            pltpu.SemaphoreType.DMA,
        ],
    )
    nm_t, nv_t, nu = sck(feat2, labels, mean_t, var_t, feature_used)
    return nm_t.T, nv_t.T, nu


def kernel(feature, labels, feature_mean, feature_var, feature_used):
    return _run(feature, labels, feature_mean, feature_var, feature_used)

# --- scband reference (transcript-rebuilt; emitter-appended) ---
"""Pipeline reference for scband-feature-augmenation-74302934221510 (READ-ONLY COPY).

The authoritative reference and input builder live on the scoring server;
editing this copy changes nothing except your own understanding.
"""

import jax, jax.numpy as jnp
import numpy as np

RATIO = 0.1
CLASS_NUM = 100000
LAST_DIM = 64
BATCH = 16384

def setup_inputs(seed: int = 0) -> dict:
    key = jax.random.key(seed)
    k1, k2, k3, k4 = jax.random.split(key, 4)
    feature = jax.random.normal(k1, (BATCH, LAST_DIM), dtype=jnp.float32)
    labels = jax.random.randint(k2, (BATCH,), 0, CLASS_NUM)
    feature_mean = jax.random.normal(k3, (CLASS_NUM, LAST_DIM), dtype=jnp.float32)
    feature_var = jax.random.uniform(k4, (CLASS_NUM, LAST_DIM), dtype=jnp.float32)
    feature_used = jnp.zeros((CLASS_NUM,), dtype=jnp.float32)
    return {"feature": feature, "labels": labels, "feature_mean": feature_mean, "feature_var": feature_var, "feature_used": feature_used}


def reference(feature, labels, feature_mean, feature_var, feature_used):
    # Vectorized, faithful translation of get_feature_mean_std: a scatter-style
    # per-class running-moment update into class-indexed memory tables.
    C = feature_mean.shape[0]
    counts = jax.ops.segment_sum(jnp.ones((feature.shape[0],), dtype=jnp.float32), labels, num_segments=C)
    present = counts > 0
    sums = jax.ops.segment_sum(feature, labels, num_segments=C)
    safe_counts = jnp.where(present, counts, 1.0)
    class_mean = sums / safe_counts[:, None]
    used = feature_used != 0
    ema_mean = RATIO * class_mean + (1.0 - RATIO) * feature_mean
    new_mean = jnp.where(present[:, None], jnp.where(used[:, None], ema_mean, class_mean), feature_mean)
    # variance computed against the *updated* per-class mean (matches torch loop order)
    diff = feature - new_mean[labels]
    sqsum = jax.ops.segment_sum(diff * diff, labels, num_segments=C)
    n = counts  # feat.numel() / feat.size(1) == per-class sample count
    denom = jnp.where(n > 1, n - 1.0, 1.0)
    var_c = jnp.where((n > 1)[:, None], sqsum / denom[:, None], sqsum)
    ema_var = RATIO * var_c + (1.0 - RATIO) * feature_var
    new_var = jnp.where(present[:, None], jnp.where(used[:, None], ema_var, var_c), feature_var)
    new_used = jnp.where(present & jnp.logical_not(used), feature_used + 1.0, feature_used)
    return new_mean, new_var, new_used

if __name__ == "__main__":
    import jax
    _d = setup_inputs()
    print(jax.jit(kernel)(*tuple(_d.values())))

</pallas_src>

<mosaic_0001>
#map = affine_map<(d0, d1) -> (0, 0)>
#map1 = affine_map<(d0, d1) -> (0)>
module attributes {stable_mosaic.version = 14 : i64} {
  func.func @_sc_body(%arg0: i32, %arg1: i32, %arg2: memref<8192x128xf32, #tpu.memory_space<hbm>>, %arg3: memref<16384xi32, #tpu.memory_space<hbm>>, %arg4: memref<64x100000xf32, #tpu.memory_space<hbm>>, %arg5: memref<64x100000xf32, #tpu.memory_space<hbm>>, %arg6: memref<100000xf32, #tpu.memory_space<hbm>>, %arg7: memref<64x100000xf32, #tpu.memory_space<hbm>>, %arg8: memref<64x100000xf32, #tpu.memory_space<hbm>>, %arg9: memref<100000xf32, #tpu.memory_space<hbm>>, %arg10: memref<2048xi32, #tpu.memory_space<vmem>>, %arg11: memref<2048xi32, #tpu.memory_space<vmem>>, %arg12: memref<16400xi32, #tpu.memory_space<vmem>>, %arg13: memref<1040xi32, #tpu.memory_space<vmem>>, %arg14: memref<32768xf32, #tpu.memory_space<vmem>>, %arg15: memref<32768xf32, #tpu.memory_space<vmem>>, %arg16: memref<512xf32, #tpu.memory_space<vmem>>, %arg17: memref<528xi32, #tpu.memory_space<vmem>>, %arg18: memref<80xi32, #tpu.memory_space<vmem>>, %arg19: memref<64x256xf32, #tpu.memory_space<vmem>>, %arg20: memref<64x256xf32, #tpu.memory_space<vmem>>, %arg21: memref<32x128xf32, #tpu.memory_space<vmem>>, %arg22: memref<32xi32, #tpu.memory_space<vmem>>, %arg23: memref<512xf32, #tpu.memory_space<vmem>>, %arg24: memref<!tpu.dma_semaphore, #tpu.memory_space<semaphore_mem>>, %arg25: memref<!tpu.dma_semaphore, #tpu.memory_space<semaphore_mem>>, %arg26: memref<!tpu.dma_semaphore, #tpu.memory_space<semaphore_mem>>, %arg27: memref<!tpu.dma_semaphore, #tpu.memory_space<semaphore_mem>>, %arg28: memref<!tpu.dma_semaphore, #tpu.memory_space<semaphore_mem>>, %arg29: memref<!tpu.dma_semaphore, #tpu.memory_space<semaphore_mem>>) attributes {dimension_semantics = [#tpu.dimension_semantics<core_parallel>, #tpu.dimension_semantics<subcore_parallel>], iteration_bounds = array<i64: 2, 16>, scalar_prefetch = 0 : i64, scratch_operands = 20 : i64, tpu.core_type = #tpu.core_type<sc_vector_subcore>, window_params = [{transform_indices = #map}, {transform_indices = #map1}, {transform_indices = #map}, {transform_indices = #map}, {transform_indices = #map1}, {transform_indices = #map}, {transform_indices = #map}, {transform_indices = #map1}]} {
    %mul3A = arith.constant 2 : i32
    %mul3A_0 = arith.muli %arg1, %mul3A : i32
    %add3A = arith.addi %mul3A_0, %arg0 : i32
    %iota3A = tpu.iota {dimensions = array<i32: 0>} : vector<16xi32>
    %eq3A = arith.constant 0 : i32
    %eq3A_1 = vector.broadcast %eq3A : i32 to vector<16xi32>
    %eq3A_2 = arith.cmpi eq, %iota3A, %eq3A_1 : vector<16xi32>
    %broadcast_in_dim3A = arith.constant 0.000000e+00 : f32
    %broadcast_in_dim3A_3 = vector.broadcast %broadcast_in_dim3A : f32 to vector<16xf32>
    %broadcast_in_dim3A_4 = arith.constant 1.000000e+00 : f32
    %broadcast_in_dim3A_5 = vector.broadcast %broadcast_in_dim3A_4 : f32 to vector<16xf32>
    %broadcast_in_dim3A_6 = vector.broadcast %add3A : i32 to vector<16xi32>
    %dma_start3A = arith.constant 0 : i32
    %dma_start3A_7 = tpu.memref_slice %arg3[%dma_start3A] : memref<16384xi32, #tpu.memory_space<hbm>> -> memref<2048xi32, #tpu.memory_space<hbm>>
    %dma_start3A_8 = arith.constant 0 : i32
    %dma_start3A_9 = tpu.memref_slice %arg3[%dma_start3A_8] : memref<16384xi32, #tpu.memory_space<hbm>> -> memref<2048xi32, #tpu.memory_space<hbm>>
    tpu.enqueue_dma source(%dma_start3A_9 : memref<2048xi32, #tpu.memory_space<hbm>>) target(%arg10 : memref<2048xi32, #tpu.memory_space<vmem>>) target_semaphore(%arg28 : memref<!tpu.dma_semaphore, #tpu.memory_space<semaphore_mem>>)
    %scan3A = arith.constant 0 : i32
    %scan3A_10 = arith.constant 2048 : i32
    %scan3A_11 = arith.addi %scan3A, %scan3A_10 : i32
    %scan3A_12 = arith.constant 1 : i32
    scf.for %scan3A_140 = %scan3A to %scan3A_11 step %scan3A_12  : i32 {
      %mul3A_141 = arith.constant 1 : i32
      %mul3A_142 = arith.muli %scan3A_140, %mul3A_141 : i32
      %add3A_143 = arith.constant 0 : i32
      %add3A_144 = arith.addi %add3A_143, %mul3A_142 : i32
      %mul3A_145 = arith.constant 16 : i32
      %mul3A_146 = arith.muli %add3A_144, %mul3A_145 : i32
      %swap3A = arith.index_cast %mul3A_146 : i32 to index
      %swap3A_147 = tpu.vector_load %arg14[%swap3A] {strides = array<i32>} : memref<32768xf32, #tpu.memory_space<vmem>>, vector<16xf32>,
      tpu.vector_store %arg14[%swap3A], %broadcast_in_dim3A_3 {strides = array<i32>} : memref<32768xf32, #tpu.memory_space<vmem>>, vector<16xf32>,
      %mul3A_148 = arith.constant 16 : i32
      %mul3A_149 = arith.muli %add3A_144, %mul3A_148 : i32
      %swap3A_150 = arith.index_cast %mul3A_149 : i32 to index
      %swap3A_151 = tpu.vector_load %arg15[%swap3A_150] {strides = array<i32>} : memref<32768xf32, #tpu.memory_space<vmem>>, vector<16xf32>,
      tpu.vector_store %arg15[%swap3A_150], %broadcast_in_dim3A_3 {strides = array<i32>} : memref<32768xf32, #tpu.memory_space<vmem>>, vector<16xf32>,
    }
    %scan3A_13 = arith.constant 2048 : i32
    %scan3A_14 = arith.constant 0 : i32
    %scan3A_15 = arith.constant 32 : i32
    %scan3A_16 = arith.addi %scan3A_14, %scan3A_15 : i32
    %scan3A_17 = arith.constant 1 : i32
    scf.for %scan3A_140 = %scan3A_14 to %scan3A_16 step %scan3A_17  : i32 {
      %mul3A_141 = arith.constant 1 : i32
      %mul3A_142 = arith.muli %scan3A_140, %mul3A_141 : i32
      %add3A_143 = arith.constant 0 : i32
      %add3A_144 = arith.addi %add3A_143, %mul3A_142 : i32
      %mul3A_145 = arith.constant 16 : i32
      %mul3A_146 = arith.muli %add3A_144, %mul3A_145 : i32
      %swap3A = arith.index_cast %mul3A_146 : i32 to index
      %swap3A_147 = tpu.vector_load %arg16[%swap3A] {strides = array<i32>} : memref<512xf32, #tpu.memory_space<vmem>>, vector<16xf32>,
      tpu.vector_store %arg16[%swap3A], %broadcast_in_dim3A_3 {strides = array<i32>} : memref<512xf32, #tpu.memory_space<vmem>>, vector<16xf32>,
    }
    %scan3A_18 = arith.constant 32 : i32
    %broadcast_in_dim3A_19 = arith.constant 0 : i32
    %broadcast_in_dim3A_20 = vector.broadcast %broadcast_in_dim3A_19 : i32 to vector<16xi32>
    %dma_wait3A = arith.constant 0 : i32
    %dma_wait3A_21 = tpu.memref_slice %arg3[%dma_wait3A] : memref<16384xi32, #tpu.memory_space<hbm>> -> memref<2048xi32, #tpu.memory_space<hbm>>
    %dma_wait3A_22 = arith.constant 0 : i32
    %dma_wait3A_23 = tpu.memref_slice %arg3[%dma_wait3A_22] : memref<16384xi32, #tpu.memory_space<hbm>> -> memref<2048xi32, #tpu.memory_space<hbm>>
    tpu.wait_dma2 semaphore(%arg28 : memref<!tpu.dma_semaphore, #tpu.memory_space<semaphore_mem>>) src(%dma_wait3A_23 : memref<2048xi32, #tpu.memory_space<hbm>>) dst(%arg10 : memref<2048xi32, #tpu.memory_space<vmem>>)
    %dma_start3A_24 = arith.constant 2048 : i32
    %dma_start3A_25 = tpu.memref_slice %arg3[%dma_start3A_24] : memref<16384xi32, #tpu.memory_space<hbm>> -> memref<2048xi32, #tpu.memory_space<hbm>>
    %dma_start3A_26 = arith.constant 2048 : i32
    %dma_start3A_27 = tpu.memref_slice %arg3[%dma_start3A_26] : memref<16384xi32, #tpu.memory_space<hbm>> -> memref<2048xi32, #tpu.memory_space<hbm>>
    tpu.enqueue_dma source(%dma_start3A_27 : memref<2048xi32, #tpu.memory_space<hbm>>) target(%arg11 : memref<2048xi32, #tpu.memory_space<vmem>>) target_semaphore(%arg29 : memref<!tpu.dma_semaphore, #tpu.memory_space<semaphore_mem>>)
    %scan3A_28 = arith.constant 0 : i32
    %scan3A_29 = arith.constant 128 : i32
    %scan3A_30 = arith.addi %scan3A_28, %scan3A_29 : i32
    %scan3A_31 = arith.constant 4 : i32
    %scan3A_32 = scf.for %scan3A_140 = %scan3A_28 to %scan3A_30 step %scan3A_31 iter_args(%scan3A_141 = %broadcast_in_dim3A_20) -> (vector<16xi32>)  : i32 {
      %mul3A_142 = arith.constant 16 : i32
      %mul3A_143 = arith.muli %scan3A_140, %mul3A_142 : i32
      %get3A = arith.index_cast %mul3A_143 : i32 to index
      %get3A_144 = tpu.vector_load %arg10[%get3A] {strides = array<i32>} : memref<2048xi32, #tpu.memory_space<vmem>>, vector<16xi32>,
      %shift_right_logical3A = arith.constant 9 : i32
      %shift_right_logical3A_145 = vector.broadcast %shift_right_logical3A : i32 to vector<16xi32>
      %shift_right_logical3A_146 = arith.shrui %get3A_144, %shift_right_logical3A_145 : vector<16xi32>
      %and3A = arith.constant 31 : i32
      %and3A_147 = vector.broadcast %and3A : i32 to vector<16xi32>
      %and3A_148 = arith.andi %shift_right_logical3A_146, %and3A_147 : vector<16xi32>
      %eq3A_149 = arith.cmpi eq, %and3A_148, %broadcast_in_dim3A_6 : vector<16xi32>
      %eq3A_150 = arith.constant 3 : i32
      %eq3A_151 = vector.broadcast %eq3A_150 : i32 to vector<16xi32>
      %eq3A_152 = arith.cmpi eq, %broadcast_in_dim3A_6, %eq3A_151 : vector<16xi32>
      %ge3A = arith.constant 99584 : i32
      %ge3A_153 = vector.broadcast %ge3A : i32 to vector<16xi32>
      %ge3A_154 = arith.cmpi sge, %get3A_144, %ge3A_153 : vector<16xi32>
      %and3A_155 = arith.andi %eq3A_152, %ge3A_154 : vector<16xi1>
      %or3A = arith.ori %eq3A_149, %and3A_155 : vector<16xi1>
      %jit3A = arith.constant 1 : i32
      %jit3A_156 = arith.constant 0 : i32
      %broadcast_in_dim3A_157 = vector.broadcast %jit3A : i32 to vector<16xi32>
      %broadcast_in_dim3A_158 = vector.broadcast %jit3A_156 : i32 to vector<16xi32>
      %select_n3A = arith.select %or3A, %broadcast_in_dim3A_157, %broadcast_in_dim3A_158 : vector<16xi1>, vector<16xi32>
      %broadcast_in_dim3A_159 = arith.constant true
      %broadcast_in_dim3A_160 = vector.broadcast %broadcast_in_dim3A_159 : i1 to vector<16xi1>
      %masked_cumsum3A = tpu.scan <sum>, %select_n3A masked %broadcast_in_dim3A_160 : vector<16xi32>, vector<16xi1> -> vector<16xi32>
      %add3A_161 = arith.addi %scan3A_141, %masked_cumsum3A : vector<16xi32>
      %sub3A = arith.constant 1 : i32
      %sub3A_162 = vector.broadcast %sub3A : i32 to vector<16xi32>
      %sub3A_163 = arith.subi %add3A_161, %sub3A_162 : vector<16xi32>
      %mul3A_164 = arith.constant 16384 : i32
      %mul3A_165 = vector.broadcast %mul3A_164 : i32 to vector<16xi32>
      %mul3A_166 = arith.muli %get3A_144, %mul3A_165 : vector<16xi32>
      %mul3A_167 = arith.constant 16 : i32
      %mul3A_168 = arith.muli %scan3A_140, %mul3A_167 : i32
      %add3A_169 = arith.constant 0 : i32
      %add3A_170 = arith.addi %add3A_169, %mul3A_168 : i32
      %add3A_171 = vector.broadcast %add3A_170 : i32 to vector<16xi32>
      %add3A_172 = arith.addi %add3A_171, %iota3A : vector<16xi32>
      %or3A_173 = arith.ori %mul3A_166, %add3A_172 : vector<16xi32>
      tpu.vector_store_idx %arg12[%sub3A_163], %or3A_173 masked %or3A : memref<16400xi32, #tpu.memory_space<vmem>>[vector<16xi32>], vector<16xi32>, vector<16xi1>
      %all_reduce_population_count3A = tpu.all_reduce %or3A {dim = 0 : i64, kind = #tpu.reduction_kind<sum>} : vector<16xi1> -> vector<16xi32>
      %add3A_174 = arith.addi %scan3A_141, %all_reduce_population_count3A : vector<16xi32>
      %scan3A_175 = arith.constant 1 : i32
      %scan3A_176 = arith.addi %scan3A_140, %scan3A_175 : i32
      %mul3A_177 = arith.constant 16 : i32
      %mul3A_178 = arith.muli %scan3A_176, %mul3A_177 : i32
      %get3A_179 = arith.index_cast %mul3A_178 : i32 to index
      %get3A_180 = tpu.vector_load %arg10[%get3A_179] {strides = array<i32>} : memref<2048xi32, #tpu.memory_space<vmem>>, vector<16xi32>,
      %shift_right_logical3A_181 = arith.constant 9 : i32
      %shift_right_logical3A_182 = vector.broadcast %shift_right_logical3A_181 : i32 to vector<16xi32>
      %shift_right_logical3A_183 = arith.shrui %get3A_180, %shift_right_logical3A_182 : vector<16xi32>
      %and3A_184 = arith.constant 31 : i32
      %and3A_185 = vector.broadcast %and3A_184 : i32 to vector<16xi32>
      %and3A_186 = arith.andi %shift_right_logical3A_183, %and3A_185 : vector<16xi32>
      %eq3A_187 = arith.cmpi eq, %and3A_186, %broadcast_in_dim3A_6 : vector<16xi32>
      %eq3A_188 = arith.constant 3 : i32
      %eq3A_189 = vector.broadcast %eq3A_188 : i32 to vector<16xi32>
      %eq3A_190 = arith.cmpi eq, %broadcast_in_dim3A_6, %eq3A_189 : vector<16xi32>
      %ge3A_191 = arith.constant 99584 : i32
      %ge3A_192 = vector.broadcast %ge3A_191 : i32 to vector<16xi32>
      %ge3A_193 = arith.cmpi sge, %get3A_180, %ge3A_192 : vector<16xi32>
      %and3A_194 = arith.andi %eq3A_190, %ge3A_193 : vector<16xi1>
      %or3A_195 = arith.ori %eq3A_187, %and3A_194 : vector<16xi1>
      %jit3A_196 = arith.constant 1 : i32
      %jit3A_197 = arith.constant 0 : i32
      %broadcast_in_dim3A_198 = vector.broadcast %jit3A_196 : i32 to vector<16xi32>
      %broadcast_in_dim3A_199 = vector.broadcast %jit3A_197 : i32 to vector<16xi32>
      %select_n3A_200 = arith.select %or3A_195, %broadcast_in_dim3A_198, %broadcast_in_dim3A_199 : vector<16xi1>, vector<16xi32>
      %broadcast_in_dim3A_201 = arith.constant true
      %broadcast_in_dim3A_202 = vector.broadcast %broadcast_in_dim3A_201 : i1 to vector<16xi1>
      %masked_cumsum3A_203 = tpu.scan <sum>, %select_n3A_200 masked %broadcast_in_dim3A_202 : vector<16xi32>, vector<16xi1> -> vector<16xi32>
      %add3A_204 = arith.addi %add3A_174, %masked_cumsum3A_203 : vector<16xi32>
      %sub3A_205 = arith.constant 1 : i32
      %sub3A_206 = vector.broadcast %sub3A_205 : i32 to vector<16xi32>
      %sub3A_207 = arith.subi %add3A_204, %sub3A_206 : vector<16xi32>
      %mul3A_208 = arith.constant 16384 : i32
      %mul3A_209 = vector.broadcast %mul3A_208 : i32 to vector<16xi32>
      %mul3A_210 = arith.muli %get3A_180, %mul3A_209 : vector<16xi32>
      %mul3A_211 = arith.constant 16 : i32
      %mul3A_212 = arith.muli %scan3A_176, %mul3A_211 : i32
      %add3A_213 = arith.constant 0 : i32
      %add3A_214 = arith.addi %add3A_213, %mul3A_212 : i32
      %add3A_215 = vector.broadcast %add3A_214 : i32 to vector<16xi32>
      %add3A_216 = arith.addi %add3A_215, %iota3A : vector<16xi32>
      %or3A_217 = arith.ori %mul3A_210, %add3A_216 : vector<16xi32>
      tpu.vector_store_idx %arg12[%sub3A_207], %or3A_217 masked %or3A_195 : memref<16400xi32, #tpu.memory_space<vmem>>[vector<16xi32>], vector<16xi32>, vector<16xi1>
      %all_reduce_population_count3A_218 = tpu.all_reduce %or3A_195 {dim = 0 : i64, kind = #tpu.reduction_kind<sum>} : vector<16xi1> -> vector<16xi32>
      %add3A_219 = arith.addi %add3A_174, %all_reduce_population_count3A_218 : vector<16xi32>
      %scan3A_220 = arith.constant 2 : i32
      %scan3A_221 = arith.addi %scan3A_140, %scan3A_220 : i32
      %mul3A_222 = arith.constant 16 : i32
      %mul3A_223 = arith.muli %scan3A_221, %mul3A_222 : i32
      %get3A_224 = arith.index_cast %mul3A_223 : i32 to index
      %get3A_225 = tpu.vector_load %arg10[%get3A_224] {strides = array<i32>} : memref<2048xi32, #tpu.memory_space<vmem>>, vector<16xi32>,
      %shift_right_logical3A_226 = arith.constant 9 : i32
      %shift_right_logical3A_227 = vector.broadcast %shift_right_logical3A_226 : i32 to vector<16xi32>
      %shift_right_logical3A_228 = arith.shrui %get3A_225, %shift_right_logical3A_227 : vector<16xi32>
      %and3A_229 = arith.constant 31 : i32
      %and3A_230 = vector.broadcast %and3A_229 : i32 to vector<16xi32>
      %and3A_231 = arith.andi %shift_right_logical3A_228, %and3A_230 : vector<16xi32>
      %eq3A_232 = arith.cmpi eq, %and3A_231, %broadcast_in_dim3A_6 : vector<16xi32>
      %eq3A_233 = arith.constant 3 : i32
      %eq3A_234 = vector.broadcast %eq3A_233 : i32 to vector<16xi32>
      %eq3A_235 = arith.cmpi eq, %broadcast_in_dim3A_6, %eq3A_234 : vector<16xi32>
      %ge3A_236 = arith.constant 99584 : i32
      %ge3A_237 = vector.broadcast %ge3A_236 : i32 to vector<16xi32>
      %ge3A_238 = arith.cmpi sge, %get3A_225, %ge3A_237 : vector<16xi32>
      %and3A_239 = arith.andi %eq3A_235, %ge3A_238 : vector<16xi1>
      %or3A_240 = arith.ori %eq3A_232, %and3A_239 : vector<16xi1>
      %jit3A_241 = arith.constant 1 : i32
      %jit3A_242 = arith.constant 0 : i32
      %broadcast_in_dim3A_243 = vector.broadcast %jit3A_241 : i32 to vector<16xi32>
      %broadcast_in_dim3A_244 = vector.broadcast %jit3A_242 : i32 to vector<16xi32>
      %select_n3A_245 = arith.select %or3A_240, %broadcast_in_dim3A_243, %broadcast_in_dim3A_244 : vector<16xi1>, vector<16xi32>
      %broadcast_in_dim3A_246 = arith.constant true
      %broadcast_in_dim3A_247 = vector.broadcast %broadcast_in_dim3A_246 : i1 to vector<16xi1>
      %masked_cumsum3A_248 = tpu.scan <sum>, %select_n3A_245 masked %broadcast_in_dim3A_247 : vector<16xi32>, vector<16xi1> -> vector<16xi32>
      %add3A_249 = arith.addi %add3A_219, %masked_cumsum3A_248 : vector<16xi32>
      %sub3A_250 = arith.constant 1 : i32
      %sub3A_251 = vector.broadcast %sub3A_250 : i32 to vector<16xi32>
      %sub3A_252 = arith.subi %add3A_249, %sub3A_251 : vector<16xi32>
      %mul3A_253 = arith.constant 16384 : i32
      %mul3A_254 = vector.broadcast %mul3A_253 : i32 to vector<16xi32>
      %mul3A_255 = arith.muli %get3A_225, %mul3A_254 : vector<16xi32>
      %mul3A_256 = arith.constant 16 : i32
      %mul3A_257 = arith.muli %scan3A_221, %mul3A_256 : i32
      %add3A_258 = arith.constant 0 : i32
      %add3A_259 = arith.addi %add3A_258, %mul3A_257 : i32
      %add3A_260 = vector.broadcast %add3A_259 : i32 to vector<16xi32>
      %add3A_261 = arith.addi %add3A_260, %iota3A : vector<16xi32>
      %or3A_262 = arith.ori %mul3A_255, %add3A_261 : vector<16xi32>
      tpu.vector_store_idx %arg12[%sub3A_252], %or3A_262 masked %or3A_240 : memref<16400xi32, #tpu.memory_space<vmem>>[vector<16xi32>], vector<16xi32>, vector<16xi1>
      %all_reduce_population_count3A_263 = tpu.all_reduce %or3A_240 {dim = 0 : i64, kind = #tpu.reduction_kind<sum>} : vector<16xi1> -> vector<16xi32>
      %add3A_264 = arith.addi %add3A_219, %all_reduce_population_count3A_263 : vector<16xi32>
      %scan3A_265 = arith.constant 3 : i32
      %scan3A_266 = arith.addi %scan3A_140, %scan3A_265 : i32
      %mul3A_267 = arith.constant 16 : i32
      %mul3A_268 = arith.muli %scan3A_266, %mul3A_267 : i32
      %get3A_269 = arith.index_cast %mul3A_268 : i32 to index
      %get3A_270 = tpu.vector_load %arg10[%get3A_269] {strides = array<i32>} : memref<2048xi32, #tpu.memory_space<vmem>>, vector<16xi32>,
      %shift_right_logical3A_271 = arith.constant 9 : i32
      %shift_right_logical3A_272 = vector.broadcast %shift_right_logical3A_271 : i32 to vector<16xi32>
      %shift_right_logical3A_273 = arith.shrui %get3A_270, %shift_right_logical3A_272 : vector<16xi32>
      %and3A_274 = arith.constant 31 : i32
      %and3A_275 = vector.broadcast %and3A_274 : i32 to vector<16xi32>
      %and3A_276 = arith.andi %shift_right_logical3A_273, %and3A_275 : vector<16xi32>
      %eq3A_277 = arith.cmpi eq, %and3A_276, %broadcast_in_dim3A_6 : vector<16xi32>
      %eq3A_278 = arith.constant 3 : i32
      %eq3A_279 = vector.broadcast %eq3A_278 : i32 to vector<16xi32>
      %eq3A_280 = arith.cmpi eq, %broadcast_in_dim3A_6, %eq3A_279 : vector<16xi32>
      %ge3A_281 = arith.constant 99584 : i32
      %ge3A_282 = vector.broadcast %ge3A_281 : i32 to vector<16xi32>
      %ge3A_283 = arith.cmpi sge, %get3A_270, %ge3A_282 : vector<16xi32>
      %and3A_284 = arith.andi %eq3A_280, %ge3A_283 : vector<16xi1>
      %or3A_285 = arith.ori %eq3A_277, %and3A_284 : vector<16xi1>
      %jit3A_286 = arith.constant 1 : i32
      %jit3A_287 = arith.constant 0 : i32
      %broadcast_in_dim3A_288 = vector.broadcast %jit3A_286 : i32 to vector<16xi32>
      %broadcast_in_dim3A_289 = vector.broadcast %jit3A_287 : i32 to vector<16xi32>
      %select_n3A_290 = arith.select %or3A_285, %broadcast_in_dim3A_288, %broadcast_in_dim3A_289 : vector<16xi1>, vector<16xi32>
      %broadcast_in_dim3A_291 = arith.constant true
      %broadcast_in_dim3A_292 = vector.broadcast %broadcast_in_dim3A_291 : i1 to vector<16xi1>
      %masked_cumsum3A_293 = tpu.scan <sum>, %select_n3A_290 masked %broadcast_in_dim3A_292 : vector<16xi32>, vector<16xi1> -> vector<16xi32>
      %add3A_294 = arith.addi %add3A_264, %masked_cumsum3A_293 : vector<16xi32>
      %sub3A_295 = arith.constant 1 : i32
      %sub3A_296 = vector.broadcast %sub3A_295 : i32 to vector<16xi32>
      %sub3A_297 = arith.subi %add3A_294, %sub3A_296 : vector<16xi32>
      %mul3A_298 = arith.constant 16384 : i32
      %mul3A_299 = vector.broadcast %mul3A_298 : i32 to vector<16xi32>
      %mul3A_300 = arith.muli %get3A_270, %mul3A_299 : vector<16xi32>
      %mul3A_301 = arith.constant 16 : i32
      %mul3A_302 = arith.muli %scan3A_266, %mul3A_301 : i32
      %add3A_303 = arith.constant 0 : i32
      %add3A_304 = arith.addi %add3A_303, %mul3A_302 : i32
      %add3A_305 = vector.broadcast %add3A_304 : i32 to vector<16xi32>
      %add3A_306 = arith.addi %add3A_305, %iota3A : vector<16xi32>
      %or3A_307 = arith.ori %mul3A_300, %add3A_306 : vector<16xi32>
      tpu.vector_store_idx %arg12[%sub3A_297], %or3A_307 masked %or3A_285 : memref<16400xi32, #tpu.memory_space<vmem>>[vector<16xi32>], vector<16xi32>, vector<16xi1>
      %all_reduce_population_count3A_308 = tpu.all_reduce %or3A_285 {dim = 0 : i64, kind = #tpu.reduction_kind<sum>} : vector<16xi1> -> vector<16xi32>
      %add3A_309 = arith.addi %add3A_264, %all_reduce_population_count3A_308 : vector<16xi32>
      scf.yield %add3A_309 : vector<16xi32>
    }
    %scan3A_33 = arith.constant 128 : i32
    %dma_wait3A_34 = arith.constant 2048 : i32
    %dma_wait3A_35 = tpu.memref_slice %arg3[%dma_wait3A_34] : memref<16384xi32, #tpu.memory_space<hbm>> -> memref<2048xi32, #tpu.memory_space<hbm>>
    %dma_wait3A_36 = arith.constant 2048 : i32
    %dma_wait3A_37 = tpu.memref_slice %arg3[%dma_wait3A_36] : memref<16384xi32, #tpu.memory_space<hbm>> -> memref<2048xi32, #tpu.memory_space<hbm>>
    tpu.wait_dma2 semaphore(%arg29 : memref<!tpu.dma_semaphore, #tpu.memory_space<semaphore_mem>>) src(%dma_wait3A_37 : memref<2048xi32, #tpu.memory_space<hbm>>) dst(%arg11 : memref<2048xi32, #tpu.memory_space<vmem>>)
    %dma_start3A_38 = arith.constant 4096 : i32
    %dma_start3A_39 = tpu.memref_slice %arg3[%dma_start3A_38] : memref<16384xi32, #tpu.memory_space<hbm>> -> memref<2048xi32, #tpu.memory_space<hbm>>
    %dma_start3A_40 = arith.constant 4096 : i32
    %dma_start3A_41 = tpu.memref_slice %arg3[%dma_start3A_40] : memref<16384xi32, #tpu.memory_space<hbm>> -> memref<2048xi32, #tpu.memory_space<hbm>>
    tpu.enqueue_dma source(%dma_start3A_41 : memref<2048xi32, #tpu.memory_space<hbm>>) target(%arg10 : memref<2048xi32, #tpu.memory_space<vmem>>) target_semaphore(%arg28 : memref<!tpu.dma_semaphore, #tpu.memory_space<semaphore_mem>>)
    %scan3A_42 = arith.constant 0 : i32
    %scan3A_43 = arith.constant 128 : i32
    %scan3A_44 = arith.addi %scan3A_42, %scan3A_43 : i32
    %scan3A_45 = arith.constant 4 : i32
    %scan3A_46 = scf.for %scan3A_140 = %scan3A_42 to %scan3A_44 step %scan3A_45 iter_args(%scan3A_141 = %scan3A_32) -> (vector<16xi32>)  : i32 {
      %mul3A_142 = arith.constant 16 : i32
      %mul3A_143 = arith.muli %scan3A_140, %mul3A_142 : i32
      %get3A = arith.index_cast %mul3A_143 : i32 to index
      %get3A_144 = tpu.vector_load %arg11[%get3A] {strides = array<i32>} : memref<2048xi32, #tpu.memory_space<vmem>>, vector<16xi32>,
      %shift_right_logical3A = arith.constant 9 : i32
      %shift_right_logical3A_145 = vector.broadcast %shift_right_logical3A : i32 to vector<16xi32>
      %shift_right_logical3A_146 = arith.shrui %get3A_144, %shift_right_logical3A_145 : vector<16xi32>
      %and3A = arith.constant 31 : i32
      %and3A_147 = vector.broadcast %and3A : i32 to vector<16xi32>
      %and3A_148 = arith.andi %shift_right_logical3A_146, %and3A_147 : vector<16xi32>
      %eq3A_149 = arith.cmpi eq, %and3A_148, %broadcast_in_dim3A_6 : vector<16xi32>
      %eq3A_150 = arith.constant 3 : i32
      %eq3A_151 = vector.broadcast %eq3A_150 : i32 to vector<16xi32>
      %eq3A_152 = arith.cmpi eq, %broadcast_in_dim3A_6, %eq3A_151 : vector<16xi32>
      %ge3A = arith.constant 99584 : i32
      %ge3A_153 = vector.broadcast %ge3A : i32 to vector<16xi32>
      %ge3A_154 = arith.cmpi sge, %get3A_144, %ge3A_153 : vector<16xi32>
      %and3A_155 = arith.andi %eq3A_152, %ge3A_154 : vector<16xi1>
      %or3A = arith.ori %eq3A_149, %and3A_155 : vector<16xi1>
      %jit3A = arith.constant 1 : i32
      %jit3A_156 = arith.constant 0 : i32
      %broadcast_in_dim3A_157 = vector.broadcast %jit3A : i32 to vector<16xi32>
      %broadcast_in_dim3A_158 = vector.broadcast %jit3A_156 : i32 to vector<16xi32>
      %select_n3A = arith.select %or3A, %broadcast_in_dim3A_157, %broadcast_in_dim3A_158 : vector<16xi1>, vector<16xi32>
      %broadcast_in_dim3A_159 = arith.constant true
      %broadcast_in_dim3A_160 = vector.broadcast %broadcast_in_dim3A_159 : i1 to vector<16xi1>
      %masked_cumsum3A = tpu.scan <sum>, %select_n3A masked %broadcast_in_dim3A_160 : vector<16xi32>, vector<16xi1> -> vector<16xi32>
      %add3A_161 = arith.addi %scan3A_141, %masked_cumsum3A : vector<16xi32>
      %sub3A = arith.constant 1 : i32
      %sub3A_162 = vector.broadcast %sub3A : i32 to vector<16xi32>
      %sub3A_163 = arith.subi %add3A_161, %sub3A_162 : vector<16xi32>
      %mul3A_164 = arith.constant 16384 : i32
      %mul3A_165 = vector.broadcast %mul3A_164 : i32 to vector<16xi32>
      %mul3A_166 = arith.muli %get3A_144, %mul3A_165 : vector<16xi32>
      %mul3A_167 = arith.constant 16 : i32
      %mul3A_168 = arith.muli %scan3A_140, %mul3A_167 : i32
      %add3A_169 = arith.constant 2048 : i32
      %add3A_170 = arith.addi %add3A_169, %mul3A_168 : i32
      %add3A_171 = vector.broadcast %add3A_170 : i32 to vector<16xi32>
      %add3A_172 = arith.addi %add3A_171, %iota3A : vector<16xi32>
      %or3A_173 = arith.ori %mul3A_166, %add3A_172 : vector<16xi32>
      tpu.vector_store_idx %arg12[%sub3A_163], %or3A_173 masked %or3A : memref<16400xi32, #tpu.memory_space<vmem>>[vector<16xi32>], vector<16xi32>, vector<16xi1>
      %all_reduce_population_count3A = tpu.all_reduce %or3A {dim = 0 : i64, kind = #tpu.reduction_kind<sum>} : vector<16xi1> -> vector<16xi32>
      %add3A_174 = arith.addi %scan3A_141, %all_reduce_population_count3A : vector<16xi32>
      %scan3A_175 = arith.constant 1 : i32
      %scan3A_176 = arith.addi %scan3A_140, %scan3A_175 : i32
      %mul3A_177 = arith.constant 16 : i32
      %mul3A_178 = arith.muli %scan3A_176, %mul3A_177 : i32
      %get3A_179 = arith.index_cast %mul3A_178 : i32 to index
      %get3A_180 = tpu.vector_load %arg11[%get3A_179] {strides = array<i32>} : memref<2048xi32, #tpu.memory_space<vmem>>, vector<16xi32>,
      %shift_right_logical3A_181 = arith.constant 9 : i32
      %shift_right_logical3A_182 = vector.broadcast %shift_right_logical3A_181 : i32 to vector<16xi32>
      %shift_right_logical3A_183 = arith.shrui %get3A_180, %shift_right_logical3A_182 : vector<16xi32>
      %and3A_184 = arith.constant 31 : i32
      %and3A_185 = vector.broadcast %and3A_184 : i32 to vector<16xi32>
      %and3A_186 = arith.andi %shift_right_logical3A_183, %and3A_185 : vector<16xi32>
      %eq3A_187 = arith.cmpi eq, %and3A_186, %broadcast_in_dim3A_6 : vector<16xi32>
      %eq3A_188 = arith.constant 3 : i32
      %eq3A_189 = vector.broadcast %eq3A_188 : i32 to vector<16xi32>
      %eq3A_190 = arith.cmpi eq, %broadcast_in_dim3A_6, %eq3A_189 : vector<16xi32>
      %ge3A_191 = arith.constant 99584 : i32
      %ge3A_192 = vector.broadcast %ge3A_191 : i32 to vector<16xi32>
      %ge3A_193 = arith.cmpi sge, %get3A_180, %ge3A_192 : vector<16xi32>
      %and3A_194 = arith.andi %eq3A_190, %ge3A_193 : vector<16xi1>
      %or3A_195 = arith.ori %eq3A_187, %and3A_194 : vector<16xi1>
      %jit3A_196 = arith.constant 1 : i32
      %jit3A_197 = arith.constant 0 : i32
      %broadcast_in_dim3A_198 = vector.broadcast %jit3A_196 : i32 to vector<16xi32>
      %broadcast_in_dim3A_199 = vector.broadcast %jit3A_197 : i32 to vector<16xi32>
      %select_n3A_200 = arith.select %or3A_195, %broadcast_in_dim3A_198, %broadcast_in_dim3A_199 : vector<16xi1>, vector<16xi32>
      %broadcast_in_dim3A_201 = arith.constant true
      %broadcast_in_dim3A_202 = vector.broadcast %broadcast_in_dim3A_201 : i1 to vector<16xi1>
      %masked_cumsum3A_203 = tpu.scan <sum>, %select_n3A_200 masked %broadcast_in_dim3A_202 : vector<16xi32>, vector<16xi1> -> vector<16xi32>
      %add3A_204 = arith.addi %add3A_174, %masked_cumsum3A_203 : vector<16xi32>
      %sub3A_205 = arith.constant 1 : i32
      %sub3A_206 = vector.broadcast %sub3A_205 : i32 to vector<16xi32>
      %sub3A_207 = arith.subi %add3A_204, %sub3A_206 : vector<16xi32>
      %mul3A_208 = arith.constant 16384 : i32
      %mul3A_209 = vector.broadcast %mul3A_208 : i32 to vector<16xi32>
      %mul3A_210 = arith.muli %get3A_180, %mul3A_209 : vector<16xi32>
      %mul3A_211 = arith.constant 16 : i32
      %mul3A_212 = arith.muli %scan3A_176, %mul3A_211 : i32
      %add3A_213 = arith.constant 2048 : i32
      %add3A_214 = arith.addi %add3A_213, %mul3A_212 : i32
      %add3A_215 = vector.broadcast %add3A_214 : i32 to vector<16xi32>
      %add3A_216 = arith.addi %add3A_215, %iota3A : vector<16xi32>
      %or3A_217 = arith.ori %mul3A_210, %add3A_216 : vector<16xi32>
      tpu.vector_store_idx %arg12[%sub3A_207], %or3A_217 masked %or3A_195 : memref<16400xi32, #tpu.memory_space<vmem>>[vector<16xi32>], vector<16xi32>, vector<16xi1>
      %all_reduce_population_count3A_218 = tpu.all_reduce %or3A_195 {dim = 0 : i64, kind = #tpu.reduction_kind<sum>} : vector<16xi1> -> vector<16xi32>
      %add3A_219 = arith.addi %add3A_174, %all_reduce_population_count3A_218 : vector<16xi32>
      %scan3A_220 = arith.constant 2 : i32
      %scan3A_221 = arith.addi %scan3A_140, %scan3A_220 : i32
      %mul3A_222 = arith.constant 16 : i32
      %mul3A_223 = arith.muli %scan3A_221, %mul3A_222 : i32
      %get3A_224 = arith.index_cast %mul3A_223 : i32 to index
      %get3A_225 = tpu.vector_load %arg11[%get3A_224] {strides = array<i32>} : memref<2048xi32, #tpu.memory_space<vmem>>, vector<16xi32>,
      %shift_right_logical3A_226 = arith.constant 9 : i32
      %shift_right_logical3A_227 = vector.broadcast %shift_right_logical3A_226 : i32 to vector<16xi32>
      %shift_right_logical3A_228 = arith.shrui %get3A_225, %shift_right_logical3A_227 : vector<16xi32>
      %and3A_229 = arith.constant 31 : i32
      %and3A_230 = vector.broadcast %and3A_229 : i32 to vector<16xi32>
      %and3A_231 = arith.andi %shift_right_logical3A_228, %and3A_230 : vector<16xi32>
      %eq3A_232 = arith.cmpi eq, %and3A_231, %broadcast_in_dim3A_6 : vector<16xi32>
      %eq3A_233 = arith.constant 3 : i32
      %eq3A_234 = vector.broadcast %eq3A_233 : i32 to vector<16xi32>
      %eq3A_235 = arith.cmpi eq, %broadcast_in_dim3A_6, %eq3A_234 : vector<16xi32>
      %ge3A_236 = arith.constant 99584 : i32
      %ge3A_237 = vector.broadcast %ge3A_236 : i32 to vector<16xi32>
      %ge3A_238 = arith.cmpi sge, %get3A_225, %ge3A_237 : vector<16xi32>
      %and3A_239 = arith.andi %eq3A_235, %ge3A_238 : vector<16xi1>
      %or3A_240 = arith.ori %eq3A_232, %and3A_239 : vector<16xi1>
      %jit3A_241 = arith.constant 1 : i32
      %jit3A_242 = arith.constant 0 : i32
      %broadcast_in_dim3A_243 = vector.broadcast %jit3A_241 : i32 to vector<16xi32>
      %broadcast_in_dim3A_244 = vector.broadcast %jit3A_242 : i32 to vector<16xi32>
      %select_n3A_245 = arith.select %or3A_240, %broadcast_in_dim3A_243, %broadcast_in_dim3A_244 : vector<16xi1>, vector<16xi32>
      %broadcast_in_dim3A_246 = arith.constant true
      %broadcast_in_dim3A_247 = vector.broadcast %broadcast_in_dim3A_246 : i1 to vector<16xi1>
      %masked_cumsum3A_248 = tpu.scan <sum>, %select_n3A_245 masked %broadcast_in_dim3A_247 : vector<16xi32>, vector<16xi1> -> vector<16xi32>
      %add3A_249 = arith.addi %add3A_219, %masked_cumsum3A_248 : vector<16xi32>
      %sub3A_250 = arith.constant 1 : i32
      %sub3A_251 = vector.broadcast %sub3A_250 : i32 to vector<16xi32>
      %sub3A_252 = arith.subi %add3A_249, %sub3A_251 : vector<16xi32>
      %mul3A_253 = arith.constant 16384 : i32
      %mul3A_254 = vector.broadcast %mul3A_253 : i32 to vector<16xi32>
      %mul3A_255 = arith.muli %get3A_225, %mul3A_254 : vector<16xi32>
      %mul3A_256 = arith.constant 16 : i32
      %mul3A_257 = arith.muli %scan3A_221, %mul3A_256 : i32
      %add3A_258 = arith.constant 2048 : i32
      %add3A_259 = arith.addi %add3A_258, %mul3A_257 : i32
      %add3A_260 = vector.broadcast %add3A_259 : i32 to vector<16xi32>
      %add3A_261 = arith.addi %add3A_260, %iota3A : vector<16xi32>
      %or3A_262 = arith.ori %mul3A_255, %add3A_261 : vector<16xi32>
      tpu.vector_store_idx %arg12[%sub3A_252], %or3A_262 masked %or3A_240 : memref<16400xi32, #tpu.memory_space<vmem>>[vector<16xi32>], vector<16xi32>, vector<16xi1>
      %all_reduce_population_count3A_263 = tpu.all_reduce %or3A_240 {dim = 0 : i64, kind = #tpu.reduction_kind<sum>} : vector<16xi1> -> vector<16xi32>
      %add3A_264 = arith.addi %add3A_219, %all_reduce_population_count3A_263 : vector<16xi32>
      %scan3A_265 = arith.constant 3 : i32
      %scan3A_266 = arith.addi %scan3A_140, %scan3A_265 : i32
      %mul3A_267 = arith.constant 16 : i32
      %mul3A_268 = arith.muli %scan3A_266, %mul3A_267 : i32
      %get3A_269 = arith.index_cast %mul3A_268 : i32 to index
      %get3A_270 = tpu.vector_load %arg11[%get3A_269] {strides = array<i32>} : memref<2048xi32, #tpu.memory_space<vmem>>, vector<16xi32>,
      %shift_right_logical3A_271 = arith.constant 9 : i32
      %shift_right_logical3A_272 = vector.broadcast %shift_right_logical3A_271 : i32 to vector<16xi32>
      %shift_right_logical3A_273 = arith.shrui %get3A_270, %shift_right_logical3A_272 : vector<16xi32>
      %and3A_274 = arith.constant 31 : i32
      %and3A_275 = vector.broadcast %and3A_274 : i32 to vector<16xi32>
      %and3A_276 = arith.andi %shift_right_logical3A_273, %and3A_275 : vector<16xi32>
      %eq3A_277 = arith.cmpi eq, %and3A_276, %broadcast_in_dim3A_6 : vector<16xi32>
      %eq3A_278 = arith.constant 3 : i32
      %eq3A_279 = vector.broadcast %eq3A_278 : i32 to vector<16xi32>
      %eq3A_280 = arith.cmpi eq, %broadcast_in_dim3A_6, %eq3A_279 : vector<16xi32>
      %ge3A_281 = arith.constant 99584 : i32
      %ge3A_282 = vector.broadcast %ge3A_281 : i32 to vector<16xi32>
      %ge3A_283 = arith.cmpi sge, %get3A_270, %ge3A_282 : vector<16xi32>
      %and3A_284 = arith.andi %eq3A_280, %ge3A_283 : vector<16xi1>
      %or3A_285 = arith.ori %eq3A_277, %and3A_284 : vector<16xi1>
      %jit3A_286 = arith.constant 1 : i32
      %jit3A_287 = arith.constant 0 : i32
      %broadcast_in_dim3A_288 = vector.broadcast %jit3A_286 : i32 to vector<16xi32>
      %broadcast_in_dim3A_289 = vector.broadcast %jit3A_287 : i32 to vector<16xi32>
      %select_n3A_290 = arith.select %or3A_285, %broadcast_in_dim3A_288, %broadcast_in_dim3A_289 : vector<16xi1>, vector<16xi32>
      %broadcast_in_dim3A_291 = arith.constant true
      %broadcast_in_dim3A_292 = vector.broadcast %broadcast_in_dim3A_291 : i1 to vector<16xi1>
      %masked_cumsum3A_293 = tpu.scan <sum>, %select_n3A_290 masked %broadcast_in_dim3A_292 : vector<16xi32>, vector<16xi1> -> vector<16xi32>
      %add3A_294 = arith.addi %add3A_264, %masked_cumsum3A_293 : vector<16xi32>
      %sub3A_295 = arith.constant 1 : i32
      %sub3A_296 = vector.broadcast %sub3A_295 : i32 to vector<16xi32>
      %sub3A_297 = arith.subi %add3A_294, %sub3A_296 : vector<16xi32>
      %mul3A_298 = arith.constant 16384 : i32
      %mul3A_299 = vector.broadcast %mul3A_298 : i32 to vector<16xi32>
      %mul3A_300 = arith.muli %get3A_270, %mul3A_299 : vector<16xi32>
      %mul3A_301 = arith.constant 16 : i32
      %mul3A_302 = arith.muli %scan3A_266, %mul3A_301 : i32
      %add3A_303 = arith.constant 2048 : i32
      %add3A_304 = arith.addi %add3A_303, %mul3A_302 : i32
      %add3A_305 = vector.broadcast %add3A_304 : i32 to vector<16xi32>
      %add3A_306 = arith.addi %add3A_305, %iota3A : vector<16xi32>
      %or3A_307 = arith.ori %mul3A_300, %add3A_306 : vector<16xi32>
      tpu.vector_store_idx %arg12[%sub3A_297], %or3A_307 masked %or3A_285 : memref<16400xi32, #tpu.memory_space<vmem>>[vector<16xi32>], vector<16xi32>, vector<16xi1>
      %all_reduce_population_count3A_308 = tpu.all_reduce %or3A_285 {dim = 0 : i64, kind = #tpu.reduction_kind<sum>} : vector<16xi1> -> vector<16xi32>
      %add3A_309 = arith.addi %add3A_264, %all_reduce_population_count3A_308 : vector<16xi32>
      scf.yield %add3A_309 : vector<16xi32>
    }
    %scan3A_47 = arith.constant 128 : i32
    %dma_wait3A_48 = arith.constant 4096 : i32
    %dma_wait3A_49 = tpu.memref_slice %arg3[%dma_wait3A_48] : memref<16384xi32, #tpu.memory_space<hbm>> -> memref<2048xi32, #tpu.memory_space<hbm>>
    %dma_wait3A_50 = arith.constant 4096 : i32
    %dma_wait3A_51 = tpu.memref_slice %arg3[%dma_wait3A_50] : memref<16384xi32, #tpu.memory_space<hbm>> -> memref<2048xi32, #tpu.memory_space<hbm>>
    tpu.wait_dma2 semaphore(%arg28 : memref<!tpu.dma_semaphore, #tpu.memory_space<semaphore_mem>>) src(%dma_wait3A_51 : memref<2048xi32, #tpu.memory_space<hbm>>) dst(%arg10 : memref<2048xi32, #tpu.memory_space<vmem>>)
    %dma_start3A_52 = arith.constant 6144 : i32
    %dma_start3A_53 = tpu.memref_slice %arg3[%dma_start3A_52] : memref<16384xi32, #tpu.memory_space<hbm>> -> memref<2048xi32, #tpu.memory_space<hbm>>
    %dma_start3A_54 = arith.constant 6144 : i32
    %dma_start3A_55 = tpu.memref_slice %arg3[%dma_start3A_54] : memref<16384xi32, #tpu.memory_space<hbm>> -> memref<2048xi32, #tpu.memory_space<hbm>>
    tpu.enqueue_dma source(%dma_start3A_55 : memref<2048xi32, #tpu.memory_space<hbm>>) target(%arg11 : memref<2048xi32, #tpu.memory_space<vmem>>) target_semaphore(%arg29 : memref<!tpu.dma_semaphore, #tpu.memory_space<semaphore_mem>>)
    %scan3A_56 = arith.constant 0 : i32
    %scan3A_57 = arith.constant 128 : i32
    %scan3A_58 = arith.addi %scan3A_56, %scan3A_57 : i32
    %scan3A_59 = arith.constant 4 : i32
    %scan3A_60 = scf.for %scan3A_140 = %scan3A_56 to %scan3A_58 step %scan3A_59 iter_args(%scan3A_141 = %scan3A_46) -> (vector<16xi32>)  : i32 {
      %mul3A_142 = arith.constant 16 : i32
      %mul3A_143 = arith.muli %scan3A_140, %mul3A_142 : i32
      %get3A = arith.index_cast %mul3A_143 : i32 to index
      %get3A_144 = tpu.vector_load %arg10[%get3A] {strides = array<i32>} : memref<2048xi32, #tpu.memory_space<vmem>>, vector<16xi32>,
      %shift_right_logical3A = arith.constant 9 : i32
      %shift_right_logical3A_145 = vector.broadcast %shift_right_logical3A : i32 to vector<16xi32>
      %shift_right_logical3A_146 = arith.shrui %get3A_144, %shift_right_logical3A_145 : vector<16xi32>
      %and3A = arith.constant 31 : i32
      %and3A_147 = vector.broadcast %and3A : i32 to vector<16xi32>
      %and3A_148 = arith.andi %shift_right_logical3A_146, %and3A_147 : vector<16xi32>
      %eq3A_149 = arith.cmpi eq, %and3A_148, %broadcast_in_dim3A_6 : vector<16xi32>
      %eq3A_150 = arith.constant 3 : i32
      %eq3A_151 = vector.broadcast %eq3A_150 : i32 to vector<16xi32>
      %eq3A_152 = arith.cmpi eq, %broadcast_in_dim3A_6, %eq3A_151 : vector<16xi32>
      %ge3A = arith.constant 99584 : i32
      %ge3A_153 = vector.broadcast %ge3A : i32 to vector<16xi32>
      %ge3A_154 = arith.cmpi sge, %get3A_144, %ge3A_153 : vector<16xi32>
      %and3A_155 = arith.andi %eq3A_152, %ge3A_154 : vector<16xi1>
      %or3A = arith.ori %eq3A_149, %and3A_155 : vector<16xi1>
      %jit3A = arith.constant 1 : i32
      %jit3A_156 = arith.constant 0 : i32
      %broadcast_in_dim3A_157 = vector.broadcast %jit3A : i32 to vector<16xi32>
      %broadcast_in_dim3A_158 = vector.broadcast %jit3A_156 : i32 to vector<16xi32>
      %select_n3A = arith.select %or3A, %broadcast_in_dim3A_157, %broadcast_in_dim3A_158 : vector<16xi1>, vector<16xi32>
      %broadcast_in_dim3A_159 = arith.constant true
      %broadcast_in_dim3A_160 = vector.broadcast %broadcast_in_dim3A_159 : i1 to vector<16xi1>
      %masked_cumsum3A = tpu.scan <sum>, %select_n3A masked %broadcast_in_dim3A_160 : vector<16xi32>, vector<16xi1> -> vector<16xi32>
      %add3A_161 = arith.addi %scan3A_141, %masked_cumsum3A : vector<16xi32>
      %sub3A = arith.constant 1 : i32
      %sub3A_162 = vector.broadcast %sub3A : i32 to vector<16xi32>
      %sub3A_163 = arith.subi %add3A_161, %sub3A_162 : vector<16xi32>
      %mul3A_164 = arith.constant 16384 : i32
      %mul3A_165 = vector.broadcast %mul3A_164 : i32 to vector<16xi32>
      %mul3A_166 = arith.muli %get3A_144, %mul3A_165 : vector<16xi32>
      %mul3A_167 = arith.constant 16 : i32
      %mul3A_168 = arith.muli %scan3A_140, %mul3A_167 : i32
      %add3A_169 = arith.constant 4096 : i32
      %add3A_170 = arith.addi %add3A_169, %mul3A_168 : i32
      %add3A_171 = vector.broadcast %add3A_170 : i32 to vector<16xi32>
      %add3A_172 = arith.addi %add3A_171, %iota3A : vector<16xi32>
      %or3A_173 = arith.ori %mul3A_166, %add3A_172 : vector<16xi32>
      tpu.vector_store_idx %arg12[%sub3A_163], %or3A_173 masked %or3A : memref<16400xi32, #tpu.memory_space<vmem>>[vector<16xi32>], vector<16xi32>, vector<16xi1>
      %all_reduce_population_count3A = tpu.all_reduce %or3A {dim = 0 : i64, kind = #tpu.reduction_kind<sum>} : vector<16xi1> -> vector<16xi32>
      %add3A_174 = arith.addi %scan3A_141, %all_reduce_population_count3A : vector<16xi32>
      %scan3A_175 = arith.constant 1 : i32
      %scan3A_176 = arith.addi %scan3A_140, %scan3A_175 : i32
      %mul3A_177 = arith.constant 16 : i32
      %mul3A_178 = arith.muli %scan3A_176, %mul3A_177 : i32
      %get3A_179 = arith.index_cast %mul3A_178 : i32 to index
      %get3A_180 = tpu.vector_load %arg10[%get3A_179] {strides = array<i32>} : memref<2048xi32, #tpu.memory_space<vmem>>, vector<16xi32>,
      %shift_right_logical3A_181 = arith.constant 9 : i32
      %shift_right_logical3A_182 = vector.broadcast %shift_right_logical3A_181 : i32 to vector<16xi32>
      %shift_right_logical3A_183 = arith.shrui %get3A_180, %shift_right_logical3A_182 : vector<16xi32>
      %and3A_184 = arith.constant 31 : i32
      %and3A_185 = vector.broadcast %and3A_184 : i32 to vector<16xi32>
      %and3A_186 = arith.andi %shift_right_logical3A_183, %and3A_185 : vector<16xi32>
      %eq3A_187 = arith.cmpi eq, %and3A_186, %broadcast_in_dim3A_6 : vector<16xi32>
      %eq3A_188 = arith.constant 3 : i32
      %eq3A_189 = vector.broadcast %eq3A_188 : i32 to vector<16xi32>
      %eq3A_190 = arith.cmpi eq, %broadcast_in_dim3A_6, %eq3A_189 : vector<16xi32>
      %ge3A_191 = arith.constant 99584 : i32
      %ge3A_192 = vector.broadcast %ge3A_191 : i32 to vector<16xi32>
      %ge3A_193 = arith.cmpi sge, %get3A_180, %ge3A_192 : vector<16xi32>
      %and3A_194 = arith.andi %eq3A_190, %ge3A_193 : vector<16xi1>
      %or3A_195 = arith.ori %eq3A_187, %and3A_194 : vector<16xi1>
      %jit3A_196 = arith.constant 1 : i32
      %jit3A_197 = arith.constant 0 : i32
      %broadcast_in_dim3A_198 = vector.broadcast %jit3A_196 : i32 to vector<16xi32>
      %broadcast_in_dim3A_199 = vector.broadcast %jit3A_197 : i32 to vector<16xi32>
      %select_n3A_200 = arith.select %or3A_195, %broadcast_in_dim3A_198, %broadcast_in_dim3A_199 : vector<16xi1>, vector<16xi32>
      %broadcast_in_dim3A_201 = arith.constant true
      %broadcast_in_dim3A_202 = vector.broadcast %broadcast_in_dim3A_201 : i1 to vector<16xi1>
      %masked_cumsum3A_203 = tpu.scan <sum>, %select_n3A_200 masked %broadcast_in_dim3A_202 : vector<16xi32>, vector<16xi1> -> vector<16xi32>
      %add3A_204 = arith.addi %add3A_174, %masked_cumsum3A_203 : vector<16xi32>
      %sub3A_205 = arith.constant 1 : i32
      %sub3A_206 = vector.broadcast %sub3A_205 : i32 to vector<16xi32>
      %sub3A_207 = arith.subi %add3A_204, %sub3A_206 : vector<16xi32>
      %mul3A_208 = arith.constant 16384 : i32
      %mul3A_209 = vector.broadcast %mul3A_208 : i32 to vector<16xi32>
      %mul3A_210 = arith.muli %get3A_180, %mul3A_209 : vector<16xi32>
      %mul3A_211 = arith.constant 16 : i32
      %mul3A_212 = arith.muli %scan3A_176, %mul3A_211 : i32
      %add3A_213 = arith.constant 4096 : i32
      %add3A_214 = arith.addi %add3A_213, %mul3A_212 : i32
      %add3A_215 = vector.broadcast %add3A_214 : i32 to vector<16xi32>
      %add3A_216 = arith.addi %add3A_215, %iota3A : vector<16xi32>
      %or3A_217 = arith.ori %mul3A_210, %add3A_216 : vector<16xi32>
      tpu.vector_store_idx %arg12[%sub3A_207], %or3A_217 masked %or3A_195 : memref<16400xi32, #tpu.memory_space<vmem>>[vector<16xi32>], vector<16xi32>, vector<16xi1>
      %all_reduce_population_count3A_218 = tpu.all_reduce %or3A_195 {dim = 0 : i64, kind = #tpu.reduction_kind<sum>} : vector<16xi1> -> vector<16xi32>
      %add3A_219 = arith.addi %add3A_174, %all_reduce_population_count3A_218 : vector<16xi32>
      %scan3A_220 = arith.constant 2 : i32
      %scan3A_221 = arith.addi %scan3A_140, %scan3A_220 : i32
      %mul3A_222 = arith.constant 16 : i32
      %mul3A_223 = arith.muli %scan3A_221, %mul3A_222 : i32
      %get3A_224 = arith.index_cast %mul3A_223 : i32 to index
      %get3A_225 = tpu.vector_load %arg10[%get3A_224] {strides = array<i32>} : memref<2048xi32, #tpu.memory_space<vmem>>, vector<16xi32>,
      %shift_right_logical3A_226 = arith.constant 9 : i32
      %shift_right_logical3A_227 = vector.broadcast %shift_right_logical3A_226 : i32 to vector<16xi32>
      %shift_right_logical3A_228 = arith.shrui %get3A_225, %shift_right_logical3A_227 : vector<16xi32>
      %and3A_229 = arith.constant 31 : i32
      %and3A_230 = vector.broadcast %and3A_229 : i32 to vector<16xi32>
      %and3A_231 = arith.andi %shift_right_logical3A_228, %and3A_230 : vector<16xi32>
      %eq3A_232 = arith.cmpi eq, %and3A_231, %broadcast_in_dim3A_6 : vector<16xi32>
      %eq3A_233 = arith.constant 3 : i32
      %eq3A_234 = vector.broadcast %eq3A_233 : i32 to vector<16xi32>
      %eq3A_235 = arith.cmpi eq, %broadcast_in_dim3A_6, %eq3A_234 : vector<16xi32>
      %ge3A_236 = arith.constant 99584 : i32
      %ge3A_237 = vector.broadcast %ge3A_236 : i32 to vector<16xi32>
      %ge3A_238 = arith.cmpi sge, %get3A_225, %ge3A_237 : vector<16xi32>
      %and3A_239 = arith.andi %eq3A_235, %ge3A_238 : vector<16xi1>
      %or3A_240 = arith.ori %eq3A_232, %and3A_239 : vector<16xi1>
      %jit3A_241 = arith.constant 1 : i32
      %jit3A_242 = arith.constant 0 : i32
      %broadcast_in_dim3A_243 = vector.broadcast %jit3A_241 : i32 to vector<16xi32>
      %broadcast_in_dim3A_244 = vector.broadcast %jit3A_242 : i32 to vector<16xi32>
      %select_n3A_245 = arith.select %or3A_240, %broadcast_in_dim3A_243, %broadcast_in_dim3A_244 : vector<16xi1>, vector<16xi32>
      %broadcast_in_dim3A_246 = arith.constant true
      %broadcast_in_dim3A_247 = vector.broadcast %broadcast_in_dim3A_246 : i1 to vector<16xi1>
      %masked_cumsum3A_248 = tpu.scan <sum>, %select_n3A_245 masked %broadcast_in_dim3A_247 : vector<16xi32>, vector<16xi1> -> vector<16xi32>
      %add3A_249 = arith.addi %add3A_219, %masked_cumsum3A_248 : vector<16xi32>
      %sub3A_250 = arith.constant 1 : i32
      %sub3A_251 = vector.broadcast %sub3A_250 : i32 to vector<16xi32>
      %sub3A_252 = arith.subi %add3A_249, %sub3A_251 : vector<16xi32>
      %mul3A_253 = arith.constant 16384 : i32
      %mul3A_254 = vector.broadcast %mul3A_253 : i32 to vector<16xi32>
      %mul3A_255 = arith.muli %get3A_225, %mul3A_254 : vector<16xi32>
      %mul3A_256 = arith.constant 16 : i32
      %mul3A_257 = arith.muli %scan3A_221, %mul3A_256 : i32
      %add3A_258 = arith.constant 4096 : i32
      %add3A_259 = arith.addi %add3A_258, %mul3A_257 : i32
      %add3A_260 = vector.broadcast %add3A_259 : i32 to vector<16xi32>
      %add3A_261 = arith.addi %add3A_260, %iota3A : vector<16xi32>
      %or3A_262 = arith.ori %mul3A_255, %add3A_261 : vector<16xi32>
      tpu.vector_store_idx %arg12[%sub3A_252], %or3A_262 masked %or3A_240 : memref<16400xi32, #tpu.memory_space<vmem>>[vector<16xi32>], vector<16xi32>, vector<16xi1>
      %all_reduce_population_count3A_263 = tpu.all_reduce %or3A_240 {dim = 0 : i64, kind = #tpu.reduction_kind<sum>} : vector<16xi1> -> vector<16xi32>
      %add3A_264 = arith.addi %add3A_219, %all_reduce_population_count3A_263 : vector<16xi32>
      %scan3A_265 = arith.constant 3 : i32
      %scan3A_266 = arith.addi %scan3A_140, %scan3A_265 : i32
      %mul3A_267 = arith.constant 16 : i32
      %mul3A_268 = arith.muli %scan3A_266, %mul3A_267 : i32
      %get3A_269 = arith.index_cast %mul3A_268 : i32 to index
      %get3A_270 = tpu.vector_load %arg10[%get3A_269] {strides = array<i32>} : memref<2048xi32, #tpu.memory_space<vmem>>, vector<16xi32>,
      %shift_right_logical3A_271 = arith.constant 9 : i32
      %shift_right_logical3A_272 = vector.broadcast %shift_right_logical3A_271 : i32 to vector<16xi32>
      %shift_right_logical3A_273 = arith.shrui %get3A_270, %shift_right_logical3A_272 : vector<16xi32>
      %and3A_274 = arith.constant 31 : i32
      %and3A_275 = vector.broadcast %and3A_274 : i32 to vector<16xi32>
      %and3A_276 = arith.andi %shift_right_logical3A_273, %and3A_275 : vector<16xi32>
      %eq3A_277 = arith.cmpi eq, %and3A_276, %broadcast_in_dim3A_6 : vector<16xi32>
      %eq3A_278 = arith.constant 3 : i32
      %eq3A_279 = vector.broadcast %eq3A_278 : i32 to vector<16xi32>
      %eq3A_280 = arith.cmpi eq, %broadcast_in_dim3A_6, %eq3A_279 : vector<16xi32>
      %ge3A_281 = arith.constant 99584 : i32
      %ge3A_282 = vector.broadcast %ge3A_281 : i32 to vector<16xi32>
      %ge3A_283 = arith.cmpi sge, %get3A_270, %ge3A_282 : vector<16xi32>
      %and3A_284 = arith.andi %eq3A_280, %ge3A_283 : vector<16xi1>
      %or3A_285 = arith.ori %eq3A_277, %and3A_284 : vector<16xi1>
      %jit3A_286 = arith.constant 1 : i32
      %jit3A_287 = arith.constant 0 : i32
      %broadcast_in_dim3A_288 = vector.broadcast %jit3A_286 : i32 to vector<16xi32>
      %broadcast_in_dim3A_289 = vector.broadcast %jit3A_287 : i32 to vector<16xi32>
      %select_n3A_290 = arith.select %or3A_285, %broadcast_in_dim3A_288, %broadcast_in_dim3A_289 : vector<16xi1>, vector<16xi32>
      %broadcast_in_dim3A_291 = arith.constant true
      %broadcast_in_dim3A_292 = vector.broadcast %broadcast_in_dim3A_291 : i1 to vector<16xi1>
      %masked_cumsum3A_293 = tpu.scan <sum>, %select_n3A_290 masked %broadcast_in_dim3A_292 : vector<16xi32>, vector<16xi1> -> vector<16xi32>
      %add3A_294 = arith.addi %add3A_264, %masked_cumsum3A_293 : vector<16xi32>
      %sub3A_295 = arith.constant 1 : i32
      %sub3A_296 = vector.broadcast %sub3A_295 : i32 to vector<16xi32>
      %sub3A_297 = arith.subi %add3A_294, %sub3A_296 : vector<16xi32>
      %mul3A_298 = arith.constant 16384 : i32
      %mul3A_299 = vector.broadcast %mul3A_298 : i32 to vector<16xi32>
      %mul3A_300 = arith.muli %get3A_270, %mul3A_299 : vector<16xi32>
      %mul3A_301 = arith.constant 16 : i32
      %mul3A_302 = arith.muli %scan3A_266, %mul3A_301 : i32
      %add3A_303 = arith.constant 4096 : i32
      %add3A_304 = arith.addi %add3A_303, %mul3A_302 : i32
      %add3A_305 = vector.broadcast %add3A_304 : i32 to vector<16xi32>
      %add3A_306 = arith.addi %add3A_305, %iota3A : vector<16xi32>
      %or3A_307 = arith.ori %mul3A_300, %add3A_306 : vector<16xi32>
      tpu.vector_store_idx %arg12[%sub3A_297], %or3A_307 masked %or3A_285 : memref<16400xi32, #tpu.memory_space<vmem>>[vector<16xi32>], vector<16xi32>, vector<16xi1>
      %all_reduce_population_count3A_308 = tpu.all_reduce %or3A_285 {dim = 0 : i64, kind = #tpu.reduction_kind<sum>} : vector<16xi1> -> vector<16xi32>
      %add3A_309 = arith.addi %add3A_264, %all_reduce_population_count3A_308 : vector<16xi32>
      scf.yield %add3A_309 : vector<16xi32>
    }
    %scan3A_61 = arith.constant 128 : i32
    %dma_wait3A_62 = arith.constant 6144 : i32
    %dma_wait3A_63 = tpu.memref_slice %arg3[%dma_wait3A_62] : memref<16384xi32, #tpu.memory_space<hbm>> -> memref<2048xi32, #tpu.memory_space<hbm>>
    %dma_wait3A_64 = arith.constant 6144 : i32
    %dma_wait3A_65 = tpu.memref_slice %arg3[%dma_wait3A_64] : memref<16384xi32, #tpu.memory_space<hbm>> -> memref<2048xi32, #tpu.memory_space<hbm>>
    tpu.wait_dma2 semaphore(%arg29 : memref<!tpu.dma_semaphore, #tpu.memory_space<semaphore_mem>>) src(%dma_wait3A_65 : memref<2048xi32, #tpu.memory_space<hbm>>) dst(%arg11 : memref<2048xi32, #tpu.memory_space<vmem>>)
    %dma_start3A_66 = arith.constant 8192 : i32
    %dma_start3A_67 = tpu.memref_slice %arg3[%dma_start3A_66] : memref<16384xi32, #tpu.memory_space<hbm>> -> memref<2048xi32, #tpu.memory_space<hbm>>
    %dma_start3A_68 = arith.constant 8192 : i32
    %dma_start3A_69 = tpu.memref_slice %arg3[%dma_start3A_68] : memref<16384xi32, #tpu.memory_space<hbm>> -> memref<2048xi32, #tpu.memory_space<hbm>>
    tpu.enqueue_dma source(%dma_start3A_69 : memref<2048xi32, #tpu.memory_space<hbm>>) target(%arg10 : memref<2048xi32, #tpu.memory_space<vmem>>) target_semaphore(%arg28 : memref<!tpu.dma_semaphore, #tpu.memory_space<semaphore_mem>>)
    %scan3A_70 = arith.constant 0 : i32
    %scan3A_71 = arith.constant 128 : i32
    %scan3A_72 = arith.addi %scan3A_70, %scan3A_71 : i32
    %scan3A_73 = arith.constant 4 : i32
    %scan3A_74 = scf.for %scan3A_140 = %scan3A_70 to %scan3A_72 step %scan3A_73 iter_args(%scan3A_141 = %scan3A_60) -> (vector<16xi32>)  : i32 {
      %mul3A_142 = arith.constant 16 : i32
      %mul3A_143 = arith.muli %scan3A_140, %mul3A_142 : i32
      %get3A = arith.index_cast %mul3A_143 : i32 to index
      %get3A_144 = tpu.vector_load %arg11[%get3A] {strides = array<i32>} : memref<2048xi32, #tpu.memory_space<vmem>>, vector<16xi32>,
      %shift_right_logical3A = arith.constant 9 : i32
      %shift_right_logical3A_145 = vector.broadcast %shift_right_logical3A : i32 to vector<16xi32>
      %shift_right_logical3A_146 = arith.shrui %get3A_144, %shift_right_logical3A_145 : vector<16xi32>
      %and3A = arith.constant 31 : i32
      %and3A_147 = vector.broadcast %and3A : i32 to vector<16xi32>
      %and3A_148 = arith.andi %shift_right_logical3A_146, %and3A_147 : vector<16xi32>
      %eq3A_149 = arith.cmpi eq, %and3A_148, %broadcast_in_dim3A_6 : vector<16xi32>
      %eq3A_150 = arith.constant 3 : i32
      %eq3A_151 = vector.broadcast %eq3A_150 : i32 to vector<16xi32>
      %eq3A_152 = arith.cmpi eq, %broadcast_in_dim3A_6, %eq3A_151 : vector<16xi32>
      %ge3A = arith.constant 99584 : i32
      %ge3A_153 = vector.broadcast %ge3A : i32 to vector<16xi32>
      %ge3A_154 = arith.cmpi sge, %get3A_144, %ge3A_153 : vector<16xi32>
      %and3A_155 = arith.andi %eq3A_152, %ge3A_154 : vector<16xi1>
      %or3A = arith.ori %eq3A_149, %and3A_155 : vector<16xi1>
      %jit3A = arith.constant 1 : i32
      %jit3A_156 = arith.constant 0 : i32
      %broadcast_in_dim3A_157 = vector.broadcast %jit3A : i32 to vector<16xi32>
      %broadcast_in_dim3A_158 = vector.broadcast %jit3A_156 : i32 to vector<16xi32>
      %select_n3A = arith.select %or3A, %broadcast_in_dim3A_157, %broadcast_in_dim3A_158 : vector<16xi1>, vector<16xi32>
      %broadcast_in_dim3A_159 = arith.constant true
      %broadcast_in_dim3A_160 = vector.broadcast %broadcast_in_dim3A_159 : i1 to vector<16xi1>
      %masked_cumsum3A = tpu.scan <sum>, %select_n3A masked %broadcast_in_dim3A_160 : vector<16xi32>, vector<16xi1> -> vector<16xi32>
      %add3A_161 = arith.addi %scan3A_141, %masked_cumsum3A : vector<16xi32>
      %sub3A = arith.constant 1 : i32
      %sub3A_162 = vector.broadcast %sub3A : i32 to vector<16xi32>
      %sub3A_163 = arith.subi %add3A_161, %sub3A_162 : vector<16xi32>
      %mul3A_164 = arith.constant 16384 : i32
      %mul3A_165 = vector.broadcast %mul3A_164 : i32 to vector<16xi32>
      %mul3A_166 = arith.muli %get3A_144, %mul3A_165 : vector<16xi32>
      %mul3A_167 = arith.constant 16 : i32
      %mul3A_168 = arith.muli %scan3A_140, %mul3A_167 : i32
      %add3A_169 = arith.constant 6144 : i32
      %add3A_170 = arith.addi %add3A_169, %mul3A_168 : i32
      %add3A_171 = vector.broadcast %add3A_170 : i32 to vector<16xi32>
      %add3A_172 = arith.addi %add3A_171, %iota3A : vector<16xi32>
      %or3A_173 = arith.ori %mul3A_166, %add3A_172 : vector<16xi32>
      tpu.vector_store_idx %arg12[%sub3A_163], %or3A_173 masked %or3A : memref<16400xi32, #tpu.memory_space<vmem>>[vector<16xi32>], vector<16xi32>, vector<16xi1>
      %all_reduce_population_count3A = tpu.all_reduce %or3A {dim = 0 : i64, kind = #tpu.reduction_kind<sum>} : vector<16xi1> -> vector<16xi32>
      %add3A_174 = arith.addi %scan3A_141, %all_reduce_population_count3A : vector<16xi32>
      %scan3A_175 = arith.constant 1 : i32
      %scan3A_176 = arith.addi %scan3A_140, %scan3A_175 : i32
      %mul3A_177 = arith.constant 16 : i32
      %mul3A_178 = arith.muli %scan3A_176, %mul3A_177 : i32
      %get3A_179 = arith.index_cast %mul3A_178 : i32 to index
      %get3A_180 = tpu.vector_load %arg11[%get3A_179] {strides = array<i32>} : memref<2048xi32, #tpu.memory_space<vmem>>, vector<16xi32>,
      %shift_right_logical3A_181 = arith.constant 9 : i32
      %shift_right_logical3A_182 = vector.broadcast %shift_right_logical3A_181 : i32 to vector<16xi32>
      %shift_right_logical3A_183 = arith.shrui %get3A_180, %shift_right_logical3A_182 : vector<16xi32>
      %and3A_184 = arith.constant 31 : i32
      %and3A_185 = vector.broadcast %and3A_184 : i32 to vector<16xi32>
      %and3A_186 = arith.andi %shift_right_logical3A_183, %and3A_185 : vector<16xi32>
      %eq3A_187 = arith.cmpi eq, %and3A_186, %broadcast_in_dim3A_6 : vector<16xi32>
      %eq3A_188 = arith.constant 3 : i32
      %eq3A_189 = vector.broadcast %eq3A_188 : i32 to vector<16xi32>
      %eq3A_190 = arith.cmpi eq, %broadcast_in_dim3A_6, %eq3A_189 : vector<16xi32>
      %ge3A_191 = arith.constant 99584 : i32
      %ge3A_192 = vector.broadcast %ge3A_191 : i32 to vector<16xi32>
      %ge3A_193 = arith.cmpi sge, %get3A_180, %ge3A_192 : vector<16xi32>
      %and3A_194 = arith.andi %eq3A_190, %ge3A_193 : vector<16xi1>
      %or3A_195 = arith.ori %eq3A_187, %and3A_194 : vector<16xi1>
      %jit3A_196 = arith.constant 1 : i32
      %jit3A_197 = arith.constant 0 : i32
      %broadcast_in_dim3A_198 = vector.broadcast %jit3A_196 : i32 to vector<16xi32>
      %broadcast_in_dim3A_199 = vector.broadcast %jit3A_197 : i32 to vector<16xi32>
      %select_n3A_200 = arith.select %or3A_195, %broadcast_in_dim3A_198, %broadcast_in_dim3A_199 : vector<16xi1>, vector<16xi32>
      %broadcast_in_dim3A_201 = arith.constant true
      %broadcast_in_dim3A_202 = vector.broadcast %broadcast_in_dim3A_201 : i1 to vector<16xi1>
      %masked_cumsum3A_203 = tpu.scan <sum>, %select_n3A_200 masked %broadcast_in_dim3A_202 : vector<16xi32>, vector<16xi1> -> vector<16xi32>
      %add3A_204 = arith.addi %add3A_174, %masked_cumsum3A_203 : vector<16xi32>
      %sub3A_205 = arith.constant 1 : i32
      %sub3A_206 = vector.broadcast %sub3A_205 : i32 to vector<16xi32>
      %sub3A_207 = arith.subi %add3A_204, %sub3A_206 : vector<16xi32>
      %mul3A_208 = arith.constant 16384 : i32
      %mul3A_209 = vector.broadcast %mul3A_208 : i32 to vector<16xi32>
      %mul3A_210 = arith.muli %get3A_180, %mul3A_209 : vector<16xi32>
      %mul3A_211 = arith.constant 16 : i32
      %mul3A_212 = arith.muli %scan3A_176, %mul3A_211 : i32
      %add3A_213 = arith.constant 6144 : i32
      %add3A_214 = arith.addi %add3A_213, %mul3A_212 : i32
      %add3A_215 = vector.broadcast %add3A_214 : i32 to vector<16xi32>
      %add3A_216 = arith.addi %add3A_215, %iota3A : vector<16xi32>
      %or3A_217 = arith.ori %mul3A_210, %add3A_216 : vector<16xi32>
      tpu.vector_store_idx %arg12[%sub3A_207], %or3A_217 masked %or3A_195 : memref<16400xi32, #tpu.memory_space<vmem>>[vector<16xi32>], vector<16xi32>, vector<16xi1>
      %all_reduce_population_count3A_218 = tpu.all_reduce %or3A_195 {dim = 0 : i64, kind = #tpu.reduction_kind<sum>} : vector<16xi1> -> vector<16xi32>
      %add3A_219 = arith.addi %add3A_174, %all_reduce_population_count3A_218 : vector<16xi32>
      %scan3A_220 = arith.constant 2 : i32
      %scan3A_221 = arith.addi %scan3A_140, %scan3A_220 : i32
      %mul3A_222 = arith.constant 16 : i32
      %mul3A_223 = arith.muli %scan3A_221, %mul3A_222 : i32
      %get3A_224 = arith.index_cast %mul3A_223 : i32 to index
      %get3A_225 = tpu.vector_load %arg11[%get3A_224] {strides = array<i32>} : memref<2048xi32, #tpu.memory_space<vmem>>, vector<16xi32>,
      %shift_right_logical3A_226 = arith.constant 9 : i32
      %shift_right_logical3A_227 = vector.broadcast %shift_right_logical3A_226 : i32 to vector<16xi32>
      %shift_right_logical3A_228 = arith.shrui %get3A_225, %shift_right_logical3A_227 : vector<16xi32>
      %and3A_229 = arith.constant 31 : i32
      %and3A_230 = vector.broadcast %and3A_229 : i32 to vector<16xi32>
      %and3A_231 = arith.andi %shift_right_logical3A_228, %and3A_230 : vector<16xi32>
      %eq3A_232 = arith.cmpi eq, %and3A_231, %broadcast_in_dim3A_6 : vector<16xi32>
      %eq3A_233 = arith.constant 3 : i32
      %eq3A_234 = vector.broadcast %eq3A_233 : i32 to vector<16xi32>
      %eq3A_235 = arith.cmpi eq, %broadcast_in_dim3A_6, %eq3A_234 : vector<16xi32>
      %ge3A_236 = arith.constant 99584 : i32
      %ge3A_237 = vector.broadcast %ge3A_236 : i32 to vector<16xi32>
      %ge3A_238 = arith.cmpi sge, %get3A_225, %ge3A_237 : vector<16xi32>
      %and3A_239 = arith.andi %eq3A_235, %ge3A_238 : vector<16xi1>
      %or3A_240 = arith.ori %eq3A_232, %and3A_239 : vector<16xi1>
      %jit3A_241 = arith.constant 1 : i32
      %jit3A_242 = arith.constant 0 : i32
      %broadcast_in_dim3A_243 = vector.broadcast %jit3A_241 : i32 to vector<16xi32>
      %broadcast_in_dim3A_244 = vector.broadcast %jit3A_242 : i32 to vector<16xi32>
      %select_n3A_245 = arith.select %or3A_240, %broadcast_in_dim3A_243, %broadcast_in_dim3A_244 : vector<16xi1>, vector<16xi32>
      %broadcast_in_dim3A_246 = arith.constant true
      %broadcast_in_dim3A_247 = vector.broadcast %broadcast_in_dim3A_246 : i1 to vector<16xi1>
      %masked_cumsum3A_248 = tpu.scan <sum>, %select_n3A_245 masked %broadcast_in_dim3A_247 : vector<16xi32>, vector<16xi1> -> vector<16xi32>
      %add3A_249 = arith.addi %add3A_219, %masked_cumsum3A_248 : vector<16xi32>
      %sub3A_250 = arith.constant 1 : i32
      %sub3A_251 = vector.broadcast %sub3A_250 : i32 to vector<16xi32>
      %sub3A_252 = arith.subi %add3A_249, %sub3A_251 : vector<16xi32>
      %mul3A_253 = arith.constant 16384 : i32
      %mul3A_254 = vector.broadcast %mul3A_253 : i32 to vector<16xi32>
      %mul3A_255 = arith.muli %get3A_225, %mul3A_254 : vector<16xi32>
      %mul3A_256 = arith.constant 16 : i32
      %mul3A_257 = arith.muli %scan3A_221, %mul3A_256 : i32
      %add3A_258 = arith.constant 6144 : i32
      %add3A_259 = arith.addi %add3A_258, %mul3A_257 : i32
      %add3A_260 = vector.broadcast %add3A_259 : i32 to vector<16xi32>
      %add3A_261 = arith.addi %add3A_260, %iota3A : vector<16xi32>
      %or3A_262 = arith.ori %mul3A_255, %add3A_261 : vector<16xi32>
      tpu.vector_store_idx %arg12[%sub3A_252], %or3A_262 masked %or3A_240 : memref<16400xi32, #tpu.memory_space<vmem>>[vector<16xi32>], vector<16xi32>, vector<16xi1>
      %all_reduce_population_count3A_263 = tpu.all_reduce %or3A_240 {dim = 0 : i64, kind = #tpu.reduction_kind<sum>} : vector<16xi1> -> vector<16xi32>
      %add3A_264 = arith.addi %add3A_219, %all_reduce_population_count3A_263 : vector<16xi32>
      %scan3A_265 = arith.constant 3 : i32
      %scan3A_266 = arith.addi %scan3A_140, %scan3A_265 : i32
      %mul3A_267 = arith.constant 16 : i32
      %mul3A_268 = arith.muli %scan3A_266, %mul3A_267 : i32
      %get3A_269 = arith.index_cast %mul3A_268 : i32 to index
      %get3A_270 = tpu.vector_load %arg11[%get3A_269] {strides = array<i32>} : memref<2048xi32, #tpu.memory_space<vmem>>, vector<16xi32>,
      %shift_right_logical3A_271 = arith.constant 9 : i32
      %shift_right_logical3A_272 = vector.broadcast %shift_right_logical3A_271 : i32 to vector<16xi32>
      %shift_right_logical3A_273 = arith.shrui %get3A_270, %shift_right_logical3A_272 : vector<16xi32>
      %and3A_274 = arith.constant 31 : i32
      %and3A_275 = vector.broadcast %and3A_274 : i32 to vector<16xi32>
      %and3A_276 = arith.andi %shift_right_logical3A_273, %and3A_275 : vector<16xi32>
      %eq3A_277 = arith.cmpi eq, %and3A_276, %broadcast_in_dim3A_6 : vector<16xi32>
      %eq3A_278 = arith.constant 3 : i32
      %eq3A_279 = vector.broadcast %eq3A_278 : i32 to vector<16xi32>
      %eq3A_280 = arith.cmpi eq, %broadcast_in_dim3A_6, %eq3A_279 : vector<16xi32>
      %ge3A_281 = arith.constant 99584 : i32
      %ge3A_282 = vector.broadcast %ge3A_281 : i32 to vector<16xi32>
      %ge3A_283 = arith.cmpi sge, %get3A_270, %ge3A_282 : vector<16xi32>
      %and3A_284 = arith.andi %eq3A_280, %ge3A_283 : vector<16xi1>
      %or3A_285 = arith.ori %eq3A_277, %and3A_284 : vector<16xi1>
      %jit3A_286 = arith.constant 1 : i32
      %jit3A_287 = arith.constant 0 : i32
      %broadcast_in_dim3A_288 = vector.broadcast %jit3A_286 : i32 to vector<16xi32>
      %broadcast_in_dim3A_289 = vector.broadcast %jit3A_287 : i32 to vector<16xi32>
      %select_n3A_290 = arith.select %or3A_285, %broadcast_in_dim3A_288, %broadcast_in_dim3A_289 : vector<16xi1>, vector<16xi32>
      %broadcast_in_dim3A_291 = arith.constant true
      %broadcast_in_dim3A_292 = vector.broadcast %broadcast_in_dim3A_291 : i1 to vector<16xi1>
      %masked_cumsum3A_293 = tpu.scan <sum>, %select_n3A_290 masked %broadcast_in_dim3A_292 : vector<16xi32>, vector<16xi1> -> vector<16xi32>
      %add3A_294 = arith.addi %add3A_264, %masked_cumsum3A_293 : vector<16xi32>
      %sub3A_295 = arith.constant 1 : i32
      %sub3A_296 = vector.broadcast %sub3A_295 : i32 to vector<16xi32>
      %sub3A_297 = arith.subi %add3A_294, %sub3A_296 : vector<16xi32>
      %mul3A_298 = arith.constant 16384 : i32
      %mul3A_299 = vector.broadcast %mul3A_298 : i32 to vector<16xi32>
      %mul3A_300 = arith.muli %get3A_270, %mul3A_299 : vector<16xi32>
      %mul3A_301 = arith.constant 16 : i32
      %mul3A_302 = arith.muli %scan3A_266, %mul3A_301 : i32
      %add3A_303 = arith.constant 6144 : i32
      %add3A_304 = arith.addi %add3A_303, %mul3A_302 : i32
      %add3A_305 = vector.broadcast %add3A_304 : i32 to vector<16xi32>
      %add3A_306 = arith.addi %add3A_305, %iota3A : vector<16xi32>
      %or3A_307 = arith.ori %mul3A_300, %add3A_306 : vector<16xi32>
      tpu.vector_store_idx %arg12[%sub3A_297], %or3A_307 masked %or3A_285 : memref<16400xi32, #tpu.memory_space<vmem>>[vector<16xi32>], vector<16xi32>, vector<16xi1>
      %all_reduce_population_count3A_308 = tpu.all_reduce %or3A_285 {dim = 0 : i64, kind = #tpu.reduction_kind<sum>} : vector<16xi1> -> vector<16xi32>
      %add3A_309 = arith.addi %add3A_264, %all_reduce_population_count3A_308 : vector<16xi32>
      scf.yield %add3A_309 : vector<16xi32>
    }
    %scan3A_75 = arith.constant 128 : i32
    %dma_wait3A_76 = arith.constant 8192 : i32
    %dma_wait3A_77 = tpu.memref_slice %arg3[%dma_wait3A_76] : memref<16384xi32, #tpu.memory_space<hbm>> -> memref<2048xi32, #tpu.memory_space<hbm>>
    %dma_wait3A_78 = arith.constant 8192 : i32
    %dma_wait3A_79 = tpu.memref_slice %arg3[%dma_wait3A_78] : memref<16384xi32, #tpu.memory_space<hbm>> -> memref<2048xi32, #tpu.memory_space<hbm>>
    tpu.wait_dma2 semaphore(%arg28 : memref<!tpu.dma_semaphore, #tpu.memory_space<semaphore_mem>>) src(%dma_wait3A_79 : memref<2048xi32, #tpu.memory_space<hbm>>) dst(%arg10 : memref<2048xi32, #tpu.memory_space<vmem>>)
    %dma_start3A_80 = arith.constant 10240 : i32
    %dma_start3A_81 = tpu.memref_slice %arg3[%dma_start3A_80] : memref<16384xi32, #tpu.memory_space<hbm>> -> memref<2048xi32, #tpu.memory_space<hbm>>
    %dma_start3A_82 = arith.constant 10240 : i32
    %dma_start3A_83 = tpu.memref_slice %arg3[%dma_start3A_82] : memref<16384xi32, #tpu.memory_space<hbm>> -> memref<2048xi32, #tpu.memory_space<hbm>>
    tpu.enqueue_dma source(%dma_start3A_83 : memref<2048xi32, #tpu.memory_space<hbm>>) target(%arg11 : memref<2048xi32, #tpu.memory_space<vmem>>) target_semaphore(%arg29 : memref<!tpu.dma_semaphore, #tpu.memory_space<semaphore_mem>>)
    %scan3A_84 = arith.constant 0 : i32
    %scan3A_85 = arith.constant 128 : i32
    %scan3A_86 = arith.addi %scan3A_84, %scan3A_85 : i32
    %scan3A_87 = arith.constant 4 : i32
    %scan3A_88 = scf.for %scan3A_140 = %scan3A_84 to %scan3A_86 step %scan3A_87 iter_args(%scan3A_141 = %scan3A_74) -> (vector<16xi32>)  : i32 {
      %mul3A_142 = arith.constant 16 : i32
      %mul3A_143 = arith.muli %scan3A_140, %mul3A_142 : i32
      %get3A = arith.index_cast %mul3A_143 : i32 to index
      %get3A_144 = tpu.vector_load %arg10[%get3A] {strides = array<i32>} : memref<2048xi32, #tpu.memory_space<vmem>>, vector<16xi32>,
      %shift_right_logical3A = arith.constant 9 : i32
      %shift_right_logical3A_145 = vector.broadcast %shift_right_logical3A : i32 to vector<16xi32>
      %shift_right_logical3A_146 = arith.shrui %get3A_144, %shift_right_logical3A_145 : vector<16xi32>
      %and3A = arith.constant 31 : i32
      %and3A_147 = vector.broadcast %and3A : i32 to vector<16xi32>
      %and3A_148 = arith.andi %shift_right_logical3A_146, %and3A_147 : vector<16xi32>
      %eq3A_149 = arith.cmpi eq, %and3A_148, %broadcast_in_dim3A_6 : vector<16xi32>
      %eq3A_150 = arith.constant 3 : i32
      %eq3A_151 = vector.broadcast %eq3A_150 : i32 to vector<16xi32>
      %eq3A_152 = arith.cmpi eq, %broadcast_in_dim3A_6, %eq3A_151 : vector<16xi32>
      %ge3A = arith.constant 99584 : i32
      %ge3A_153 = vector.broadcast %ge3A : i32 to vector<16xi32>
      %ge3A_154 = arith.cmpi sge, %get3A_144, %ge3A_153 : vector<16xi32>
      %and3A_155 = arith.andi %eq3A_152, %ge3A_154 : vector<16xi1>
      %or3A = arith.ori %eq3A_149, %and3A_155 : vector<16xi1>
      %jit3A = arith.constant 1 : i32
      %jit3A_156 = arith.constant 0 : i32
      %broadcast_in_dim3A_157 = vector.broadcast %jit3A : i32 to vector<16xi32>
      %broadcast_in_dim3A_158 = vector.broadcast %jit3A_156 : i32 to vector<16xi32>
      %select_n3A = arith.select %or3A, %broadcast_in_dim3A_157, %broadcast_in_dim3A_158 : vector<16xi1>, vector<16xi32>
      %broadcast_in_dim3A_159 = arith.constant true
      %broadcast_in_dim3A_160 = vector.broadcast %broadcast_in_dim3A_159 : i1 to vector<16xi1>
      %masked_cumsum3A = tpu.scan <sum>, %select_n3A masked %broadcast_in_dim3A_160 : vector<16xi32>, vector<16xi1> -> vector<16xi32>
      %add3A_161 = arith.addi %scan3A_141, %masked_cumsum3A : vector<16xi32>
      %sub3A = arith.constant 1 : i32
      %sub3A_162 = vector.broadcast %sub3A : i32 to vector<16xi32>
      %sub3A_163 = arith.subi %add3A_161, %sub3A_162 : vector<16xi32>
      %mul3A_164 = arith.constant 16384 : i32
      %mul3A_165 = vector.broadcast %mul3A_164 : i32 to vector<16xi32>
      %mul3A_166 = arith.muli %get3A_144, %mul3A_165 : vector<16xi32>
      %mul3A_167 = arith.constant 16 : i32
      %mul3A_168 = arith.muli %scan3A_140, %mul3A_167 : i32
      %add3A_169 = arith.constant 8192 : i32
      %add3A_170 = arith.addi %add3A_169, %mul3A_168 : i32
      %add3A_171 = vector.broadcast %add3A_170 : i32 to vector<16xi32>
      %add3A_172 = arith.addi %add3A_171, %iota3A : vector<16xi32>
      %or3A_173 = arith.ori %mul3A_166, %add3A_172 : vector<16xi32>
      tpu.vector_store_idx %arg12[%sub3A_163], %or3A_173 masked %or3A : memref<16400xi32, #tpu.memory_space<vmem>>[vector<16xi32>], vector<16xi32>, vector<16xi1>
      %all_reduce_population_count3A = tpu.all_reduce %or3A {dim = 0 : i64, kind = #tpu.reduction_kind<sum>} : vector<16xi1> -> vector<16xi32>
      %add3A_174 = arith.addi %scan3A_141, %all_reduce_population_count3A : vector<16xi32>
      %scan3A_175 = arith.constant 1 : i32
      %scan3A_176 = arith.addi %scan3A_140, %scan3A_175 : i32
      %mul3A_177 = arith.constant 16 : i32
      %mul3A_178 = arith.muli %scan3A_176, %mul3A_177 : i32
      %get3A_179 = arith.index_cast %mul3A_178 : i32 to index
      %get3A_180 = tpu.vector_load %arg10[%get3A_179] {strides = array<i32>} : memref<2048xi32, #tpu.memory_space<vmem>>, vector<16xi32>,
      %shift_right_logical3A_181 = arith.constant 9 : i32
      %shift_right_logical3A_182 = vector.broadcast %shift_right_logical3A_181 : i32 to vector<16xi32>
      %shift_right_logical3A_183 = arith.shrui %get3A_180, %shift_right_logical3A_182 : vector<16xi32>
      %and3A_184 = arith.constant 31 : i32
      %and3A_185 = vector.broadcast %and3A_184 : i32 to vector<16xi32>
      %and3A_186 = arith.andi %shift_right_logical3A_183, %and3A_185 : vector<16xi32>
      %eq3A_187 = arith.cmpi eq, %and3A_186, %broadcast_in_dim3A_6 : vector<16xi32>
      %eq3A_188 = arith.constant 3 : i32
      %eq3A_189 = vector.broadcast %eq3A_188 : i32 to vector<16xi32>
      %eq3A_190 = arith.cmpi eq, %broadcast_in_dim3A_6, %eq3A_189 : vector<16xi32>
      %ge3A_191 = arith.constant 99584 : i32
      %ge3A_192 = vector.broadcast %ge3A_191 : i32 to vector<16xi32>
      %ge3A_193 = arith.cmpi sge, %get3A_180, %ge3A_192 : vector<16xi32>
      %and3A_194 = arith.andi %eq3A_190, %ge3A_193 : vector<16xi1>
      %or3A_195 = arith.ori %eq3A_187, %and3A_194 : vector<16xi1>
      %jit3A_196 = arith.constant 1 : i32
      %jit3A_197 = arith.constant 0 : i32
      %broadcast_in_dim3A_198 = vector.broadcast %jit3A_196 : i32 to vector<16xi32>
      %broadcast_in_dim3A_199 = vector.broadcast %jit3A_197 : i32 to vector<16xi32>
      %select_n3A_200 = arith.select %or3A_195, %broadcast_in_dim3A_198, %broadcast_in_dim3A_199 : vector<16xi1>, vector<16xi32>
      %broadcast_in_dim3A_201 = arith.constant true
      %broadcast_in_dim3A_202 = vector.broadcast %broadcast_in_dim3A_201 : i1 to vector<16xi1>
      %masked_cumsum3A_203 = tpu.scan <sum>, %select_n3A_200 masked %broadcast_in_dim3A_202 : vector<16xi32>, vector<16xi1> -> vector<16xi32>
      %add3A_204 = arith.addi %add3A_174, %masked_cumsum3A_203 : vector<16xi32>
      %sub3A_205 = arith.constant 1 : i32
      %sub3A_206 = vector.broadcast %sub3A_205 : i32 to vector<16xi32>
      %sub3A_207 = arith.subi %add3A_204, %sub3A_206 : vector<16xi32>
      %mul3A_208 = arith.constant 16384 : i32
      %mul3A_209 = vector.broadcast %mul3A_208 : i32 to vector<16xi32>
      %mul3A_210 = arith.muli %get3A_180, %mul3A_209 : vector<16xi32>
      %mul3A_211 = arith.constant 16 : i32
      %mul3A_212 = arith.muli %scan3A_176, %mul3A_211 : i32
      %add3A_213 = arith.constant 8192 : i32
      %add3A_214 = arith.addi %add3A_213, %mul3A_212 : i32
      %add3A_215 = vector.broadcast %add3A_214 : i32 to vector<16xi32>
      %add3A_216 = arith.addi %add3A_215, %iota3A : vector<16xi32>
      %or3A_217 = arith.ori %mul3A_210, %add3A_216 : vector<16xi32>
      tpu.vector_store_idx %arg12[%sub3A_207], %or3A_217 masked %or3A_195 : memref<16400xi32, #tpu.memory_space<vmem>>[vector<16xi32>], vector<16xi32>, vector<16xi1>
      %all_reduce_population_count3A_218 = tpu.all_reduce %or3A_195 {dim = 0 : i64, kind = #tpu.reduction_kind<sum>} : vector<16xi1> -> vector<16xi32>
      %add3A_219 = arith.addi %add3A_174, %all_reduce_population_count3A_218 : vector<16xi32>
      %scan3A_220 = arith.constant 2 : i32
      %scan3A_221 = arith.addi %scan3A_140, %scan3A_220 : i32
      %mul3A_222 = arith.constant 16 : i32
      %mul3A_223 = arith.muli %scan3A_221, %mul3A_222 : i32
      %get3A_224 = arith.index_cast %mul3A_223 : i32 to index
      %get3A_225 = tpu.vector_load %arg10[%get3A_224] {strides = array<i32>} : memref<2048xi32, #tpu.memory_space<vmem>>, vector<16xi32>,
      %shift_right_logical3A_226 = arith.constant 9 : i32
      %shift_right_logical3A_227 = vector.broadcast %shift_right_logical3A_226 : i32 to vector<16xi32>
      %shift_right_logical3A_228 = arith.shrui %get3A_225, %shift_right_logical3A_227 : vector<16xi32>
      %and3A_229 = arith.constant 31 : i32
      %and3A_230 = vector.broadcast %and3A_229 : i32 to vector<16xi32>
      %and3A_231 = arith.andi %shift_right_logical3A_228, %and3A_230 : vector<16xi32>
      %eq3A_232 = arith.cmpi eq, %and3A_231, %broadcast_in_dim3A_6 : vector<16xi32>
      %eq3A_233 = arith.constant 3 : i32
      %eq3A_234 = vector.broadcast %eq3A_233 : i32 to vector<16xi32>
      %eq3A_235 = arith.cmpi eq, %broadcast_in_dim3A_6, %eq3A_234 : vector<16xi32>
      %ge3A_236 = arith.constant 99584 : i32
      %ge3A_237 = vector.broadcast %ge3A_236 : i32 to vector<16xi32>
      %ge3A_238 = arith.cmpi sge, %get3A_225, %ge3A_237 : vector<16xi32>
      %and3A_239 = arith.andi %eq3A_235, %ge3A_238 : vector<16xi1>
      %or3A_240 = arith.ori %eq3A_232, %and3A_239 : vector<16xi1>
      %jit3A_241 = arith.constant 1 : i32
      %jit3A_242 = arith.constant 0 : i32
      %broadcast_in_dim3A_243 = vector.broadcast %jit3A_241 : i32 to vector<16xi32>
      %broadcast_in_dim3A_244 = vector.broadcast %jit3A_242 : i32 to vector<16xi32>
      %select_n3A_245 = arith.select %or3A_240, %broadcast_in_dim3A_243, %broadcast_in_dim3A_244 : vector<16xi1>, vector<16xi32>
      %broadcast_in_dim3A_246 = arith.constant true
      %broadcast_in_dim3A_247 = vector.broadcast %broadcast_in_dim3A_246 : i1 to vector<16xi1>
      %masked_cumsum3A_248 = tpu.scan <sum>, %select_n3A_245 masked %broadcast_in_dim3A_247 : vector<16xi32>, vector<16xi1> -> vector<16xi32>
      %add3A_249 = arith.addi %add3A_219, %masked_cumsum3A_248 : vector<16xi32>
      %sub3A_250 = arith.constant 1 : i32
      %sub3A_251 = vector.broadcast %sub3A_250 : i32 to vector<16xi32>
      %sub3A_252 = arith.subi %add3A_249, %sub3A_251 : vector<16xi32>
      %mul3A_253 = arith.constant 16384 : i32
      %mul3A_254 = vector.broadcast %mul3A_253 : i32 to vector<16xi32>
      %mul3A_255 = arith.muli %get3A_225, %mul3A_254 : vector<16xi32>
      %mul3A_256 = arith.constant 16 : i32
      %mul3A_257 = arith.muli %scan3A_221, %mul3A_256 : i32
      %add3A_258 = arith.constant 8192 : i32
      %add3A_259 = arith.addi %add3A_258, %mul3A_257 : i32
      %add3A_260 = vector.broadcast %add3A_259 : i32 to vector<16xi32>
      %add3A_261 = arith.addi %add3A_260, %iota3A : vector<16xi32>
      %or3A_262 = arith.ori %mul3A_255, %add3A_261 : vector<16xi32>
      tpu.vector_store_idx %arg12[%sub3A_252], %or3A_262 masked %or3A_240 : memref<16400xi32, #tpu.memory_space<vmem>>[vector<16xi32>], vector<16xi32>, vector<16xi1>
      %all_reduce_population_count3A_263 = tpu.all_reduce %or3A_240 {dim = 0 : i64, kind = #tpu.reduction_kind<sum>} : vector<16xi1> -> vector<16xi32>
      %add3A_264 = arith.addi %add3A_219, %all_reduce_population_count3A_263 : vector<16xi32>
      %scan3A_265 = arith.constant 3 : i32
      %scan3A_266 = arith.addi %scan3A_140, %scan3A_265 : i32
      %mul3A_267 = arith.constant 16 : i32
      %mul3A_268 = arith.muli %scan3A_266, %mul3A_267 : i32
      %get3A_269 = arith.index_cast %mul3A_268 : i32 to index
      %get3A_270 = tpu.vector_load %arg10[%get3A_269] {strides = array<i32>} : memref<2048xi32, #tpu.memory_space<vmem>>, vector<16xi32>,
      %shift_right_logical3A_271 = arith.constant 9 : i32
      %shift_right_logical3A_272 = vector.broadcast %shift_right_logical3A_271 : i32 to vector<16xi32>
      %shift_right_logical3A_273 = arith.shrui %get3A_270, %shift_right_logical3A_272 : vector<16xi32>
      %and3A_274 = arith.constant 31 : i32
      %and3A_275 = vector.broadcast %and3A_274 : i32 to vector<16xi32>
      %and3A_276 = arith.andi %shift_right_logical3A_273, %and3A_275 : vector<16xi32>
      %eq3A_277 = arith.cmpi eq, %and3A_276, %broadcast_in_dim3A_6 : vector<16xi32>
      %eq3A_278 = arith.constant 3 : i32
      %eq3A_279 = vector.broadcast %eq3A_278 : i32 to vector<16xi32>
      %eq3A_280 = arith.cmpi eq, %broadcast_in_dim3A_6, %eq3A_279 : vector<16xi32>
      %ge3A_281 = arith.constant 99584 : i32
      %ge3A_282 = vector.broadcast %ge3A_281 : i32 to vector<16xi32>
      %ge3A_283 = arith.cmpi sge, %get3A_270, %ge3A_282 : vector<16xi32>
      %and3A_284 = arith.andi %eq3A_280, %ge3A_283 : vector<16xi1>
      %or3A_285 = arith.ori %eq3A_277, %and3A_284 : vector<16xi1>
      %jit3A_286 = arith.constant 1 : i32
      %jit3A_287 = arith.constant 0 : i32
      %broadcast_in_dim3A_288 = vector.broadcast %jit3A_286 : i32 to vector<16xi32>
      %broadcast_in_dim3A_289 = vector.broadcast %jit3A_287 : i32 to vector<16xi32>
      %select_n3A_290 = arith.select %or3A_285, %broadcast_in_dim3A_288, %broadcast_in_dim3A_289 : vector<16xi1>, vector<16xi32>
      %broadcast_in_dim3A_291 = arith.constant true
      %broadcast_in_dim3A_292 = vector.broadcast %broadcast_in_dim3A_291 : i1 to vector<16xi1>
      %masked_cumsum3A_293 = tpu.scan <sum>, %select_n3A_290 masked %broadcast_in_dim3A_292 : vector<16xi32>, vector<16xi1> -> vector<16xi32>
      %add3A_294 = arith.addi %add3A_264, %masked_cumsum3A_293 : vector<16xi32>
      %sub3A_295 = arith.constant 1 : i32
      %sub3A_296 = vector.broadcast %sub3A_295 : i32 to vector<16xi32>
      %sub3A_297 = arith.subi %add3A_294, %sub3A_296 : vector<16xi32>
      %mul3A_298 = arith.constant 16384 : i32
      %mul3A_299 = vector.broadcast %mul3A_298 : i32 to vector<16xi32>
      %mul3A_300 = arith.muli %get3A_270, %mul3A_299 : vector<16xi32>
      %mul3A_301 = arith.constant 16 : i32
      %mul3A_302 = arith.muli %scan3A_266, %mul3A_301 : i32
      %add3A_303 = arith.constant 8192 : i32
      %add3A_304 = arith.addi %add3A_303, %mul3A_302 : i32
      %add3A_305 = vector.broadcast %add3A_304 : i32 to vector<16xi32>
      %add3A_306 = arith.addi %add3A_305, %iota3A : vector<16xi32>
      %or3A_307 = arith.ori %mul3A_300, %add3A_306 : vector<16xi32>
      tpu.vector_store_idx %arg12[%sub3A_297], %or3A_307 masked %or3A_285 : memref<16400xi32, #tpu.memory_space<vmem>>[vector<16xi32>], vector<16xi32>, vector<16xi1>
      %all_reduce_population_count3A_308 = tpu.all_reduce %or3A_285 {dim = 0 : i64, kind = #tpu.reduction_kind<sum>} : vector<16xi1> -> vector<16xi32>
      %add3A_309 = arith.addi %add3A_264, %all_reduce_population_count3A_308 : vector<16xi32>
      scf.yield %add3A_309 : vector<16xi32>
    }
    %scan3A_89 = arith.constant 128 : i32
    %dma_wait3A_90 = arith.constant 10240 : i32
    %dma_wait3A_91 = tpu.memref_slice %arg3[%dma_wait3A_90] : memref<16384xi32, #tpu.memory_space<hbm>> -> memref<2048xi32, #tpu.memory_space<hbm>>
    %dma_wait3A_92 = arith.constant 10240 : i32
    %dma_wait3A_93 = tpu.memref_slice %arg3[%dma_wait3A_92] : memref<16384xi32, #tpu.memory_space<hbm>> -> memref<2048xi32, #tpu.memory_space<hbm>>
    tpu.wait_dma2 semaphore(%arg29 : memref<!tpu.dma_semaphore, #tpu.memory_space<semaphore_mem>>) src(%dma_wait3A_93 : memref<2048xi32, #tpu.memory_space<hbm>>) dst(%arg11 : memref<2048xi32, #tpu.memory_space<vmem>>)
    %dma_start3A_94 = arith.constant 12288 : i32
    %dma_start3A_95 = tpu.memref_slice %arg3[%dma_start3A_94] : memref<16384xi32, #tpu.memory_space<hbm>> -> memref<2048xi32, #tpu.memory_space<hbm>>
    %dma_start3A_96 = arith.constant 12288 : i32
    %dma_start3A_97 = tpu.memref_slice %arg3[%dma_start3A_96] : memref<16384xi32, #tpu.memory_space<hbm>> -> memref<2048xi32, #tpu.memory_space<hbm>>
    tpu.enqueue_dma source(%dma_start3A_97 : memref<2048xi32, #tpu.memory_space<hbm>>) target(%arg10 : memref<2048xi32, #tpu.memory_space<vmem>>) target_semaphore(%arg28 : memref<!tpu.dma_semaphore, #tpu.memory_space<semaphore_mem>>)
    %scan3A_98 = arith.constant 0 : i32
    %scan3A_99 = arith.constant 128 : i32
    %scan3A_100 = arith.addi %scan3A_98, %scan3A_99 : i32
    %scan3A_101 = arith.constant 4 : i32
    %scan3A_102 = scf.for %scan3A_140 = %scan3A_98 to %scan3A_100 step %scan3A_101 iter_args(%scan3A_141 = %scan3A_88) -> (vector<16xi32>)  : i32 {
      %mul3A_142 = arith.constant 16 : i32
      %mul3A_143 = arith.muli %scan3A_140, %mul3A_142 : i32
      %get3A = arith.index_cast %mul3A_143 : i32 to index
      %get3A_144 = tpu.vector_load %arg11[%get3A] {strides = array<i32>} : memref<2048xi32, #tpu.memory_space<vmem>>, vector<16xi32>,
      %shift_right_logical3A = arith.constant 9 : i32
      %shift_right_logical3A_145 = vector.broadcast %shift_right_logical3A : i32 to vector<16xi32>
      %shift_right_logical3A_146 = arith.shrui %get3A_144, %shift_right_logical3A_145 : vector<16xi32>
      %and3A = arith.constant 31 : i32
      %and3A_147 = vector.broadcast %and3A : i32 to vector<16xi32>
      %and3A_148 = arith.andi %shift_right_logical3A_146, %and3A_147 : vector<16xi32>
      %eq3A_149 = arith.cmpi eq, %and3A_148, %broadcast_in_dim3A_6 : vector<16xi32>
      %eq3A_150 = arith.constant 3 : i32
      %eq3A_151 = vector.broadcast %eq3A_150 : i32 to vector<16xi32>
      %eq3A_152 = arith.cmpi eq, %broadcast_in_dim3A_6, %eq3A_151 : vector<16xi32>
      %ge3A = arith.constant 99584 : i32
      %ge3A_153 = vector.broadcast %ge3A : i32 to vector<16xi32>
      %ge3A_154 = arith.cmpi sge, %get3A_144, %ge3A_153 : vector<16xi32>
      %and3A_155 = arith.andi %eq3A_152, %ge3A_154 : vector<16xi1>
      %or3A = arith.ori %eq3A_149, %and3A_155 : vector<16xi1>
      %jit3A = arith.constant 1 : i32
      %jit3A_156 = arith.constant 0 : i32
      %broadcast_in_dim3A_157 = vector.broadcast %jit3A : i32 to vector<16xi32>
      %broadcast_in_dim3A_158 = vector.broadcast %jit3A_156 : i32 to vector<16xi32>
      %select_n3A = arith.select %or3A, %broadcast_in_dim3A_157, %broadcast_in_dim3A_158 : vector<16xi1>, vector<16xi32>
      %broadcast_in_dim3A_159 = arith.constant true
      %broadcast_in_dim3A_160 = vector.broadcast %broadcast_in_dim3A_159 : i1 to vector<16xi1>
      %masked_cumsum3A = tpu.scan <sum>, %select_n3A masked %broadcast_in_dim3A_160 : vector<16xi32>, vector<16xi1> -> vector<16xi32>
      %add3A_161 = arith.addi %scan3A_141, %masked_cumsum3A : vector<16xi32>
      %sub3A = arith.constant 1 : i32
      %sub3A_162 = vector.broadcast %sub3A : i32 to vector<16xi32>
      %sub3A_163 = arith.subi %add3A_161, %sub3A_162 : vector<16xi32>
      %mul3A_164 = arith.constant 16384 : i32
      %mul3A_165 = vector.broadcast %mul3A_164 : i32 to vector<16xi32>
      %mul3A_166 = arith.muli %get3A_144, %mul3A_165 : vector<16xi32>
      %mul3A_167 = arith.constant 16 : i32
      %mul3A_168 = arith.muli %scan3A_140, %mul3A_167 : i32
      %add3A_169 = arith.constant 10240 : i32
      %add3A_170 = arith.addi %add3A_169, %mul3A_168 : i32
      %add3A_171 = vector.broadcast %add3A_170 : i32 to vector<16xi32>
      %add3A_172 = arith.addi %add3A_171, %iota3A : vector<16xi32>
      %or3A_173 = arith.ori %mul3A_166, %add3A_172 : vector<16xi32>
      tpu.vector_store_idx %arg12[%sub3A_163], %or3A_173 masked %or3A : memref<16400xi32, #tpu.memory_space<vmem>>[vector<16xi32>], vector<16xi32>, vector<16xi1>
      %all_reduce_population_count3A = tpu.all_reduce %or3A {dim = 0 : i64, kind = #tpu.reduction_kind<sum>} : vector<16xi1> -> vector<16xi32>
      %add3A_174 = arith.addi %scan3A_141, %all_reduce_population_count3A : vector<16xi32>
      %scan3A_175 = arith.constant 1 : i32
      %scan3A_176 = arith.addi %scan3A_140, %scan3A_175 : i32
      %mul3A_177 = arith.constant 16 : i32
      %mul3A_178 = arith.muli %scan3A_176, %mul3A_177 : i32
      %get3A_179 = arith.index_cast %mul3A_178 : i32 to index
      %get3A_180 = tpu.vector_load %arg11[%get3A_179] {strides = array<i32>} : memref<2048xi32, #tpu.memory_space<vmem>>, vector<16xi32>,
      %shift_right_logical3A_181 = arith.constant 9 : i32
      %shift_right_logical3A_182 = vector.broadcast %shift_right_logical3A_181 : i32 to vector<16xi32>
      %shift_right_logical3A_183 = arith.shrui %get3A_180, %shift_right_logical3A_182 : vector<16xi32>
      %and3A_184 = arith.constant 31 : i32
      %and3A_185 = vector.broadcast %and3A_184 : i32 to vector<16xi32>
      %and3A_186 = arith.andi %shift_right_logical3A_183, %and3A_185 : vector<16xi32>
      %eq3A_187 = arith.cmpi eq, %and3A_186, %broadcast_in_dim3A_6 : vector<16xi32>
      %eq3A_188 = arith.constant 3 : i32
      %eq3A_189 = vector.broadcast %eq3A_188 : i32 to vector<16xi32>
      %eq3A_190 = arith.cmpi eq, %broadcast_in_dim3A_6, %eq3A_189 : vector<16xi32>
      %ge3A_191 = arith.constant 99584 : i32
      %ge3A_192 = vector.broadcast %ge3A_191 : i32 to vector<16xi32>
      %ge3A_193 = arith.cmpi sge, %get3A_180, %ge3A_192 : vector<16xi32>
      %and3A_194 = arith.andi %eq3A_190, %ge3A_193 : vector<16xi1>
      %or3A_195 = arith.ori %eq3A_187, %and3A_194 : vector<16xi1>
      %jit3A_196 = arith.constant 1 : i32
      %jit3A_197 = arith.constant 0 : i32
      %broadcast_in_dim3A_198 = vector.broadcast %jit3A_196 : i32 to vector<16xi32>
      %broadcast_in_dim3A_199 = vector.broadcast %jit3A_197 : i32 to vector<16xi32>
      %select_n3A_200 = arith.select %or3A_195, %broadcast_in_dim3A_198, %broadcast_in_dim3A_199 : vector<16xi1>, vector<16xi32>
      %broadcast_in_dim3A_201 = arith.constant true
      %broadcast_in_dim3A_202 = vector.broadcast %broadcast_in_dim3A_201 : i1 to vector<16xi1>
      %masked_cumsum3A_203 = tpu.scan <sum>, %select_n3A_200 masked %broadcast_in_dim3A_202 : vector<16xi32>, vector<16xi1> -> vector<16xi32>
      %add3A_204 = arith.addi %add3A_174, %masked_cumsum3A_203 : vector<16xi32>
      %sub3A_205 = arith.constant 1 : i32
      %sub3A_206 = vector.broadcast %sub3A_205 : i32 to vector<16xi32>
      %sub3A_207 = arith.subi %add3A_204, %sub3A_206 : vector<16xi32>
      %mul3A_208 = arith.constant 16384 : i32
      %mul3A_209 = vector.broadcast %mul3A_208 : i32 to vector<16xi32>
      %mul3A_210 = arith.muli %get3A_180, %mul3A_209 : vector<16xi32>
      %mul3A_211 = arith.constant 16 : i32
      %mul3A_212 = arith.muli %scan3A_176, %mul3A_211 : i32
      %add3A_213 = arith.constant 10240 : i32
      %add3A_214 = arith.addi %add3A_213, %mul3A_212 : i32
      %add3A_215 = vector.broadcast %add3A_214 : i32 to vector<16xi32>
      %add3A_216 = arith.addi %add3A_215, %iota3A : vector<16xi32>
      %or3A_217 = arith.ori %mul3A_210, %add3A_216 : vector<16xi32>
      tpu.vector_store_idx %arg12[%sub3A_207], %or3A_217 masked %or3A_195 : memref<16400xi32, #tpu.memory_space<vmem>>[vector<16xi32>], vector<16xi32>, vector<16xi1>
      %all_reduce_population_count3A_218 = tpu.all_reduce %or3A_195 {dim = 0 : i64, kind = #tpu.reduction_kind<sum>} : vector<16xi1> -> vector<16xi32>
      %add3A_219 = arith.addi %add3A_174, %all_reduce_population_count3A_218 : vector<16xi32>
      %scan3A_220 = arith.constant 2 : i32
      %scan3A_221 = arith.addi %scan3A_140, %scan3A_220 : i32
      %mul3A_222 = arith.constant 16 : i32
      %mul3A_223 = arith.muli %scan3A_221, %mul3A_222 : i32
      %get3A_224 = arith.index_cast %mul3A_223 : i32 to index
      %get3A_225 = tpu.vector_load %arg11[%get3A_224] {strides = array<i32>} : memref<2048xi32, #tpu.memory_space<vmem>>, vector<16xi32>,
      %shift_right_logical3A_226 = arith.constant 9 : i32
      %shift_right_logical3A_227 = vector.broadcast %shift_right_logical3A_226 : i32 to vector<16xi32>
      %shift_right_logical3A_228 = arith.shrui %get3A_225, %shift_right_logical3A_227 : vector<16xi32>
      %and3A_229 = arith.constant 31 : i32
      %and3A_230 = vector.broadcast %and3A_229 : i32 to vector<16xi32>
      %and3A_231 = arith.andi %shift_right_logical3A_228, %and3A_230 : vector<16xi32>
      %eq3A_232 = arith.cmpi eq, %and3A_231, %broadcast_in_dim3A_6 : vector<16xi32>
      %eq3A_233 = arith.constant 3 : i32
      %eq3A_234 = vector.broadcast %eq3A_233 : i32 to vector<16xi32>
      %eq3A_235 = arith.cmpi eq, %broadcast_in_dim3A_6, %eq3A_234 : vector<16xi32>
      %ge3A_236 = arith.constant 99584 : i32
      %ge3A_237 = vector.broadcast %ge3A_236 : i32 to vector<16xi32>
      %ge3A_238 = arith.cmpi sge, %get3A_225, %ge3A_237 : vector<16xi32>
      %and3A_239 = arith.andi %eq3A_235, %ge3A_238 : vector<16xi1>
      %or3A_240 = arith.ori %eq3A_232, %and3A_239 : vector<16xi1>
      %jit3A_241 = arith.constant 1 : i32
      %jit3A_242 = arith.constant 0 : i32
      %broadcast_in_dim3A_243 = vector.broadcast %jit3A_241 : i32 to vector<16xi32>
      %broadcast_in_dim3A_244 = vector.broadcast %jit3A_242 : i32 to vector<16xi32>
      %select_n3A_245 = arith.select %or3A_240, %broadcast_in_dim3A_243, %broadcast_in_dim3A_244 : vector<16xi1>, vector<16xi32>
      %broadcast_in_dim3A_246 = arith.constant true
      %broadcast_in_dim3A_247 = vector.broadcast %broadcast_in_dim3A_246 : i1 to vector<16xi1>
      %masked_cumsum3A_248 = tpu.scan <sum>, %select_n3A_245 masked %broadcast_in_dim3A_247 : vector<16xi32>, vector<16xi1> -> vector<16xi32>
      %add3A_249 = arith.addi %add3A_219, %masked_cumsum3A_248 : vector<16xi32>
      %sub3A_250 = arith.constant 1 : i32
      %sub3A_251 = vector.broadcast %sub3A_250 : i32 to vector<16xi32>
      %sub3A_252 = arith.subi %add3A_249, %sub3A_251 : vector<16xi32>
      %mul3A_253 = arith.constant 16384 : i32
      %mul3A_254 = vector.broadcast %mul3A_253 : i32 to vector<16xi32>
      %mul3A_255 = arith.muli %get3A_225, %mul3A_254 : vector<16xi32>
      %mul3A_256 = arith.constant 16 : i32
      %mul3A_257 = arith.muli %scan3A_221, %mul3A_256 : i32
      %add3A_258 = arith.constant 10240 : i32
      %add3A_259 = arith.addi %add3A_258, %mul3A_257 : i32
      %add3A_260 = vector.broadcast %add3A_259 : i32 to vector<16xi32>
      %add3A_261 = arith.addi %add3A_260, %iota3A : vector<16xi32>
      %or3A_262 = arith.ori %mul3A_255, %add3A_261 : vector<16xi32>
      tpu.vector_store_idx %arg12[%sub3A_252], %or3A_262 masked %or3A_240 : memref<16400xi32, #tpu.memory_space<vmem>>[vector<16xi32>], vector<16xi32>, vector<16xi1>
      %all_reduce_population_count3A_263 = tpu.all_reduce %or3A_240 {dim = 0 : i64, kind = #tpu.reduction_kind<sum>} : vector<16xi1> -> vector<16xi32>
      %add3A_264 = arith.addi %add3A_219, %all_reduce_population_count3A_263 : vector<16xi32>
      %scan3A_265 = arith.constant 3 : i32
      %scan3A_266 = arith.addi %scan3A_140, %scan3A_265 : i32
      %mul3A_267 = arith.constant 16 : i32
      %mul3A_268 = arith.muli %scan3A_266, %mul3A_267 : i32
      %get3A_269 = arith.index_cast %mul3A_268 : i32 to index
      %get3A_270 = tpu.vector_load %arg11[%get3A_269] {strides = array<i32>} : memref<2048xi32, #tpu.memory_space<vmem>>, vector<16xi32>,
      %shift_right_logical3A_271 = arith.constant 9 : i32
      %shift_right_logical3A_272 = vector.broadcast %shift_right_logical3A_271 : i32 to vector<16xi32>
      %shift_right_logical3A_273 = arith.shrui %get3A_270, %shift_right_logical3A_272 : vector<16xi32>
      %and3A_274 = arith.constant 31 : i32
      %and3A_275 = vector.broadcast %and3A_274 : i32 to vector<16xi32>
      %and3A_276 = arith.andi %shift_right_logical3A_273, %and3A_275 : vector<16xi32>
      %eq3A_277 = arith.cmpi eq, %and3A_276, %broadcast_in_dim3A_6 : vector<16xi32>
      %eq3A_278 = arith.constant 3 : i32
      %eq3A_279 = vector.broadcast %eq3A_278 : i32 to vector<16xi32>
      %eq3A_280 = arith.cmpi eq, %broadcast_in_dim3A_6, %eq3A_279 : vector<16xi32>
      %ge3A_281 = arith.constant 99584 : i32
      %ge3A_282 = vector.broadcast %ge3A_281 : i32 to vector<16xi32>
      %ge3A_283 = arith.cmpi sge, %get3A_270, %ge3A_282 : vector<16xi32>
      %and3A_284 = arith.andi %eq3A_280, %ge3A_283 : vector<16xi1>
      %or3A_285 = arith.ori %eq3A_277, %and3A_284 : vector<16xi1>
      %jit3A_286 = arith.constant 1 : i32
      %jit3A_287 = arith.constant 0 : i32
      %broadcast_in_dim3A_288 = vector.broadcast %jit3A_286 : i32 to vector<16xi32>
      %broadcast_in_dim3A_289 = vector.broadcast %jit3A_287 : i32 to vector<16xi32>
      %select_n3A_290 = arith.select %or3A_285, %broadcast_in_dim3A_288, %broadcast_in_dim3A_289 : vector<16xi1>, vector<16xi32>
      %broadcast_in_dim3A_291 = arith.constant true
      %broadcast_in_dim3A_292 = vector.broadcast %broadcast_in_dim3A_291 : i1 to vector<16xi1>
      %masked_cumsum3A_293 = tpu.scan <sum>, %select_n3A_290 masked %broadcast_in_dim3A_292 : vector<16xi32>, vector<16xi1> -> vector<16xi32>
      %add3A_294 = arith.addi %add3A_264, %masked_cumsum3A_293 : vector<16xi32>
      %sub3A_295 = arith.constant 1 : i32
      %sub3A_296 = vector.broadcast %sub3A_295 : i32 to vector<16xi32>
      %sub3A_297 = arith.subi %add3A_294, %sub3A_296 : vector<16xi32>
      %mul3A_298 = arith.constant 16384 : i32
      %mul3A_299 = vector.broadcast %mul3A_298 : i32 to vector<16xi32>
      %mul3A_300 = arith.muli %get3A_270, %mul3A_299 : vector<16xi32>
      %mul3A_301 = arith.constant 16 : i32
      %mul3A_302 = arith.muli %scan3A_266, %mul3A_301 : i32
      %add3A_303 = arith.constant 10240 : i32
      %add3A_304 = arith.addi %add3A_303, %mul3A_302 : i32
      %add3A_305 = vector.broadcast %add3A_304 : i32 to vector<16xi32>
      %add3A_306 = arith.addi %add3A_305, %iota3A : vector<16xi32>
      %or3A_307 = arith.ori %mul3A_300, %add3A_306 : vector<16xi32>
      tpu.vector_store_idx %arg12[%sub3A_297], %or3A_307 masked %or3A_285 : memref<16400xi32, #tpu.memory_space<vmem>>[vector<16xi32>], vector<16xi32>, vector<16xi1>
      %all_reduce_population_count3A_308 = tpu.all_reduce %or3A_285 {dim = 0 : i64, kind = #tpu.reduction_kind<sum>} : vector<16xi1> -> vector<16xi32>
      %add3A_309 = arith.addi %add3A_264, %all_reduce_population_count3A_308 : vector<16xi32>
      scf.yield %add3A_309 : vector<16xi32>
    }
    %scan3A_103 = arith.constant 128 : i32
    %dma_wait3A_104 = arith.constant 12288 : i32
    %dma_wait3A_105 = tpu.memref_slice %arg3[%dma_wait3A_104] : memref<16384xi32, #tpu.memory_space<hbm>> -> memref<2048xi32, #tpu.memory_space<hbm>>
    %dma_wait3A_106 = arith.constant 12288 : i32
    %dma_wait3A_107 = tpu.memref_slice %arg3[%dma_wait3A_106] : memref<16384xi32, #tpu.memory_space<hbm>> -> memref<2048xi32, #tpu.memory_space<hbm>>
    tpu.wait_dma2 semaphore(%arg28 : memref<!tpu.dma_semaphore, #tpu.memory_space<semaphore_mem>>) src(%dma_wait3A_107 : memref<2048xi32, #tpu.memory_space<hbm>>) dst(%arg10 : memref<2048xi32, #tpu.memory_space<vmem>>)
    %dma_start3A_108 = arith.constant 14336 : i32
    %dma_start3A_109 = tpu.memref_slice %arg3[%dma_start3A_108] : memref<16384xi32, #tpu.memory_space<hbm>> -> memref<2048xi32, #tpu.memory_space<hbm>>
    %dma_start3A_110 = arith.constant 14336 : i32
    %dma_start3A_111 = tpu.memref_slice %arg3[%dma_start3A_110] : memref<16384xi32, #tpu.memory_space<hbm>> -> memref<2048xi32, #tpu.memory_space<hbm>>
    tpu.enqueue_dma source(%dma_start3A_111 : memref<2048xi32, #tpu.memory_space<hbm>>) target(%arg11 : memref<2048xi32, #tpu.memory_space<vmem>>) target_semaphore(%arg29 : memref<!tpu.dma_semaphore, #tpu.memory_space<semaphore_mem>>)
    %scan3A_112 = arith.constant 0 : i32
    %scan3A_113 = arith.constant 128 : i32
    %scan3A_114 = arith.addi %scan3A_112, %scan3A_113 : i32
    %scan3A_115 = arith.constant 4 : i32
    %scan3A_116 = scf.for %scan3A_140 = %scan3A_112 to %scan3A_114 step %scan3A_115 iter_args(%scan3A_141 = %scan3A_102) -> (vector<16xi32>)  : i32 {
      %mul3A_142 = arith.constant 16 : i32
      %mul3A_143 = arith.muli %scan3A_140, %mul3A_142 : i32
      %get3A = arith.index_cast %mul3A_143 : i32 to index
      %get3A_144 = tpu.vector_load %arg10[%get3A] {strides = array<i32>} : memref<2048xi32, #tpu.memory_space<vmem>>, vector<16xi32>,
      %shift_right_logical3A = arith.constant 9 : i32
      %shift_right_logical3A_145 = vector.broadcast %shift_right_logical3A : i32 to vector<16xi32>
      %shift_right_logical3A_146 = arith.shrui %get3A_144, %shift_right_logical3A_145 : vector<16xi32>
      %and3A = arith.constant 31 : i32
      %and3A_147 = vector.broadcast %and3A : i32 to vector<16xi32>
      %and3A_148 = arith.andi %shift_right_logical3A_146, %and3A_147 : vector<16xi32>
      %eq3A_149 = arith.cmpi eq, %and3A_148, %broadcast_in_dim3A_6 : vector<16xi32>
      %eq3A_150 = arith.constant 3 : i32
      %eq3A_151 = vector.broadcast %eq3A_150 : i32 to vector<16xi32>
      %eq3A_152 = arith.cmpi eq, %broadcast_in_dim3A_6, %eq3A_151 : vector<16xi32>
      %ge3A = arith.constant 99584 : i32
      %ge3A_153 = vector.broadcast %ge3A : i32 to vector<16xi32>
      %ge3A_154 = arith.cmpi sge, %get3A_144, %ge3A_153 : vector<16xi32>
      %and3A_155 = arith.andi %eq3A_152, %ge3A_154 : vector<16xi1>
      %or3A = arith.ori %eq3A_149, %and3A_155 : vector<16xi1>
      %jit3A = arith.constant 1 : i32
      %jit3A_156 = arith.constant 0 : i32
      %broadcast_in_dim3A_157 = vector.broadcast %jit3A : i32 to vector<16xi32>
      %broadcast_in_dim3A_158 = vector.broadcast %jit3A_156 : i32 to vector<16xi32>
      %select_n3A = arith.select %or3A, %broadcast_in_dim3A_157, %broadcast_in_dim3A_158 : vector<16xi1>, vector<16xi32>
      %broadcast_in_dim3A_159 = arith.constant true
      %broadcast_in_dim3A_160 = vector.broadcast %broadcast_in_dim3A_159 : i1 to vector<16xi1>
      %masked_cumsum3A = tpu.scan <sum>, %select_n3A masked %broadcast_in_dim3A_160 : vector<16xi32>, vector<16xi1> -> vector<16xi32>
      %add3A_161 = arith.addi %scan3A_141, %masked_cumsum3A : vector<16xi32>
      %sub3A = arith.constant 1 : i32
      %sub3A_162 = vector.broadcast %sub3A : i32 to vector<16xi32>
      %sub3A_163 = arith.subi %add3A_161, %sub3A_162 : vector<16xi32>
      %mul3A_164 = arith.constant 16384 : i32
      %mul3A_165 = vector.broadcast %mul3A_164 : i32 to vector<16xi32>
      %mul3A_166 = arith.muli %get3A_144, %mul3A_165 : vector<16xi32>
      %mul3A_167 = arith.constant 16 : i32
      %mul3A_168 = arith.muli %scan3A_140, %mul3A_167 : i32
      %add3A_169 = arith.constant 12288 : i32
      %add3A_170 = arith.addi %add3A_169, %mul3A_168 : i32
      %add3A_171 = vector.broadcast %add3A_170 : i32 to vector<16xi32>
      %add3A_172 = arith.addi %add3A_171, %iota3A : vector<16xi32>
      %or3A_173 = arith.ori %mul3A_166, %add3A_172 : vector<16xi32>
      tpu.vector_store_idx %arg12[%sub3A_163], %or3A_173 masked %or3A : memref<16400xi32, #tpu.memory_space<vmem>>[vector<16xi32>], vector<16xi32>, vector<16xi1>
      %all_reduce_population_count3A = tpu.all_reduce %or3A {dim = 0 : i64, kind = #tpu.reduction_kind<sum>} : vector<16xi1> -> vector<16xi32>
      %add3A_174 = arith.addi %scan3A_141, %all_reduce_population_count3A : vector<16xi32>
      %scan3A_175 = arith.constant 1 : i32
      %scan3A_176 = arith.addi %scan3A_140, %scan3A_175 : i32
      %mul3A_177 = arith.constant 16 : i32
      %mul3A_178 = arith.muli %scan3A_176, %mul3A_177 : i32
      %get3A_179 = arith.index_cast %mul3A_178 : i32 to index
      %get3A_180 = tpu.vector_load %arg10[%get3A_179] {strides = array<i32>} : memref<2048xi32, #tpu.memory_space<vmem>>, vector<16xi32>,
      %shift_right_logical3A_181 = arith.constant 9 : i32
      %shift_right_logical3A_182 = vector.broadcast %shift_right_logical3A_181 : i32 to vector<16xi32>
      %shift_right_logical3A_183 = arith.shrui %get3A_180, %shift_right_logical3A_182 : vector<16xi32>
      %and3A_184 = arith.constant 31 : i32
      %and3A_185 = vector.broadcast %and3A_184 : i32 to vector<16xi32>
      %and3A_186 = arith.andi %shift_right_logical3A_183, %and3A_185 : vector<16xi32>
      %eq3A_187 = arith.cmpi eq, %and3A_186, %broadcast_in_dim3A_6 : vector<16xi32>
      %eq3A_188 = arith.constant 3 : i32
      %eq3A_189 = vector.broadcast %eq3A_188 : i32 to vector<16xi32>
      %eq3A_190 = arith.cmpi eq, %broadcast_in_dim3A_6, %eq3A_189 : vector<16xi32>
      %ge3A_191 = arith.constant 99584 : i32
      %ge3A_192 = vector.broadcast %ge3A_191 : i32 to vector<16xi32>
      %ge3A_193 = arith.cmpi sge, %get3A_180, %ge3A_192 : vector<16xi32>
      %and3A_194 = arith.andi %eq3A_190, %ge3A_193 : vector<16xi1>
      %or3A_195 = arith.ori %eq3A_187, %and3A_194 : vector<16xi1>
      %jit3A_196 = arith.constant 1 : i32
      %jit3A_197 = arith.constant 0 : i32
      %broadcast_in_dim3A_198 = vector.broadcast %jit3A_196 : i32 to vector<16xi32>
      %broadcast_in_dim3A_199 = vector.broadcast %jit3A_197 : i32 to vector<16xi32>
      %select_n3A_200 = arith.select %or3A_195, %broadcast_in_dim3A_198, %broadcast_in_dim3A_199 : vector<16xi1>, vector<16xi32>
      %broadcast_in_dim3A_201 = arith.constant true
      %broadcast_in_dim3A_202 = vector.broadcast %broadcast_in_dim3A_201 : i1 to vector<16xi1>
      %masked_cumsum3A_203 = tpu.scan <sum>, %select_n3A_200 masked %broadcast_in_dim3A_202 : vector<16xi32>, vector<16xi1> -> vector<16xi32>
      %add3A_204 = arith.addi %add3A_174, %masked_cumsum3A_203 : vector<16xi32>
      %sub3A_205 = arith.constant 1 : i32
      %sub3A_206 = vector.broadcast %sub3A_205 : i32 to vector<16xi32>
      %sub3A_207 = arith.subi %add3A_204, %sub3A_206 : vector<16xi32>
      %mul3A_208 = arith.constant 16384 : i32
      %mul3A_209 = vector.broadcast %mul3A_208 : i32 to vector<16xi32>
      %mul3A_210 = arith.muli %get3A_180, %mul3A_209 : vector<16xi32>
      %mul3A_211 = arith.constant 16 : i32
      %mul3A_212 = arith.muli %scan3A_176, %mul3A_211 : i32
      %add3A_213 = arith.constant 12288 : i32
      %add3A_214 = arith.addi %add3A_213, %mul3A_212 : i32
      %add3A_215 = vector.broadcast %add3A_214 : i32 to vector<16xi32>
      %add3A_216 = arith.addi %add3A_215, %iota3A : vector<16xi32>
      %or3A_217 = arith.ori %mul3A_210, %add3A_216 : vector<16xi32>
      tpu.vector_store_idx %arg12[%sub3A_207], %or3A_217 masked %or3A_195 : memref<16400xi32, #tpu.memory_space<vmem>>[vector<16xi32>], vector<16xi32>, vector<16xi1>
      %all_reduce_population_count3A_218 = tpu.all_reduce %or3A_195 {dim = 0 : i64, kind = #tpu.reduction_kind<sum>} : vector<16xi1> -> vector<16xi32>
      %add3A_219 = arith.addi %add3A_174, %all_reduce_population_count3A_218 : vector<16xi32>
      %scan3A_220 = arith.constant 2 : i32
      %scan3A_221 = arith.addi %scan3A_140, %scan3A_220 : i32
      %mul3A_222 = arith.constant 16 : i32
      %mul3A_223 = arith.muli %scan3A_221, %mul3A_222 : i32
      %get3A_224 = arith.index_cast %mul3A_223 : i32 to index
      %get3A_225 = tpu.vector_load %arg10[%get3A_224] {strides = array<i32>} : memref<2048xi32, #tpu.memory_space<vmem>>, vector<16xi32>,
      %shift_right_logical3A_226 = arith.constant 9 : i32
      %shift_right_logical3A_227 = vector.broadcast %shift_right_logical3A_226 : i32 to vector<16xi32>
      %shift_right_logical3A_228 = arith.shrui %get3A_225, %shift_right_logical3A_227 : vector<16xi32>
      %and3A_229 = arith.constant 31 : i32
      %and3A_230 = vector.broadcast %and3A_229 : i32 to vector<16xi32>
      %and3A_231 = arith.andi %shift_right_logical3A_228, %and3A_230 : vector<16xi32>
      %eq3A_232 = arith.cmpi eq, %and3A_231, %broadcast_in_dim3A_6 : vector<16xi32>
      %eq3A_233 = arith.constant 3 : i32
      %eq3A_234 = vector.broadcast %eq3A_233 : i32 to vector<16xi32>
      %eq3A_235 = arith.cmpi eq, %broadcast_in_dim3A_6, %eq3A_234 : vector<16xi32>
      %ge3A_236 = arith.constant 99584 : i32
      %ge3A_237 = vector.broadcast %ge3A_236 : i32 to vector<16xi32>
      %ge3A_238 = arith.cmpi sge, %get3A_225, %ge3A_237 : vector<16xi32>
      %and3A_239 = arith.andi %eq3A_235, %ge3A_238 : vector<16xi1>
      %or3A_240 = arith.ori %eq3A_232, %and3A_239 : vector<16xi1>
      %jit3A_241 = arith.constant 1 : i32
      %jit3A_242 = arith.constant 0 : i32
      %broadcast_in_dim3A_243 = vector.broadcast %jit3A_241 : i32 to vector<16xi32>
      %broadcast_in_dim3A_244 = vector.broadcast %jit3A_242 : i32 to vector<16xi32>
      %select_n3A_245 = arith.select %or3A_240, %broadcast_in_dim3A_243, %broadcast_in_dim3A_244 : vector<16xi1>, vector<16xi32>
      %broadcast_in_dim3A_246 = arith.constant true
      %broadcast_in_dim3A_247 = vector.broadcast %broadcast_in_dim3A_246 : i1 to vector<16xi1>
      %masked_cumsum3A_248 = tpu.scan <sum>, %select_n3A_245 masked %broadcast_in_dim3A_247 : vector<16xi32>, vector<16xi1> -> vector<16xi32>
      %add3A_249 = arith.addi %add3A_219, %masked_cumsum3A_248 : vector<16xi32>
      %sub3A_250 = arith.constant 1 : i32
      %sub3A_251 = vector.broadcast %sub3A_250 : i32 to vector<16xi32>
      %sub3A_252 = arith.subi %add3A_249, %sub3A_251 : vector<16xi32>
      %mul3A_253 = arith.constant 16384 : i32
      %mul3A_254 = vector.broadcast %mul3A_253 : i32 to vector<16xi32>
      %mul3A_255 = arith.muli %get3A_225, %mul3A_254 : vector<16xi32>
      %mul3A_256 = arith.constant 16 : i32
      %mul3A_257 = arith.muli %scan3A_221, %mul3A_256 : i32
      %add3A_258 = arith.constant 12288 : i32
      %add3A_259 = arith.addi %add3A_258, %mul3A_257 : i32
      %add3A_260 = vector.broadcast %add3A_259 : i32 to vector<16xi32>
      %add3A_261 = arith.addi %add3A_260, %iota3A : vector<16xi32>
      %or3A_262 = arith.ori %mul3A_255, %add3A_261 : vector<16xi32>
      tpu.vector_store_idx %arg12[%sub3A_252], %or3A_262 masked %or3A_240 : memref<16400xi32, #tpu.memory_space<vmem>>[vector<16xi32>], vector<16xi32>, vector<16xi1>
      %all_reduce_population_count3A_263 = tpu.all_reduce %or3A_240 {dim = 0 : i64, kind = #tpu.reduction_kind<sum>} : vector<16xi1> -> vector<16xi32>
      %add3A_264 = arith.addi %add3A_219, %all_reduce_population_count3A_263 : vector<16xi32>
      %scan3A_265 = arith.constant 3 : i32
      %scan3A_266 = arith.addi %scan3A_140, %scan3A_265 : i32
      %mul3A_267 = arith.constant 16 : i32
      %mul3A_268 = arith.muli %scan3A_266, %mul3A_267 : i32
      %get3A_269 = arith.index_cast %mul3A_268 : i32 to index
      %get3A_270 = tpu.vector_load %arg10[%get3A_269] {strides = array<i32>} : memref<2048xi32, #tpu.memory_space<vmem>>, vector<16xi32>,
      %shift_right_logical3A_271 = arith.constant 9 : i32
      %shift_right_logical3A_272 = vector.broadcast %shift_right_logical3A_271 : i32 to vector<16xi32>
      %shift_right_logical3A_273 = arith.shrui %get3A_270, %shift_right_logical3A_272 : vector<16xi32>
      %and3A_274 = arith.constant 31 : i32
      %and3A_275 = vector.broadcast %and3A_274 : i32 to vector<16xi32>
      %and3A_276 = arith.andi %shift_right_logical3A_273, %and3A_275 : vector<16xi32>
      %eq3A_277 = arith.cmpi eq, %and3A_276, %broadcast_in_dim3A_6 : vector<16xi32>
      %eq3A_278 = arith.constant 3 : i32
      %eq3A_279 = vector.broadcast %eq3A_278 : i32 to vector<16xi32>
      %eq3A_280 = arith.cmpi eq, %broadcast_in_dim3A_6, %eq3A_279 : vector<16xi32>
      %ge3A_281 = arith.constant 99584 : i32
      %ge3A_282 = vector.broadcast %ge3A_281 : i32 to vector<16xi32>
      %ge3A_283 = arith.cmpi sge, %get3A_270, %ge3A_282 : vector<16xi32>
      %and3A_284 = arith.andi %eq3A_280, %ge3A_283 : vector<16xi1>
      %or3A_285 = arith.ori %eq3A_277, %and3A_284 : vector<16xi1>
      %jit3A_286 = arith.constant 1 : i32
      %jit3A_287 = arith.constant 0 : i32
      %broadcast_in_dim3A_288 = vector.broadcast %jit3A_286 : i32 to vector<16xi32>
      %broadcast_in_dim3A_289 = vector.broadcast %jit3A_287 : i32 to vector<16xi32>
      %select_n3A_290 = arith.select %or3A_285, %broadcast_in_dim3A_288, %broadcast_in_dim3A_289 : vector<16xi1>, vector<16xi32>
      %broadcast_in_dim3A_291 = arith.constant true
      %broadcast_in_dim3A_292 = vector.broadcast %broadcast_in_dim3A_291 : i1 to vector<16xi1>
      %masked_cumsum3A_293 = tpu.scan <sum>, %select_n3A_290 masked %broadcast_in_dim3A_292 : vector<16xi32>, vector<16xi1> -> vector<16xi32>
      %add3A_294 = arith.addi %add3A_264, %masked_cumsum3A_293 : vector<16xi32>
      %sub3A_295 = arith.constant 1 : i32
      %sub3A_296 = vector.broadcast %sub3A_295 : i32 to vector<16xi32>
      %sub3A_297 = arith.subi %add3A_294, %sub3A_296 : vector<16xi32>
      %mul3A_298 = arith.constant 16384 : i32
      %mul3A_299 = vector.broadcast %mul3A_298 : i32 to vector<16xi32>
      %mul3A_300 = arith.muli %get3A_270, %mul3A_299 : vector<16xi32>
      %mul3A_301 = arith.constant 16 : i32
      %mul3A_302 = arith.muli %scan3A_266, %mul3A_301 : i32
      %add3A_303 = arith.constant 12288 : i32
      %add3A_304 = arith.addi %add3A_303, %mul3A_302 : i32
      %add3A_305 = vector.broadcast %add3A_304 : i32 to vector<16xi32>
      %add3A_306 = arith.addi %add3A_305, %iota3A : vector<16xi32>
      %or3A_307 = arith.ori %mul3A_300, %add3A_306 : vector<16xi32>
      tpu.vector_store_idx %arg12[%sub3A_297], %or3A_307 masked %or3A_285 : memref<16400xi32, #tpu.memory_space<vmem>>[vector<16xi32>], vector<16xi32>, vector<16xi1>
      %all_reduce_population_count3A_308 = tpu.all_reduce %or3A_285 {dim = 0 : i64, kind = #tpu.reduction_kind<sum>} : vector<16xi1> -> vector<16xi32>
      %add3A_309 = arith.addi %add3A_264, %all_reduce_population_count3A_308 : vector<16xi32>
      scf.yield %add3A_309 : vector<16xi32>
    }
    %scan3A_117 = arith.constant 128 : i32
    %dma_wait3A_118 = arith.constant 14336 : i32
    %dma_wait3A_119 = tpu.memref_slice %arg3[%dma_wait3A_118] : memref<16384xi32, #tpu.memory_space<hbm>> -> memref<2048xi32, #tpu.memory_space<hbm>>
    %dma_wait3A_120 = arith.constant 14336 : i32
    %dma_wait3A_121 = tpu.memref_slice %arg3[%dma_wait3A_120] : memref<16384xi32, #tpu.memory_space<hbm>> -> memref<2048xi32, #tpu.memory_space<hbm>>
    tpu.wait_dma2 semaphore(%arg29 : memref<!tpu.dma_semaphore, #tpu.memory_space<semaphore_mem>>) src(%dma_wait3A_121 : memref<2048xi32, #tpu.memory_space<hbm>>) dst(%arg11 : memref<2048xi32, #tpu.memory_space<vmem>>)
    %scan3A_122 = arith.constant 0 : i32
    %scan3A_123 = arith.constant 128 : i32
    %scan3A_124 = arith.addi %scan3A_122, %scan3A_123 : i32
    %scan3A_125 = arith.constant 4 : i32
    %scan3A_126 = scf.for %scan3A_140 = %scan3A_122 to %scan3A_124 step %scan3A_125 iter_args(%scan3A_141 = %scan3A_116) -> (vector<16xi32>)  : i32 {
      %mul3A_142 = arith.constant 16 : i32
      %mul3A_143 = arith.muli %scan3A_140, %mul3A_142 : i32
      %get3A = arith.index_cast %mul3A_143 : i32 to index
      %get3A_144 = tpu.vector_load %arg11[%get3A] {strides = array<i32>} : memref<2048xi32, #tpu.memory_space<vmem>>, vector<16xi32>,
      %shift_right_logical3A = arith.constant 9 : i32
      %shift_right_logical3A_145 = vector.broadcast %shift_right_logical3A : i32 to vector<16xi32>
      %shift_right_logical3A_146 = arith.shrui %get3A_144, %shift_right_logical3A_145 : vector<16xi32>
      %and3A = arith.constant 31 : i32
      %and3A_147 = vector.broadcast %and3A : i32 to vector<16xi32>
      %and3A_148 = arith.andi %shift_right_logical3A_146, %and3A_147 : vector<16xi32>
      %eq3A_149 = arith.cmpi eq, %and3A_148, %broadcast_in_dim3A_6 : vector<16xi32>
      %eq3A_150 = arith.constant 3 : i32
      %eq3A_151 = vector.broadcast %eq3A_150 : i32 to vector<16xi32>
      %eq3A_152 = arith.cmpi eq, %broadcast_in_dim3A_6, %eq3A_151 : vector<16xi32>
      %ge3A = arith.constant 99584 : i32
      %ge3A_153 = vector.broadcast %ge3A : i32 to vector<16xi32>
      %ge3A_154 = arith.cmpi sge, %get3A_144, %ge3A_153 : vector<16xi32>
      %and3A_155 = arith.andi %eq3A_152, %ge3A_154 : vector<16xi1>
      %or3A = arith.ori %eq3A_149, %and3A_155 : vector<16xi1>
      %jit3A = arith.constant 1 : i32
      %jit3A_156 = arith.constant 0 : i32
      %broadcast_in_dim3A_157 = vector.broadcast %jit3A : i32 to vector<16xi32>
      %broadcast_in_dim3A_158 = vector.broadcast %jit3A_156 : i32 to vector<16xi32>
      %select_n3A = arith.select %or3A, %broadcast_in_dim3A_157, %broadcast_in_dim3A_158 : vector<16xi1>, vector<16xi32>
      %broadcast_in_dim3A_159 = arith.constant true
      %broadcast_in_dim3A_160 = vector.broadcast %broadcast_in_dim3A_159 : i1 to vector<16xi1>
      %masked_cumsum3A = tpu.scan <sum>, %select_n3A masked %broadcast_in_dim3A_160 : vector<16xi32>, vector<16xi1> -> vector<16xi32>
      %add3A_161 = arith.addi %scan3A_141, %masked_cumsum3A : vector<16xi32>
      %sub3A = arith.constant 1 : i32
      %sub3A_162 = vector.broadcast %sub3A : i32 to vector<16xi32>
      %sub3A_163 = arith.subi %add3A_161, %sub3A_162 : vector<16xi32>
      %mul3A_164 = arith.constant 16384 : i32
      %mul3A_165 = vector.broadcast %mul3A_164 : i32 to vector<16xi32>
      %mul3A_166 = arith.muli %get3A_144, %mul3A_165 : vector<16xi32>
      %mul3A_167 = arith.constant 16 : i32
      %mul3A_168 = arith.muli %scan3A_140, %mul3A_167 : i32
      %add3A_169 = arith.constant 14336 : i32
      %add3A_170 = arith.addi %add3A_169, %mul3A_168 : i32
      %add3A_171 = vector.broadcast %add3A_170 : i32 to vector<16xi32>
      %add3A_172 = arith.addi %add3A_171, %iota3A : vector<16xi32>
      %or3A_173 = arith.ori %mul3A_166, %add3A_172 : vector<16xi32>
      tpu.vector_store_idx %arg12[%sub3A_163], %or3A_173 masked %or3A : memref<16400xi32, #tpu.memory_space<vmem>>[vector<16xi32>], vector<16xi32>, vector<16xi1>
      %all_reduce_population_count3A = tpu.all_reduce %or3A {dim = 0 : i64, kind = #tpu.reduction_kind<sum>} : vector<16xi1> -> vector<16xi32>
      %add3A_174 = arith.addi %scan3A_141, %all_reduce_population_count3A : vector<16xi32>
      %scan3A_175 = arith.constant 1 : i32
      %scan3A_176 = arith.addi %scan3A_140, %scan3A_175 : i32
      %mul3A_177 = arith.constant 16 : i32
      %mul3A_178 = arith.muli %scan3A_176, %mul3A_177 : i32
      %get3A_179 = arith.index_cast %mul3A_178 : i32 to index
      %get3A_180 = tpu.vector_load %arg11[%get3A_179] {strides = array<i32>} : memref<2048xi32, #tpu.memory_space<vmem>>, vector<16xi32>,
      %shift_right_logical3A_181 = arith.constant 9 : i32
      %shift_right_logical3A_182 = vector.broadcast %shift_right_logical3A_181 : i32 to vector<16xi32>
      %shift_right_logical3A_183 = arith.shrui %get3A_180, %shift_right_logical3A_182 : vector<16xi32>
      %and3A_184 = arith.constant 31 : i32
      %and3A_185 = vector.broadcast %and3A_184 : i32 to vector<16xi32>
      %and3A_186 = arith.andi %shift_right_logical3A_183, %and3A_185 : vector<16xi32>
      %eq3A_187 = arith.cmpi eq, %and3A_186, %broadcast_in_dim3A_6 : vector<16xi32>
      %eq3A_188 = arith.constant 3 : i32
      %eq3A_189 = vector.broadcast %eq3A_188 : i32 to vector<16xi32>
      %eq3A_190 = arith.cmpi eq, %broadcast_in_dim3A_6, %eq3A_189 : vector<16xi32>
      %ge3A_191 = arith.constant 99584 : i32
      %ge3A_192 = vector.broadcast %ge3A_191 : i32 to vector<16xi32>
      %ge3A_193 = arith.cmpi sge, %get3A_180, %ge3A_192 : vector<16xi32>
      %and3A_194 = arith.andi %eq3A_190, %ge3A_193 : vector<16xi1>
      %or3A_195 = arith.ori %eq3A_187, %and3A_194 : vector<16xi1>
      %jit3A_196 = arith.constant 1 : i32
      %jit3A_197 = arith.constant 0 : i32
      %broadcast_in_dim3A_198 = vector.broadcast %jit3A_196 : i32 to vector<16xi32>
      %broadcast_in_dim3A_199 = vector.broadcast %jit3A_197 : i32 to vector<16xi32>
      %select_n3A_200 = arith.select %or3A_195, %broadcast_in_dim3A_198, %broadcast_in_dim3A_199 : vector<16xi1>, vector<16xi32>
      %broadcast_in_dim3A_201 = arith.constant true
      %broadcast_in_dim3A_202 = vector.broadcast %broadcast_in_dim3A_201 : i1 to vector<16xi1>
      %masked_cumsum3A_203 = tpu.scan <sum>, %select_n3A_200 masked %broadcast_in_dim3A_202 : vector<16xi32>, vector<16xi1> -> vector<16xi32>
      %add3A_204 = arith.addi %add3A_174, %masked_cumsum3A_203 : vector<16xi32>
      %sub3A_205 = arith.constant 1 : i32
      %sub3A_206 = vector.broadcast %sub3A_205 : i32 to vector<16xi32>
      %sub3A_207 = arith.subi %add3A_204, %sub3A_206 : vector<16xi32>
      %mul3A_208 = arith.constant 16384 : i32
      %mul3A_209 = vector.broadcast %mul3A_208 : i32 to vector<16xi32>
      %mul3A_210 = arith.muli %get3A_180, %mul3A_209 : vector<16xi32>
      %mul3A_211 = arith.constant 16 : i32
      %mul3A_212 = arith.muli %scan3A_176, %mul3A_211 : i32
      %add3A_213 = arith.constant 14336 : i32
      %add3A_214 = arith.addi %add3A_213, %mul3A_212 : i32
      %add3A_215 = vector.broadcast %add3A_214 : i32 to vector<16xi32>
      %add3A_216 = arith.addi %add3A_215, %iota3A : vector<16xi32>
      %or3A_217 = arith.ori %mul3A_210, %add3A_216 : vector<16xi32>
      tpu.vector_store_idx %arg12[%sub3A_207], %or3A_217 masked %or3A_195 : memref<16400xi32, #tpu.memory_space<vmem>>[vector<16xi32>], vector<16xi32>, vector<16xi1>
      %all_reduce_population_count3A_218 = tpu.all_reduce %or3A_195 {dim = 0 : i64, kind = #tpu.reduction_kind<sum>} : vector<16xi1> -> vector<16xi32>
      %add3A_219 = arith.addi %add3A_174, %all_reduce_population_count3A_218 : vector<16xi32>
      %scan3A_220 = arith.constant 2 : i32
      %scan3A_221 = arith.addi %scan3A_140, %scan3A_220 : i32
      %mul3A_222 = arith.constant 16 : i32
      %mul3A_223 = arith.muli %scan3A_221, %mul3A_222 : i32
      %get3A_224 = arith.index_cast %mul3A_223 : i32 to index
      %get3A_225 = tpu.vector_load %arg11[%get3A_224] {strides = array<i32>} : memref<2048xi32, #tpu.memory_space<vmem>>, vector<16xi32>,
      %shift_right_logical3A_226 = arith.constant 9 : i32
      %shift_right_logical3A_227 = vector.broadcast %shift_right_logical3A_226 : i32 to vector<16xi32>
      %shift_right_logical3A_228 = arith.shrui %get3A_225, %shift_right_logical3A_227 : vector<16xi32>
      %and3A_229 = arith.constant 31 : i32
      %and3A_230 = vector.broadcast %and3A_229 : i32 to vector<16xi32>
      %and3A_231 = arith.andi %shift_right_logical3A_228, %and3A_230 : vector<16xi32>
      %eq3A_232 = arith.cmpi eq, %and3A_231, %broadcast_in_dim3A_6 : vector<16xi32>
      %eq3A_233 = arith.constant 3 : i32
      %eq3A_234 = vector.broadcast %eq3A_233 : i32 to vector<16xi32>
      %eq3A_235 = arith.cmpi eq, %broadcast_in_dim3A_6, %eq3A_234 : vector<16xi32>
      %ge3A_236 = arith.constant 99584 : i32
      %ge3A_237 = vector.broadcast %ge3A_236 : i32 to vector<16xi32>
      %ge3A_238 = arith.cmpi sge, %get3A_225, %ge3A_237 : vector<16xi32>
      %and3A_239 = arith.andi %eq3A_235, %ge3A_238 : vector<16xi1>
      %or3A_240 = arith.ori %eq3A_232, %and3A_239 : vector<16xi1>
      %jit3A_241 = arith.constant 1 : i32
      %jit3A_242 = arith.constant 0 : i32
      %broadcast_in_dim3A_243 = vector.broadcast %jit3A_241 : i32 to vector<16xi32>
      %broadcast_in_dim3A_244 = vector.broadcast %jit3A_242 : i32 to vector<16xi32>
      %select_n3A_245 = arith.select %or3A_240, %broadcast_in_dim3A_243, %broadcast_in_dim3A_244 : vector<16xi1>, vector<16xi32>
      %broadcast_in_dim3A_246 = arith.constant true
      %broadcast_in_dim3A_247 = vector.broadcast %broadcast_in_dim3A_246 : i1 to vector<16xi1>
      %masked_cumsum3A_248 = tpu.scan <sum>, %select_n3A_245 masked %broadcast_in_dim3A_247 : vector<16xi32>, vector<16xi1> -> vector<16xi32>
      %add3A_249 = arith.addi %add3A_219, %masked_cumsum3A_248 : vector<16xi32>
      %sub3A_250 = arith.constant 1 : i32
      %sub3A_251 = vector.broadcast %sub3A_250 : i32 to vector<16xi32>
      %sub3A_252 = arith.subi %add3A_249, %sub3A_251 : vector<16xi32>
      %mul3A_253 = arith.constant 16384 : i32
      %mul3A_254 = vector.broadcast %mul3A_253 : i32 to vector<16xi32>
      %mul3A_255 = arith.muli %get3A_225, %mul3A_254 : vector<16xi32>
      %mul3A_256 = arith.constant 16 : i32
      %mul3A_257 = arith.muli %scan3A_221, %mul3A_256 : i32
      %add3A_258 = arith.constant 14336 : i32
      %add3A_259 = arith.addi %add3A_258, %mul3A_257 : i32
      %add3A_260 = vector.broadcast %add3A_259 : i32 to vector<16xi32>
      %add3A_261 = arith.addi %add3A_260, %iota3A : vector<16xi32>
      %or3A_262 = arith.ori %mul3A_255, %add3A_261 : vector<16xi32>
      tpu.vector_store_idx %arg12[%sub3A_252], %or3A_262 masked %or3A_240 : memref<16400xi32, #tpu.memory_space<vmem>>[vector<16xi32>], vector<16xi32>, vector<16xi1>
      %all_reduce_population_count3A_263 = tpu.all_reduce %or3A_240 {dim = 0 : i64, kind = #tpu.reduction_kind<sum>} : vector<16xi1> -> vector<16xi32>
      %add3A_264 = arith.addi %add3A_219, %all_reduce_population_count3A_263 : vector<16xi32>
      %scan3A_265 = arith.constant 3 : i32
      %scan3A_266 = arith.addi %scan3A_140, %scan3A_265 : i32
      %mul3A_267 = arith.constant 16 : i32
      %mul3A_268 = arith.muli %scan3A_266, %mul3A_267 : i32
      %get3A_269 = arith.index_cast %mul3A_268 : i32 to index
      %get3A_270 = tpu.vector_load %arg11[%get3A_269] {strides = array<i32>} : memref<2048xi32, #tpu.memory_space<vmem>>, vector<16xi32>,
      %shift_right_logical3A_271 = arith.constant 9 : i32
      %shift_right_logical3A_272 = vector.broadcast %shift_right_logical3A_271 : i32 to vector<16xi32>
      %shift_right_logical3A_273 = arith.shrui %get3A_270, %shift_right_logical3A_272 : vector<16xi32>
      %and3A_274 = arith.constant 31 : i32
      %and3A_275 = vector.broadcast %and3A_274 : i32 to vector<16xi32>
      %and3A_276 = arith.andi %shift_right_logical3A_273, %and3A_275 : vector<16xi32>
      %eq3A_277 = arith.cmpi eq, %and3A_276, %broadcast_in_dim3A_6 : vector<16xi32>
      %eq3A_278 = arith.constant 3 : i32
      %eq3A_279 = vector.broadcast %eq3A_278 : i32 to vector<16xi32>
      %eq3A_280 = arith.cmpi eq, %broadcast_in_dim3A_6, %eq3A_279 : vector<16xi32>
      %ge3A_281 = arith.constant 99584 : i32
      %ge3A_282 = vector.broadcast %ge3A_281 : i32 to vector<16xi32>
      %ge3A_283 = arith.cmpi sge, %get3A_270, %ge3A_282 : vector<16xi32>
      %and3A_284 = arith.andi %eq3A_280, %ge3A_283 : vector<16xi1>
      %or3A_285 = arith.ori %eq3A_277, %and3A_284 : vector<16xi1>
      %jit3A_286 = arith.constant 1 : i32
      %jit3A_287 = arith.constant 0 : i32
      %broadcast_in_dim3A_288 = vector.broadcast %jit3A_286 : i32 to vector<16xi32>
      %broadcast_in_dim3A_289 = vector.broadcast %jit3A_287 : i32 to vector<16xi32>
      %select_n3A_290 = arith.select %or3A_285, %broadcast_in_dim3A_288, %broadcast_in_dim3A_289 : vector<16xi1>, vector<16xi32>
      %broadcast_in_dim3A_291 = arith.constant true
      %broadcast_in_dim3A_292 = vector.broadcast %broadcast_in_dim3A_291 : i1 to vector<16xi1>
      %masked_cumsum3A_293 = tpu.scan <sum>, %select_n3A_290 masked %broadcast_in_dim3A_292 : vector<16xi32>, vector<16xi1> -> vector<16xi32>
      %add3A_294 = arith.addi %add3A_264, %masked_cumsum3A_293 : vector<16xi32>
      %sub3A_295 = arith.constant 1 : i32
      %sub3A_296 = vector.broadcast %sub3A_295 : i32 to vector<16xi32>
      %sub3A_297 = arith.subi %add3A_294, %sub3A_296 : vector<16xi32>
      %mul3A_298 = arith.constant 16384 : i32
      %mul3A_299 = vector.broadcast %mul3A_298 : i32 to vector<16xi32>
      %mul3A_300 = arith.muli %get3A_270, %mul3A_299 : vector<16xi32>
      %mul3A_301 = arith.constant 16 : i32
      %mul3A_302 = arith.muli %scan3A_266, %mul3A_301 : i32
      %add3A_303 = arith.constant 14336 : i32
      %add3A_304 = arith.addi %add3A_303, %mul3A_302 : i32
      %add3A_305 = vector.broadcast %add3A_304 : i32 to vector<16xi32>
      %add3A_306 = arith.addi %add3A_305, %iota3A : vector<16xi32>
      %or3A_307 = arith.ori %mul3A_300, %add3A_306 : vector<16xi32>
      tpu.vector_store_idx %arg12[%sub3A_297], %or3A_307 masked %or3A_285 : memref<16400xi32, #tpu.memory_space<vmem>>[vector<16xi32>], vector<16xi32>, vector<16xi1>
      %all_reduce_population_count3A_308 = tpu.all_reduce %or3A_285 {dim = 0 : i64, kind = #tpu.reduction_kind<sum>} : vector<16xi1> -> vector<16xi32>
      %add3A_309 = arith.addi %add3A_264, %all_reduce_population_count3A_308 : vector<16xi32>
      scf.yield %add3A_309 : vector<16xi32>
    }
    %scan3A_127 = arith.constant 128 : i32
    %reduce_max3A = arith.constant true
    %reduce_max3A_128 = vector.broadcast %reduce_max3A : i1 to vector<16xi1>
    %reduce_max3A_129 = arith.constant -2147483648 : i32
    %reduce_max3A_130 = vector.broadcast %reduce_max3A_129 : i32 to vector<16xi32>
    %reduce_max3A_131 = arith.xori %scan3A_126, %reduce_max3A_130 : vector<16xi32>
    %reduce_max3A_132 = tpu.scan <max>, %reduce_max3A_131 masked %reduce_max3A_128 : vector<16xi32>, vector<16xi1> -> vector<16xi32>
    %reduce_max3A_133 = arith.xori %reduce_max3A_132, %reduce_max3A_130 : vector<16xi32>
    %reduce_max3A_134 = vector.extract %reduce_max3A_133[15] : i32 from vector<16xi32>
    %scan3A_135 = arith.constant 0 : i32
    %scan3A_136 = arith.constant 7 : i32
    %scan3A_137 = arith.addi %scan3A_135, %scan3A_136 : i32
    %scan3A_138 = arith.constant 1 : i32
    scf.for %scan3A_140 = %scan3A_135 to %scan3A_137 step %scan3A_138  : i32 {
      %mul3A_141 = arith.constant 1 : i32
      %mul3A_142 = arith.muli %scan3A_140, %mul3A_141 : i32
      %add3A_143 = arith.constant 0 : i32
      %add3A_144 = arith.addi %add3A_143, %mul3A_142 : i32
      %mul3A_145 = arith.constant 32 : i32
      %mul3A_146 = arith.muli %add3A_144, %mul3A_145 : i32
      %add3A_147 = arith.addi %mul3A_146, %add3A : i32
      %lt3A = arith.constant 196 : i32
      %lt3A_148 = arith.cmpi slt, %add3A_147, %lt3A : i32
      %convert_element_type3A = arith.extui %lt3A_148 : i1 to i32
      %cond3A = arith.constant 0 : i32
      %cond3A_149 = arith.cmpi ne, %convert_element_type3A, %cond3A : i32
      scf.if %cond3A_149 {
        %mul3A_150 = arith.constant 512 : i32
        %mul3A_151 = arith.muli %add3A_147, %mul3A_150 : i32
        %min3A = arith.constant 99584 : i32
        %min3A_152 = arith.minsi %mul3A_151, %min3A : i32
        %broadcast_in_dim3A_153 = vector.broadcast %min3A_152 : i32 to vector<16xi32>
        %dma_start3A_154 = arith.constant 0 : i32
        %dma_start3A_155 = tpu.memref_slice %arg4[%dma_start3A_154, %min3A_152] : memref<64x100000xf32, #tpu.memory_space<hbm>> -> memref<64x256xf32, #tpu.memory_space<hbm>>
        %dma_start3A_156 = arith.constant 0 : i32
        %dma_start3A_157 = tpu.memref_slice %arg4[%dma_start3A_156, %min3A_152] : memref<64x100000xf32, #tpu.memory_space<hbm>> -> memref<64x256xf32, #tpu.memory_space<hbm>>
        tpu.enqueue_dma source(%dma_start3A_157 : memref<64x256xf32, #tpu.memory_space<hbm>>) target(%arg19 : memref<64x256xf32, #tpu.memory_space<vmem>>) target_semaphore(%arg24 : memref<!tpu.dma_semaphore, #tpu.memory_space<semaphore_mem>>)
        %dma_start3A_158 = tpu.memref_slice %arg6[%min3A_152] : memref<100000xf32, #tpu.memory_space<hbm>> -> memref<512xf32, #tpu.memory_space<hbm>>
        %dma_start3A_159 = tpu.memref_slice %arg6[%min3A_152] : memref<100000xf32, #tpu.memory_space<hbm>> -> memref<512xf32, #tpu.memory_space<hbm>>
        tpu.enqueue_dma source(%dma_start3A_159 : memref<512xf32, #tpu.memory_space<hbm>>) target(%arg23 : memref<512xf32, #tpu.memory_space<vmem>>) target_semaphore(%arg27 : memref<!tpu.dma_semaphore, #tpu.memory_space<semaphore_mem>>)
        %dma_start3A_160 = arith.constant 0 : i32
        %dma_start3A_161 = tpu.memref_slice %arg5[%dma_start3A_160, %min3A_152] : memref<64x100000xf32, #tpu.memory_space<hbm>> -> memref<64x256xf32, #tpu.memory_space<hbm>>
        %dma_start3A_162 = arith.constant 0 : i32
        %dma_start3A_163 = tpu.memref_slice %arg5[%dma_start3A_162, %min3A_152] : memref<64x100000xf32, #tpu.memory_space<hbm>> -> memref<64x256xf32, #tpu.memory_space<hbm>>
        tpu.enqueue_dma source(%dma_start3A_163 : memref<64x256xf32, #tpu.memory_space<hbm>>) target(%arg20 : memref<64x256xf32, #tpu.memory_space<vmem>>) target_semaphore(%arg25 : memref<!tpu.dma_semaphore, #tpu.memory_space<semaphore_mem>>)
        %scan3A_164 = arith.constant 0 : i32
        %scan3A_165 = arith.constant 16 : i32
        %scan3A_166 = arith.addi %scan3A_164, %scan3A_165 : i32
        %scan3A_167 = arith.constant 1 : i32
        scf.for %scan3A_426 = %scan3A_164 to %scan3A_166 step %scan3A_167  : i32 {
          %mul3A_427 = arith.constant 1 : i32
          %mul3A_428 = arith.muli %scan3A_426, %mul3A_427 : i32
          %add3A_429 = arith.constant 0 : i32
          %add3A_430 = arith.addi %add3A_429, %mul3A_428 : i32
          %mul3A_431 = arith.constant 1024 : i32
          %mul3A_432 = arith.muli %add3A_430, %mul3A_431 : i32
          %lt3A_433 = arith.cmpi slt, %mul3A_432, %reduce_max3A_134 : i32
          %convert_element_type3A_434 = arith.extui %lt3A_433 : i1 to i32
          %cond3A_435 = arith.constant 0 : i32
          %cond3A_436 = arith.cmpi ne, %convert_element_type3A_434, %cond3A_435 : i32
          scf.if %cond3A_436 {
            %broadcast_in_dim3A_437 = arith.constant 0 : i32
            %broadcast_in_dim3A_438 = vector.broadcast %broadcast_in_dim3A_437 : i32 to vector<16xi32>
            %scan3A_439 = arith.constant 0 : i32
            %scan3A_440 = arith.constant 64 : i32
            %scan3A_441 = arith.addi %scan3A_439, %scan3A_440 : i32
            %scan3A_442 = arith.constant 4 : i32
            %scan3A_443 = scf.for %scan3A_469 = %scan3A_439 to %scan3A_441 step %scan3A_442 iter_args(%scan3A_470 = %broadcast_in_dim3A_438) -> (vector<16xi32>)  : i32 {
              %mul3A_471 = arith.constant 16 : i32
              %mul3A_472 = arith.muli %scan3A_469, %mul3A_471 : i32
              %add3A_473 = arith.addi %mul3A_432, %mul3A_472 : i32
              %get3A = arith.index_cast %add3A_473 : i32 to index
              %get3A_474 = tpu.vector_load %arg12[%get3A] {strides = array<i32>} : memref<16400xi32, #tpu.memory_space<vmem>>, vector<16xi32>,
              %shift_right_logical3A_475 = arith.constant 14 : i32
              %shift_right_logical3A_476 = vector.broadcast %shift_right_logical3A_475 : i32 to vector<16xi32>
              %shift_right_logical3A_477 = arith.shrui %get3A_474, %shift_right_logical3A_476 : vector<16xi32>
              %sub3A = arith.subi %shift_right_logical3A_477, %broadcast_in_dim3A_153 : vector<16xi32>
              %ge3A = arith.constant 0 : i32
              %ge3A_478 = vector.broadcast %ge3A : i32 to vector<16xi32>
              %ge3A_479 = arith.cmpi sge, %sub3A, %ge3A_478 : vector<16xi32>
              %lt3A_480 = arith.constant 512 : i32
              %lt3A_481 = vector.broadcast %lt3A_480 : i32 to vector<16xi32>
              %lt3A_482 = arith.cmpi slt, %sub3A, %lt3A_481 : vector<16xi32>
              %and3A = arith.andi %ge3A_479, %lt3A_482 : vector<16xi1>
              %add3A_483 = vector.broadcast %add3A_473 : i32 to vector<16xi32>
              %add3A_484 = arith.addi %add3A_483, %iota3A : vector<16xi32>
              %lt3A_485 = vector.broadcast %reduce_max3A_134 : i32 to vector<16xi32>
              %lt3A_486 = arith.cmpi slt, %add3A_484, %lt3A_485 : vector<16xi32>
              %and3A_487 = arith.andi %and3A, %lt3A_486 : vector<16xi1>
              %jit3A = arith.constant 1 : i32
              %jit3A_488 = arith.constant 0 : i32
              %broadcast_in_dim3A_489 = vector.broadcast %jit3A : i32 to vector<16xi32>
              %broadcast_in_dim3A_490 = vector.broadcast %jit3A_488 : i32 to vector<16xi32>
              %select_n3A = arith.select %and3A_487, %broadcast_in_dim3A_489, %broadcast_in_dim3A_490 : vector<16xi1>, vector<16xi32>
              %broadcast_in_dim3A_491 = arith.constant true
              %broadcast_in_dim3A_492 = vector.broadcast %broadcast_in_dim3A_491 : i1 to vector<16xi1>
              %masked_cumsum3A = tpu.scan <sum>, %select_n3A masked %broadcast_in_dim3A_492 : vector<16xi32>, vector<16xi1> -> vector<16xi32>
              %add3A_493 = arith.addi %scan3A_470, %masked_cumsum3A : vector<16xi32>
              %sub3A_494 = arith.constant 1 : i32
              %sub3A_495 = vector.broadcast %sub3A_494 : i32 to vector<16xi32>
              %sub3A_496 = arith.subi %add3A_493, %sub3A_495 : vector<16xi32>
              %mul3A_497 = arith.constant 16384 : i32
              %mul3A_498 = vector.broadcast %mul3A_497 : i32 to vector<16xi32>
              %mul3A_499 = arith.muli %sub3A, %mul3A_498 : vector<16xi32>
              %and3A_500 = arith.constant 16383 : i32
              %and3A_501 = vector.broadcast %and3A_500 : i32 to vector<16xi32>
              %and3A_502 = arith.andi %get3A_474, %and3A_501 : vector<16xi32>
              %or3A = arith.ori %mul3A_499, %and3A_502 : vector<16xi32>
              tpu.vector_store_idx %arg13[%sub3A_496], %or3A masked %and3A_487 : memref<1040xi32, #tpu.memory_space<vmem>>[vector<16xi32>], vector<16xi32>, vector<16xi1>
              %all_reduce_population_count3A = tpu.all_reduce %and3A_487 {dim = 0 : i64, kind = #tpu.reduction_kind<sum>} : vector<16xi1> -> vector<16xi32>
              %add3A_503 = arith.addi %scan3A_470, %all_reduce_population_count3A : vector<16xi32>
              %scan3A_504 = arith.constant 1 : i32
              %scan3A_505 = arith.addi %scan3A_469, %scan3A_504 : i32
              %mul3A_506 = arith.constant 16 : i32
              %mul3A_507 = arith.muli %scan3A_505, %mul3A_506 : i32
              %add3A_508 = arith.addi %mul3A_432, %mul3A_507 : i32
              %get3A_509 = arith.index_cast %add3A_508 : i32 to index
              %get3A_510 = tpu.vector_load %arg12[%get3A_509] {strides = array<i32>} : memref<16400xi32, #tpu.memory_space<vmem>>, vector<16xi32>,
              %shift_right_logical3A_511 = arith.constant 14 : i32
              %shift_right_logical3A_512 = vector.broadcast %shift_right_logical3A_511 : i32 to vector<16xi32>
              %shift_right_logical3A_513 = arith.shrui %get3A_510, %shift_right_logical3A_512 : vector<16xi32>
              %sub3A_514 = arith.subi %shift_right_logical3A_513, %broadcast_in_dim3A_153 : vector<16xi32>
              %ge3A_515 = arith.constant 0 : i32
              %ge3A_516 = vector.broadcast %ge3A_515 : i32 to vector<16xi32>
              %ge3A_517 = arith.cmpi sge, %sub3A_514, %ge3A_516 : vector<16xi32>
              %lt3A_518 = arith.constant 512 : i32
              %lt3A_519 = vector.broadcast %lt3A_518 : i32 to vector<16xi32>
              %lt3A_520 = arith.cmpi slt, %sub3A_514, %lt3A_519 : vector<16xi32>
              %and3A_521 = arith.andi %ge3A_517, %lt3A_520 : vector<16xi1>
              %add3A_522 = vector.broadcast %add3A_508 : i32 to vector<16xi32>
              %add3A_523 = arith.addi %add3A_522, %iota3A : vector<16xi32>
              %lt3A_524 = vector.broadcast %reduce_max3A_134 : i32 to vector<16xi32>
              %lt3A_525 = arith.cmpi slt, %add3A_523, %lt3A_524 : vector<16xi32>
              %and3A_526 = arith.andi %and3A_521, %lt3A_525 : vector<16xi1>
              %jit3A_527 = arith.constant 1 : i32
              %jit3A_528 = arith.constant 0 : i32
              %broadcast_in_dim3A_529 = vector.broadcast %jit3A_527 : i32 to vector<16xi32>
              %broadcast_in_dim3A_530 = vector.broadcast %jit3A_528 : i32 to vector<16xi32>
              %select_n3A_531 = arith.select %and3A_526, %broadcast_in_dim3A_529, %broadcast_in_dim3A_530 : vector<16xi1>, vector<16xi32>
              %broadcast_in_dim3A_532 = arith.constant true
              %broadcast_in_dim3A_533 = vector.broadcast %broadcast_in_dim3A_532 : i1 to vector<16xi1>
              %masked_cumsum3A_534 = tpu.scan <sum>, %select_n3A_531 masked %broadcast_in_dim3A_533 : vector<16xi32>, vector<16xi1> -> vector<16xi32>
              %add3A_535 = arith.addi %add3A_503, %masked_cumsum3A_534 : vector<16xi32>
              %sub3A_536 = arith.constant 1 : i32
              %sub3A_537 = vector.broadcast %sub3A_536 : i32 to vector<16xi32>
              %sub3A_538 = arith.subi %add3A_535, %sub3A_537 : vector<16xi32>
              %mul3A_539 = arith.constant 16384 : i32
              %mul3A_540 = vector.broadcast %mul3A_539 : i32 to vector<16xi32>
              %mul3A_541 = arith.muli %sub3A_514, %mul3A_540 : vector<16xi32>
              %and3A_542 = arith.constant 16383 : i32
              %and3A_543 = vector.broadcast %and3A_542 : i32 to vector<16xi32>
              %and3A_544 = arith.andi %get3A_510, %and3A_543 : vector<16xi32>
              %or3A_545 = arith.ori %mul3A_541, %and3A_544 : vector<16xi32>
              tpu.vector_store_idx %arg13[%sub3A_538], %or3A_545 masked %and3A_526 : memref<1040xi32, #tpu.memory_space<vmem>>[vector<16xi32>], vector<16xi32>, vector<16xi1>
              %all_reduce_population_count3A_546 = tpu.all_reduce %and3A_526 {dim = 0 : i64, kind = #tpu.reduction_kind<sum>} : vector<16xi1> -> vector<16xi32>
              %add3A_547 = arith.addi %add3A_503, %all_reduce_population_count3A_546 : vector<16xi32>
              %scan3A_548 = arith.constant 2 : i32
              %scan3A_549 = arith.addi %scan3A_469, %scan3A_548 : i32
              %mul3A_550 = arith.constant 16 : i32
              %mul3A_551 = arith.muli %scan3A_549, %mul3A_550 : i32
              %add3A_552 = arith.addi %mul3A_432, %mul3A_551 : i32
              %get3A_553 = arith.index_cast %add3A_552 : i32 to index
              %get3A_554 = tpu.vector_load %arg12[%get3A_553] {strides = array<i32>} : memref<16400xi32, #tpu.memory_space<vmem>>, vector<16xi32>,
              %shift_right_logical3A_555 = arith.constant 14 : i32
              %shift_right_logical3A_556 = vector.broadcast %shift_right_logical3A_555 : i32 to vector<16xi32>
              %shift_right_logical3A_557 = arith.shrui %get3A_554, %shift_right_logical3A_556 : vector<16xi32>
              %sub3A_558 = arith.subi %shift_right_logical3A_557, %broadcast_in_dim3A_153 : vector<16xi32>
              %ge3A_559 = arith.constant 0 : i32
              %ge3A_560 = vector.broadcast %ge3A_559 : i32 to vector<16xi32>
              %ge3A_561 = arith.cmpi sge, %sub3A_558, %ge3A_560 : vector<16xi32>
              %lt3A_562 = arith.constant 512 : i32
              %lt3A_563 = vector.broadcast %lt3A_562 : i32 to vector<16xi32>
              %lt3A_564 = arith.cmpi slt, %sub3A_558, %lt3A_563 : vector<16xi32>
              %and3A_565 = arith.andi %ge3A_561, %lt3A_564 : vector<16xi1>
              %add3A_566 = vector.broadcast %add3A_552 : i32 to vector<16xi32>
              %add3A_567 = arith.addi %add3A_566, %iota3A : vector<16xi32>
              %lt3A_568 = vector.broadcast %reduce_max3A_134 : i32 to vector<16xi32>
              %lt3A_569 = arith.cmpi slt, %add3A_567, %lt3A_568 : vector<16xi32>
              %and3A_570 = arith.andi %and3A_565, %lt3A_569 : vector<16xi1>
              %jit3A_571 = arith.constant 1 : i32
              %jit3A_572 = arith.constant 0 : i32
              %broadcast_in_dim3A_573 = vector.broadcast %jit3A_571 : i32 to vector<16xi32>
              %broadcast_in_dim3A_574 = vector.broadcast %jit3A_572 : i32 to vector<16xi32>
              %select_n3A_575 = arith.select %and3A_570, %broadcast_in_dim3A_573, %broadcast_in_dim3A_574 : vector<16xi1>, vector<16xi32>
              %broadcast_in_dim3A_576 = arith.constant true
              %broadcast_in_dim3A_577 = vector.broadcast %broadcast_in_dim3A_576 : i1 to vector<16xi1>
              %masked_cumsum3A_578 = tpu.scan <sum>, %select_n3A_575 masked %broadcast_in_dim3A_577 : vector<16xi32>, vector<16xi1> -> vector<16xi32>
              %add3A_579 = arith.addi %add3A_547, %masked_cumsum3A_578 : vector<16xi32>
              %sub3A_580 = arith.constant 1 : i32
              %sub3A_581 = vector.broadcast %sub3A_580 : i32 to vector<16xi32>
              %sub3A_582 = arith.subi %add3A_579, %sub3A_581 : vector<16xi32>
              %mul3A_583 = arith.constant 16384 : i32
              %mul3A_584 = vector.broadcast %mul3A_583 : i32 to vector<16xi32>
              %mul3A_585 = arith.muli %sub3A_558, %mul3A_584 : vector<16xi32>
              %and3A_586 = arith.constant 16383 : i32
              %and3A_587 = vector.broadcast %and3A_586 : i32 to vector<16xi32>
              %and3A_588 = arith.andi %get3A_554, %and3A_587 : vector<16xi32>
              %or3A_589 = arith.ori %mul3A_585, %and3A_588 : vector<16xi32>
              tpu.vector_store_idx %arg13[%sub3A_582], %or3A_589 masked %and3A_570 : memref<1040xi32, #tpu.memory_space<vmem>>[vector<16xi32>], vector<16xi32>, vector<16xi1>
              %all_reduce_population_count3A_590 = tpu.all_reduce %and3A_570 {dim = 0 : i64, kind = #tpu.reduction_kind<sum>} : vector<16xi1> -> vector<16xi32>
              %add3A_591 = arith.addi %add3A_547, %all_reduce_population_count3A_590 : vector<16xi32>
              %scan3A_592 = arith.constant 3 : i32
              %scan3A_593 = arith.addi %scan3A_469, %scan3A_592 : i32
              %mul3A_594 = arith.constant 16 : i32
              %mul3A_595 = arith.muli %scan3A_593, %mul3A_594 : i32
              %add3A_596 = arith.addi %mul3A_432, %mul3A_595 : i32
              %get3A_597 = arith.index_cast %add3A_596 : i32 to index
              %get3A_598 = tpu.vector_load %arg12[%get3A_597] {strides = array<i32>} : memref<16400xi32, #tpu.memory_space<vmem>>, vector<16xi32>,
              %shift_right_logical3A_599 = arith.constant 14 : i32
              %shift_right_logical3A_600 = vector.broadcast %shift_right_logical3A_599 : i32 to vector<16xi32>
              %shift_right_logical3A_601 = arith.shrui %get3A_598, %shift_right_logical3A_600 : vector<16xi32>
              %sub3A_602 = arith.subi %shift_right_logical3A_601, %broadcast_in_dim3A_153 : vector<16xi32>
              %ge3A_603 = arith.constant 0 : i32
              %ge3A_604 = vector.broadcast %ge3A_603 : i32 to vector<16xi32>
              %ge3A_605 = arith.cmpi sge, %sub3A_602, %ge3A_604 : vector<16xi32>
              %lt3A_606 = arith.constant 512 : i32
              %lt3A_607 = vector.broadcast %lt3A_606 : i32 to vector<16xi32>
              %lt3A_608 = arith.cmpi slt, %sub3A_602, %lt3A_607 : vector<16xi32>
              %and3A_609 = arith.andi %ge3A_605, %lt3A_608 : vector<16xi1>
              %add3A_610 = vector.broadcast %add3A_596 : i32 to vector<16xi32>
              %add3A_611 = arith.addi %add3A_610, %iota3A : vector<16xi32>
              %lt3A_612 = vector.broadcast %reduce_max3A_134 : i32 to vector<16xi32>
              %lt3A_613 = arith.cmpi slt, %add3A_611, %lt3A_612 : vector<16xi32>
              %and3A_614 = arith.andi %and3A_609, %lt3A_613 : vector<16xi1>
              %jit3A_615 = arith.constant 1 : i32
              %jit3A_616 = arith.constant 0 : i32
              %broadcast_in_dim3A_617 = vector.broadcast %jit3A_615 : i32 to vector<16xi32>
              %broadcast_in_dim3A_618 = vector.broadcast %jit3A_616 : i32 to vector<16xi32>
              %select_n3A_619 = arith.select %and3A_614, %broadcast_in_dim3A_617, %broadcast_in_dim3A_618 : vector<16xi1>, vector<16xi32>
              %broadcast_in_dim3A_620 = arith.constant true
              %broadcast_in_dim3A_621 = vector.broadcast %broadcast_in_dim3A_620 : i1 to vector<16xi1>
              %masked_cumsum3A_622 = tpu.scan <sum>, %select_n3A_619 masked %broadcast_in_dim3A_621 : vector<16xi32>, vector<16xi1> -> vector<16xi32>
              %add3A_623 = arith.addi %add3A_591, %masked_cumsum3A_622 : vector<16xi32>
              %sub3A_624 = arith.constant 1 : i32
              %sub3A_625 = vector.broadcast %sub3A_624 : i32 to vector<16xi32>
              %sub3A_626 = arith.subi %add3A_623, %sub3A_625 : vector<16xi32>
              %mul3A_627 = arith.constant 16384 : i32
              %mul3A_628 = vector.broadcast %mul3A_627 : i32 to vector<16xi32>
              %mul3A_629 = arith.muli %sub3A_602, %mul3A_628 : vector<16xi32>
              %and3A_630 = arith.constant 16383 : i32
              %and3A_631 = vector.broadcast %and3A_630 : i32 to vector<16xi32>
              %and3A_632 = arith.andi %get3A_598, %and3A_631 : vector<16xi32>
              %or3A_633 = arith.ori %mul3A_629, %and3A_632 : vector<16xi32>
              tpu.vector_store_idx %arg13[%sub3A_626], %or3A_633 masked %and3A_614 : memref<1040xi32, #tpu.memory_space<vmem>>[vector<16xi32>], vector<16xi32>, vector<16xi1>
              %all_reduce_population_count3A_634 = tpu.all_reduce %and3A_614 {dim = 0 : i64, kind = #tpu.reduction_kind<sum>} : vector<16xi1> -> vector<16xi32>
              %add3A_635 = arith.addi %add3A_591, %all_reduce_population_count3A_634 : vector<16xi32>
              scf.yield %add3A_635 : vector<16xi32>
            }
            %scan3A_444 = arith.constant 64 : i32
            %reduce_max3A_445 = arith.constant true
            %reduce_max3A_446 = vector.broadcast %reduce_max3A_445 : i1 to vector<16xi1>
            %reduce_max3A_447 = arith.constant -2147483648 : i32
            %reduce_max3A_448 = vector.broadcast %reduce_max3A_447 : i32 to vector<16xi32>
            %reduce_max3A_449 = arith.xori %scan3A_443, %reduce_max3A_448 : vector<16xi32>
            %reduce_max3A_450 = tpu.scan <max>, %reduce_max3A_449 masked %reduce_max3A_446 : vector<16xi32>, vector<16xi1> -> vector<16xi32>
            %reduce_max3A_451 = arith.xori %reduce_max3A_450, %reduce_max3A_448 : vector<16xi32>
            %reduce_max3A_452 = vector.extract %reduce_max3A_451[15] : i32 from vector<16xi32>
            %add3A_453 = arith.constant 31 : i32
            %add3A_454 = arith.addi %reduce_max3A_452, %add3A_453 : i32
            %div3A_455 = arith.constant 32 : i32
            %div3A_456 = arith.divsi %add3A_454, %div3A_455 : i32
            %while3A_457 = arith.constant 0 : i32
            %while3A_458 = arith.constant 0 : i32
            %while3A_459 = arith.subi %div3A_456, %while3A_457 : i32
            %while3A_460 = arith.addi %while3A_457, %while3A_459 : i32
            %while3A_461 = arith.constant 1 : i32
            %while3A_462 = arith.divsi %while3A_459, %while3A_461 : i32
            %while3A_463 = arith.muli %while3A_462, %while3A_461 : i32
            %while3A_464 = arith.addi %while3A_457, %while3A_463 : i32
            %while3A_465 = arith.constant 1 : i32
            %while3A_466 = scf.for %while3A_469 = %while3A_457 to %while3A_464 step %while3A_465 iter_args(%while3A_470 = %while3A_458) -> (i32)  : i32 {
              %mul3A_471 = arith.constant 32 : i32
              %mul3A_472 = arith.muli %while3A_469, %mul3A_471 : i32
              %add3A_473 = arith.constant 0 : i32
              %add3A_474 = arith.addi %mul3A_472, %add3A_473 : i32
              %get3A = arith.index_cast %add3A_474 : i32 to index
              %get3A_475 = tpu.vector_load %arg13[%get3A] {strides = array<i32>} : memref<1040xi32, #tpu.memory_space<vmem>>, vector<16xi32>,
              %and3A = arith.constant 16383 : i32
              %and3A_476 = vector.broadcast %and3A : i32 to vector<16xi32>
              %and3A_477 = arith.andi %get3A_475, %and3A_476 : vector<16xi32>
              %shift_right_logical3A_478 = arith.constant 1 : i32
              %shift_right_logical3A_479 = vector.broadcast %shift_right_logical3A_478 : i32 to vector<16xi32>
              %shift_right_logical3A_480 = arith.shrui %and3A_477, %shift_right_logical3A_479 : vector<16xi32>
              %swap3A_481 = arith.constant 0 : index
              %swap3A_482 = tpu.vector_load %arg22[%swap3A_481] {strides = array<i32>} : memref<32xi32, #tpu.memory_space<vmem>>, vector<16xi32>,
              tpu.vector_store %arg22[%swap3A_481], %shift_right_logical3A_480 {strides = array<i32>} : memref<32xi32, #tpu.memory_space<vmem>>, vector<16xi32>,
              %add3A_483 = arith.constant 16 : i32
              %add3A_484 = arith.addi %mul3A_472, %add3A_483 : i32
              %get3A_485 = arith.index_cast %add3A_484 : i32 to index
              %get3A_486 = tpu.vector_load %arg13[%get3A_485] {strides = array<i32>} : memref<1040xi32, #tpu.memory_space<vmem>>, vector<16xi32>,
              %and3A_487 = arith.constant 16383 : i32
              %and3A_488 = vector.broadcast %and3A_487 : i32 to vector<16xi32>
              %and3A_489 = arith.andi %get3A_486, %and3A_488 : vector<16xi32>
              %shift_right_logical3A_490 = arith.constant 1 : i32
              %shift_right_logical3A_491 = vector.broadcast %shift_right_logical3A_490 : i32 to vector<16xi32>
              %shift_right_logical3A_492 = arith.shrui %and3A_489, %shift_right_logical3A_491 : vector<16xi32>
              %swap3A_493 = arith.constant 16 : index
              %swap3A_494 = tpu.vector_load %arg22[%swap3A_493] {strides = array<i32>} : memref<32xi32, #tpu.memory_space<vmem>>, vector<16xi32>,
              tpu.vector_store %arg22[%swap3A_493], %shift_right_logical3A_492 {strides = array<i32>} : memref<32xi32, #tpu.memory_space<vmem>>, vector<16xi32>,
              %dma_start3A_495 = arith.constant 0 : i32
              %dma_start3A_496 = arith.constant 0 : i32
              %dma_start3A_497 = tpu.memref_slice %arg2[%dma_start3A_495, %dma_start3A_496] : memref<8192x128xf32, #tpu.memory_space<hbm>> -> memref<8192x128xf32, #tpu.memory_space<hbm>>
              tpu.enqueue_indirect_dma source(%dma_start3A_497 : memref<8192x128xf32, #tpu.memory_space<hbm>>) target(%arg21 : memref<32x128xf32, #tpu.memory_space<vmem>>) offsets(%arg22 : memref<32xi32, #tpu.memory_space<vmem>>) semaphore(%arg26 : memref<!tpu.dma_semaphore, #tpu.memory_space<semaphore_mem>>)
              %dma_wait3A_498 = arith.constant 0 : i32
              %dma_wait3A_499 = arith.constant 0 : i32
              %dma_wait3A_500 = tpu.memref_slice %arg2[%dma_wait3A_498, %dma_wait3A_499] : memref<8192x128xf32, #tpu.memory_space<hbm>> -> memref<8192x128xf32, #tpu.memory_space<hbm>>
              tpu.wait_indirect_dma semaphore(%arg26 : memref<!tpu.dma_semaphore, #tpu.memory_space<semaphore_mem>>) src(%dma_wait3A_500 : memref<8192x128xf32, #tpu.memory_space<hbm>>) dst(%arg21 : memref<32x128xf32, #tpu.memory_space<vmem>>)
              %sub3A = arith.subi %reduce_max3A_452, %mul3A_472 : i32
              %min3A_501 = arith.constant 32 : i32
              %min3A_502 = arith.minsi %min3A_501, %sub3A : i32
              %while3A_503 = arith.constant 0 : i32
              %while3A_504 = arith.constant 0 : i32
              %while3A_505 = arith.subi %min3A_502, %while3A_503 : i32
              %while3A_506 = arith.addi %while3A_503, %while3A_505 : i32
              %while3A_507 = arith.constant 1 : i32
              %while3A_508 = arith.divsi %while3A_505, %while3A_507 : i32
              %while3A_509 = arith.muli %while3A_508, %while3A_507 : i32
              %while3A_510 = arith.addi %while3A_503, %while3A_509 : i32
              %while3A_511 = arith.constant 1 : i32
              %while3A_512 = scf.for %while3A_516 = %while3A_503 to %while3A_510 step %while3A_511 iter_args(%while3A_517 = %while3A_504) -> (i32)  : i32 {
                %add3A_518 = arith.addi %mul3A_472, %while3A_516 : i32
                %broadcast_in_dim3A_519 = vector.broadcast %add3A_518 : i32 to vector<16xi32>
                %gather3A_520 = tpu.vector_load_idx %arg13[%broadcast_in_dim3A_519] : memref<1040xi32, #tpu.memory_space<vmem>>[vector<16xi32>], vector<16xi32>,
                %shift_right_logical3A_521 = arith.constant 14 : i32
                %shift_right_logical3A_522 = vector.broadcast %shift_right_logical3A_521 : i32 to vector<16xi32>
                %shift_right_logical3A_523 = arith.shrui %gather3A_520, %shift_right_logical3A_522 : vector<16xi32>
                %and3A_524 = arith.constant 16383 : i32
                %and3A_525 = vector.broadcast %and3A_524 : i32 to vector<16xi32>
                %and3A_526 = arith.andi %gather3A_520, %and3A_525 : vector<16xi32>
                %and3A_527 = arith.constant 1 : i32
                %and3A_528 = vector.broadcast %and3A_527 : i32 to vector<16xi32>
                %and3A_529 = arith.andi %and3A_526, %and3A_528 : vector<16xi32>
                %mul3A_530 = arith.constant 64 : i32
                %mul3A_531 = vector.broadcast %mul3A_530 : i32 to vector<16xi32>
                %mul3A_532 = arith.muli %and3A_529, %mul3A_531 : vector<16xi32>
                %broadcast_in_dim3A_533 = vector.broadcast %while3A_516 : i32 to vector<16xi32>
                %add3A_534 = arith.constant 0 : i32
                %add3A_535 = vector.broadcast %add3A_534 : i32 to vector<16xi32>
                %add3A_536 = arith.addi %add3A_535, %iota3A : vector<16xi32>
                %add3A_537 = arith.addi %mul3A_532, %add3A_536 : vector<16xi32>
                %gather3A_538 = tpu.vector_load_idx %arg21[%broadcast_in_dim3A_533, %add3A_537] : memref<32x128xf32, #tpu.memory_space<vmem>>[vector<16xi32>, vector<16xi32>], vector<16xf32>,
                %add3A_539 = arith.constant 0 : i32
                %add3A_540 = vector.broadcast %add3A_539 : i32 to vector<16xi32>
                %add3A_541 = arith.addi %add3A_540, %iota3A : vector<16xi32>
                %mul3A_542 = arith.constant 512 : i32
                %mul3A_543 = vector.broadcast %mul3A_542 : i32 to vector<16xi32>
                %mul3A_544 = arith.muli %add3A_541, %mul3A_543 : vector<16xi32>
                %add3A_545 = arith.addi %mul3A_544, %shift_right_logical3A_523 : vector<16xi32>
                tpu.vector_store_idx %arg14[%add3A_545], %gather3A_538 {add = true} : memref<32768xf32, #tpu.memory_space<vmem>>[vector<16xi32>], vector<16xf32>,
                %mul3A_546 = arith.mulf %gather3A_538, %gather3A_538 : vector<16xf32>
                tpu.vector_store_idx %arg15[%add3A_545], %mul3A_546 {add = true} : memref<32768xf32, #tpu.memory_space<vmem>>[vector<16xi32>], vector<16xf32>,
                %add3A_547 = arith.constant 16 : i32
                %add3A_548 = vector.broadcast %add3A_547 : i32 to vector<16xi32>
                %add3A_549 = arith.addi %add3A_548, %iota3A : vector<16xi32>
                %add3A_550 = arith.addi %mul3A_532, %add3A_549 : vector<16xi32>
                %gather3A_551 = tpu.vector_load_idx %arg21[%broadcast_in_dim3A_533, %add3A_550] : memref<32x128xf32, #tpu.memory_space<vmem>>[vector<16xi32>, vector<16xi32>], vector<16xf32>,
                %add3A_552 = arith.constant 16 : i32
                %add3A_553 = vector.broadcast %add3A_552 : i32 to vector<16xi32>
                %add3A_554 = arith.addi %add3A_553, %iota3A : vector<16xi32>
                %mul3A_555 = arith.constant 512 : i32
                %mul3A_556 = vector.broadcast %mul3A_555 : i32 to vector<16xi32>
                %mul3A_557 = arith.muli %add3A_554, %mul3A_556 : vector<16xi32>
                %add3A_558 = arith.addi %mul3A_557, %shift_right_logical3A_523 : vector<16xi32>
                tpu.vector_store_idx %arg14[%add3A_558], %gather3A_551 {add = true} : memref<32768xf32, #tpu.memory_space<vmem>>[vector<16xi32>], vector<16xf32>,
                %mul3A_559 = arith.mulf %gather3A_551, %gather3A_551 : vector<16xf32>
                tpu.vector_store_idx %arg15[%add3A_558], %mul3A_559 {add = true} : memref<32768xf32, #tpu.memory_space<vmem>>[vector<16xi32>], vector<16xf32>,
                %add3A_560 = arith.constant 32 : i32
                %add3A_561 = vector.broadcast %add3A_560 : i32 to vector<16xi32>
                %add3A_562 = arith.addi %add3A_561, %iota3A : vector<16xi32>
                %add3A_563 = arith.addi %mul3A_532, %add3A_562 : vector<16xi32>
                %gather3A_564 = tpu.vector_load_idx %arg21[%broadcast_in_dim3A_533, %add3A_563] : memref<32x128xf32, #tpu.memory_space<vmem>>[vector<16xi32>, vector<16xi32>], vector<16xf32>,
                %add3A_565 = arith.constant 32 : i32
                %add3A_566 = vector.broadcast %add3A_565 : i32 to vector<16xi32>
                %add3A_567 = arith.addi %add3A_566, %iota3A : vector<16xi32>
                %mul3A_568 = arith.constant 512 : i32
                %mul3A_569 = vector.broadcast %mul3A_568 : i32 to vector<16xi32>
                %mul3A_570 = arith.muli %add3A_567, %mul3A_569 : vector<16xi32>
                %add3A_571 = arith.addi %mul3A_570, %shift_right_logical3A_523 : vector<16xi32>
                tpu.vector_store_idx %arg14[%add3A_571], %gather3A_564 {add = true} : memref<32768xf32, #tpu.memory_space<vmem>>[vector<16xi32>], vector<16xf32>,
                %mul3A_572 = arith.mulf %gather3A_564, %gather3A_564 : vector<16xf32>
                tpu.vector_store_idx %arg15[%add3A_571], %mul3A_572 {add = true} : memref<32768xf32, #tpu.memory_space<vmem>>[vector<16xi32>], vector<16xf32>,
                %add3A_573 = arith.constant 48 : i32
                %add3A_574 = vector.broadcast %add3A_573 : i32 to vector<16xi32>
                %add3A_575 = arith.addi %add3A_574, %iota3A : vector<16xi32>
                %add3A_576 = arith.addi %mul3A_532, %add3A_575 : vector<16xi32>
                %gather3A_577 = tpu.vector_load_idx %arg21[%broadcast_in_dim3A_533, %add3A_576] : memref<32x128xf32, #tpu.memory_space<vmem>>[vector<16xi32>, vector<16xi32>], vector<16xf32>,
                %add3A_578 = arith.constant 48 : i32
                %add3A_579 = vector.broadcast %add3A_578 : i32 to vector<16xi32>
                %add3A_580 = arith.addi %add3A_579, %iota3A : vector<16xi32>
                %mul3A_581 = arith.constant 512 : i32
                %mul3A_582 = vector.broadcast %mul3A_581 : i32 to vector<16xi32>
                %mul3A_583 = arith.muli %add3A_580, %mul3A_582 : vector<16xi32>
                %add3A_584 = arith.addi %mul3A_583, %shift_right_logical3A_523 : vector<16xi32>
                tpu.vector_store_idx %arg14[%add3A_584], %gather3A_577 {add = true} : memref<32768xf32, #tpu.memory_space<vmem>>[vector<16xi32>], vector<16xf32>,
                %mul3A_585 = arith.mulf %gather3A_577, %gather3A_577 : vector<16xf32>
                tpu.vector_store_idx %arg15[%add3A_584], %mul3A_585 {add = true} : memref<32768xf32, #tpu.memory_space<vmem>>[vector<16xi32>], vector<16xf32>,
                tpu.vector_store_idx %arg16[%shift_right_logical3A_523], %broadcast_in_dim3A_5 masked %eq3A_2 {add = true} : memref<512xf32, #tpu.memory_space<vmem>>[vector<16xi32>], vector<16xf32>, vector<16xi1>
                %while3A_586 = arith.constant 0 : i32
                scf.yield %while3A_586 : i32
              }
              %while3A_513 = arith.constant 1 : i32
              %while3A_514 = scf.for %while3A_516 = %while3A_510 to %while3A_506 step %while3A_513 iter_args(%while3A_517 = %while3A_512) -> (i32)  : i32 {
                %add3A_518 = arith.addi %mul3A_472, %while3A_516 : i32
                %broadcast_in_dim3A_519 = vector.broadcast %add3A_518 : i32 to vector<16xi32>
                %gather3A_520 = tpu.vector_load_idx %arg13[%broadcast_in_dim3A_519] : memref<1040xi32, #tpu.memory_space<vmem>>[vector<16xi32>], vector<16xi32>,
                %shift_right_logical3A_521 = arith.constant 14 : i32
                %shift_right_logical3A_522 = vector.broadcast %shift_right_logical3A_521 : i32 to vector<16xi32>
                %shift_right_logical3A_523 = arith.shrui %gather3A_520, %shift_right_logical3A_522 : vector<16xi32>
                %and3A_524 = arith.constant 16383 : i32
                %and3A_525 = vector.broadcast %and3A_524 : i32 to vector<16xi32>
                %and3A_526 = arith.andi %gather3A_520, %and3A_525 : vector<16xi32>
                %and3A_527 = arith.constant 1 : i32
                %and3A_528 = vector.broadcast %and3A_527 : i32 to vector<16xi32>
                %and3A_529 = arith.andi %and3A_526, %and3A_528 : vector<16xi32>
                %mul3A_530 = arith.constant 64 : i32
                %mul3A_531 = vector.broadcast %mul3A_530 : i32 to vector<16xi32>
                %mul3A_532 = arith.muli %and3A_529, %mul3A_531 : vector<16xi32>
                %broadcast_in_dim3A_533 = vector.broadcast %while3A_516 : i32 to vector<16xi32>
                %add3A_534 = arith.constant 0 : i32
                %add3A_535 = vector.broadcast %add3A_534 : i32 to vector<16xi32>
                %add3A_536 = arith.addi %add3A_535, %iota3A : vector<16xi32>
                %add3A_537 = arith.addi %mul3A_532, %add3A_536 : vector<16xi32>
                %gather3A_538 = tpu.vector_load_idx %arg21[%broadcast_in_dim3A_533, %add3A_537] : memref<32x128xf32, #tpu.memory_space<vmem>>[vector<16xi32>, vector<16xi32>], vector<16xf32>,
                %add3A_539 = arith.constant 0 : i32
                %add3A_540 = vector.broadcast %add3A_539 : i32 to vector<16xi32>
                %add3A_541 = arith.addi %add3A_540, %iota3A : vector<16xi32>
                %mul3A_542 = arith.constant 512 : i32
                %mul3A_543 = vector.broadcast %mul3A_542 : i32 to vector<16xi32>
                %mul3A_544 = arith.muli %add3A_541, %mul3A_543 : vector<16xi32>
                %add3A_545 = arith.addi %mul3A_544, %shift_right_logical3A_523 : vector<16xi32>
                tpu.vector_store_idx %arg14[%add3A_545], %gather3A_538 {add = true} : memref<32768xf32, #tpu.memory_space<vmem>>[vector<16xi32>], vector<16xf32>,
                %mul3A_546 = arith.mulf %gather3A_538, %gather3A_538 : vector<16xf32>
                tpu.vector_store_idx %arg15[%add3A_545], %mul3A_546 {add = true} : memref<32768xf32, #tpu.memory_space<vmem>>[vector<16xi32>], vector<16xf32>,
                %add3A_547 = arith.constant 16 : i32
                %add3A_548 = vector.broadcast %add3A_547 : i32 to vector<16xi32>
                %add3A_549 = arith.addi %add3A_548, %iota3A : vector<16xi32>
                %add3A_550 = arith.addi %mul3A_532, %add3A_549 : vector<16xi32>
                %gather3A_551 = tpu.vector_load_idx %arg21[%broadcast_in_dim3A_533, %add3A_550] : memref<32x128xf32, #tpu.memory_space<vmem>>[vector<16xi32>, vector<16xi32>], vector<16xf32>,
                %add3A_552 = arith.constant 16 : i32
                %add3A_553 = vector.broadcast %add3A_552 : i32 to vector<16xi32>
                %add3A_554 = arith.addi %add3A_553, %iota3A : vector<16xi32>
                %mul3A_555 = arith.constant 512 : i32
                %mul3A_556 = vector.broadcast %mul3A_555 : i32 to vector<16xi32>
                %mul3A_557 = arith.muli %add3A_554, %mul3A_556 : vector<16xi32>
                %add3A_558 = arith.addi %mul3A_557, %shift_right_logical3A_523 : vector<16xi32>
                tpu.vector_store_idx %arg14[%add3A_558], %gather3A_551 {add = true} : memref<32768xf32, #tpu.memory_space<vmem>>[vector<16xi32>], vector<16xf32>,
                %mul3A_559 = arith.mulf %gather3A_551, %gather3A_551 : vector<16xf32>
                tpu.vector_store_idx %arg15[%add3A_558], %mul3A_559 {add = true} : memref<32768xf32, #tpu.memory_space<vmem>>[vector<16xi32>], vector<16xf32>,
                %add3A_560 = arith.constant 32 : i32
                %add3A_561 = vector.broadcast %add3A_560 : i32 to vector<16xi32>
                %add3A_562 = arith.addi %add3A_561, %iota3A : vector<16xi32>
                %add3A_563 = arith.addi %mul3A_532, %add3A_562 : vector<16xi32>
                %gather3A_564 = tpu.vector_load_idx %arg21[%broadcast_in_dim3A_533, %add3A_563] : memref<32x128xf32, #tpu.memory_space<vmem>>[vector<16xi32>, vector<16xi32>], vector<16xf32>,
                %add3A_565 = arith.constant 32 : i32
                %add3A_566 = vector.broadcast %add3A_565 : i32 to vector<16xi32>
                %add3A_567 = arith.addi %add3A_566, %iota3A : vector<16xi32>
                %mul3A_568 = arith.constant 512 : i32
                %mul3A_569 = vector.broadcast %mul3A_568 : i32 to vector<16xi32>
                %mul3A_570 = arith.muli %add3A_567, %mul3A_569 : vector<16xi32>
                %add3A_571 = arith.addi %mul3A_570, %shift_right_logical3A_523 : vector<16xi32>
                tpu.vector_store_idx %arg14[%add3A_571], %gather3A_564 {add = true} : memref<32768xf32, #tpu.memory_space<vmem>>[vector<16xi32>], vector<16xf32>,
                %mul3A_572 = arith.mulf %gather3A_564, %gather3A_564 : vector<16xf32>
                tpu.vector_store_idx %arg15[%add3A_571], %mul3A_572 {add = true} : memref<32768xf32, #tpu.memory_space<vmem>>[vector<16xi32>], vector<16xf32>,
                %add3A_573 = arith.constant 48 : i32
                %add3A_574 = vector.broadcast %add3A_573 : i32 to vector<16xi32>
                %add3A_575 = arith.addi %add3A_574, %iota3A : vector<16xi32>
                %add3A_576 = arith.addi %mul3A_532, %add3A_575 : vector<16xi32>
                %gather3A_577 = tpu.vector_load_idx %arg21[%broadcast_in_dim3A_533, %add3A_576] : memref<32x128xf32, #tpu.memory_space<vmem>>[vector<16xi32>, vector<16xi32>], vector<16xf32>,
                %add3A_578 = arith.constant 48 : i32
                %add3A_579 = vector.broadcast %add3A_578 : i32 to vector<16xi32>
                %add3A_580 = arith.addi %add3A_579, %iota3A : vector<16xi32>
                %mul3A_581 = arith.constant 512 : i32
                %mul3A_582 = vector.broadcast %mul3A_581 : i32 to vector<16xi32>
                %mul3A_583 = arith.muli %add3A_580, %mul3A_582 : vector<16xi32>
                %add3A_584 = arith.addi %mul3A_583, %shift_right_logical3A_523 : vector<16xi32>
                tpu.vector_store_idx %arg14[%add3A_584], %gather3A_577 {add = true} : memref<32768xf32, #tpu.memory_space<vmem>>[vector<16xi32>], vector<16xf32>,
                %mul3A_585 = arith.mulf %gather3A_577, %gather3A_577 : vector<16xf32>
                tpu.vector_store_idx %arg15[%add3A_584], %mul3A_585 {add = true} : memref<32768xf32, #tpu.memory_space<vmem>>[vector<16xi32>], vector<16xf32>,
                tpu.vector_store_idx %arg16[%shift_right_logical3A_523], %broadcast_in_dim3A_5 masked %eq3A_2 {add = true} : memref<512xf32, #tpu.memory_space<vmem>>[vector<16xi32>], vector<16xf32>, vector<16xi1>
                %while3A_586 = arith.constant 0 : i32
                scf.yield %while3A_586 : i32
              }
              %while3A_515 = arith.constant 0 : i32
              scf.yield %while3A_515 : i32
            }
            %while3A_467 = arith.constant 1 : i32
            %while3A_468 = scf.for %while3A_469 = %while3A_464 to %while3A_460 step %while3A_467 iter_args(%while3A_470 = %while3A_466) -> (i32)  : i32 {
              %mul3A_471 = arith.constant 32 : i32
              %mul3A_472 = arith.muli %while3A_469, %mul3A_471 : i32
              %add3A_473 = arith.constant 0 : i32
              %add3A_474 = arith.addi %mul3A_472, %add3A_473 : i32
              %get3A = arith.index_cast %add3A_474 : i32 to index
              %get3A_475 = tpu.vector_load %arg13[%get3A] {strides = array<i32>} : memref<1040xi32, #tpu.memory_space<vmem>>, vector<16xi32>,
              %and3A = arith.constant 16383 : i32
              %and3A_476 = vector.broadcast %and3A : i32 to vector<16xi32>
              %and3A_477 = arith.andi %get3A_475, %and3A_476 : vector<16xi32>
              %shift_right_logical3A_478 = arith.constant 1 : i32
              %shift_right_logical3A_479 = vector.broadcast %shift_right_logical3A_478 : i32 to vector<16xi32>
              %shift_right_logical3A_480 = arith.shrui %and3A_477, %shift_right_logical3A_479 : vector<16xi32>
              %swap3A_481 = arith.constant 0 : index
              %swap3A_482 = tpu.vector_load %arg22[%swap3A_481] {strides = array<i32>} : memref<32xi32, #tpu.memory_space<vmem>>, vector<16xi32>,
              tpu.vector_store %arg22[%swap3A_481], %shift_right_logical3A_480 {strides = array<i32>} : memref<32xi32, #tpu.memory_space<vmem>>, vector<16xi32>,
              %add3A_483 = arith.constant 16 : i32
              %add3A_484 = arith.addi %mul3A_472, %add3A_483 : i32
              %get3A_485 = arith.index_cast %add3A_484 : i32 to index
              %get3A_486 = tpu.vector_load %arg13[%get3A_485] {strides = array<i32>} : memref<1040xi32, #tpu.memory_space<vmem>>, vector<16xi32>,
              %and3A_487 = arith.constant 16383 : i32
              %and3A_488 = vector.broadcast %and3A_487 : i32 to vector<16xi32>
              %and3A_489 = arith.andi %get3A_486, %and3A_488 : vector<16xi32>
              %shift_right_logical3A_490 = arith.constant 1 : i32
              %shift_right_logical3A_491 = vector.broadcast %shift_right_logical3A_490 : i32 to vector<16xi32>
              %shift_right_logical3A_492 = arith.shrui %and3A_489, %shift_right_logical3A_491 : vector<16xi32>
              %swap3A_493 = arith.constant 16 : index
              %swap3A_494 = tpu.vector_load %arg22[%swap3A_493] {strides = array<i32>} : memref<32xi32, #tpu.memory_space<vmem>>, vector<16xi32>,
              tpu.vector_store %arg22[%swap3A_493], %shift_right_logical3A_492 {strides = array<i32>} : memref<32xi32, #tpu.memory_space<vmem>>, vector<16xi32>,
              %dma_start3A_495 = arith.constant 0 : i32
              %dma_start3A_496 = arith.constant 0 : i32
              %dma_start3A_497 = tpu.memref_slice %arg2[%dma_start3A_495, %dma_start3A_496] : memref<8192x128xf32, #tpu.memory_space<hbm>> -> memref<8192x128xf32, #tpu.memory_space<hbm>>
              tpu.enqueue_indirect_dma source(%dma_start3A_497 : memref<8192x128xf32, #tpu.memory_space<hbm>>) target(%arg21 : memref<32x128xf32, #tpu.memory_space<vmem>>) offsets(%arg22 : memref<32xi32, #tpu.memory_space<vmem>>) semaphore(%arg26 : memref<!tpu.dma_semaphore, #tpu.memory_space<semaphore_mem>>)
              %dma_wait3A_498 = arith.constant 0 : i32
              %dma_wait3A_499 = arith.constant 0 : i32
              %dma_wait3A_500 = tpu.memref_slice %arg2[%dma_wait3A_498, %dma_wait3A_499] : memref<8192x128xf32, #tpu.memory_space<hbm>> -> memref<8192x128xf32, #tpu.memory_space<hbm>>
              tpu.wait_indirect_dma semaphore(%arg26 : memref<!tpu.dma_semaphore, #tpu.memory_space<semaphore_mem>>) src(%dma_wait3A_500 : memref<8192x128xf32, #tpu.memory_space<hbm>>) dst(%arg21 : memref<32x128xf32, #tpu.memory_space<vmem>>)
              %sub3A = arith.subi %reduce_max3A_452, %mul3A_472 : i32
              %min3A_501 = arith.constant 32 : i32
              %min3A_502 = arith.minsi %min3A_501, %sub3A : i32
              %while3A_503 = arith.constant 0 : i32
              %while3A_504 = arith.constant 0 : i32
              %while3A_505 = arith.subi %min3A_502, %while3A_503 : i32
              %while3A_506 = arith.addi %while3A_503, %while3A_505 : i32
              %while3A_507 = arith.constant 1 : i32
              %while3A_508 = arith.divsi %while3A_505, %while3A_507 : i32
              %while3A_509 = arith.muli %while3A_508, %while3A_507 : i32
              %while3A_510 = arith.addi %while3A_503, %while3A_509 : i32
              %while3A_511 = arith.constant 1 : i32
              %while3A_512 = scf.for %while3A_516 = %while3A_503 to %while3A_510 step %while3A_511 iter_args(%while3A_517 = %while3A_504) -> (i32)  : i32 {
                %add3A_518 = arith.addi %mul3A_472, %while3A_516 : i32
                %broadcast_in_dim3A_519 = vector.broadcast %add3A_518 : i32 to vector<16xi32>
                %gather3A_520 = tpu.vector_load_idx %arg13[%broadcast_in_dim3A_519] : memref<1040xi32, #tpu.memory_space<vmem>>[vector<16xi32>], vector<16xi32>,
                %shift_right_logical3A_521 = arith.constant 14 : i32
                %shift_right_logical3A_522 = vector.broadcast %shift_right_logical3A_521 : i32 to vector<16xi32>
                %shift_right_logical3A_523 = arith.shrui %gather3A_520, %shift_right_logical3A_522 : vector<16xi32>
                %and3A_524 = arith.constant 16383 : i32
                %and3A_525 = vector.broadcast %and3A_524 : i32 to vector<16xi32>
                %and3A_526 = arith.andi %gather3A_520, %and3A_525 : vector<16xi32>
                %and3A_527 = arith.constant 1 : i32
                %and3A_528 = vector.broadcast %and3A_527 : i32 to vector<16xi32>
                %and3A_529 = arith.andi %and3A_526, %and3A_528 : vector<16xi32>
                %mul3A_530 = arith.constant 64 : i32
                %mul3A_531 = vector.broadcast %mul3A_530 : i32 to vector<16xi32>
                %mul3A_532 = arith.muli %and3A_529, %mul3A_531 : vector<16xi32>
                %broadcast_in_dim3A_533 = vector.broadcast %while3A_516 : i32 to vector<16xi32>
                %add3A_534 = arith.constant 0 : i32
                %add3A_535 = vector.broadcast %add3A_534 : i32 to vector<16xi32>
                %add3A_536 = arith.addi %add3A_535, %iota3A : vector<16xi32>
                %add3A_537 = arith.addi %mul3A_532, %add3A_536 : vector<16xi32>
                %gather3A_538 = tpu.vector_load_idx %arg21[%broadcast_in_dim3A_533, %add3A_537] : memref<32x128xf32, #tpu.memory_space<vmem>>[vector<16xi32>, vector<16xi32>], vector<16xf32>,
                %add3A_539 = arith.constant 0 : i32
                %add3A_540 = vector.broadcast %add3A_539 : i32 to vector<16xi32>
                %add3A_541 = arith.addi %add3A_540, %iota3A : vector<16xi32>
                %mul3A_542 = arith.constant 512 : i32
                %mul3A_543 = vector.broadcast %mul3A_542 : i32 to vector<16xi32>
                %mul3A_544 = arith.muli %add3A_541, %mul3A_543 : vector<16xi32>
                %add3A_545 = arith.addi %mul3A_544, %shift_right_logical3A_523 : vector<16xi32>
                tpu.vector_store_idx %arg14[%add3A_545], %gather3A_538 {add = true} : memref<32768xf32, #tpu.memory_space<vmem>>[vector<16xi32>], vector<16xf32>,
                %mul3A_546 = arith.mulf %gather3A_538, %gather3A_538 : vector<16xf32>
                tpu.vector_store_idx %arg15[%add3A_545], %mul3A_546 {add = true} : memref<32768xf32, #tpu.memory_space<vmem>>[vector<16xi32>], vector<16xf32>,
                %add3A_547 = arith.constant 16 : i32
                %add3A_548 = vector.broadcast %add3A_547 : i32 to vector<16xi32>
                %add3A_549 = arith.addi %add3A_548, %iota3A : vector<16xi32>
                %add3A_550 = arith.addi %mul3A_532, %add3A_549 : vector<16xi32>
                %gather3A_551 = tpu.vector_load_idx %arg21[%broadcast_in_dim3A_533, %add3A_550] : memref<32x128xf32, #tpu.memory_space<vmem>>[vector<16xi32>, vector<16xi32>], vector<16xf32>,
                %add3A_552 = arith.constant 16 : i32
                %add3A_553 = vector.broadcast %add3A_552 : i32 to vector<16xi32>
                %add3A_554 = arith.addi %add3A_553, %iota3A : vector<16xi32>
                %mul3A_555 = arith.constant 512 : i32
                %mul3A_556 = vector.broadcast %mul3A_555 : i32 to vector<16xi32>
                %mul3A_557 = arith.muli %add3A_554, %mul3A_556 : vector<16xi32>
                %add3A_558 = arith.addi %mul3A_557, %shift_right_logical3A_523 : vector<16xi32>
                tpu.vector_store_idx %arg14[%add3A_558], %gather3A_551 {add = true} : memref<32768xf32, #tpu.memory_space<vmem>>[vector<16xi32>], vector<16xf32>,
                %mul3A_559 = arith.mulf %gather3A_551, %gather3A_551 : vector<16xf32>
                tpu.vector_store_idx %arg15[%add3A_558], %mul3A_559 {add = true} : memref<32768xf32, #tpu.memory_space<vmem>>[vector<16xi32>], vector<16xf32>,
                %add3A_560 = arith.constant 32 : i32
                %add3A_561 = vector.broadcast %add3A_560 : i32 to vector<16xi32>
                %add3A_562 = arith.addi %add3A_561, %iota3A : vector<16xi32>
                %add3A_563 = arith.addi %mul3A_532, %add3A_562 : vector<16xi32>
                %gather3A_564 = tpu.vector_load_idx %arg21[%broadcast_in_dim3A_533, %add3A_563] : memref<32x128xf32, #tpu.memory_space<vmem>>[vector<16xi32>, vector<16xi32>], vector<16xf32>,
                %add3A_565 = arith.constant 32 : i32
                %add3A_566 = vector.broadcast %add3A_565 : i32 to vector<16xi32>
                %add3A_567 = arith.addi %add3A_566, %iota3A : vector<16xi32>
                %mul3A_568 = arith.constant 512 : i32
                %mul3A_569 = vector.broadcast %mul3A_568 : i32 to vector<16xi32>
                %mul3A_570 = arith.muli %add3A_567, %mul3A_569 : vector<16xi32>
                %add3A_571 = arith.addi %mul3A_570, %shift_right_logical3A_523 : vector<16xi32>
                tpu.vector_store_idx %arg14[%add3A_571], %gather3A_564 {add = true} : memref<32768xf32, #tpu.memory_space<vmem>>[vector<16xi32>], vector<16xf32>,
                %mul3A_572 = arith.mulf %gather3A_564, %gather3A_564 : vector<16xf32>
                tpu.vector_store_idx %arg15[%add3A_571], %mul3A_572 {add = true} : memref<32768xf32, #tpu.memory_space<vmem>>[vector<16xi32>], vector<16xf32>,
                %add3A_573 = arith.constant 48 : i32
                %add3A_574 = vector.broadcast %add3A_573 : i32 to vector<16xi32>
                %add3A_575 = arith.addi %add3A_574, %iota3A : vector<16xi32>
                %add3A_576 = arith.addi %mul3A_532, %add3A_575 : vector<16xi32>
                %gather3A_577 = tpu.vector_load_idx %arg21[%broadcast_in_dim3A_533, %add3A_576] : memref<32x128xf32, #tpu.memory_space<vmem>>[vector<16xi32>, vector<16xi32>], vector<16xf32>,
                %add3A_578 = arith.constant 48 : i32
                %add3A_579 = vector.broadcast %add3A_578 : i32 to vector<16xi32>
                %add3A_580 = arith.addi %add3A_579, %iota3A : vector<16xi32>
                %mul3A_581 = arith.constant 512 : i32
                %mul3A_582 = vector.broadcast %mul3A_581 : i32 to vector<16xi32>
                %mul3A_583 = arith.muli %add3A_580, %mul3A_582 : vector<16xi32>
                %add3A_584 = arith.addi %mul3A_583, %shift_right_logical3A_523 : vector<16xi32>
                tpu.vector_store_idx %arg14[%add3A_584], %gather3A_577 {add = true} : memref<32768xf32, #tpu.memory_space<vmem>>[vector<16xi32>], vector<16xf32>,
                %mul3A_585 = arith.mulf %gather3A_577, %gather3A_577 : vector<16xf32>
                tpu.vector_store_idx %arg15[%add3A_584], %mul3A_585 {add = true} : memref<32768xf32, #tpu.memory_space<vmem>>[vector<16xi32>], vector<16xf32>,
                tpu.vector_store_idx %arg16[%shift_right_logical3A_523], %broadcast_in_dim3A_5 masked %eq3A_2 {add = true} : memref<512xf32, #tpu.memory_space<vmem>>[vector<16xi32>], vector<16xf32>, vector<16xi1>
                %while3A_586 = arith.constant 0 : i32
                scf.yield %while3A_586 : i32
              }
              %while3A_513 = arith.constant 1 : i32
              %while3A_514 = scf.for %while3A_516 = %while3A_510 to %while3A_506 step %while3A_513 iter_args(%while3A_517 = %while3A_512) -> (i32)  : i32 {
                %add3A_518 = arith.addi %mul3A_472, %while3A_516 : i32
                %broadcast_in_dim3A_519 = vector.broadcast %add3A_518 : i32 to vector<16xi32>
                %gather3A_520 = tpu.vector_load_idx %arg13[%broadcast_in_dim3A_519] : memref<1040xi32, #tpu.memory_space<vmem>>[vector<16xi32>], vector<16xi32>,
                %shift_right_logical3A_521 = arith.constant 14 : i32
                %shift_right_logical3A_522 = vector.broadcast %shift_right_logical3A_521 : i32 to vector<16xi32>
                %shift_right_logical3A_523 = arith.shrui %gather3A_520, %shift_right_logical3A_522 : vector<16xi32>
                %and3A_524 = arith.constant 16383 : i32
                %and3A_525 = vector.broadcast %and3A_524 : i32 to vector<16xi32>
                %and3A_526 = arith.andi %gather3A_520, %and3A_525 : vector<16xi32>
                %and3A_527 = arith.constant 1 : i32
                %and3A_528 = vector.broadcast %and3A_527 : i32 to vector<16xi32>
                %and3A_529 = arith.andi %and3A_526, %and3A_528 : vector<16xi32>
                %mul3A_530 = arith.constant 64 : i32
                %mul3A_531 = vector.broadcast %mul3A_530 : i32 to vector<16xi32>
                %mul3A_532 = arith.muli %and3A_529, %mul3A_531 : vector<16xi32>
                %broadcast_in_dim3A_533 = vector.broadcast %while3A_516 : i32 to vector<16xi32>
                %add3A_534 = arith.constant 0 : i32
                %add3A_535 = vector.broadcast %add3A_534 : i32 to vector<16xi32>
                %add3A_536 = arith.addi %add3A_535, %iota3A : vector<16xi32>
                %add3A_537 = arith.addi %mul3A_532, %add3A_536 : vector<16xi32>
                %gather3A_538 = tpu.vector_load_idx %arg21[%broadcast_in_dim3A_533, %add3A_537] : memref<32x128xf32, #tpu.memory_space<vmem>>[vector<16xi32>, vector<16xi32>], vector<16xf32>,
                %add3A_539 = arith.constant 0 : i32
                %add3A_540 = vector.broadcast %add3A_539 : i32 to vector<16xi32>
                %add3A_541 = arith.addi %add3A_540, %iota3A : vector<16xi32>
                %mul3A_542 = arith.constant 512 : i32
                %mul3A_543 = vector.broadcast %mul3A_542 : i32 to vector<16xi32>
                %mul3A_544 = arith.muli %add3A_541, %mul3A_543 : vector<16xi32>
                %add3A_545 = arith.addi %mul3A_544, %shift_right_logical3A_523 : vector<16xi32>
                tpu.vector_store_idx %arg14[%add3A_545], %gather3A_538 {add = true} : memref<32768xf32, #tpu.memory_space<vmem>>[vector<16xi32>], vector<16xf32>,
                %mul3A_546 = arith.mulf %gather3A_538, %gather3A_538 : vector<16xf32>
                tpu.vector_store_idx %arg15[%add3A_545], %mul3A_546 {add = true} : memref<32768xf32, #tpu.memory_space<vmem>>[vector<16xi32>], vector<16xf32>,
                %add3A_547 = arith.constant 16 : i32
                %add3A_548 = vector.broadcast %add3A_547 : i32 to vector<16xi32>
                %add3A_549 = arith.addi %add3A_548, %iota3A : vector<16xi32>
                %add3A_550 = arith.addi %mul3A_532, %add3A_549 : vector<16xi32>
                %gather3A_551 = tpu.vector_load_idx %arg21[%broadcast_in_dim3A_533, %add3A_550] : memref<32x128xf32, #tpu.memory_space<vmem>>[vector<16xi32>, vector<16xi32>], vector<16xf32>,
                %add3A_552 = arith.constant 16 : i32
                %add3A_553 = vector.broadcast %add3A_552 : i32 to vector<16xi32>
                %add3A_554 = arith.addi %add3A_553, %iota3A : vector<16xi32>
                %mul3A_555 = arith.constant 512 : i32
                %mul3A_556 = vector.broadcast %mul3A_555 : i32 to vector<16xi32>
                %mul3A_557 = arith.muli %add3A_554, %mul3A_556 : vector<16xi32>
                %add3A_558 = arith.addi %mul3A_557, %shift_right_logical3A_523 : vector<16xi32>
                tpu.vector_store_idx %arg14[%add3A_558], %gather3A_551 {add = true} : memref<32768xf32, #tpu.memory_space<vmem>>[vector<16xi32>], vector<16xf32>,
                %mul3A_559 = arith.mulf %gather3A_551, %gather3A_551 : vector<16xf32>
                tpu.vector_store_idx %arg15[%add3A_558], %mul3A_559 {add = true} : memref<32768xf32, #tpu.memory_space<vmem>>[vector<16xi32>], vector<16xf32>,
                %add3A_560 = arith.constant 32 : i32
                %add3A_561 = vector.broadcast %add3A_560 : i32 to vector<16xi32>
                %add3A_562 = arith.addi %add3A_561, %iota3A : vector<16xi32>
                %add3A_563 = arith.addi %mul3A_532, %add3A_562 : vector<16xi32>
                %gather3A_564 = tpu.vector_load_idx %arg21[%broadcast_in_dim3A_533, %add3A_563] : memref<32x128xf32, #tpu.memory_space<vmem>>[vector<16xi32>, vector<16xi32>], vector<16xf32>,
                %add3A_565 = arith.constant 32 : i32
                %add3A_566 = vector.broadcast %add3A_565 : i32 to vector<16xi32>
                %add3A_567 = arith.addi %add3A_566, %iota3A : vector<16xi32>
                %mul3A_568 = arith.constant 512 : i32
                %mul3A_569 = vector.broadcast %mul3A_568 : i32 to vector<16xi32>
                %mul3A_570 = arith.muli %add3A_567, %mul3A_569 : vector<16xi32>
                %add3A_571 = arith.addi %mul3A_570, %shift_right_logical3A_523 : vector<16xi32>
                tpu.vector_store_idx %arg14[%add3A_571], %gather3A_564 {add = true} : memref<32768xf32, #tpu.memory_space<vmem>>[vector<16xi32>], vector<16xf32>,
                %mul3A_572 = arith.mulf %gather3A_564, %gather3A_564 : vector<16xf32>
                tpu.vector_store_idx %arg15[%add3A_571], %mul3A_572 {add = true} : memref<32768xf32, #tpu.memory_space<vmem>>[vector<16xi32>], vector<16xf32>,
                %add3A_573 = arith.constant 48 : i32
                %add3A_574 = vector.broadcast %add3A_573 : i32 to vector<16xi32>
                %add3A_575 = arith.addi %add3A_574, %iota3A : vector<16xi32>
                %add3A_576 = arith.addi %mul3A_532, %add3A_575 : vector<16xi32>
                %gather3A_577 = tpu.vector_load_idx %arg21[%broadcast_in_dim3A_533, %add3A_576] : memref<32x128xf32, #tpu.memory_space<vmem>>[vector<16xi32>, vector<16xi32>], vector<16xf32>,
                %add3A_578 = arith.constant 48 : i32
                %add3A_579 = vector.broadcast %add3A_578 : i32 to vector<16xi32>
                %add3A_580 = arith.addi %add3A_579, %iota3A : vector<16xi32>
                %mul3A_581 = arith.constant 512 : i32
                %mul3A_582 = vector.broadcast %mul3A_581 : i32 to vector<16xi32>
                %mul3A_583 = arith.muli %add3A_580, %mul3A_582 : vector<16xi32>
                %add3A_584 = arith.addi %mul3A_583, %shift_right_logical3A_523 : vector<16xi32>
                tpu.vector_store_idx %arg14[%add3A_584], %gather3A_577 {add = true} : memref<32768xf32, #tpu.memory_space<vmem>>[vector<16xi32>], vector<16xf32>,
                %mul3A_585 = arith.mulf %gather3A_577, %gather3A_577 : vector<16xf32>
                tpu.vector_store_idx %arg15[%add3A_584], %mul3A_585 {add = true} : memref<32768xf32, #tpu.memory_space<vmem>>[vector<16xi32>], vector<16xf32>,
                tpu.vector_store_idx %arg16[%shift_right_logical3A_523], %broadcast_in_dim3A_5 masked %eq3A_2 {add = true} : memref<512xf32, #tpu.memory_space<vmem>>[vector<16xi32>], vector<16xf32>, vector<16xi1>
                %while3A_586 = arith.constant 0 : i32
                scf.yield %while3A_586 : i32
              }
              %while3A_515 = arith.constant 0 : i32
              scf.yield %while3A_515 : i32
            }
          } else {
          }
        }
        %scan3A_168 = arith.constant 16 : i32
        %broadcast_in_dim3A_169 = arith.constant 0 : i32
        %broadcast_in_dim3A_170 = vector.broadcast %broadcast_in_dim3A_169 : i32 to vector<16xi32>
        %swap3A = arith.constant 0 : index
        %swap3A_171 = tpu.vector_load %arg18[%swap3A] {strides = array<i32>} : memref<80xi32, #tpu.memory_space<vmem>>, vector<16xi32>,
        tpu.vector_store %arg18[%swap3A], %broadcast_in_dim3A_170 {strides = array<i32>} : memref<80xi32, #tpu.memory_space<vmem>>, vector<16xi32>,
        %broadcast_in_dim3A_172 = arith.constant 0 : i32
        %broadcast_in_dim3A_173 = vector.broadcast %broadcast_in_dim3A_172 : i32 to vector<16xi32>
        %scan3A_174 = arith.constant 0 : i32
        %scan3A_175 = arith.constant 32 : i32
        %scan3A_176 = arith.addi %scan3A_174, %scan3A_175 : i32
        %scan3A_177 = arith.constant 1 : i32
        %scan3A_178 = scf.for %scan3A_426 = %scan3A_174 to %scan3A_176 step %scan3A_177 iter_args(%scan3A_427 = %broadcast_in_dim3A_173) -> (vector<16xi32>)  : i32 {
          %mul3A_428 = arith.constant 16 : i32
          %mul3A_429 = arith.muli %scan3A_426, %mul3A_428 : i32
          %get3A = arith.index_cast %mul3A_429 : i32 to index
          %get3A_430 = tpu.vector_load %arg16[%get3A] {strides = array<i32>} : memref<512xf32, #tpu.memory_space<vmem>>, vector<16xf32>,
          %gt3A = arith.constant 0.000000e+00 : f32
          %gt3A_431 = vector.broadcast %gt3A : f32 to vector<16xf32>
          %gt3A_432 = arith.cmpf ogt, %get3A_430, %gt3A_431 : vector<16xf32>
          %jit3A = arith.constant 1 : i32
          %jit3A_433 = arith.constant 0 : i32
          %broadcast_in_dim3A_434 = vector.broadcast %jit3A : i32 to vector<16xi32>
          %broadcast_in_dim3A_435 = vector.broadcast %jit3A_433 : i32 to vector<16xi32>
          %select_n3A = arith.select %gt3A_432, %broadcast_in_dim3A_434, %broadcast_in_dim3A_435 : vector<16xi1>, vector<16xi32>
          %broadcast_in_dim3A_436 = arith.constant true
          %broadcast_in_dim3A_437 = vector.broadcast %broadcast_in_dim3A_436 : i1 to vector<16xi1>
          %masked_cumsum3A = tpu.scan <sum>, %select_n3A masked %broadcast_in_dim3A_437 : vector<16xi32>, vector<16xi1> -> vector<16xi32>
          %add3A_438 = arith.addi %scan3A_427, %masked_cumsum3A : vector<16xi32>
          %sub3A = arith.constant 1 : i32
          %sub3A_439 = vector.broadcast %sub3A : i32 to vector<16xi32>
          %sub3A_440 = arith.subi %add3A_438, %sub3A_439 : vector<16xi32>
          %mul3A_441 = arith.constant 16 : i32
          %mul3A_442 = arith.muli %scan3A_426, %mul3A_441 : i32
          %add3A_443 = vector.broadcast %mul3A_442 : i32 to vector<16xi32>
          %add3A_444 = arith.addi %add3A_443, %iota3A : vector<16xi32>
          tpu.vector_store_idx %arg17[%sub3A_440], %add3A_444 masked %gt3A_432 : memref<528xi32, #tpu.memory_space<vmem>>[vector<16xi32>], vector<16xi32>, vector<16xi1>
          %all_reduce_population_count3A = tpu.all_reduce %gt3A_432 {dim = 0 : i64, kind = #tpu.reduction_kind<sum>} : vector<16xi1> -> vector<16xi32>
          %add3A_445 = arith.addi %scan3A_427, %all_reduce_population_count3A : vector<16xi32>
          %and3A = arith.constant 7 : i32
          %and3A_446 = arith.andi %scan3A_426, %and3A : i32
          %eq3A_447 = arith.constant 7 : i32
          %eq3A_448 = arith.cmpi eq, %and3A_446, %eq3A_447 : i32
          %convert_element_type3A_449 = arith.extui %eq3A_448 : i1 to i32
          %cond3A_450 = arith.constant 0 : i32
          %cond3A_451 = arith.cmpi ne, %convert_element_type3A_449, %cond3A_450 : i32
          scf.if %cond3A_451 {
            %shift_right_logical3A_452 = arith.constant 3 : i32
            %shift_right_logical3A_453 = arith.shrui %scan3A_426, %shift_right_logical3A_452 : i32
            %add3A_454 = arith.constant 1 : i32
            %add3A_455 = arith.addi %shift_right_logical3A_453, %add3A_454 : i32
            %mul3A_456 = arith.constant 16 : i32
            %mul3A_457 = arith.muli %add3A_455, %mul3A_456 : i32
            %add3A_458 = vector.broadcast %mul3A_457 : i32 to vector<16xi32>
            %add3A_459 = arith.addi %add3A_458, %iota3A : vector<16xi32>
            tpu.vector_store_idx %arg18[%add3A_459], %add3A_445 : memref<80xi32, #tpu.memory_space<vmem>>[vector<16xi32>], vector<16xi32>,
          } else {
          }
          scf.yield %add3A_445 : vector<16xi32>
        }
        %scan3A_179 = arith.constant 32 : i32
        %reduce_max3A_180 = arith.constant true
        %reduce_max3A_181 = vector.broadcast %reduce_max3A_180 : i1 to vector<16xi1>
        %reduce_max3A_182 = arith.constant -2147483648 : i32
        %reduce_max3A_183 = vector.broadcast %reduce_max3A_182 : i32 to vector<16xi32>
        %reduce_max3A_184 = arith.xori %scan3A_178, %reduce_max3A_183 : vector<16xi32>
        %reduce_max3A_185 = tpu.scan <max>, %reduce_max3A_184 masked %reduce_max3A_181 : vector<16xi32>, vector<16xi1> -> vector<16xi32>
        %reduce_max3A_186 = arith.xori %reduce_max3A_185, %reduce_max3A_183 : vector<16xi32>
        %reduce_max3A_187 = vector.extract %reduce_max3A_186[15] : i32 from vector<16xi32>
        %dma_wait3A_188 = tpu.memref_slice %arg6[%min3A_152] : memref<100000xf32, #tpu.memory_space<hbm>> -> memref<512xf32, #tpu.memory_space<hbm>>
        %dma_wait3A_189 = tpu.memref_slice %arg6[%min3A_152] : memref<100000xf32, #tpu.memory_space<hbm>> -> memref<512xf32, #tpu.memory_space<hbm>>
        tpu.wait_dma2 semaphore(%arg27 : memref<!tpu.dma_semaphore, #tpu.memory_space<semaphore_mem>>) src(%dma_wait3A_189 : memref<512xf32, #tpu.memory_space<hbm>>) dst(%arg23 : memref<512xf32, #tpu.memory_space<vmem>>)
        %dma_wait3A_190 = arith.constant 0 : i32
        %dma_wait3A_191 = tpu.memref_slice %arg4[%dma_wait3A_190, %min3A_152] : memref<64x100000xf32, #tpu.memory_space<hbm>> -> memref<64x256xf32, #tpu.memory_space<hbm>>
        %dma_wait3A_192 = arith.constant 0 : i32
        %dma_wait3A_193 = tpu.memref_slice %arg4[%dma_wait3A_192, %min3A_152] : memref<64x100000xf32, #tpu.memory_space<hbm>> -> memref<64x256xf32, #tpu.memory_space<hbm>>
        tpu.wait_dma2 semaphore(%arg24 : memref<!tpu.dma_semaphore, #tpu.memory_space<semaphore_mem>>) src(%dma_wait3A_193 : memref<64x256xf32, #tpu.memory_space<hbm>>) dst(%arg19 : memref<64x256xf32, #tpu.memory_space<vmem>>)
        %broadcast_in_dim3A_194 = arith.constant 0 : i32
        %broadcast_in_dim3A_195 = vector.broadcast %broadcast_in_dim3A_194 : i32 to vector<16xi32>
        %gather3A = tpu.vector_load_idx %arg18[%broadcast_in_dim3A_195] : memref<80xi32, #tpu.memory_space<vmem>>[vector<16xi32>], vector<16xi32>,
        %reduce_max3A_196 = arith.constant true
        %reduce_max3A_197 = vector.broadcast %reduce_max3A_196 : i1 to vector<16xi1>
        %reduce_max3A_198 = arith.constant -2147483648 : i32
        %reduce_max3A_199 = vector.broadcast %reduce_max3A_198 : i32 to vector<16xi32>
        %reduce_max3A_200 = arith.xori %gather3A, %reduce_max3A_199 : vector<16xi32>
        %reduce_max3A_201 = tpu.scan <max>, %reduce_max3A_200 masked %reduce_max3A_197 : vector<16xi32>, vector<16xi1> -> vector<16xi32>
        %reduce_max3A_202 = arith.xori %reduce_max3A_201, %reduce_max3A_199 : vector<16xi32>
        %reduce_max3A_203 = vector.extract %reduce_max3A_202[15] : i32 from vector<16xi32>
        %broadcast_in_dim3A_204 = arith.constant 32 : i32
        %broadcast_in_dim3A_205 = vector.broadcast %broadcast_in_dim3A_204 : i32 to vector<16xi32>
        %gather3A_206 = tpu.vector_load_idx %arg18[%broadcast_in_dim3A_205] : memref<80xi32, #tpu.memory_space<vmem>>[vector<16xi32>], vector<16xi32>,
        %reduce_max3A_207 = arith.constant true
        %reduce_max3A_208 = vector.broadcast %reduce_max3A_207 : i1 to vector<16xi1>
        %reduce_max3A_209 = arith.constant -2147483648 : i32
        %reduce_max3A_210 = vector.broadcast %reduce_max3A_209 : i32 to vector<16xi32>
        %reduce_max3A_211 = arith.xori %gather3A_206, %reduce_max3A_210 : vector<16xi32>
        %reduce_max3A_212 = tpu.scan <max>, %reduce_max3A_211 masked %reduce_max3A_208 : vector<16xi32>, vector<16xi1> -> vector<16xi32>
        %reduce_max3A_213 = arith.xori %reduce_max3A_212, %reduce_max3A_210 : vector<16xi32>
        %reduce_max3A_214 = vector.extract %reduce_max3A_213[15] : i32 from vector<16xi32>
        %min3A_215 = arith.minsi %reduce_max3A_214, %reduce_max3A_187 : i32
        %shift_right_logical3A = arith.constant 4 : i32
        %shift_right_logical3A_216 = arith.shrui %reduce_max3A_203, %shift_right_logical3A : i32
        %add3A_217 = arith.constant 15 : i32
        %add3A_218 = arith.addi %min3A_215, %add3A_217 : i32
        %div3A = arith.constant 16 : i32
        %div3A_219 = arith.divsi %add3A_218, %div3A : i32
        %while3A = arith.constant 0 : i32
        %while3A_220 = arith.subi %div3A_219, %shift_right_logical3A_216 : i32
        %while3A_221 = arith.addi %shift_right_logical3A_216, %while3A_220 : i32
        %while3A_222 = arith.constant 1 : i32
        %while3A_223 = arith.divsi %while3A_220, %while3A_222 : i32
        %while3A_224 = arith.muli %while3A_223, %while3A_222 : i32
        %while3A_225 = arith.addi %shift_right_logical3A_216, %while3A_224 : i32
        %while3A_226 = arith.constant 1 : i32
        %while3A_227 = scf.for %while3A_426 = %shift_right_logical3A_216 to %while3A_225 step %while3A_226 iter_args(%while3A_427 = %while3A) -> (i32)  : i32 {
          %mul3A_428 = arith.constant 16 : i32
          %mul3A_429 = arith.muli %while3A_426, %mul3A_428 : i32
          %add3A_430 = vector.broadcast %mul3A_429 : i32 to vector<16xi32>
          %add3A_431 = arith.addi %add3A_430, %iota3A : vector<16xi32>
          %mul3A_432 = arith.constant 16 : i32
          %mul3A_433 = arith.muli %while3A_426, %mul3A_432 : i32
          %get3A = arith.index_cast %mul3A_433 : i32 to index
          %get3A_434 = tpu.vector_load %arg17[%get3A] {strides = array<i32>} : memref<528xi32, #tpu.memory_space<vmem>>, vector<16xi32>,
          %sub3A = arith.constant 0 : i32
          %sub3A_435 = vector.broadcast %sub3A : i32 to vector<16xi32>
          %sub3A_436 = arith.subi %get3A_434, %sub3A_435 : vector<16xi32>
          %lt3A_437 = vector.broadcast %reduce_max3A_187 : i32 to vector<16xi32>
          %lt3A_438 = arith.cmpi slt, %add3A_431, %lt3A_437 : vector<16xi32>
          %ge3A = arith.constant 0 : i32
          %ge3A_439 = vector.broadcast %ge3A : i32 to vector<16xi32>
          %ge3A_440 = arith.cmpi sge, %sub3A_436, %ge3A_439 : vector<16xi32>
          %and3A = arith.andi %lt3A_438, %ge3A_440 : vector<16xi1>
          %lt3A_441 = arith.constant 256 : i32
          %lt3A_442 = vector.broadcast %lt3A_441 : i32 to vector<16xi32>
          %lt3A_443 = arith.cmpi slt, %sub3A_436, %lt3A_442 : vector<16xi32>
          %and3A_444 = arith.andi %and3A, %lt3A_443 : vector<16xi1>
          %jit3A = arith.constant 0 : i32
          %broadcast_in_dim3A_445 = vector.broadcast %jit3A : i32 to vector<16xi32>
          %select_n3A = arith.select %and3A_444, %get3A_434, %broadcast_in_dim3A_445 : vector<16xi1>, vector<16xi32>
          %jit3A_446 = arith.constant 0 : i32
          %broadcast_in_dim3A_447 = vector.broadcast %jit3A_446 : i32 to vector<16xi32>
          %select_n3A_448 = arith.select %and3A_444, %sub3A_436, %broadcast_in_dim3A_447 : vector<16xi1>, vector<16xi32>
          %gather3A_449 = tpu.vector_load_idx %arg16[%select_n3A] : memref<512xf32, #tpu.memory_space<vmem>>[vector<16xi32>], vector<16xf32>,
          %gather3A_450 = tpu.vector_load_idx %arg23[%select_n3A] : memref<512xf32, #tpu.memory_space<vmem>>[vector<16xi32>], vector<16xf32>,
          %ne3A = arith.constant 0.000000e+00 : f32
          %ne3A_451 = vector.broadcast %ne3A : f32 to vector<16xf32>
          %ne3A_452 = arith.cmpf one, %gather3A_450, %ne3A_451 : vector<16xf32>
          %div3A_453 = arith.constant 1.000000e+00 : f32
          %div3A_454 = vector.broadcast %div3A_453 : f32 to vector<16xf32>
          %div3A_455 = arith.divf %div3A_454, %gather3A_449 : vector<16xf32>
          %scan3A_456 = arith.constant 0 : i32
          %scan3A_457 = arith.constant 0 : i32
          %scan3A_458 = arith.constant 64 : i32
          %scan3A_459 = arith.addi %scan3A_457, %scan3A_458 : i32
          %scan3A_460 = arith.constant 1 : i32
          %scan3A_461 = scf.for %scan3A_464 = %scan3A_457 to %scan3A_459 step %scan3A_460 iter_args(%scan3A_465 = %scan3A_456) -> (i32)  : i32 {
            %broadcast_in_dim3A_466 = vector.broadcast %scan3A_464 : i32 to vector<16xi32>
            %mul3A_467 = arith.constant 512 : i32
            %mul3A_468 = arith.muli %scan3A_464, %mul3A_467 : i32
            %add3A_469 = vector.broadcast %mul3A_468 : i32 to vector<16xi32>
            %add3A_470 = arith.addi %add3A_469, %select_n3A : vector<16xi32>
            %gather3A_471 = tpu.vector_load_idx %arg14[%add3A_470] : memref<32768xf32, #tpu.memory_space<vmem>>[vector<16xi32>], vector<16xf32>,
            %gather3A_472 = tpu.vector_load_idx %arg19[%broadcast_in_dim3A_466, %select_n3A_448] : memref<64x256xf32, #tpu.memory_space<vmem>>[vector<16xi32>, vector<16xi32>], vector<16xf32>,
            %mul3A_473 = arith.mulf %gather3A_471, %div3A_455 : vector<16xf32>
            %mul3A_474 = arith.constant 1.000000e-01 : f32
            %mul3A_475 = vector.broadcast %mul3A_474 : f32 to vector<16xf32>
            %mul3A_476 = arith.mulf %mul3A_475, %mul3A_473 : vector<16xf32>
            %mul3A_477 = arith.constant 0.899999976 : f32
            %mul3A_478 = vector.broadcast %mul3A_477 : f32 to vector<16xf32>
            %mul3A_479 = arith.mulf %mul3A_478, %gather3A_472 : vector<16xf32>
            %add3A_480 = arith.addf %mul3A_476, %mul3A_479 : vector<16xf32>
            %select_n3A_481 = arith.select %ne3A_452, %add3A_480, %mul3A_473 : vector<16xi1>, vector<16xf32>
            tpu.vector_store_idx %arg19[%broadcast_in_dim3A_466, %select_n3A_448], %select_n3A_481 masked %and3A_444 : memref<64x256xf32, #tpu.memory_space<vmem>>[vector<16xi32>, vector<16xi32>], vector<16xf32>, vector<16xi1>
            %gather3A_482 = tpu.vector_load_idx %arg15[%add3A_470] : memref<32768xf32, #tpu.memory_space<vmem>>[vector<16xi32>], vector<16xf32>,
            %mul3A_483 = arith.constant 2.000000e+00 : f32
            %mul3A_484 = vector.broadcast %mul3A_483 : f32 to vector<16xf32>
            %mul3A_485 = arith.mulf %mul3A_484, %select_n3A_481 : vector<16xf32>
            %mul3A_486 = arith.mulf %mul3A_485, %gather3A_471 : vector<16xf32>
            %sub3A_487 = arith.subf %gather3A_482, %mul3A_486 : vector<16xf32>
            %mul3A_488 = arith.mulf %gather3A_449, %select_n3A_481 : vector<16xf32>
            %mul3A_489 = arith.mulf %mul3A_488, %select_n3A_481 : vector<16xf32>
            %add3A_490 = arith.addf %sub3A_487, %mul3A_489 : vector<16xf32>
            tpu.vector_store_idx %arg15[%add3A_470], %add3A_490 masked %and3A_444 : memref<32768xf32, #tpu.memory_space<vmem>>[vector<16xi32>], vector<16xf32>, vector<16xi1>
            tpu.vector_store_idx %arg14[%add3A_470], %broadcast_in_dim3A_3 masked %and3A_444 : memref<32768xf32, #tpu.memory_space<vmem>>[vector<16xi32>], vector<16xf32>, vector<16xi1>
            %scan3A_491 = arith.constant 0 : i32
            scf.yield %scan3A_491 : i32
          }
          %scan3A_462 = arith.constant 64 : i32
          %while3A_463 = arith.constant 0 : i32
          scf.yield %while3A_463 : i32
        }
        %while3A_228 = arith.constant 1 : i32
        %while3A_229 = scf.for %while3A_426 = %while3A_225 to %while3A_221 step %while3A_228 iter_args(%while3A_427 = %while3A_227) -> (i32)  : i32 {
          %mul3A_428 = arith.constant 16 : i32
          %mul3A_429 = arith.muli %while3A_426, %mul3A_428 : i32
          %add3A_430 = vector.broadcast %mul3A_429 : i32 to vector<16xi32>
          %add3A_431 = arith.addi %add3A_430, %iota3A : vector<16xi32>
          %mul3A_432 = arith.constant 16 : i32
          %mul3A_433 = arith.muli %while3A_426, %mul3A_432 : i32
          %get3A = arith.index_cast %mul3A_433 : i32 to index
          %get3A_434 = tpu.vector_load %arg17[%get3A] {strides = array<i32>} : memref<528xi32, #tpu.memory_space<vmem>>, vector<16xi32>,
          %sub3A = arith.constant 0 : i32
          %sub3A_435 = vector.broadcast %sub3A : i32 to vector<16xi32>
          %sub3A_436 = arith.subi %get3A_434, %sub3A_435 : vector<16xi32>
          %lt3A_437 = vector.broadcast %reduce_max3A_187 : i32 to vector<16xi32>
          %lt3A_438 = arith.cmpi slt, %add3A_431, %lt3A_437 : vector<16xi32>
          %ge3A = arith.constant 0 : i32
          %ge3A_439 = vector.broadcast %ge3A : i32 to vector<16xi32>
          %ge3A_440 = arith.cmpi sge, %sub3A_436, %ge3A_439 : vector<16xi32>
          %and3A = arith.andi %lt3A_438, %ge3A_440 : vector<16xi1>
          %lt3A_441 = arith.constant 256 : i32
          %lt3A_442 = vector.broadcast %lt3A_441 : i32 to vector<16xi32>
          %lt3A_443 = arith.cmpi slt, %sub3A_436, %lt3A_442 : vector<16xi32>
          %and3A_444 = arith.andi %and3A, %lt3A_443 : vector<16xi1>
          %jit3A = arith.constant 0 : i32
          %broadcast_in_dim3A_445 = vector.broadcast %jit3A : i32 to vector<16xi32>
          %select_n3A = arith.select %and3A_444, %get3A_434, %broadcast_in_dim3A_445 : vector<16xi1>, vector<16xi32>
          %jit3A_446 = arith.constant 0 : i32
          %broadcast_in_dim3A_447 = vector.broadcast %jit3A_446 : i32 to vector<16xi32>
          %select_n3A_448 = arith.select %and3A_444, %sub3A_436, %broadcast_in_dim3A_447 : vector<16xi1>, vector<16xi32>
          %gather3A_449 = tpu.vector_load_idx %arg16[%select_n3A] : memref<512xf32, #tpu.memory_space<vmem>>[vector<16xi32>], vector<16xf32>,
          %gather3A_450 = tpu.vector_load_idx %arg23[%select_n3A] : memref<512xf32, #tpu.memory_space<vmem>>[vector<16xi32>], vector<16xf32>,
          %ne3A = arith.constant 0.000000e+00 : f32
          %ne3A_451 = vector.broadcast %ne3A : f32 to vector<16xf32>
          %ne3A_452 = arith.cmpf one, %gather3A_450, %ne3A_451 : vector<16xf32>
          %div3A_453 = arith.constant 1.000000e+00 : f32
          %div3A_454 = vector.broadcast %div3A_453 : f32 to vector<16xf32>
          %div3A_455 = arith.divf %div3A_454, %gather3A_449 : vector<16xf32>
          %scan3A_456 = arith.constant 0 : i32
          %scan3A_457 = arith.constant 0 : i32
          %scan3A_458 = arith.constant 64 : i32
          %scan3A_459 = arith.addi %scan3A_457, %scan3A_458 : i32
          %scan3A_460 = arith.constant 1 : i32
          %scan3A_461 = scf.for %scan3A_464 = %scan3A_457 to %scan3A_459 step %scan3A_460 iter_args(%scan3A_465 = %scan3A_456) -> (i32)  : i32 {
            %broadcast_in_dim3A_466 = vector.broadcast %scan3A_464 : i32 to vector<16xi32>
            %mul3A_467 = arith.constant 512 : i32
            %mul3A_468 = arith.muli %scan3A_464, %mul3A_467 : i32
            %add3A_469 = vector.broadcast %mul3A_468 : i32 to vector<16xi32>
            %add3A_470 = arith.addi %add3A_469, %select_n3A : vector<16xi32>
            %gather3A_471 = tpu.vector_load_idx %arg14[%add3A_470] : memref<32768xf32, #tpu.memory_space<vmem>>[vector<16xi32>], vector<16xf32>,
            %gather3A_472 = tpu.vector_load_idx %arg19[%broadcast_in_dim3A_466, %select_n3A_448] : memref<64x256xf32, #tpu.memory_space<vmem>>[vector<16xi32>, vector<16xi32>], vector<16xf32>,
            %mul3A_473 = arith.mulf %gather3A_471, %div3A_455 : vector<16xf32>
            %mul3A_474 = arith.constant 1.000000e-01 : f32
            %mul3A_475 = vector.broadcast %mul3A_474 : f32 to vector<16xf32>
            %mul3A_476 = arith.mulf %mul3A_475, %mul3A_473 : vector<16xf32>
            %mul3A_477 = arith.constant 0.899999976 : f32
            %mul3A_478 = vector.broadcast %mul3A_477 : f32 to vector<16xf32>
            %mul3A_479 = arith.mulf %mul3A_478, %gather3A_472 : vector<16xf32>
            %add3A_480 = arith.addf %mul3A_476, %mul3A_479 : vector<16xf32>
            %select_n3A_481 = arith.select %ne3A_452, %add3A_480, %mul3A_473 : vector<16xi1>, vector<16xf32>
            tpu.vector_store_idx %arg19[%broadcast_in_dim3A_466, %select_n3A_448], %select_n3A_481 masked %and3A_444 : memref<64x256xf32, #tpu.memory_space<vmem>>[vector<16xi32>, vector<16xi32>], vector<16xf32>, vector<16xi1>
            %gather3A_482 = tpu.vector_load_idx %arg15[%add3A_470] : memref<32768xf32, #tpu.memory_space<vmem>>[vector<16xi32>], vector<16xf32>,
            %mul3A_483 = arith.constant 2.000000e+00 : f32
            %mul3A_484 = vector.broadcast %mul3A_483 : f32 to vector<16xf32>
            %mul3A_485 = arith.mulf %mul3A_484, %select_n3A_481 : vector<16xf32>
            %mul3A_486 = arith.mulf %mul3A_485, %gather3A_471 : vector<16xf32>
            %sub3A_487 = arith.subf %gather3A_482, %mul3A_486 : vector<16xf32>
            %mul3A_488 = arith.mulf %gather3A_449, %select_n3A_481 : vector<16xf32>
            %mul3A_489 = arith.mulf %mul3A_488, %select_n3A_481 : vector<16xf32>
            %add3A_490 = arith.addf %sub3A_487, %mul3A_489 : vector<16xf32>
            tpu.vector_store_idx %arg15[%add3A_470], %add3A_490 masked %and3A_444 : memref<32768xf32, #tpu.memory_space<vmem>>[vector<16xi32>], vector<16xf32>, vector<16xi1>
            tpu.vector_store_idx %arg14[%add3A_470], %broadcast_in_dim3A_3 masked %and3A_444 : memref<32768xf32, #tpu.memory_space<vmem>>[vector<16xi32>], vector<16xf32>, vector<16xi1>
            %scan3A_491 = arith.constant 0 : i32
            scf.yield %scan3A_491 : i32
          }
          %scan3A_462 = arith.constant 64 : i32
          %while3A_463 = arith.constant 0 : i32
          scf.yield %while3A_463 : i32
        }
        %add3A_230 = arith.constant 0 : i32
        %add3A_231 = arith.addi %min3A_152, %add3A_230 : i32
        %dma_start3A_232 = arith.constant 0 : i32
        %dma_start3A_233 = tpu.memref_slice %arg7[%dma_start3A_232, %add3A_231] : memref<64x100000xf32, #tpu.memory_space<hbm>> -> memref<64x256xf32, #tpu.memory_space<hbm>>
        %dma_start3A_234 = arith.constant 0 : i32
        %dma_start3A_235 = tpu.memref_slice %arg7[%dma_start3A_234, %add3A_231] : memref<64x100000xf32, #tpu.memory_space<hbm>> -> memref<64x256xf32, #tpu.memory_space<hbm>>
        tpu.enqueue_dma source(%arg19 : memref<64x256xf32, #tpu.memory_space<vmem>>) target(%dma_start3A_235 : memref<64x256xf32, #tpu.memory_space<hbm>>) target_semaphore(%arg24 : memref<!tpu.dma_semaphore, #tpu.memory_space<semaphore_mem>>)
        %add3A_236 = arith.constant 0 : i32
        %add3A_237 = arith.addi %min3A_152, %add3A_236 : i32
        %dma_wait3A_238 = arith.constant 0 : i32
        %dma_wait3A_239 = tpu.memref_slice %arg7[%dma_wait3A_238, %add3A_237] : memref<64x100000xf32, #tpu.memory_space<hbm>> -> memref<64x256xf32, #tpu.memory_space<hbm>>
        %dma_wait3A_240 = arith.constant 0 : i32
        %dma_wait3A_241 = tpu.memref_slice %arg7[%dma_wait3A_240, %add3A_237] : memref<64x100000xf32, #tpu.memory_space<hbm>> -> memref<64x256xf32, #tpu.memory_space<hbm>>
        tpu.wait_dma2 semaphore(%arg24 : memref<!tpu.dma_semaphore, #tpu.memory_space<semaphore_mem>>) src(%arg19 : memref<64x256xf32, #tpu.memory_space<vmem>>) dst(%dma_wait3A_241 : memref<64x256xf32, #tpu.memory_space<hbm>>)
        %add3A_242 = arith.constant 256 : i32
        %add3A_243 = arith.addi %min3A_152, %add3A_242 : i32
        %dma_start3A_244 = arith.constant 0 : i32
        %dma_start3A_245 = tpu.memref_slice %arg4[%dma_start3A_244, %add3A_243] : memref<64x100000xf32, #tpu.memory_space<hbm>> -> memref<64x256xf32, #tpu.memory_space<hbm>>
        %dma_start3A_246 = arith.constant 0 : i32
        %dma_start3A_247 = tpu.memref_slice %arg4[%dma_start3A_246, %add3A_243] : memref<64x100000xf32, #tpu.memory_space<hbm>> -> memref<64x256xf32, #tpu.memory_space<hbm>>
        tpu.enqueue_dma source(%dma_start3A_247 : memref<64x256xf32, #tpu.memory_space<hbm>>) target(%arg19 : memref<64x256xf32, #tpu.memory_space<vmem>>) target_semaphore(%arg24 : memref<!tpu.dma_semaphore, #tpu.memory_space<semaphore_mem>>)
        %dma_wait3A_248 = arith.constant 0 : i32
        %dma_wait3A_249 = tpu.memref_slice %arg4[%dma_wait3A_248, %add3A_243] : memref<64x100000xf32, #tpu.memory_space<hbm>> -> memref<64x256xf32, #tpu.memory_space<hbm>>
        %dma_wait3A_250 = arith.constant 0 : i32
        %dma_wait3A_251 = tpu.memref_slice %arg4[%dma_wait3A_250, %add3A_243] : memref<64x100000xf32, #tpu.memory_space<hbm>> -> memref<64x256xf32, #tpu.memory_space<hbm>>
        tpu.wait_dma2 semaphore(%arg24 : memref<!tpu.dma_semaphore, #tpu.memory_space<semaphore_mem>>) src(%dma_wait3A_251 : memref<64x256xf32, #tpu.memory_space<hbm>>) dst(%arg19 : memref<64x256xf32, #tpu.memory_space<vmem>>)
        %broadcast_in_dim3A_252 = arith.constant 32 : i32
        %broadcast_in_dim3A_253 = vector.broadcast %broadcast_in_dim3A_252 : i32 to vector<16xi32>
        %gather3A_254 = tpu.vector_load_idx %arg18[%broadcast_in_dim3A_253] : memref<80xi32, #tpu.memory_space<vmem>>[vector<16xi32>], vector<16xi32>,
        %reduce_max3A_255 = arith.constant true
        %reduce_max3A_256 = vector.broadcast %reduce_max3A_255 : i1 to vector<16xi1>
        %reduce_max3A_257 = arith.constant -2147483648 : i32
        %reduce_max3A_258 = vector.broadcast %reduce_max3A_257 : i32 to vector<16xi32>
        %reduce_max3A_259 = arith.xori %gather3A_254, %reduce_max3A_258 : vector<16xi32>
        %reduce_max3A_260 = tpu.scan <max>, %reduce_max3A_259 masked %reduce_max3A_256 : vector<16xi32>, vector<16xi1> -> vector<16xi32>
        %reduce_max3A_261 = arith.xori %reduce_max3A_260, %reduce_max3A_258 : vector<16xi32>
        %reduce_max3A_262 = vector.extract %reduce_max3A_261[15] : i32 from vector<16xi32>
        %broadcast_in_dim3A_263 = arith.constant 64 : i32
        %broadcast_in_dim3A_264 = vector.broadcast %broadcast_in_dim3A_263 : i32 to vector<16xi32>
        %gather3A_265 = tpu.vector_load_idx %arg18[%broadcast_in_dim3A_264] : memref<80xi32, #tpu.memory_space<vmem>>[vector<16xi32>], vector<16xi32>,
        %reduce_max3A_266 = arith.constant true
        %reduce_max3A_267 = vector.broadcast %reduce_max3A_266 : i1 to vector<16xi1>
        %reduce_max3A_268 = arith.constant -2147483648 : i32
        %reduce_max3A_269 = vector.broadcast %reduce_max3A_268 : i32 to vector<16xi32>
        %reduce_max3A_270 = arith.xori %gather3A_265, %reduce_max3A_269 : vector<16xi32>
        %reduce_max3A_271 = tpu.scan <max>, %reduce_max3A_270 masked %reduce_max3A_267 : vector<16xi32>, vector<16xi1> -> vector<16xi32>
        %reduce_max3A_272 = arith.xori %reduce_max3A_271, %reduce_max3A_269 : vector<16xi32>
        %reduce_max3A_273 = vector.extract %reduce_max3A_272[15] : i32 from vector<16xi32>
        %min3A_274 = arith.minsi %reduce_max3A_273, %reduce_max3A_187 : i32
        %shift_right_logical3A_275 = arith.constant 4 : i32
        %shift_right_logical3A_276 = arith.shrui %reduce_max3A_262, %shift_right_logical3A_275 : i32
        %add3A_277 = arith.constant 15 : i32
        %add3A_278 = arith.addi %min3A_274, %add3A_277 : i32
        %div3A_279 = arith.constant 16 : i32
        %div3A_280 = arith.divsi %add3A_278, %div3A_279 : i32
        %while3A_281 = arith.constant 0 : i32
        %while3A_282 = arith.subi %div3A_280, %shift_right_logical3A_276 : i32
        %while3A_283 = arith.addi %shift_right_logical3A_276, %while3A_282 : i32
        %while3A_284 = arith.constant 1 : i32
        %while3A_285 = arith.divsi %while3A_282, %while3A_284 : i32
        %while3A_286 = arith.muli %while3A_285, %while3A_284 : i32
        %while3A_287 = arith.addi %shift_right_logical3A_276, %while3A_286 : i32
        %while3A_288 = arith.constant 1 : i32
        %while3A_289 = scf.for %while3A_426 = %shift_right_logical3A_276 to %while3A_287 step %while3A_288 iter_args(%while3A_427 = %while3A_281) -> (i32)  : i32 {
          %mul3A_428 = arith.constant 16 : i32
          %mul3A_429 = arith.muli %while3A_426, %mul3A_428 : i32
          %add3A_430 = vector.broadcast %mul3A_429 : i32 to vector<16xi32>
          %add3A_431 = arith.addi %add3A_430, %iota3A : vector<16xi32>
          %mul3A_432 = arith.constant 16 : i32
          %mul3A_433 = arith.muli %while3A_426, %mul3A_432 : i32
          %get3A = arith.index_cast %mul3A_433 : i32 to index
          %get3A_434 = tpu.vector_load %arg17[%get3A] {strides = array<i32>} : memref<528xi32, #tpu.memory_space<vmem>>, vector<16xi32>,
          %sub3A = arith.constant 256 : i32
          %sub3A_435 = vector.broadcast %sub3A : i32 to vector<16xi32>
          %sub3A_436 = arith.subi %get3A_434, %sub3A_435 : vector<16xi32>
          %lt3A_437 = vector.broadcast %reduce_max3A_187 : i32 to vector<16xi32>
          %lt3A_438 = arith.cmpi slt, %add3A_431, %lt3A_437 : vector<16xi32>
          %ge3A = arith.constant 0 : i32
          %ge3A_439 = vector.broadcast %ge3A : i32 to vector<16xi32>
          %ge3A_440 = arith.cmpi sge, %sub3A_436, %ge3A_439 : vector<16xi32>
          %and3A = arith.andi %lt3A_438, %ge3A_440 : vector<16xi1>
          %lt3A_441 = arith.constant 256 : i32
          %lt3A_442 = vector.broadcast %lt3A_441 : i32 to vector<16xi32>
          %lt3A_443 = arith.cmpi slt, %sub3A_436, %lt3A_442 : vector<16xi32>
          %and3A_444 = arith.andi %and3A, %lt3A_443 : vector<16xi1>
          %jit3A = arith.constant 0 : i32
          %broadcast_in_dim3A_445 = vector.broadcast %jit3A : i32 to vector<16xi32>
          %select_n3A = arith.select %and3A_444, %get3A_434, %broadcast_in_dim3A_445 : vector<16xi1>, vector<16xi32>
          %jit3A_446 = arith.constant 0 : i32
          %broadcast_in_dim3A_447 = vector.broadcast %jit3A_446 : i32 to vector<16xi32>
          %select_n3A_448 = arith.select %and3A_444, %sub3A_436, %broadcast_in_dim3A_447 : vector<16xi1>, vector<16xi32>
          %gather3A_449 = tpu.vector_load_idx %arg16[%select_n3A] : memref<512xf32, #tpu.memory_space<vmem>>[vector<16xi32>], vector<16xf32>,
          %gather3A_450 = tpu.vector_load_idx %arg23[%select_n3A] : memref<512xf32, #tpu.memory_space<vmem>>[vector<16xi32>], vector<16xf32>,
          %ne3A = arith.constant 0.000000e+00 : f32
          %ne3A_451 = vector.broadcast %ne3A : f32 to vector<16xf32>
          %ne3A_452 = arith.cmpf one, %gather3A_450, %ne3A_451 : vector<16xf32>
          %div3A_453 = arith.constant 1.000000e+00 : f32
          %div3A_454 = vector.broadcast %div3A_453 : f32 to vector<16xf32>
          %div3A_455 = arith.divf %div3A_454, %gather3A_449 : vector<16xf32>
          %scan3A_456 = arith.constant 0 : i32
          %scan3A_457 = arith.constant 0 : i32
          %scan3A_458 = arith.constant 64 : i32
          %scan3A_459 = arith.addi %scan3A_457, %scan3A_458 : i32
          %scan3A_460 = arith.constant 1 : i32
          %scan3A_461 = scf.for %scan3A_464 = %scan3A_457 to %scan3A_459 step %scan3A_460 iter_args(%scan3A_465 = %scan3A_456) -> (i32)  : i32 {
            %broadcast_in_dim3A_466 = vector.broadcast %scan3A_464 : i32 to vector<16xi32>
            %mul3A_467 = arith.constant 512 : i32
            %mul3A_468 = arith.muli %scan3A_464, %mul3A_467 : i32
            %add3A_469 = vector.broadcast %mul3A_468 : i32 to vector<16xi32>
            %add3A_470 = arith.addi %add3A_469, %select_n3A : vector<16xi32>
            %gather3A_471 = tpu.vector_load_idx %arg14[%add3A_470] : memref<32768xf32, #tpu.memory_space<vmem>>[vector<16xi32>], vector<16xf32>,
            %gather3A_472 = tpu.vector_load_idx %arg19[%broadcast_in_dim3A_466, %select_n3A_448] : memref<64x256xf32, #tpu.memory_space<vmem>>[vector<16xi32>, vector<16xi32>], vector<16xf32>,
            %mul3A_473 = arith.mulf %gather3A_471, %div3A_455 : vector<16xf32>
            %mul3A_474 = arith.constant 1.000000e-01 : f32
            %mul3A_475 = vector.broadcast %mul3A_474 : f32 to vector<16xf32>
            %mul3A_476 = arith.mulf %mul3A_475, %mul3A_473 : vector<16xf32>
            %mul3A_477 = arith.constant 0.899999976 : f32
            %mul3A_478 = vector.broadcast %mul3A_477 : f32 to vector<16xf32>
            %mul3A_479 = arith.mulf %mul3A_478, %gather3A_472 : vector<16xf32>
            %add3A_480 = arith.addf %mul3A_476, %mul3A_479 : vector<16xf32>
            %select_n3A_481 = arith.select %ne3A_452, %add3A_480, %mul3A_473 : vector<16xi1>, vector<16xf32>
            tpu.vector_store_idx %arg19[%broadcast_in_dim3A_466, %select_n3A_448], %select_n3A_481 masked %and3A_444 : memref<64x256xf32, #tpu.memory_space<vmem>>[vector<16xi32>, vector<16xi32>], vector<16xf32>, vector<16xi1>
            %gather3A_482 = tpu.vector_load_idx %arg15[%add3A_470] : memref<32768xf32, #tpu.memory_space<vmem>>[vector<16xi32>], vector<16xf32>,
            %mul3A_483 = arith.constant 2.000000e+00 : f32
            %mul3A_484 = vector.broadcast %mul3A_483 : f32 to vector<16xf32>
            %mul3A_485 = arith.mulf %mul3A_484, %select_n3A_481 : vector<16xf32>
            %mul3A_486 = arith.mulf %mul3A_485, %gather3A_471 : vector<16xf32>
            %sub3A_487 = arith.subf %gather3A_482, %mul3A_486 : vector<16xf32>
            %mul3A_488 = arith.mulf %gather3A_449, %select_n3A_481 : vector<16xf32>
            %mul3A_489 = arith.mulf %mul3A_488, %select_n3A_481 : vector<16xf32>
            %add3A_490 = arith.addf %sub3A_487, %mul3A_489 : vector<16xf32>
            tpu.vector_store_idx %arg15[%add3A_470], %add3A_490 masked %and3A_444 : memref<32768xf32, #tpu.memory_space<vmem>>[vector<16xi32>], vector<16xf32>, vector<16xi1>
            tpu.vector_store_idx %arg14[%add3A_470], %broadcast_in_dim3A_3 masked %and3A_444 : memref<32768xf32, #tpu.memory_space<vmem>>[vector<16xi32>], vector<16xf32>, vector<16xi1>
            %scan3A_491 = arith.constant 0 : i32
            scf.yield %scan3A_491 : i32
          }
          %scan3A_462 = arith.constant 64 : i32
          %while3A_463 = arith.constant 0 : i32
          scf.yield %while3A_463 : i32
        }
        %while3A_290 = arith.constant 1 : i32
        %while3A_291 = scf.for %while3A_426 = %while3A_287 to %while3A_283 step %while3A_290 iter_args(%while3A_427 = %while3A_289) -> (i32)  : i32 {
          %mul3A_428 = arith.constant 16 : i32
          %mul3A_429 = arith.muli %while3A_426, %mul3A_428 : i32
          %add3A_430 = vector.broadcast %mul3A_429 : i32 to vector<16xi32>
          %add3A_431 = arith.addi %add3A_430, %iota3A : vector<16xi32>
          %mul3A_432 = arith.constant 16 : i32
          %mul3A_433 = arith.muli %while3A_426, %mul3A_432 : i32
          %get3A = arith.index_cast %mul3A_433 : i32 to index
          %get3A_434 = tpu.vector_load %arg17[%get3A] {strides = array<i32>} : memref<528xi32, #tpu.memory_space<vmem>>, vector<16xi32>,
          %sub3A = arith.constant 256 : i32
          %sub3A_435 = vector.broadcast %sub3A : i32 to vector<16xi32>
          %sub3A_436 = arith.subi %get3A_434, %sub3A_435 : vector<16xi32>
          %lt3A_437 = vector.broadcast %reduce_max3A_187 : i32 to vector<16xi32>
          %lt3A_438 = arith.cmpi slt, %add3A_431, %lt3A_437 : vector<16xi32>
          %ge3A = arith.constant 0 : i32
          %ge3A_439 = vector.broadcast %ge3A : i32 to vector<16xi32>
          %ge3A_440 = arith.cmpi sge, %sub3A_436, %ge3A_439 : vector<16xi32>
          %and3A = arith.andi %lt3A_438, %ge3A_440 : vector<16xi1>
          %lt3A_441 = arith.constant 256 : i32
          %lt3A_442 = vector.broadcast %lt3A_441 : i32 to vector<16xi32>
          %lt3A_443 = arith.cmpi slt, %sub3A_436, %lt3A_442 : vector<16xi32>
          %and3A_444 = arith.andi %and3A, %lt3A_443 : vector<16xi1>
          %jit3A = arith.constant 0 : i32
          %broadcast_in_dim3A_445 = vector.broadcast %jit3A : i32 to vector<16xi32>
          %select_n3A = arith.select %and3A_444, %get3A_434, %broadcast_in_dim3A_445 : vector<16xi1>, vector<16xi32>
          %jit3A_446 = arith.constant 0 : i32
          %broadcast_in_dim3A_447 = vector.broadcast %jit3A_446 : i32 to vector<16xi32>
          %select_n3A_448 = arith.select %and3A_444, %sub3A_436, %broadcast_in_dim3A_447 : vector<16xi1>, vector<16xi32>
          %gather3A_449 = tpu.vector_load_idx %arg16[%select_n3A] : memref<512xf32, #tpu.memory_space<vmem>>[vector<16xi32>], vector<16xf32>,
          %gather3A_450 = tpu.vector_load_idx %arg23[%select_n3A] : memref<512xf32, #tpu.memory_space<vmem>>[vector<16xi32>], vector<16xf32>,
          %ne3A = arith.constant 0.000000e+00 : f32
          %ne3A_451 = vector.broadcast %ne3A : f32 to vector<16xf32>
          %ne3A_452 = arith.cmpf one, %gather3A_450, %ne3A_451 : vector<16xf32>
          %div3A_453 = arith.constant 1.000000e+00 : f32
          %div3A_454 = vector.broadcast %div3A_453 : f32 to vector<16xf32>
          %div3A_455 = arith.divf %div3A_454, %gather3A_449 : vector<16xf32>
          %scan3A_456 = arith.constant 0 : i32
          %scan3A_457 = arith.constant 0 : i32
          %scan3A_458 = arith.constant 64 : i32
          %scan3A_459 = arith.addi %scan3A_457, %scan3A_458 : i32
          %scan3A_460 = arith.constant 1 : i32
          %scan3A_461 = scf.for %scan3A_464 = %scan3A_457 to %scan3A_459 step %scan3A_460 iter_args(%scan3A_465 = %scan3A_456) -> (i32)  : i32 {
            %broadcast_in_dim3A_466 = vector.broadcast %scan3A_464 : i32 to vector<16xi32>
            %mul3A_467 = arith.constant 512 : i32
            %mul3A_468 = arith.muli %scan3A_464, %mul3A_467 : i32
            %add3A_469 = vector.broadcast %mul3A_468 : i32 to vector<16xi32>
            %add3A_470 = arith.addi %add3A_469, %select_n3A : vector<16xi32>
            %gather3A_471 = tpu.vector_load_idx %arg14[%add3A_470] : memref<32768xf32, #tpu.memory_space<vmem>>[vector<16xi32>], vector<16xf32>,
            %gather3A_472 = tpu.vector_load_idx %arg19[%broadcast_in_dim3A_466, %select_n3A_448] : memref<64x256xf32, #tpu.memory_space<vmem>>[vector<16xi32>, vector<16xi32>], vector<16xf32>,
            %mul3A_473 = arith.mulf %gather3A_471, %div3A_455 : vector<16xf32>
            %mul3A_474 = arith.constant 1.000000e-01 : f32
            %mul3A_475 = vector.broadcast %mul3A_474 : f32 to vector<16xf32>
            %mul3A_476 = arith.mulf %mul3A_475, %mul3A_473 : vector<16xf32>
            %mul3A_477 = arith.constant 0.899999976 : f32
            %mul3A_478 = vector.broadcast %mul3A_477 : f32 to vector<16xf32>
            %mul3A_479 = arith.mulf %mul3A_478, %gather3A_472 : vector<16xf32>
            %add3A_480 = arith.addf %mul3A_476, %mul3A_479 : vector<16xf32>
            %select_n3A_481 = arith.select %ne3A_452, %add3A_480, %mul3A_473 : vector<16xi1>, vector<16xf32>
            tpu.vector_store_idx %arg19[%broadcast_in_dim3A_466, %select_n3A_448], %select_n3A_481 masked %and3A_444 : memref<64x256xf32, #tpu.memory_space<vmem>>[vector<16xi32>, vector<16xi32>], vector<16xf32>, vector<16xi1>
            %gather3A_482 = tpu.vector_load_idx %arg15[%add3A_470] : memref<32768xf32, #tpu.memory_space<vmem>>[vector<16xi32>], vector<16xf32>,
            %mul3A_483 = arith.constant 2.000000e+00 : f32
            %mul3A_484 = vector.broadcast %mul3A_483 : f32 to vector<16xf32>
            %mul3A_485 = arith.mulf %mul3A_484, %select_n3A_481 : vector<16xf32>
            %mul3A_486 = arith.mulf %mul3A_485, %gather3A_471 : vector<16xf32>
            %sub3A_487 = arith.subf %gather3A_482, %mul3A_486 : vector<16xf32>
            %mul3A_488 = arith.mulf %gather3A_449, %select_n3A_481 : vector<16xf32>
            %mul3A_489 = arith.mulf %mul3A_488, %select_n3A_481 : vector<16xf32>
            %add3A_490 = arith.addf %sub3A_487, %mul3A_489 : vector<16xf32>
            tpu.vector_store_idx %arg15[%add3A_470], %add3A_490 masked %and3A_444 : memref<32768xf32, #tpu.memory_space<vmem>>[vector<16xi32>], vector<16xf32>, vector<16xi1>
            tpu.vector_store_idx %arg14[%add3A_470], %broadcast_in_dim3A_3 masked %and3A_444 : memref<32768xf32, #tpu.memory_space<vmem>>[vector<16xi32>], vector<16xf32>, vector<16xi1>
            %scan3A_491 = arith.constant 0 : i32
            scf.yield %scan3A_491 : i32
          }
          %scan3A_462 = arith.constant 64 : i32
          %while3A_463 = arith.constant 0 : i32
          scf.yield %while3A_463 : i32
        }
        %add3A_292 = arith.constant 256 : i32
        %add3A_293 = arith.addi %min3A_152, %add3A_292 : i32
        %dma_start3A_294 = arith.constant 0 : i32
        %dma_start3A_295 = tpu.memref_slice %arg7[%dma_start3A_294, %add3A_293] : memref<64x100000xf32, #tpu.memory_space<hbm>> -> memref<64x256xf32, #tpu.memory_space<hbm>>
        %dma_start3A_296 = arith.constant 0 : i32
        %dma_start3A_297 = tpu.memref_slice %arg7[%dma_start3A_296, %add3A_293] : memref<64x100000xf32, #tpu.memory_space<hbm>> -> memref<64x256xf32, #tpu.memory_space<hbm>>
        tpu.enqueue_dma source(%arg19 : memref<64x256xf32, #tpu.memory_space<vmem>>) target(%dma_start3A_297 : memref<64x256xf32, #tpu.memory_space<hbm>>) target_semaphore(%arg24 : memref<!tpu.dma_semaphore, #tpu.memory_space<semaphore_mem>>)
        %add3A_298 = arith.constant 256 : i32
        %add3A_299 = arith.addi %min3A_152, %add3A_298 : i32
        %dma_wait3A_300 = arith.constant 0 : i32
        %dma_wait3A_301 = tpu.memref_slice %arg5[%dma_wait3A_300, %min3A_152] : memref<64x100000xf32, #tpu.memory_space<hbm>> -> memref<64x256xf32, #tpu.memory_space<hbm>>
        %dma_wait3A_302 = arith.constant 0 : i32
        %dma_wait3A_303 = tpu.memref_slice %arg5[%dma_wait3A_302, %min3A_152] : memref<64x100000xf32, #tpu.memory_space<hbm>> -> memref<64x256xf32, #tpu.memory_space<hbm>>
        tpu.wait_dma2 semaphore(%arg25 : memref<!tpu.dma_semaphore, #tpu.memory_space<semaphore_mem>>) src(%dma_wait3A_303 : memref<64x256xf32, #tpu.memory_space<hbm>>) dst(%arg20 : memref<64x256xf32, #tpu.memory_space<vmem>>)
        %broadcast_in_dim3A_304 = arith.constant 0 : i32
        %broadcast_in_dim3A_305 = vector.broadcast %broadcast_in_dim3A_304 : i32 to vector<16xi32>
        %gather3A_306 = tpu.vector_load_idx %arg18[%broadcast_in_dim3A_305] : memref<80xi32, #tpu.memory_space<vmem>>[vector<16xi32>], vector<16xi32>,
        %reduce_max3A_307 = arith.constant true
        %reduce_max3A_308 = vector.broadcast %reduce_max3A_307 : i1 to vector<16xi1>
        %reduce_max3A_309 = arith.constant -2147483648 : i32
        %reduce_max3A_310 = vector.broadcast %reduce_max3A_309 : i32 to vector<16xi32>
        %reduce_max3A_311 = arith.xori %gather3A_306, %reduce_max3A_310 : vector<16xi32>
        %reduce_max3A_312 = tpu.scan <max>, %reduce_max3A_311 masked %reduce_max3A_308 : vector<16xi32>, vector<16xi1> -> vector<16xi32>
        %reduce_max3A_313 = arith.xori %reduce_max3A_312, %reduce_max3A_310 : vector<16xi32>
        %reduce_max3A_314 = vector.extract %reduce_max3A_313[15] : i32 from vector<16xi32>
        %broadcast_in_dim3A_315 = arith.constant 32 : i32
        %broadcast_in_dim3A_316 = vector.broadcast %broadcast_in_dim3A_315 : i32 to vector<16xi32>
        %gather3A_317 = tpu.vector_load_idx %arg18[%broadcast_in_dim3A_316] : memref<80xi32, #tpu.memory_space<vmem>>[vector<16xi32>], vector<16xi32>,
        %reduce_max3A_318 = arith.constant true
        %reduce_max3A_319 = vector.broadcast %reduce_max3A_318 : i1 to vector<16xi1>
        %reduce_max3A_320 = arith.constant -2147483648 : i32
        %reduce_max3A_321 = vector.broadcast %reduce_max3A_320 : i32 to vector<16xi32>
        %reduce_max3A_322 = arith.xori %gather3A_317, %reduce_max3A_321 : vector<16xi32>
        %reduce_max3A_323 = tpu.scan <max>, %reduce_max3A_322 masked %reduce_max3A_319 : vector<16xi32>, vector<16xi1> -> vector<16xi32>
        %reduce_max3A_324 = arith.xori %reduce_max3A_323, %reduce_max3A_321 : vector<16xi32>
        %reduce_max3A_325 = vector.extract %reduce_max3A_324[15] : i32 from vector<16xi32>
        %min3A_326 = arith.minsi %reduce_max3A_325, %reduce_max3A_187 : i32
        %shift_right_logical3A_327 = arith.constant 4 : i32
        %shift_right_logical3A_328 = arith.shrui %reduce_max3A_314, %shift_right_logical3A_327 : i32
        %add3A_329 = arith.constant 15 : i32
        %add3A_330 = arith.addi %min3A_326, %add3A_329 : i32
        %div3A_331 = arith.constant 16 : i32
        %div3A_332 = arith.divsi %add3A_330, %div3A_331 : i32
        %while3A_333 = arith.constant 0 : i32
        %while3A_334 = arith.subi %div3A_332, %shift_right_logical3A_328 : i32
        %while3A_335 = arith.addi %shift_right_logical3A_328, %while3A_334 : i32
        %while3A_336 = arith.constant 1 : i32
        %while3A_337 = arith.divsi %while3A_334, %while3A_336 : i32
        %while3A_338 = arith.muli %while3A_337, %while3A_336 : i32
        %while3A_339 = arith.addi %shift_right_logical3A_328, %while3A_338 : i32
        %while3A_340 = arith.constant 1 : i32
        %while3A_341 = scf.for %while3A_426 = %shift_right_logical3A_328 to %while3A_339 step %while3A_340 iter_args(%while3A_427 = %while3A_333) -> (i32)  : i32 {
          %mul3A_428 = arith.constant 16 : i32
          %mul3A_429 = arith.muli %while3A_426, %mul3A_428 : i32
          %add3A_430 = vector.broadcast %mul3A_429 : i32 to vector<16xi32>
          %add3A_431 = arith.addi %add3A_430, %iota3A : vector<16xi32>
          %mul3A_432 = arith.constant 16 : i32
          %mul3A_433 = arith.muli %while3A_426, %mul3A_432 : i32
          %get3A = arith.index_cast %mul3A_433 : i32 to index
          %get3A_434 = tpu.vector_load %arg17[%get3A] {strides = array<i32>} : memref<528xi32, #tpu.memory_space<vmem>>, vector<16xi32>,
          %sub3A = arith.constant 0 : i32
          %sub3A_435 = vector.broadcast %sub3A : i32 to vector<16xi32>
          %sub3A_436 = arith.subi %get3A_434, %sub3A_435 : vector<16xi32>
          %lt3A_437 = vector.broadcast %reduce_max3A_187 : i32 to vector<16xi32>
          %lt3A_438 = arith.cmpi slt, %add3A_431, %lt3A_437 : vector<16xi32>
          %ge3A = arith.constant 0 : i32
          %ge3A_439 = vector.broadcast %ge3A : i32 to vector<16xi32>
          %ge3A_440 = arith.cmpi sge, %sub3A_436, %ge3A_439 : vector<16xi32>
          %and3A = arith.andi %lt3A_438, %ge3A_440 : vector<16xi1>
          %lt3A_441 = arith.constant 256 : i32
          %lt3A_442 = vector.broadcast %lt3A_441 : i32 to vector<16xi32>
          %lt3A_443 = arith.cmpi slt, %sub3A_436, %lt3A_442 : vector<16xi32>
          %and3A_444 = arith.andi %and3A, %lt3A_443 : vector<16xi1>
          %jit3A = arith.constant 0 : i32
          %broadcast_in_dim3A_445 = vector.broadcast %jit3A : i32 to vector<16xi32>
          %select_n3A = arith.select %and3A_444, %get3A_434, %broadcast_in_dim3A_445 : vector<16xi1>, vector<16xi32>
          %jit3A_446 = arith.constant 0 : i32
          %broadcast_in_dim3A_447 = vector.broadcast %jit3A_446 : i32 to vector<16xi32>
          %select_n3A_448 = arith.select %and3A_444, %sub3A_436, %broadcast_in_dim3A_447 : vector<16xi1>, vector<16xi32>
          %gather3A_449 = tpu.vector_load_idx %arg16[%select_n3A] : memref<512xf32, #tpu.memory_space<vmem>>[vector<16xi32>], vector<16xf32>,
          %gather3A_450 = tpu.vector_load_idx %arg23[%select_n3A] : memref<512xf32, #tpu.memory_space<vmem>>[vector<16xi32>], vector<16xf32>,
          %ne3A = arith.constant 0.000000e+00 : f32
          %ne3A_451 = vector.broadcast %ne3A : f32 to vector<16xf32>
          %ne3A_452 = arith.cmpf one, %gather3A_450, %ne3A_451 : vector<16xf32>
          %gt3A = arith.constant 1.000000e+00 : f32
          %gt3A_453 = vector.broadcast %gt3A : f32 to vector<16xf32>
          %gt3A_454 = arith.cmpf ogt, %gather3A_449, %gt3A_453 : vector<16xf32>
          %sub3A_455 = arith.constant 1.000000e+00 : f32
          %sub3A_456 = vector.broadcast %sub3A_455 : f32 to vector<16xf32>
          %sub3A_457 = arith.subf %gather3A_449, %sub3A_456 : vector<16xf32>
          %div3A_458 = arith.constant 1.000000e+00 : f32
          %div3A_459 = vector.broadcast %div3A_458 : f32 to vector<16xf32>
          %div3A_460 = arith.divf %div3A_459, %sub3A_457 : vector<16xf32>
          %jit3A_461 = arith.constant 1.000000e+00 : f32
          %broadcast_in_dim3A_462 = vector.broadcast %jit3A_461 : f32 to vector<16xf32>
          %select_n3A_463 = arith.select %gt3A_454, %div3A_460, %broadcast_in_dim3A_462 : vector<16xi1>, vector<16xf32>
          %scan3A_464 = arith.constant 0 : i32
          %scan3A_465 = arith.constant 0 : i32
          %scan3A_466 = arith.constant 64 : i32
          %scan3A_467 = arith.addi %scan3A_465, %scan3A_466 : i32
          %scan3A_468 = arith.constant 4 : i32
          %scan3A_469 = scf.for %scan3A_475 = %scan3A_465 to %scan3A_467 step %scan3A_468 iter_args(%scan3A_476 = %scan3A_464) -> (i32)  : i32 {
            %broadcast_in_dim3A_477 = vector.broadcast %scan3A_475 : i32 to vector<16xi32>
            %mul3A_478 = arith.constant 512 : i32
            %mul3A_479 = arith.muli %scan3A_475, %mul3A_478 : i32
            %add3A_480 = vector.broadcast %mul3A_479 : i32 to vector<16xi32>
            %add3A_481 = arith.addi %add3A_480, %select_n3A : vector<16xi32>
            %gather3A_482 = tpu.vector_load_idx %arg15[%add3A_481] : memref<32768xf32, #tpu.memory_space<vmem>>[vector<16xi32>], vector<16xf32>,
            %gather3A_483 = tpu.vector_load_idx %arg20[%broadcast_in_dim3A_477, %select_n3A_448] : memref<64x256xf32, #tpu.memory_space<vmem>>[vector<16xi32>, vector<16xi32>], vector<16xf32>,
            %mul3A_484 = arith.mulf %gather3A_482, %select_n3A_463 : vector<16xf32>
            %mul3A_485 = arith.constant 1.000000e-01 : f32
            %mul3A_486 = vector.broadcast %mul3A_485 : f32 to vector<16xf32>
            %mul3A_487 = arith.mulf %mul3A_486, %mul3A_484 : vector<16xf32>
            %mul3A_488 = arith.constant 0.899999976 : f32
            %mul3A_489 = vector.broadcast %mul3A_488 : f32 to vector<16xf32>
            %mul3A_490 = arith.mulf %mul3A_489, %gather3A_483 : vector<16xf32>
            %add3A_491 = arith.addf %mul3A_487, %mul3A_490 : vector<16xf32>
            %select_n3A_492 = arith.select %ne3A_452, %add3A_491, %mul3A_484 : vector<16xi1>, vector<16xf32>
            tpu.vector_store_idx %arg20[%broadcast_in_dim3A_477, %select_n3A_448], %select_n3A_492 masked %and3A_444 : memref<64x256xf32, #tpu.memory_space<vmem>>[vector<16xi32>, vector<16xi32>], vector<16xf32>, vector<16xi1>
            tpu.vector_store_idx %arg15[%add3A_481], %broadcast_in_dim3A_3 masked %and3A_444 : memref<32768xf32, #tpu.memory_space<vmem>>[vector<16xi32>], vector<16xf32>, vector<16xi1>
            %scan3A_493 = arith.constant 0 : i32
            %scan3A_494 = arith.constant 1 : i32
            %scan3A_495 = arith.addi %scan3A_475, %scan3A_494 : i32
            %broadcast_in_dim3A_496 = vector.broadcast %scan3A_495 : i32 to vector<16xi32>
            %mul3A_497 = arith.constant 512 : i32
            %mul3A_498 = arith.muli %scan3A_495, %mul3A_497 : i32
            %add3A_499 = vector.broadcast %mul3A_498 : i32 to vector<16xi32>
            %add3A_500 = arith.addi %add3A_499, %select_n3A : vector<16xi32>
            %gather3A_501 = tpu.vector_load_idx %arg15[%add3A_500] : memref<32768xf32, #tpu.memory_space<vmem>>[vector<16xi32>], vector<16xf32>,
            %gather3A_502 = tpu.vector_load_idx %arg20[%broadcast_in_dim3A_496, %select_n3A_448] : memref<64x256xf32, #tpu.memory_space<vmem>>[vector<16xi32>, vector<16xi32>], vector<16xf32>,
            %mul3A_503 = arith.mulf %gather3A_501, %select_n3A_463 : vector<16xf32>
            %mul3A_504 = arith.constant 1.000000e-01 : f32
            %mul3A_505 = vector.broadcast %mul3A_504 : f32 to vector<16xf32>
            %mul3A_506 = arith.mulf %mul3A_505, %mul3A_503 : vector<16xf32>
            %mul3A_507 = arith.constant 0.899999976 : f32
            %mul3A_508 = vector.broadcast %mul3A_507 : f32 to vector<16xf32>
            %mul3A_509 = arith.mulf %mul3A_508, %gather3A_502 : vector<16xf32>
            %add3A_510 = arith.addf %mul3A_506, %mul3A_509 : vector<16xf32>
            %select_n3A_511 = arith.select %ne3A_452, %add3A_510, %mul3A_503 : vector<16xi1>, vector<16xf32>
            tpu.vector_store_idx %arg20[%broadcast_in_dim3A_496, %select_n3A_448], %select_n3A_511 masked %and3A_444 : memref<64x256xf32, #tpu.memory_space<vmem>>[vector<16xi32>, vector<16xi32>], vector<16xf32>, vector<16xi1>
            tpu.vector_store_idx %arg15[%add3A_500], %broadcast_in_dim3A_3 masked %and3A_444 : memref<32768xf32, #tpu.memory_space<vmem>>[vector<16xi32>], vector<16xf32>, vector<16xi1>
            %scan3A_512 = arith.constant 0 : i32
            %scan3A_513 = arith.constant 2 : i32
            %scan3A_514 = arith.addi %scan3A_475, %scan3A_513 : i32
            %broadcast_in_dim3A_515 = vector.broadcast %scan3A_514 : i32 to vector<16xi32>
            %mul3A_516 = arith.constant 512 : i32
            %mul3A_517 = arith.muli %scan3A_514, %mul3A_516 : i32
            %add3A_518 = vector.broadcast %mul3A_517 : i32 to vector<16xi32>
            %add3A_519 = arith.addi %add3A_518, %select_n3A : vector<16xi32>
            %gather3A_520 = tpu.vector_load_idx %arg15[%add3A_519] : memref<32768xf32, #tpu.memory_space<vmem>>[vector<16xi32>], vector<16xf32>,
            %gather3A_521 = tpu.vector_load_idx %arg20[%broadcast_in_dim3A_515, %select_n3A_448] : memref<64x256xf32, #tpu.memory_space<vmem>>[vector<16xi32>, vector<16xi32>], vector<16xf32>,
            %mul3A_522 = arith.mulf %gather3A_520, %select_n3A_463 : vector<16xf32>
            %mul3A_523 = arith.constant 1.000000e-01 : f32
            %mul3A_524 = vector.broadcast %mul3A_523 : f32 to vector<16xf32>
            %mul3A_525 = arith.mulf %mul3A_524, %mul3A_522 : vector<16xf32>
            %mul3A_526 = arith.constant 0.899999976 : f32
            %mul3A_527 = vector.broadcast %mul3A_526 : f32 to vector<16xf32>
            %mul3A_528 = arith.mulf %mul3A_527, %gather3A_521 : vector<16xf32>
            %add3A_529 = arith.addf %mul3A_525, %mul3A_528 : vector<16xf32>
            %select_n3A_530 = arith.select %ne3A_452, %add3A_529, %mul3A_522 : vector<16xi1>, vector<16xf32>
            tpu.vector_store_idx %arg20[%broadcast_in_dim3A_515, %select_n3A_448], %select_n3A_530 masked %and3A_444 : memref<64x256xf32, #tpu.memory_space<vmem>>[vector<16xi32>, vector<16xi32>], vector<16xf32>, vector<16xi1>
            tpu.vector_store_idx %arg15[%add3A_519], %broadcast_in_dim3A_3 masked %and3A_444 : memref<32768xf32, #tpu.memory_space<vmem>>[vector<16xi32>], vector<16xf32>, vector<16xi1>
            %scan3A_531 = arith.constant 0 : i32
            %scan3A_532 = arith.constant 3 : i32
            %scan3A_533 = arith.addi %scan3A_475, %scan3A_532 : i32
            %broadcast_in_dim3A_534 = vector.broadcast %scan3A_533 : i32 to vector<16xi32>
            %mul3A_535 = arith.constant 512 : i32
            %mul3A_536 = arith.muli %scan3A_533, %mul3A_535 : i32
            %add3A_537 = vector.broadcast %mul3A_536 : i32 to vector<16xi32>
            %add3A_538 = arith.addi %add3A_537, %select_n3A : vector<16xi32>
            %gather3A_539 = tpu.vector_load_idx %arg15[%add3A_538] : memref<32768xf32, #tpu.memory_space<vmem>>[vector<16xi32>], vector<16xf32>,
            %gather3A_540 = tpu.vector_load_idx %arg20[%broadcast_in_dim3A_534, %select_n3A_448] : memref<64x256xf32, #tpu.memory_space<vmem>>[vector<16xi32>, vector<16xi32>], vector<16xf32>,
            %mul3A_541 = arith.mulf %gather3A_539, %select_n3A_463 : vector<16xf32>
            %mul3A_542 = arith.constant 1.000000e-01 : f32
            %mul3A_543 = vector.broadcast %mul3A_542 : f32 to vector<16xf32>
            %mul3A_544 = arith.mulf %mul3A_543, %mul3A_541 : vector<16xf32>
            %mul3A_545 = arith.constant 0.899999976 : f32
            %mul3A_546 = vector.broadcast %mul3A_545 : f32 to vector<16xf32>
            %mul3A_547 = arith.mulf %mul3A_546, %gather3A_540 : vector<16xf32>
            %add3A_548 = arith.addf %mul3A_544, %mul3A_547 : vector<16xf32>
            %select_n3A_549 = arith.select %ne3A_452, %add3A_548, %mul3A_541 : vector<16xi1>, vector<16xf32>
            tpu.vector_store_idx %arg20[%broadcast_in_dim3A_534, %select_n3A_448], %select_n3A_549 masked %and3A_444 : memref<64x256xf32, #tpu.memory_space<vmem>>[vector<16xi32>, vector<16xi32>], vector<16xf32>, vector<16xi1>
            tpu.vector_store_idx %arg15[%add3A_538], %broadcast_in_dim3A_3 masked %and3A_444 : memref<32768xf32, #tpu.memory_space<vmem>>[vector<16xi32>], vector<16xf32>, vector<16xi1>
            %scan3A_550 = arith.constant 0 : i32
            scf.yield %scan3A_550 : i32
          }
          %scan3A_470 = arith.constant 64 : i32
          %jit3A_471 = arith.constant 1.000000e+00 : f32
          %broadcast_in_dim3A_472 = vector.broadcast %jit3A_471 : f32 to vector<16xf32>
          %select_n3A_473 = arith.select %ne3A_452, %gather3A_450, %broadcast_in_dim3A_472 : vector<16xi1>, vector<16xf32>
          tpu.vector_store_idx %arg23[%select_n3A], %select_n3A_473 masked %and3A_444 : memref<512xf32, #tpu.memory_space<vmem>>[vector<16xi32>], vector<16xf32>, vector<16xi1>
          tpu.vector_store_idx %arg16[%select_n3A], %broadcast_in_dim3A_3 masked %and3A_444 : memref<512xf32, #tpu.memory_space<vmem>>[vector<16xi32>], vector<16xf32>, vector<16xi1>
          %while3A_474 = arith.constant 0 : i32
          scf.yield %while3A_474 : i32
        }
        %while3A_342 = arith.constant 1 : i32
        %while3A_343 = scf.for %while3A_426 = %while3A_339 to %while3A_335 step %while3A_342 iter_args(%while3A_427 = %while3A_341) -> (i32)  : i32 {
          %mul3A_428 = arith.constant 16 : i32
          %mul3A_429 = arith.muli %while3A_426, %mul3A_428 : i32
          %add3A_430 = vector.broadcast %mul3A_429 : i32 to vector<16xi32>
          %add3A_431 = arith.addi %add3A_430, %iota3A : vector<16xi32>
          %mul3A_432 = arith.constant 16 : i32
          %mul3A_433 = arith.muli %while3A_426, %mul3A_432 : i32
          %get3A = arith.index_cast %mul3A_433 : i32 to index
          %get3A_434 = tpu.vector_load %arg17[%get3A] {strides = array<i32>} : memref<528xi32, #tpu.memory_space<vmem>>, vector<16xi32>,
          %sub3A = arith.constant 0 : i32
          %sub3A_435 = vector.broadcast %sub3A : i32 to vector<16xi32>
          %sub3A_436 = arith.subi %get3A_434, %sub3A_435 : vector<16xi32>
          %lt3A_437 = vector.broadcast %reduce_max3A_187 : i32 to vector<16xi32>
          %lt3A_438 = arith.cmpi slt, %add3A_431, %lt3A_437 : vector<16xi32>
          %ge3A = arith.constant 0 : i32
          %ge3A_439 = vector.broadcast %ge3A : i32 to vector<16xi32>
          %ge3A_440 = arith.cmpi sge, %sub3A_436, %ge3A_439 : vector<16xi32>
          %and3A = arith.andi %lt3A_438, %ge3A_440 : vector<16xi1>
          %lt3A_441 = arith.constant 256 : i32
          %lt3A_442 = vector.broadcast %lt3A_441 : i32 to vector<16xi32>
          %lt3A_443 = arith.cmpi slt, %sub3A_436, %lt3A_442 : vector<16xi32>
          %and3A_444 = arith.andi %and3A, %lt3A_443 : vector<16xi1>
          %jit3A = arith.constant 0 : i32
          %broadcast_in_dim3A_445 = vector.broadcast %jit3A : i32 to vector<16xi32>
          %select_n3A = arith.select %and3A_444, %get3A_434, %broadcast_in_dim3A_445 : vector<16xi1>, vector<16xi32>
          %jit3A_446 = arith.constant 0 : i32
          %broadcast_in_dim3A_447 = vector.broadcast %jit3A_446 : i32 to vector<16xi32>
          %select_n3A_448 = arith.select %and3A_444, %sub3A_436, %broadcast_in_dim3A_447 : vector<16xi1>, vector<16xi32>
          %gather3A_449 = tpu.vector_load_idx %arg16[%select_n3A] : memref<512xf32, #tpu.memory_space<vmem>>[vector<16xi32>], vector<16xf32>,
          %gather3A_450 = tpu.vector_load_idx %arg23[%select_n3A] : memref<512xf32, #tpu.memory_space<vmem>>[vector<16xi32>], vector<16xf32>,
          %ne3A = arith.constant 0.000000e+00 : f32
          %ne3A_451 = vector.broadcast %ne3A : f32 to vector<16xf32>
          %ne3A_452 = arith.cmpf one, %gather3A_450, %ne3A_451 : vector<16xf32>
          %gt3A = arith.constant 1.000000e+00 : f32
          %gt3A_453 = vector.broadcast %gt3A : f32 to vector<16xf32>
          %gt3A_454 = arith.cmpf ogt, %gather3A_449, %gt3A_453 : vector<16xf32>
          %sub3A_455 = arith.constant 1.000000e+00 : f32
          %sub3A_456 = vector.broadcast %sub3A_455 : f32 to vector<16xf32>
          %sub3A_457 = arith.subf %gather3A_449, %sub3A_456 : vector<16xf32>
          %div3A_458 = arith.constant 1.000000e+00 : f32
          %div3A_459 = vector.broadcast %div3A_458 : f32 to vector<16xf32>
          %div3A_460 = arith.divf %div3A_459, %sub3A_457 : vector<16xf32>
          %jit3A_461 = arith.constant 1.000000e+00 : f32
          %broadcast_in_dim3A_462 = vector.broadcast %jit3A_461 : f32 to vector<16xf32>
          %select_n3A_463 = arith.select %gt3A_454, %div3A_460, %broadcast_in_dim3A_462 : vector<16xi1>, vector<16xf32>
          %scan3A_464 = arith.constant 0 : i32
          %scan3A_465 = arith.constant 0 : i32
          %scan3A_466 = arith.constant 64 : i32
          %scan3A_467 = arith.addi %scan3A_465, %scan3A_466 : i32
          %scan3A_468 = arith.constant 4 : i32
          %scan3A_469 = scf.for %scan3A_475 = %scan3A_465 to %scan3A_467 step %scan3A_468 iter_args(%scan3A_476 = %scan3A_464) -> (i32)  : i32 {
            %broadcast_in_dim3A_477 = vector.broadcast %scan3A_475 : i32 to vector<16xi32>
            %mul3A_478 = arith.constant 512 : i32
            %mul3A_479 = arith.muli %scan3A_475, %mul3A_478 : i32
            %add3A_480 = vector.broadcast %mul3A_479 : i32 to vector<16xi32>
            %add3A_481 = arith.addi %add3A_480, %select_n3A : vector<16xi32>
            %gather3A_482 = tpu.vector_load_idx %arg15[%add3A_481] : memref<32768xf32, #tpu.memory_space<vmem>>[vector<16xi32>], vector<16xf32>,
            %gather3A_483 = tpu.vector_load_idx %arg20[%broadcast_in_dim3A_477, %select_n3A_448] : memref<64x256xf32, #tpu.memory_space<vmem>>[vector<16xi32>, vector<16xi32>], vector<16xf32>,
            %mul3A_484 = arith.mulf %gather3A_482, %select_n3A_463 : vector<16xf32>
            %mul3A_485 = arith.constant 1.000000e-01 : f32
            %mul3A_486 = vector.broadcast %mul3A_485 : f32 to vector<16xf32>
            %mul3A_487 = arith.mulf %mul3A_486, %mul3A_484 : vector<16xf32>
            %mul3A_488 = arith.constant 0.899999976 : f32
            %mul3A_489 = vector.broadcast %mul3A_488 : f32 to vector<16xf32>
            %mul3A_490 = arith.mulf %mul3A_489, %gather3A_483 : vector<16xf32>
            %add3A_491 = arith.addf %mul3A_487, %mul3A_490 : vector<16xf32>
            %select_n3A_492 = arith.select %ne3A_452, %add3A_491, %mul3A_484 : vector<16xi1>, vector<16xf32>
            tpu.vector_store_idx %arg20[%broadcast_in_dim3A_477, %select_n3A_448], %select_n3A_492 masked %and3A_444 : memref<64x256xf32, #tpu.memory_space<vmem>>[vector<16xi32>, vector<16xi32>], vector<16xf32>, vector<16xi1>
            tpu.vector_store_idx %arg15[%add3A_481], %broadcast_in_dim3A_3 masked %and3A_444 : memref<32768xf32, #tpu.memory_space<vmem>>[vector<16xi32>], vector<16xf32>, vector<16xi1>
            %scan3A_493 = arith.constant 0 : i32
            %scan3A_494 = arith.constant 1 : i32
            %scan3A_495 = arith.addi %scan3A_475, %scan3A_494 : i32
            %broadcast_in_dim3A_496 = vector.broadcast %scan3A_495 : i32 to vector<16xi32>
            %mul3A_497 = arith.constant 512 : i32
            %mul3A_498 = arith.muli %scan3A_495, %mul3A_497 : i32
            %add3A_499 = vector.broadcast %mul3A_498 : i32 to vector<16xi32>
            %add3A_500 = arith.addi %add3A_499, %select_n3A : vector<16xi32>
            %gather3A_501 = tpu.vector_load_idx %arg15[%add3A_500] : memref<32768xf32, #tpu.memory_space<vmem>>[vector<16xi32>], vector<16xf32>,
            %gather3A_502 = tpu.vector_load_idx %arg20[%broadcast_in_dim3A_496, %select_n3A_448] : memref<64x256xf32, #tpu.memory_space<vmem>>[vector<16xi32>, vector<16xi32>], vector<16xf32>,
            %mul3A_503 = arith.mulf %gather3A_501, %select_n3A_463 : vector<16xf32>
            %mul3A_504 = arith.constant 1.000000e-01 : f32
            %mul3A_505 = vector.broadcast %mul3A_504 : f32 to vector<16xf32>
            %mul3A_506 = arith.mulf %mul3A_505, %mul3A_503 : vector<16xf32>
            %mul3A_507 = arith.constant 0.899999976 : f32
            %mul3A_508 = vector.broadcast %mul3A_507 : f32 to vector<16xf32>
            %mul3A_509 = arith.mulf %mul3A_508, %gather3A_502 : vector<16xf32>
            %add3A_510 = arith.addf %mul3A_506, %mul3A_509 : vector<16xf32>
            %select_n3A_511 = arith.select %ne3A_452, %add3A_510, %mul3A_503 : vector<16xi1>, vector<16xf32>
            tpu.vector_store_idx %arg20[%broadcast_in_dim3A_496, %select_n3A_448], %select_n3A_511 masked %and3A_444 : memref<64x256xf32, #tpu.memory_space<vmem>>[vector<16xi32>, vector<16xi32>], vector<16xf32>, vector<16xi1>
            tpu.vector_store_idx %arg15[%add3A_500], %broadcast_in_dim3A_3 masked %and3A_444 : memref<32768xf32, #tpu.memory_space<vmem>>[vector<16xi32>], vector<16xf32>, vector<16xi1>
            %scan3A_512 = arith.constant 0 : i32
            %scan3A_513 = arith.constant 2 : i32
            %scan3A_514 = arith.addi %scan3A_475, %scan3A_513 : i32
            %broadcast_in_dim3A_515 = vector.broadcast %scan3A_514 : i32 to vector<16xi32>
            %mul3A_516 = arith.constant 512 : i32
            %mul3A_517 = arith.muli %scan3A_514, %mul3A_516 : i32
            %add3A_518 = vector.broadcast %mul3A_517 : i32 to vector<16xi32>
            %add3A_519 = arith.addi %add3A_518, %select_n3A : vector<16xi32>
            %gather3A_520 = tpu.vector_load_idx %arg15[%add3A_519] : memref<32768xf32, #tpu.memory_space<vmem>>[vector<16xi32>], vector<16xf32>,
            %gather3A_521 = tpu.vector_load_idx %arg20[%broadcast_in_dim3A_515, %select_n3A_448] : memref<64x256xf32, #tpu.memory_space<vmem>>[vector<16xi32>, vector<16xi32>], vector<16xf32>,
            %mul3A_522 = arith.mulf %gather3A_520, %select_n3A_463 : vector<16xf32>
            %mul3A_523 = arith.constant 1.000000e-01 : f32
            %mul3A_524 = vector.broadcast %mul3A_523 : f32 to vector<16xf32>
            %mul3A_525 = arith.mulf %mul3A_524, %mul3A_522 : vector<16xf32>
            %mul3A_526 = arith.constant 0.899999976 : f32
            %mul3A_527 = vector.broadcast %mul3A_526 : f32 to vector<16xf32>
            %mul3A_528 = arith.mulf %mul3A_527, %gather3A_521 : vector<16xf32>
            %add3A_529 = arith.addf %mul3A_525, %mul3A_528 : vector<16xf32>
            %select_n3A_530 = arith.select %ne3A_452, %add3A_529, %mul3A_522 : vector<16xi1>, vector<16xf32>
            tpu.vector_store_idx %arg20[%broadcast_in_dim3A_515, %select_n3A_448], %select_n3A_530 masked %and3A_444 : memref<64x256xf32, #tpu.memory_space<vmem>>[vector<16xi32>, vector<16xi32>], vector<16xf32>, vector<16xi1>
            tpu.vector_store_idx %arg15[%add3A_519], %broadcast_in_dim3A_3 masked %and3A_444 : memref<32768xf32, #tpu.memory_space<vmem>>[vector<16xi32>], vector<16xf32>, vector<16xi1>
            %scan3A_531 = arith.constant 0 : i32
            %scan3A_532 = arith.constant 3 : i32
            %scan3A_533 = arith.addi %scan3A_475, %scan3A_532 : i32
            %broadcast_in_dim3A_534 = vector.broadcast %scan3A_533 : i32 to vector<16xi32>
            %mul3A_535 = arith.constant 512 : i32
            %mul3A_536 = arith.muli %scan3A_533, %mul3A_535 : i32
            %add3A_537 = vector.broadcast %mul3A_536 : i32 to vector<16xi32>
            %add3A_538 = arith.addi %add3A_537, %select_n3A : vector<16xi32>
            %gather3A_539 = tpu.vector_load_idx %arg15[%add3A_538] : memref<32768xf32, #tpu.memory_space<vmem>>[vector<16xi32>], vector<16xf32>,
            %gather3A_540 = tpu.vector_load_idx %arg20[%broadcast_in_dim3A_534, %select_n3A_448] : memref<64x256xf32, #tpu.memory_space<vmem>>[vector<16xi32>, vector<16xi32>], vector<16xf32>,
            %mul3A_541 = arith.mulf %gather3A_539, %select_n3A_463 : vector<16xf32>
            %mul3A_542 = arith.constant 1.000000e-01 : f32
            %mul3A_543 = vector.broadcast %mul3A_542 : f32 to vector<16xf32>
            %mul3A_544 = arith.mulf %mul3A_543, %mul3A_541 : vector<16xf32>
            %mul3A_545 = arith.constant 0.899999976 : f32
            %mul3A_546 = vector.broadcast %mul3A_545 : f32 to vector<16xf32>
            %mul3A_547 = arith.mulf %mul3A_546, %gather3A_540 : vector<16xf32>
            %add3A_548 = arith.addf %mul3A_544, %mul3A_547 : vector<16xf32>
            %select_n3A_549 = arith.select %ne3A_452, %add3A_548, %mul3A_541 : vector<16xi1>, vector<16xf32>
            tpu.vector_store_idx %arg20[%broadcast_in_dim3A_534, %select_n3A_448], %select_n3A_549 masked %and3A_444 : memref<64x256xf32, #tpu.memory_space<vmem>>[vector<16xi32>, vector<16xi32>], vector<16xf32>, vector<16xi1>
            tpu.vector_store_idx %arg15[%add3A_538], %broadcast_in_dim3A_3 masked %and3A_444 : memref<32768xf32, #tpu.memory_space<vmem>>[vector<16xi32>], vector<16xf32>, vector<16xi1>
            %scan3A_550 = arith.constant 0 : i32
            scf.yield %scan3A_550 : i32
          }
          %scan3A_470 = arith.constant 64 : i32
          %jit3A_471 = arith.constant 1.000000e+00 : f32
          %broadcast_in_dim3A_472 = vector.broadcast %jit3A_471 : f32 to vector<16xf32>
          %select_n3A_473 = arith.select %ne3A_452, %gather3A_450, %broadcast_in_dim3A_472 : vector<16xi1>, vector<16xf32>
          tpu.vector_store_idx %arg23[%select_n3A], %select_n3A_473 masked %and3A_444 : memref<512xf32, #tpu.memory_space<vmem>>[vector<16xi32>], vector<16xf32>, vector<16xi1>
          tpu.vector_store_idx %arg16[%select_n3A], %broadcast_in_dim3A_3 masked %and3A_444 : memref<512xf32, #tpu.memory_space<vmem>>[vector<16xi32>], vector<16xf32>, vector<16xi1>
          %while3A_474 = arith.constant 0 : i32
          scf.yield %while3A_474 : i32
        }
        %add3A_344 = arith.constant 0 : i32
        %add3A_345 = arith.addi %min3A_152, %add3A_344 : i32
        %dma_start3A_346 = arith.constant 0 : i32
        %dma_start3A_347 = tpu.memref_slice %arg8[%dma_start3A_346, %add3A_345] : memref<64x100000xf32, #tpu.memory_space<hbm>> -> memref<64x256xf32, #tpu.memory_space<hbm>>
        %dma_start3A_348 = arith.constant 0 : i32
        %dma_start3A_349 = tpu.memref_slice %arg8[%dma_start3A_348, %add3A_345] : memref<64x100000xf32, #tpu.memory_space<hbm>> -> memref<64x256xf32, #tpu.memory_space<hbm>>
        tpu.enqueue_dma source(%arg20 : memref<64x256xf32, #tpu.memory_space<vmem>>) target(%dma_start3A_349 : memref<64x256xf32, #tpu.memory_space<hbm>>) target_semaphore(%arg25 : memref<!tpu.dma_semaphore, #tpu.memory_space<semaphore_mem>>)
        %add3A_350 = arith.constant 0 : i32
        %add3A_351 = arith.addi %min3A_152, %add3A_350 : i32
        %dma_wait3A_352 = arith.constant 0 : i32
        %dma_wait3A_353 = tpu.memref_slice %arg8[%dma_wait3A_352, %add3A_351] : memref<64x100000xf32, #tpu.memory_space<hbm>> -> memref<64x256xf32, #tpu.memory_space<hbm>>
        %dma_wait3A_354 = arith.constant 0 : i32
        %dma_wait3A_355 = tpu.memref_slice %arg8[%dma_wait3A_354, %add3A_351] : memref<64x100000xf32, #tpu.memory_space<hbm>> -> memref<64x256xf32, #tpu.memory_space<hbm>>
        tpu.wait_dma2 semaphore(%arg25 : memref<!tpu.dma_semaphore, #tpu.memory_space<semaphore_mem>>) src(%arg20 : memref<64x256xf32, #tpu.memory_space<vmem>>) dst(%dma_wait3A_355 : memref<64x256xf32, #tpu.memory_space<hbm>>)
        %add3A_356 = arith.constant 256 : i32
        %add3A_357 = arith.addi %min3A_152, %add3A_356 : i32
        %dma_start3A_358 = arith.constant 0 : i32
        %dma_start3A_359 = tpu.memref_slice %arg5[%dma_start3A_358, %add3A_357] : memref<64x100000xf32, #tpu.memory_space<hbm>> -> memref<64x256xf32, #tpu.memory_space<hbm>>
        %dma_start3A_360 = arith.constant 0 : i32
        %dma_start3A_361 = tpu.memref_slice %arg5[%dma_start3A_360, %add3A_357] : memref<64x100000xf32, #tpu.memory_space<hbm>> -> memref<64x256xf32, #tpu.memory_space<hbm>>
        tpu.enqueue_dma source(%dma_start3A_361 : memref<64x256xf32, #tpu.memory_space<hbm>>) target(%arg20 : memref<64x256xf32, #tpu.memory_space<vmem>>) target_semaphore(%arg25 : memref<!tpu.dma_semaphore, #tpu.memory_space<semaphore_mem>>)
        %dma_wait3A_362 = arith.constant 0 : i32
        %dma_wait3A_363 = tpu.memref_slice %arg5[%dma_wait3A_362, %add3A_357] : memref<64x100000xf32, #tpu.memory_space<hbm>> -> memref<64x256xf32, #tpu.memory_space<hbm>>
        %dma_wait3A_364 = arith.constant 0 : i32
        %dma_wait3A_365 = tpu.memref_slice %arg5[%dma_wait3A_364, %add3A_357] : memref<64x100000xf32, #tpu.memory_space<hbm>> -> memref<64x256xf32, #tpu.memory_space<hbm>>
        tpu.wait_dma2 semaphore(%arg25 : memref<!tpu.dma_semaphore, #tpu.memory_space<semaphore_mem>>) src(%dma_wait3A_365 : memref<64x256xf32, #tpu.memory_space<hbm>>) dst(%arg20 : memref<64x256xf32, #tpu.memory_space<vmem>>)
        %broadcast_in_dim3A_366 = arith.constant 32 : i32
        %broadcast_in_dim3A_367 = vector.broadcast %broadcast_in_dim3A_366 : i32 to vector<16xi32>
        %gather3A_368 = tpu.vector_load_idx %arg18[%broadcast_in_dim3A_367] : memref<80xi32, #tpu.memory_space<vmem>>[vector<16xi32>], vector<16xi32>,
        %reduce_max3A_369 = arith.constant true
        %reduce_max3A_370 = vector.broadcast %reduce_max3A_369 : i1 to vector<16xi1>
        %reduce_max3A_371 = arith.constant -2147483648 : i32
        %reduce_max3A_372 = vector.broadcast %reduce_max3A_371 : i32 to vector<16xi32>
        %reduce_max3A_373 = arith.xori %gather3A_368, %reduce_max3A_372 : vector<16xi32>
        %reduce_max3A_374 = tpu.scan <max>, %reduce_max3A_373 masked %reduce_max3A_370 : vector<16xi32>, vector<16xi1> -> vector<16xi32>
        %reduce_max3A_375 = arith.xori %reduce_max3A_374, %reduce_max3A_372 : vector<16xi32>
        %reduce_max3A_376 = vector.extract %reduce_max3A_375[15] : i32 from vector<16xi32>
        %broadcast_in_dim3A_377 = arith.constant 64 : i32
        %broadcast_in_dim3A_378 = vector.broadcast %broadcast_in_dim3A_377 : i32 to vector<16xi32>
        %gather3A_379 = tpu.vector_load_idx %arg18[%broadcast_in_dim3A_378] : memref<80xi32, #tpu.memory_space<vmem>>[vector<16xi32>], vector<16xi32>,
        %reduce_max3A_380 = arith.constant true
        %reduce_max3A_381 = vector.broadcast %reduce_max3A_380 : i1 to vector<16xi1>
        %reduce_max3A_382 = arith.constant -2147483648 : i32
        %reduce_max3A_383 = vector.broadcast %reduce_max3A_382 : i32 to vector<16xi32>
        %reduce_max3A_384 = arith.xori %gather3A_379, %reduce_max3A_383 : vector<16xi32>
        %reduce_max3A_385 = tpu.scan <max>, %reduce_max3A_384 masked %reduce_max3A_381 : vector<16xi32>, vector<16xi1> -> vector<16xi32>
        %reduce_max3A_386 = arith.xori %reduce_max3A_385, %reduce_max3A_383 : vector<16xi32>
        %reduce_max3A_387 = vector.extract %reduce_max3A_386[15] : i32 from vector<16xi32>
        %min3A_388 = arith.minsi %reduce_max3A_387, %reduce_max3A_187 : i32
        %shift_right_logical3A_389 = arith.constant 4 : i32
        %shift_right_logical3A_390 = arith.shrui %reduce_max3A_376, %shift_right_logical3A_389 : i32
        %add3A_391 = arith.constant 15 : i32
        %add3A_392 = arith.addi %min3A_388, %add3A_391 : i32
        %div3A_393 = arith.constant 16 : i32
        %div3A_394 = arith.divsi %add3A_392, %div3A_393 : i32
        %while3A_395 = arith.constant 0 : i32
        %while3A_396 = arith.subi %div3A_394, %shift_right_logical3A_390 : i32
        %while3A_397 = arith.addi %shift_right_logical3A_390, %while3A_396 : i32
        %while3A_398 = arith.constant 1 : i32
        %while3A_399 = arith.divsi %while3A_396, %while3A_398 : i32
        %while3A_400 = arith.muli %while3A_399, %while3A_398 : i32
        %while3A_401 = arith.addi %shift_right_logical3A_390, %while3A_400 : i32
        %while3A_402 = arith.constant 1 : i32
        %while3A_403 = scf.for %while3A_426 = %shift_right_logical3A_390 to %while3A_401 step %while3A_402 iter_args(%while3A_427 = %while3A_395) -> (i32)  : i32 {
          %mul3A_428 = arith.constant 16 : i32
          %mul3A_429 = arith.muli %while3A_426, %mul3A_428 : i32
          %add3A_430 = vector.broadcast %mul3A_429 : i32 to vector<16xi32>
          %add3A_431 = arith.addi %add3A_430, %iota3A : vector<16xi32>
          %mul3A_432 = arith.constant 16 : i32
          %mul3A_433 = arith.muli %while3A_426, %mul3A_432 : i32
          %get3A = arith.index_cast %mul3A_433 : i32 to index
          %get3A_434 = tpu.vector_load %arg17[%get3A] {strides = array<i32>} : memref<528xi32, #tpu.memory_space<vmem>>, vector<16xi32>,
          %sub3A = arith.constant 256 : i32
          %sub3A_435 = vector.broadcast %sub3A : i32 to vector<16xi32>
          %sub3A_436 = arith.subi %get3A_434, %sub3A_435 : vector<16xi32>
          %lt3A_437 = vector.broadcast %reduce_max3A_187 : i32 to vector<16xi32>
          %lt3A_438 = arith.cmpi slt, %add3A_431, %lt3A_437 : vector<16xi32>
          %ge3A = arith.constant 0 : i32
          %ge3A_439 = vector.broadcast %ge3A : i32 to vector<16xi32>
          %ge3A_440 = arith.cmpi sge, %sub3A_436, %ge3A_439 : vector<16xi32>
          %and3A = arith.andi %lt3A_438, %ge3A_440 : vector<16xi1>
          %lt3A_441 = arith.constant 256 : i32
          %lt3A_442 = vector.broadcast %lt3A_441 : i32 to vector<16xi32>
          %lt3A_443 = arith.cmpi slt, %sub3A_436, %lt3A_442 : vector<16xi32>
          %and3A_444 = arith.andi %and3A, %lt3A_443 : vector<16xi1>
          %jit3A = arith.constant 0 : i32
          %broadcast_in_dim3A_445 = vector.broadcast %jit3A : i32 to vector<16xi32>
          %select_n3A = arith.select %and3A_444, %get3A_434, %broadcast_in_dim3A_445 : vector<16xi1>, vector<16xi32>
          %jit3A_446 = arith.constant 0 : i32
          %broadcast_in_dim3A_447 = vector.broadcast %jit3A_446 : i32 to vector<16xi32>
          %select_n3A_448 = arith.select %and3A_444, %sub3A_436, %broadcast_in_dim3A_447 : vector<16xi1>, vector<16xi32>
          %gather3A_449 = tpu.vector_load_idx %arg16[%select_n3A] : memref<512xf32, #tpu.memory_space<vmem>>[vector<16xi32>], vector<16xf32>,
          %gather3A_450 = tpu.vector_load_idx %arg23[%select_n3A] : memref<512xf32, #tpu.memory_space<vmem>>[vector<16xi32>], vector<16xf32>,
          %ne3A = arith.constant 0.000000e+00 : f32
          %ne3A_451 = vector.broadcast %ne3A : f32 to vector<16xf32>
          %ne3A_452 = arith.cmpf one, %gather3A_450, %ne3A_451 : vector<16xf32>
          %gt3A = arith.constant 1.000000e+00 : f32
          %gt3A_453 = vector.broadcast %gt3A : f32 to vector<16xf32>
          %gt3A_454 = arith.cmpf ogt, %gather3A_449, %gt3A_453 : vector<16xf32>
          %sub3A_455 = arith.constant 1.000000e+00 : f32
          %sub3A_456 = vector.broadcast %sub3A_455 : f32 to vector<16xf32>
          %sub3A_457 = arith.subf %gather3A_449, %sub3A_456 : vector<16xf32>
          %div3A_458 = arith.constant 1.000000e+00 : f32
          %div3A_459 = vector.broadcast %div3A_458 : f32 to vector<16xf32>
          %div3A_460 = arith.divf %div3A_459, %sub3A_457 : vector<16xf32>
          %jit3A_461 = arith.constant 1.000000e+00 : f32
          %broadcast_in_dim3A_462 = vector.broadcast %jit3A_461 : f32 to vector<16xf32>
          %select_n3A_463 = arith.select %gt3A_454, %div3A_460, %broadcast_in_dim3A_462 : vector<16xi1>, vector<16xf32>
          %scan3A_464 = arith.constant 0 : i32
          %scan3A_465 = arith.constant 0 : i32
          %scan3A_466 = arith.constant 64 : i32
          %scan3A_467 = arith.addi %scan3A_465, %scan3A_466 : i32
          %scan3A_468 = arith.constant 4 : i32
          %scan3A_469 = scf.for %scan3A_475 = %scan3A_465 to %scan3A_467 step %scan3A_468 iter_args(%scan3A_476 = %scan3A_464) -> (i32)  : i32 {
            %broadcast_in_dim3A_477 = vector.broadcast %scan3A_475 : i32 to vector<16xi32>
            %mul3A_478 = arith.constant 512 : i32
            %mul3A_479 = arith.muli %scan3A_475, %mul3A_478 : i32
            %add3A_480 = vector.broadcast %mul3A_479 : i32 to vector<16xi32>
            %add3A_481 = arith.addi %add3A_480, %select_n3A : vector<16xi32>
            %gather3A_482 = tpu.vector_load_idx %arg15[%add3A_481] : memref<32768xf32, #tpu.memory_space<vmem>>[vector<16xi32>], vector<16xf32>,
            %gather3A_483 = tpu.vector_load_idx %arg20[%broadcast_in_dim3A_477, %select_n3A_448] : memref<64x256xf32, #tpu.memory_space<vmem>>[vector<16xi32>, vector<16xi32>], vector<16xf32>,
            %mul3A_484 = arith.mulf %gather3A_482, %select_n3A_463 : vector<16xf32>
            %mul3A_485 = arith.constant 1.000000e-01 : f32
            %mul3A_486 = vector.broadcast %mul3A_485 : f32 to vector<16xf32>
            %mul3A_487 = arith.mulf %mul3A_486, %mul3A_484 : vector<16xf32>
            %mul3A_488 = arith.constant 0.899999976 : f32
            %mul3A_489 = vector.broadcast %mul3A_488 : f32 to vector<16xf32>
            %mul3A_490 = arith.mulf %mul3A_489, %gather3A_483 : vector<16xf32>
            %add3A_491 = arith.addf %mul3A_487, %mul3A_490 : vector<16xf32>
            %select_n3A_492 = arith.select %ne3A_452, %add3A_491, %mul3A_484 : vector<16xi1>, vector<16xf32>
            tpu.vector_store_idx %arg20[%broadcast_in_dim3A_477, %select_n3A_448], %select_n3A_492 masked %and3A_444 : memref<64x256xf32, #tpu.memory_space<vmem>>[vector<16xi32>, vector<16xi32>], vector<16xf32>, vector<16xi1>
            tpu.vector_store_idx %arg15[%add3A_481], %broadcast_in_dim3A_3 masked %and3A_444 : memref<32768xf32, #tpu.memory_space<vmem>>[vector<16xi32>], vector<16xf32>, vector<16xi1>
            %scan3A_493 = arith.constant 0 : i32
            %scan3A_494 = arith.constant 1 : i32
            %scan3A_495 = arith.addi %scan3A_475, %scan3A_494 : i32
            %broadcast_in_dim3A_496 = vector.broadcast %scan3A_495 : i32 to vector<16xi32>
            %mul3A_497 = arith.constant 512 : i32
            %mul3A_498 = arith.muli %scan3A_495, %mul3A_497 : i32
            %add3A_499 = vector.broadcast %mul3A_498 : i32 to vector<16xi32>
            %add3A_500 = arith.addi %add3A_499, %select_n3A : vector<16xi32>
            %gather3A_501 = tpu.vector_load_idx %arg15[%add3A_500] : memref<32768xf32, #tpu.memory_space<vmem>>[vector<16xi32>], vector<16xf32>,
            %gather3A_502 = tpu.vector_load_idx %arg20[%broadcast_in_dim3A_496, %select_n3A_448] : memref<64x256xf32, #tpu.memory_space<vmem>>[vector<16xi32>, vector<16xi32>], vector<16xf32>,
            %mul3A_503 = arith.mulf %gather3A_501, %select_n3A_463 : vector<16xf32>
            %mul3A_504 = arith.constant 1.000000e-01 : f32
            %mul3A_505 = vector.broadcast %mul3A_504 : f32 to vector<16xf32>
            %mul3A_506 = arith.mulf %mul3A_505, %mul3A_503 : vector<16xf32>
            %mul3A_507 = arith.constant 0.899999976 : f32
            %mul3A_508 = vector.broadcast %mul3A_507 : f32 to vector<16xf32>
            %mul3A_509 = arith.mulf %mul3A_508, %gather3A_502 : vector<16xf32>
            %add3A_510 = arith.addf %mul3A_506, %mul3A_509 : vector<16xf32>
            %select_n3A_511 = arith.select %ne3A_452, %add3A_510, %mul3A_503 : vector<16xi1>, vector<16xf32>
            tpu.vector_store_idx %arg20[%broadcast_in_dim3A_496, %select_n3A_448], %select_n3A_511 masked %and3A_444 : memref<64x256xf32, #tpu.memory_space<vmem>>[vector<16xi32>, vector<16xi32>], vector<16xf32>, vector<16xi1>
            tpu.vector_store_idx %arg15[%add3A_500], %broadcast_in_dim3A_3 masked %and3A_444 : memref<32768xf32, #tpu.memory_space<vmem>>[vector<16xi32>], vector<16xf32>, vector<16xi1>
            %scan3A_512 = arith.constant 0 : i32
            %scan3A_513 = arith.constant 2 : i32
            %scan3A_514 = arith.addi %scan3A_475, %scan3A_513 : i32
            %broadcast_in_dim3A_515 = vector.broadcast %scan3A_514 : i32 to vector<16xi32>
            %mul3A_516 = arith.constant 512 : i32
            %mul3A_517 = arith.muli %scan3A_514, %mul3A_516 : i32
            %add3A_518 = vector.broadcast %mul3A_517 : i32 to vector<16xi32>
            %add3A_519 = arith.addi %add3A_518, %select_n3A : vector<16xi32>
            %gather3A_520 = tpu.vector_load_idx %arg15[%add3A_519] : memref<32768xf32, #tpu.memory_space<vmem>>[vector<16xi32>], vector<16xf32>,
            %gather3A_521 = tpu.vector_load_idx %arg20[%broadcast_in_dim3A_515, %select_n3A_448] : memref<64x256xf32, #tpu.memory_space<vmem>>[vector<16xi32>, vector<16xi32>], vector<16xf32>,
            %mul3A_522 = arith.mulf %gather3A_520, %select_n3A_463 : vector<16xf32>
            %mul3A_523 = arith.constant 1.000000e-01 : f32
            %mul3A_524 = vector.broadcast %mul3A_523 : f32 to vector<16xf32>
            %mul3A_525 = arith.mulf %mul3A_524, %mul3A_522 : vector<16xf32>
            %mul3A_526 = arith.constant 0.899999976 : f32
            %mul3A_527 = vector.broadcast %mul3A_526 : f32 to vector<16xf32>
            %mul3A_528 = arith.mulf %mul3A_527, %gather3A_521 : vector<16xf32>
            %add3A_529 = arith.addf %mul3A_525, %mul3A_528 : vector<16xf32>
            %select_n3A_530 = arith.select %ne3A_452, %add3A_529, %mul3A_522 : vector<16xi1>, vector<16xf32>
            tpu.vector_store_idx %arg20[%broadcast_in_dim3A_515, %select_n3A_448], %select_n3A_530 masked %and3A_444 : memref<64x256xf32, #tpu.memory_space<vmem>>[vector<16xi32>, vector<16xi32>], vector<16xf32>, vector<16xi1>
            tpu.vector_store_idx %arg15[%add3A_519], %broadcast_in_dim3A_3 masked %and3A_444 : memref<32768xf32, #tpu.memory_space<vmem>>[vector<16xi32>], vector<16xf32>, vector<16xi1>
            %scan3A_531 = arith.constant 0 : i32
            %scan3A_532 = arith.constant 3 : i32
            %scan3A_533 = arith.addi %scan3A_475, %scan3A_532 : i32
            %broadcast_in_dim3A_534 = vector.broadcast %scan3A_533 : i32 to vector<16xi32>
            %mul3A_535 = arith.constant 512 : i32
            %mul3A_536 = arith.muli %scan3A_533, %mul3A_535 : i32
            %add3A_537 = vector.broadcast %mul3A_536 : i32 to vector<16xi32>
            %add3A_538 = arith.addi %add3A_537, %select_n3A : vector<16xi32>
            %gather3A_539 = tpu.vector_load_idx %arg15[%add3A_538] : memref<32768xf32, #tpu.memory_space<vmem>>[vector<16xi32>], vector<16xf32>,
            %gather3A_540 = tpu.vector_load_idx %arg20[%broadcast_in_dim3A_534, %select_n3A_448] : memref<64x256xf32, #tpu.memory_space<vmem>>[vector<16xi32>, vector<16xi32>], vector<16xf32>,
            %mul3A_541 = arith.mulf %gather3A_539, %select_n3A_463 : vector<16xf32>
            %mul3A_542 = arith.constant 1.000000e-01 : f32
            %mul3A_543 = vector.broadcast %mul3A_542 : f32 to vector<16xf32>
            %mul3A_544 = arith.mulf %mul3A_543, %mul3A_541 : vector<16xf32>
            %mul3A_545 = arith.constant 0.899999976 : f32
            %mul3A_546 = vector.broadcast %mul3A_545 : f32 to vector<16xf32>
            %mul3A_547 = arith.mulf %mul3A_546, %gather3A_540 : vector<16xf32>
            %add3A_548 = arith.addf %mul3A_544, %mul3A_547 : vector<16xf32>
            %select_n3A_549 = arith.select %ne3A_452, %add3A_548, %mul3A_541 : vector<16xi1>, vector<16xf32>
            tpu.vector_store_idx %arg20[%broadcast_in_dim3A_534, %select_n3A_448], %select_n3A_549 masked %and3A_444 : memref<64x256xf32, #tpu.memory_space<vmem>>[vector<16xi32>, vector<16xi32>], vector<16xf32>, vector<16xi1>
            tpu.vector_store_idx %arg15[%add3A_538], %broadcast_in_dim3A_3 masked %and3A_444 : memref<32768xf32, #tpu.memory_space<vmem>>[vector<16xi32>], vector<16xf32>, vector<16xi1>
            %scan3A_550 = arith.constant 0 : i32
            scf.yield %scan3A_550 : i32
          }
          %scan3A_470 = arith.constant 64 : i32
          %jit3A_471 = arith.constant 1.000000e+00 : f32
          %broadcast_in_dim3A_472 = vector.broadcast %jit3A_471 : f32 to vector<16xf32>
          %select_n3A_473 = arith.select %ne3A_452, %gather3A_450, %broadcast_in_dim3A_472 : vector<16xi1>, vector<16xf32>
          tpu.vector_store_idx %arg23[%select_n3A], %select_n3A_473 masked %and3A_444 : memref<512xf32, #tpu.memory_space<vmem>>[vector<16xi32>], vector<16xf32>, vector<16xi1>
          tpu.vector_store_idx %arg16[%select_n3A], %broadcast_in_dim3A_3 masked %and3A_444 : memref<512xf32, #tpu.memory_space<vmem>>[vector<16xi32>], vector<16xf32>, vector<16xi1>
          %while3A_474 = arith.constant 0 : i32
          scf.yield %while3A_474 : i32
        }
        %while3A_404 = arith.constant 1 : i32
        %while3A_405 = scf.for %while3A_426 = %while3A_401 to %while3A_397 step %while3A_404 iter_args(%while3A_427 = %while3A_403) -> (i32)  : i32 {
          %mul3A_428 = arith.constant 16 : i32
          %mul3A_429 = arith.muli %while3A_426, %mul3A_428 : i32
          %add3A_430 = vector.broadcast %mul3A_429 : i32 to vector<16xi32>
          %add3A_431 = arith.addi %add3A_430, %iota3A : vector<16xi32>
          %mul3A_432 = arith.constant 16 : i32
          %mul3A_433 = arith.muli %while3A_426, %mul3A_432 : i32
          %get3A = arith.index_cast %mul3A_433 : i32 to index
          %get3A_434 = tpu.vector_load %arg17[%get3A] {strides = array<i32>} : memref<528xi32, #tpu.memory_space<vmem>>, vector<16xi32>,
          %sub3A = arith.constant 256 : i32
          %sub3A_435 = vector.broadcast %sub3A : i32 to vector<16xi32>
          %sub3A_436 = arith.subi %get3A_434, %sub3A_435 : vector<16xi32>
          %lt3A_437 = vector.broadcast %reduce_max3A_187 : i32 to vector<16xi32>
          %lt3A_438 = arith.cmpi slt, %add3A_431, %lt3A_437 : vector<16xi32>
          %ge3A = arith.constant 0 : i32
          %ge3A_439 = vector.broadcast %ge3A : i32 to vector<16xi32>
          %ge3A_440 = arith.cmpi sge, %sub3A_436, %ge3A_439 : vector<16xi32>
          %and3A = arith.andi %lt3A_438, %ge3A_440 : vector<16xi1>
          %lt3A_441 = arith.constant 256 : i32
          %lt3A_442 = vector.broadcast %lt3A_441 : i32 to vector<16xi32>
          %lt3A_443 = arith.cmpi slt, %sub3A_436, %lt3A_442 : vector<16xi32>
          %and3A_444 = arith.andi %and3A, %lt3A_443 : vector<16xi1>
          %jit3A = arith.constant 0 : i32
          %broadcast_in_dim3A_445 = vector.broadcast %jit3A : i32 to vector<16xi32>
          %select_n3A = arith.select %and3A_444, %get3A_434, %broadcast_in_dim3A_445 : vector<16xi1>, vector<16xi32>
          %jit3A_446 = arith.constant 0 : i32
          %broadcast_in_dim3A_447 = vector.broadcast %jit3A_446 : i32 to vector<16xi32>
          %select_n3A_448 = arith.select %and3A_444, %sub3A_436, %broadcast_in_dim3A_447 : vector<16xi1>, vector<16xi32>
          %gather3A_449 = tpu.vector_load_idx %arg16[%select_n3A] : memref<512xf32, #tpu.memory_space<vmem>>[vector<16xi32>], vector<16xf32>,
          %gather3A_450 = tpu.vector_load_idx %arg23[%select_n3A] : memref<512xf32, #tpu.memory_space<vmem>>[vector<16xi32>], vector<16xf32>,
          %ne3A = arith.constant 0.000000e+00 : f32
          %ne3A_451 = vector.broadcast %ne3A : f32 to vector<16xf32>
          %ne3A_452 = arith.cmpf one, %gather3A_450, %ne3A_451 : vector<16xf32>
          %gt3A = arith.constant 1.000000e+00 : f32
          %gt3A_453 = vector.broadcast %gt3A : f32 to vector<16xf32>
          %gt3A_454 = arith.cmpf ogt, %gather3A_449, %gt3A_453 : vector<16xf32>
          %sub3A_455 = arith.constant 1.000000e+00 : f32
          %sub3A_456 = vector.broadcast %sub3A_455 : f32 to vector<16xf32>
          %sub3A_457 = arith.subf %gather3A_449, %sub3A_456 : vector<16xf32>
          %div3A_458 = arith.constant 1.000000e+00 : f32
          %div3A_459 = vector.broadcast %div3A_458 : f32 to vector<16xf32>
          %div3A_460 = arith.divf %div3A_459, %sub3A_457 : vector<16xf32>
          %jit3A_461 = arith.constant 1.000000e+00 : f32
          %broadcast_in_dim3A_462 = vector.broadcast %jit3A_461 : f32 to vector<16xf32>
          %select_n3A_463 = arith.select %gt3A_454, %div3A_460, %broadcast_in_dim3A_462 : vector<16xi1>, vector<16xf32>
          %scan3A_464 = arith.constant 0 : i32
          %scan3A_465 = arith.constant 0 : i32
          %scan3A_466 = arith.constant 64 : i32
          %scan3A_467 = arith.addi %scan3A_465, %scan3A_466 : i32
          %scan3A_468 = arith.constant 4 : i32
          %scan3A_469 = scf.for %scan3A_475 = %scan3A_465 to %scan3A_467 step %scan3A_468 iter_args(%scan3A_476 = %scan3A_464) -> (i32)  : i32 {
            %broadcast_in_dim3A_477 = vector.broadcast %scan3A_475 : i32 to vector<16xi32>
            %mul3A_478 = arith.constant 512 : i32
            %mul3A_479 = arith.muli %scan3A_475, %mul3A_478 : i32
            %add3A_480 = vector.broadcast %mul3A_479 : i32 to vector<16xi32>
            %add3A_481 = arith.addi %add3A_480, %select_n3A : vector<16xi32>
            %gather3A_482 = tpu.vector_load_idx %arg15[%add3A_481] : memref<32768xf32, #tpu.memory_space<vmem>>[vector<16xi32>], vector<16xf32>,
            %gather3A_483 = tpu.vector_load_idx %arg20[%broadcast_in_dim3A_477, %select_n3A_448] : memref<64x256xf32, #tpu.memory_space<vmem>>[vector<16xi32>, vector<16xi32>], vector<16xf32>,
            %mul3A_484 = arith.mulf %gather3A_482, %select_n3A_463 : vector<16xf32>
            %mul3A_485 = arith.constant 1.000000e-01 : f32
            %mul3A_486 = vector.broadcast %mul3A_485 : f32 to vector<16xf32>
            %mul3A_487 = arith.mulf %mul3A_486, %mul3A_484 : vector<16xf32>
            %mul3A_488 = arith.constant 0.899999976 : f32
            %mul3A_489 = vector.broadcast %mul3A_488 : f32 to vector<16xf32>
            %mul3A_490 = arith.mulf %mul3A_489, %gather3A_483 : vector<16xf32>
            %add3A_491 = arith.addf %mul3A_487, %mul3A_490 : vector<16xf32>
            %select_n3A_492 = arith.select %ne3A_452, %add3A_491, %mul3A_484 : vector<16xi1>, vector<16xf32>
            tpu.vector_store_idx %arg20[%broadcast_in_dim3A_477, %select_n3A_448], %select_n3A_492 masked %and3A_444 : memref<64x256xf32, #tpu.memory_space<vmem>>[vector<16xi32>, vector<16xi32>], vector<16xf32>, vector<16xi1>
            tpu.vector_store_idx %arg15[%add3A_481], %broadcast_in_dim3A_3 masked %and3A_444 : memref<32768xf32, #tpu.memory_space<vmem>>[vector<16xi32>], vector<16xf32>, vector<16xi1>
            %scan3A_493 = arith.constant 0 : i32
            %scan3A_494 = arith.constant 1 : i32
            %scan3A_495 = arith.addi %scan3A_475, %scan3A_494 : i32
            %broadcast_in_dim3A_496 = vector.broadcast %scan3A_495 : i32 to vector<16xi32>
            %mul3A_497 = arith.constant 512 : i32
            %mul3A_498 = arith.muli %scan3A_495, %mul3A_497 : i32
            %add3A_499 = vector.broadcast %mul3A_498 : i32 to vector<16xi32>
            %add3A_500 = arith.addi %add3A_499, %select_n3A : vector<16xi32>
            %gather3A_501 = tpu.vector_load_idx %arg15[%add3A_500] : memref<32768xf32, #tpu.memory_space<vmem>>[vector<16xi32>], vector<16xf32>,
            %gather3A_502 = tpu.vector_load_idx %arg20[%broadcast_in_dim3A_496, %select_n3A_448] : memref<64x256xf32, #tpu.memory_space<vmem>>[vector<16xi32>, vector<16xi32>], vector<16xf32>,
            %mul3A_503 = arith.mulf %gather3A_501, %select_n3A_463 : vector<16xf32>
            %mul3A_504 = arith.constant 1.000000e-01 : f32
            %mul3A_505 = vector.broadcast %mul3A_504 : f32 to vector<16xf32>
            %mul3A_506 = arith.mulf %mul3A_505, %mul3A_503 : vector<16xf32>
            %mul3A_507 = arith.constant 0.899999976 : f32
            %mul3A_508 = vector.broadcast %mul3A_507 : f32 to vector<16xf32>
            %mul3A_509 = arith.mulf %mul3A_508, %gather3A_502 : vector<16xf32>
            %add3A_510 = arith.addf %mul3A_506, %mul3A_509 : vector<16xf32>
            %select_n3A_511 = arith.select %ne3A_452, %add3A_510, %mul3A_503 : vector<16xi1>, vector<16xf32>
            tpu.vector_store_idx %arg20[%broadcast_in_dim3A_496, %select_n3A_448], %select_n3A_511 masked %and3A_444 : memref<64x256xf32, #tpu.memory_space<vmem>>[vector<16xi32>, vector<16xi32>], vector<16xf32>, vector<16xi1>
            tpu.vector_store_idx %arg15[%add3A_500], %broadcast_in_dim3A_3 masked %and3A_444 : memref<32768xf32, #tpu.memory_space<vmem>>[vector<16xi32>], vector<16xf32>, vector<16xi1>
            %scan3A_512 = arith.constant 0 : i32
            %scan3A_513 = arith.constant 2 : i32
            %scan3A_514 = arith.addi %scan3A_475, %scan3A_513 : i32
            %broadcast_in_dim3A_515 = vector.broadcast %scan3A_514 : i32 to vector<16xi32>
            %mul3A_516 = arith.constant 512 : i32
            %mul3A_517 = arith.muli %scan3A_514, %mul3A_516 : i32
            %add3A_518 = vector.broadcast %mul3A_517 : i32 to vector<16xi32>
            %add3A_519 = arith.addi %add3A_518, %select_n3A : vector<16xi32>
            %gather3A_520 = tpu.vector_load_idx %arg15[%add3A_519] : memref<32768xf32, #tpu.memory_space<vmem>>[vector<16xi32>], vector<16xf32>,
            %gather3A_521 = tpu.vector_load_idx %arg20[%broadcast_in_dim3A_515, %select_n3A_448] : memref<64x256xf32, #tpu.memory_space<vmem>>[vector<16xi32>, vector<16xi32>], vector<16xf32>,
            %mul3A_522 = arith.mulf %gather3A_520, %select_n3A_463 : vector<16xf32>
            %mul3A_523 = arith.constant 1.000000e-01 : f32
            %mul3A_524 = vector.broadcast %mul3A_523 : f32 to vector<16xf32>
            %mul3A_525 = arith.mulf %mul3A_524, %mul3A_522 : vector<16xf32>
            %mul3A_526 = arith.constant 0.899999976 : f32
            %mul3A_527 = vector.broadcast %mul3A_526 : f32 to vector<16xf32>
            %mul3A_528 = arith.mulf %mul3A_527, %gather3A_521 : vector<16xf32>
            %add3A_529 = arith.addf %mul3A_525, %mul3A_528 : vector<16xf32>
            %select_n3A_530 = arith.select %ne3A_452, %add3A_529, %mul3A_522 : vector<16xi1>, vector<16xf32>
            tpu.vector_store_idx %arg20[%broadcast_in_dim3A_515, %select_n3A_448], %select_n3A_530 masked %and3A_444 : memref<64x256xf32, #tpu.memory_space<vmem>>[vector<16xi32>, vector<16xi32>], vector<16xf32>, vector<16xi1>
            tpu.vector_store_idx %arg15[%add3A_519], %broadcast_in_dim3A_3 masked %and3A_444 : memref<32768xf32, #tpu.memory_space<vmem>>[vector<16xi32>], vector<16xf32>, vector<16xi1>
            %scan3A_531 = arith.constant 0 : i32
            %scan3A_532 = arith.constant 3 : i32
            %scan3A_533 = arith.addi %scan3A_475, %scan3A_532 : i32
            %broadcast_in_dim3A_534 = vector.broadcast %scan3A_533 : i32 to vector<16xi32>
            %mul3A_535 = arith.constant 512 : i32
            %mul3A_536 = arith.muli %scan3A_533, %mul3A_535 : i32
            %add3A_537 = vector.broadcast %mul3A_536 : i32 to vector<16xi32>
            %add3A_538 = arith.addi %add3A_537, %select_n3A : vector<16xi32>
            %gather3A_539 = tpu.vector_load_idx %arg15[%add3A_538] : memref<32768xf32, #tpu.memory_space<vmem>>[vector<16xi32>], vector<16xf32>,
            %gather3A_540 = tpu.vector_load_idx %arg20[%broadcast_in_dim3A_534, %select_n3A_448] : memref<64x256xf32, #tpu.memory_space<vmem>>[vector<16xi32>, vector<16xi32>], vector<16xf32>,
            %mul3A_541 = arith.mulf %gather3A_539, %select_n3A_463 : vector<16xf32>
            %mul3A_542 = arith.constant 1.000000e-01 : f32
            %mul3A_543 = vector.broadcast %mul3A_542 : f32 to vector<16xf32>
            %mul3A_544 = arith.mulf %mul3A_543, %mul3A_541 : vector<16xf32>
            %mul3A_545 = arith.constant 0.899999976 : f32
            %mul3A_546 = vector.broadcast %mul3A_545 : f32 to vector<16xf32>
            %mul3A_547 = arith.mulf %mul3A_546, %gather3A_540 : vector<16xf32>
            %add3A_548 = arith.addf %mul3A_544, %mul3A_547 : vector<16xf32>
            %select_n3A_549 = arith.select %ne3A_452, %add3A_548, %mul3A_541 : vector<16xi1>, vector<16xf32>
            tpu.vector_store_idx %arg20[%broadcast_in_dim3A_534, %select_n3A_448], %select_n3A_549 masked %and3A_444 : memref<64x256xf32, #tpu.memory_space<vmem>>[vector<16xi32>, vector<16xi32>], vector<16xf32>, vector<16xi1>
            tpu.vector_store_idx %arg15[%add3A_538], %broadcast_in_dim3A_3 masked %and3A_444 : memref<32768xf32, #tpu.memory_space<vmem>>[vector<16xi32>], vector<16xf32>, vector<16xi1>
            %scan3A_550 = arith.constant 0 : i32
            scf.yield %scan3A_550 : i32
          }
          %scan3A_470 = arith.constant 64 : i32
          %jit3A_471 = arith.constant 1.000000e+00 : f32
          %broadcast_in_dim3A_472 = vector.broadcast %jit3A_471 : f32 to vector<16xf32>
          %select_n3A_473 = arith.select %ne3A_452, %gather3A_450, %broadcast_in_dim3A_472 : vector<16xi1>, vector<16xf32>
          tpu.vector_store_idx %arg23[%select_n3A], %select_n3A_473 masked %and3A_444 : memref<512xf32, #tpu.memory_space<vmem>>[vector<16xi32>], vector<16xf32>, vector<16xi1>
          tpu.vector_store_idx %arg16[%select_n3A], %broadcast_in_dim3A_3 masked %and3A_444 : memref<512xf32, #tpu.memory_space<vmem>>[vector<16xi32>], vector<16xf32>, vector<16xi1>
          %while3A_474 = arith.constant 0 : i32
          scf.yield %while3A_474 : i32
        }
        %add3A_406 = arith.constant 256 : i32
        %add3A_407 = arith.addi %min3A_152, %add3A_406 : i32
        %dma_start3A_408 = arith.constant 0 : i32
        %dma_start3A_409 = tpu.memref_slice %arg8[%dma_start3A_408, %add3A_407] : memref<64x100000xf32, #tpu.memory_space<hbm>> -> memref<64x256xf32, #tpu.memory_space<hbm>>
        %dma_start3A_410 = arith.constant 0 : i32
        %dma_start3A_411 = tpu.memref_slice %arg8[%dma_start3A_410, %add3A_407] : memref<64x100000xf32, #tpu.memory_space<hbm>> -> memref<64x256xf32, #tpu.memory_space<hbm>>
        tpu.enqueue_dma source(%arg20 : memref<64x256xf32, #tpu.memory_space<vmem>>) target(%dma_start3A_411 : memref<64x256xf32, #tpu.memory_space<hbm>>) target_semaphore(%arg25 : memref<!tpu.dma_semaphore, #tpu.memory_space<semaphore_mem>>)
        %add3A_412 = arith.constant 256 : i32
        %add3A_413 = arith.addi %min3A_152, %add3A_412 : i32
        %dma_wait3A_414 = arith.constant 0 : i32
        %dma_wait3A_415 = tpu.memref_slice %arg8[%dma_wait3A_414, %add3A_413] : memref<64x100000xf32, #tpu.memory_space<hbm>> -> memref<64x256xf32, #tpu.memory_space<hbm>>
        %dma_wait3A_416 = arith.constant 0 : i32
        %dma_wait3A_417 = tpu.memref_slice %arg8[%dma_wait3A_416, %add3A_413] : memref<64x100000xf32, #tpu.memory_space<hbm>> -> memref<64x256xf32, #tpu.memory_space<hbm>>
        tpu.wait_dma2 semaphore(%arg25 : memref<!tpu.dma_semaphore, #tpu.memory_space<semaphore_mem>>) src(%arg20 : memref<64x256xf32, #tpu.memory_space<vmem>>) dst(%dma_wait3A_417 : memref<64x256xf32, #tpu.memory_space<hbm>>)
        %dma_start3A_418 = tpu.memref_slice %arg9[%min3A_152] : memref<100000xf32, #tpu.memory_space<hbm>> -> memref<512xf32, #tpu.memory_space<hbm>>
        %dma_start3A_419 = tpu.memref_slice %arg9[%min3A_152] : memref<100000xf32, #tpu.memory_space<hbm>> -> memref<512xf32, #tpu.memory_space<hbm>>
        tpu.enqueue_dma source(%arg23 : memref<512xf32, #tpu.memory_space<vmem>>) target(%dma_start3A_419 : memref<512xf32, #tpu.memory_space<hbm>>) target_semaphore(%arg27 : memref<!tpu.dma_semaphore, #tpu.memory_space<semaphore_mem>>)
        %dma_wait3A_420 = tpu.memref_slice %arg9[%min3A_152] : memref<100000xf32, #tpu.memory_space<hbm>> -> memref<512xf32, #tpu.memory_space<hbm>>
        %dma_wait3A_421 = tpu.memref_slice %arg9[%min3A_152] : memref<100000xf32, #tpu.memory_space<hbm>> -> memref<512xf32, #tpu.memory_space<hbm>>
        tpu.wait_dma2 semaphore(%arg27 : memref<!tpu.dma_semaphore, #tpu.memory_space<semaphore_mem>>) src(%arg23 : memref<512xf32, #tpu.memory_space<vmem>>) dst(%dma_wait3A_421 : memref<512xf32, #tpu.memory_space<hbm>>)
        %dma_wait3A_422 = arith.constant 0 : i32
        %dma_wait3A_423 = tpu.memref_slice %arg7[%dma_wait3A_422, %add3A_299] : memref<64x100000xf32, #tpu.memory_space<hbm>> -> memref<64x256xf32, #tpu.memory_space<hbm>>
        %dma_wait3A_424 = arith.constant 0 : i32
        %dma_wait3A_425 = tpu.memref_slice %arg7[%dma_wait3A_424, %add3A_299] : memref<64x100000xf32, #tpu.memory_space<hbm>> -> memref<64x256xf32, #tpu.memory_space<hbm>>
        tpu.wait_dma2 semaphore(%arg24 : memref<!tpu.dma_semaphore, #tpu.memory_space<semaphore_mem>>) src(%arg19 : memref<64x256xf32, #tpu.memory_space<vmem>>) dst(%dma_wait3A_425 : memref<64x256xf32, #tpu.memory_space<hbm>>)
      } else {
      }
    }
    %scan3A_139 = arith.constant 7 : i32
    return
  }
}

</mosaic_0001>

<sc_bundles>
// kernel: _run.3.cloned.1.call-start
scs
__scs_entry_jumppad:
0x0: {  	(pc) =	sbr.rel $0x88, $3  }
0x1: {  	(tag) =	ssettag $0x0;
	lr =	simm.s32 $0x1  }
0x2: {  	[smem:$0x3F9C] =	sst lr;
	_ =	strace $0xD0000000  }
0x3: {  	_ = 	snop  }
0x4: {  	_ = 	snop  }
0x5: {  	_ = 	snop  }
0x6: {  	_ = 	snop  }
0x7: {  	_ = 	snop  }
__scs_overlays_trampoline_lowered:
0x8: {  	[smem:$0x3FAB] =	sst s0  }
0x9: {  	[smem:$0x3FAC] =	sst s1  }
0xa: {  	[smem:$0x3FAD] =	sst s2  }
0xb: {  	[smem:$0x3FAE] =	sst s3  }
0xc: {  	[smem:$0x3FAF] =	sst s4  }
0xd: {  	[smem:$0x3FB0] =	sst s5  }
0xe: {  	[smem:$0x3FB1] =	sst s6  }
0xf: {  	[smem:$0x3FB2] =	sst s7  }
0x10: {  	[smem:$0x3FB3] =	sst s8  }
0x11: {  	[smem:$0x3FB4] =	sst s9;
	s0 =	simm.s32 @!p0 $0x0  }
0x12: {  	s1 =	sld [smem:$0x3F9A];
	s0 =	simm.s32 @p0 $0x1  }
0x13: {  	[smem:$0x3FB5] =	sst s0;
	s0 =	simm.s32 @!p1 $0x0  }
0x14: {  	s2 =	sld [smem:$0x3F99];
	s0 =	simm.s32 @p1 $0x1  }
0x15: {  	[smem:$0x3FB6] =	sst s0;
	s0 =	simm.s32 @!p2 $0x0  }
0x16: {  	s3 =	sld [smem:$0x3FDB];
	s0 =	simm.s32 @p2 $0x1  }
0x17: {  	s4 =	simm.s32 $0x1BF5;
	[smem:$0x3FB8] =	sst s0  }
0x18: {  	s0 =	sld [smem:$0x3F9B];
	_ =	swait.ge [sflag:s4], $0x0  }
0x19: {  	s7 =	sld [smem:$0x3F9C]  }
0x1a: {  	s8 =	sadd.s32 $0xFFFFE003, lr  }
0x1b: {  	s9 =	sadd.s32 $0xFFFFFEF7, lr;
	s5 =	simm.s32 $0xFFFFFFFF;
	p2 =	slt.u32 s8, $0xFFFFF086  }
0x1c: {  	p1 =	slt.u32 s9, $0xF7A;
	s5 =	simm.s32 @!p2 $0x0  }
0x1d: {  	s5 =	simm.s32 @p1 $0x1;
	p0 =	seq.s32 s7, s2  }
0x1e: {  	s7 =	smul.u32 @!p0 $0xF7A, s2;
	p2 =	seq.s32 @!p0 s5, $0x0  }
0x1f: {  	s9 =	smul.u32 $0xF7A, s1;
	s8 =	simm.s32 @!p0 $0x1BF5;
	p2 =	por !p2, p0  }
0x20: {  	[sflag:s8] =	ssyncset.s32 @!p0 $0xFFFFF086;
	s6 =	sadd.s32 @!p0 s3, s7;
	s7 =	simm.s32 @!p0 $0x108  }
0x21: {  	s3 =	sadd.s32 s3, s9;
	s6 =	sadd.s32 @!p0 $0x88, s6;
	s7 =	simm.s32 @p2 $0x1082  }
0x22: {  	[simem:s7], [sflag:s8] =	dma.local @!p0 [hbm:s6], $0xF7A  }
0x23: {  	s9 =	sor.u32 $0xD0000000, s2;
	s6 =	simm.s32 $0x108;
	_ =	swait.ge @!p0 [sflag:s8], $0x0  }
0x24: {  	s3 =	sadd.s32 $0x88, s3;
	s6 =	simm.s32 @!p1 $0x1082;
	[sflag:s4] =	ssyncset.s32 $0xFFFFF086  }
0x25: {  	[simem:s6], [sflag:s4] =	dma.local [hbm:s3], $0xF7A  }
0x26: {  	[smem:$0x3F9C] =	sst s1;
	(tag) =	ssettag s2;
	_ =	strace s9  }
0x27: {  	s1 =	sld [smem:$0x3FAC]  }
0x28: {  	s2 =	sld [smem:$0x3FAD]  }
0x29: {  	s4 =	sld [smem:$0x3FAF]  }
0x2a: {  	p0 =	seq.s32 s5, $0x0;
	s5 =	sld [smem:$0x3FB0]  }
0x2b: {  	s6 =	sld [smem:$0x3FB1]  }
0x2c: {  	s7 =	sld [smem:$0x3FB2]  }
0x2d: {  	s3 =	simm.s32 $0x108;
	s8 =	sld [smem:$0x3FB3]  }
0x2e: {  	s3 =	simm.s32 @!p0 $0x1082;
	s9 =	sld [smem:$0x3FB4]  }
0x2f: {  	lr =	sadd.s32 s0, s3;
	s0 =	sld [smem:$0x3FAB]  }
0x30: {  	s3 =	sld [smem:$0x3FAE]  }
0x31: {  	[smem:$0x3FB7] =	sst s10  }
0x32: {  	s10 =	sld [smem:$0x3FB5];
	_ =	sdelay $0x3  }
0x33: {  	p0 =	seq.s32 s10, $0x1;
	s10 =	sld [smem:$0x3FB7];
	_ =	sdelay $0x3  }
0x34: {  	[smem:$0x3FB7] =	sst s10  }
0x35: {  	s10 =	sld [smem:$0x3FB6];
	_ =	sdelay $0x3  }
0x36: {  	p1 =	seq.s32 s10, $0x1;
	s10 =	sld [smem:$0x3FB7];
	_ =	sdelay $0x3  }
0x37: {  	[smem:$0x3FB7] =	sst s10  }
0x38: {  	s10 =	sld [smem:$0x3FB8]  }
0x39: {  	_ = 	snop;
	(pc) =	sbr.ind lr, $3  }
0x3a: {  	_ = 	snop  }
0x3b: {  	_ = 	snop  }
0x3c: {  	p2 =	seq.s32 s10, $0x1;
	s10 =	sld [smem:$0x3FB7]  }
0x3d: {  	_ =	shalt  }
0x3e: {  	_ =	shalt  }
0x3f: {  	_ =	shalt  }
0x40: {  	_ =	shalt  }
0x41: {  	_ =	shalt  }
0x42: {  	_ =	shalt  }
0x43: {  	_ =	shalt  }
0x44: {  	_ =	shalt  }
0x45: {  	_ =	shalt  }
0x46: {  	_ =	shalt  }
0x47: {  	_ =	shalt  }
0x48: {  	_ =	shalt  }
0x49: {  	_ =	shalt  }
0x4a: {  	_ =	shalt  }
0x4b: {  	_ =	shalt  }
0x4c: {  	_ =	shalt  }
0x4d: {  	_ =	shalt  }
0x4e: {  	_ =	shalt  }
0x4f: {  	_ =	shalt  }
0x50: {  	_ =	shalt  }
0x51: {  	_ =	shalt  }
0x52: {  	_ =	shalt  }
0x53: {  	_ =	shalt  }
0x54: {  	_ =	shalt  }
0x55: {  	_ =	shalt  }
0x56: {  	_ =	shalt  }
0x57: {  	_ =	shalt  }
0x58: {  	_ =	shalt  }
0x59: {  	_ =	shalt  }
0x5a: {  	_ =	shalt  }
0x5b: {  	_ =	shalt  }
0x5c: {  	_ =	shalt  }
0x5d: {  	_ =	shalt  }
0x5e: {  	_ =	shalt  }
0x5f: {  	_ =	shalt  }
0x60: {  	_ =	shalt  }
0x61: {  	_ =	shalt  }
0x62: {  	_ =	shalt  }
0x63: {  	_ =	shalt  }
0x64: {  	_ =	shalt  }
0x65: {  	_ =	shalt  }
0x66: {  	_ =	shalt  }
0x67: {  	_ =	shalt  }
0x68: {  	_ =	shalt  }
0x69: {  	_ =	shalt  }
0x6a: {  	_ =	shalt  }
0x6b: {  	_ =	shalt  }
0x6c: {  	_ =	shalt  }
0x6d: {  	_ =	shalt  }
0x6e: {  	_ =	shalt  }
0x6f: {  	_ =	shalt  }
0x70: {  	_ =	shalt  }
0x71: {  	_ =	shalt  }
0x72: {  	_ =	shalt  }
0x73: {  	_ =	shalt  }
0x74: {  	_ =	shalt  }
0x75: {  	_ =	shalt  }
0x76: {  	_ =	shalt  }
0x77: {  	_ =	shalt  }
0x78: {  	_ =	shalt  }
0x79: {  	_ =	shalt  }
0x7a: {  	_ =	shalt  }
0x7b: {  	_ =	shalt  }
0x7c: {  	_ =	shalt  }
0x7d: {  	_ =	shalt  }
0x7e: {  	_ =	shalt  }
0x7f: {  	_ =	shalt  }
0x80: {  	_ =	shalt  }
0x81: {  	_ =	shalt  }
0x82: {  	_ =	shalt  }
0x83: {  	_ =	shalt  }
0x84: {  	_ =	shalt  }
0x85: {  	_ =	shalt  }
0x86: {  	_ =	shalt  }
0x87: {  	_ =	shalt  }
.Lfunc_end0:
.L_simem_size_0:
called_computation_lowered:
.L_overlay_start_0:
0x88: {  	s2 =	sld [smem:$0x3FD9]  }
0x89: {  	s3 =	sld [smem:$0x3FFE];
	_ =	sdelay $0x1  }
0x8a: {  	s1 =	srdreg.scid  }
0x8b: {  	s0 =	sand.u32 $0x1, s1  }
0x8c: {  	s14 =	sshll.u32 s0, $0xA;
	s2 =	sadd.s32 s3, s2  }
0x8d: {  	s2 =	sadd.s32 s2, s14  }
0x8e: {  	[smem:$0x3FC3] =	sst s2  }
0x8f: {  	_ = 	snop  }
0x90: {  	s2 =	sld [smem:$0x3FC8]  }
0x91: {  	s15 =	sld [smem:$0x3FD0]  }
0x92: {  	s4 =	sld [smem:$0x3FC7]  }
0x93: {  	s5 =	sld [smem:$0x3FC6]  }
0x94: {  	s7 =	simm.s32 $0xA;
	s8 =	simm.s32 $0x10;
	s6 =	sld [smem:$0x3FC5]  }
0x95: {  	[smem:s8], [sflag:s7] =	dma.local [hbm:s15], $0x1  }
0x96: {  	_ =	swait.eq [sflag:s7], $0x1  }
0x97: {  	s16 =	sld [smem:$0x10];
	[sflag:s7] =	ssyncset.done $0x0  }
0x98: {  	s17 =	sld [smem:$0x11];
	[sflag:s7] =	ssyncadd.s32 $0xFFFFFFFF  }
0x99: {  	s18 =	sld [smem:$0x12];
	(tm) =	ssettm $0x1  }
0x9a: {  	s9 =	sld [smem:$0x3FFB];
	_ =	sdelay $0x3  }
0x9b: {  	_ =	strace s9  }
0x9c: {  	s9 =	sld [smem:$0x3FFC];
	_ =	sdelay $0x3  }
0x9d: {  	_ =	strace s9  }
0x9e: {  	s9 =	sld [smem:$0x3FFD];
	_ =	sdelay $0x3  }
0x9f: {  	_ =	strace s9  }
0xa0: {  	_ =	strace $0x8FFFFFFF  }
0xa1: {  	s19 =	sld [smem:$0x3FDB];
	_ =	sdelay $0x1  }
0xa2: {  	s10 =	simm.s32 $_scs_section_size  }
0xa3: {  	s11 =	simm.s32 $_size__tile_overlayer_lowered;
	s12 =	simm.s32 $_tile_overlayer_lowered  }
0xa4: {  	s22 =	simm.s32 $0x1BFF;
	s21 =	sshll.u32 s12, $0x1;
	s9 =	sadd.s32 s10, s19  }
0xa5: {  	s13 =	simm.s32 $0x0;
	s20 =	sshll.u32 s11, $0x1;
	s11 =	sadd.s32 s21, s9  }
0xa6: {  	[timem:s13], [sflag:s22] =	dma.local [hbm:s11], s20  }
0xa7: {  	_ =	swait.ge [sflag:s22], s20  }
0xa8: {  	s10 =	ssub.s32 $0x0, s20;
	[sflag:s22] =	ssyncset.done $0x0  }
0xa9: {  	[sflag:s22] =	ssyncadd.s32 s10;
	_ =	sdelay $0x1  }
0xaa: {  	s23 =	simm.s32 $0x1B8B  }
0xab: {  	_ =	swait.ge [sflag:s23], $0x1  }
0xac: {  	[sflag:s23] =	ssyncset.done $0x0  }
0xad: {  	s25 =	simm.s32 $0x1B8E;
	s24 =	sld [smem:$0x3FFE];
	[sflag:s23] =	ssyncadd.s32 $0xFFFFFFFF  }
0xae: {  	s26 =	simm.s32 $execute0_lowered;
	[smem:$0x3FD2] =	sst s25  }
0xaf: {  	s11 =	sshll.u32 s26, $0x1;
	_ =	strace $0x80000046;
	[dreg:$0x1] =	wrdreg $0xFFFFFFFF  }
0xb0: {  	s28 =	simm.s32 $_size_execute0_lowered;
	s9 =	sadd.s32 s9, s11;
	[dreg:$0x0] =	wrdreg $0x0  }
0xb1: {  	s11 =	sshll.u32 s28, $0x1;
	[dreg:$0x2] =	wrdreg s9  }
0xb2: {  	[dreg:$0x3] =	wrdreg s11  }
0xb3: {  	[dreg:$0x4] =	wrdreg $0xC0  }
0xb4: {  	_ =	task [dreg:s13], $0x5FFFF  }
0xb5: {  	[dreg:$0x1] =	wrdreg $0xFFFFFFFF  }
0xb6: {  	[dreg:$0x0] =	wrdreg $0x60  }
0xb7: {  	[dreg:$0x2] =	wrdreg s24  }
0xb8: {  	[dreg:$0x3] =	wrdreg s2  }
0xb9: {  	[dreg:$0x4] =	wrdreg s4  }
0xba: {  	[dreg:$0x5] =	wrdreg s5  }
0xbb: {  	[dreg:$0x6] =	wrdreg s6  }
0xbc: {  	[dreg:$0x7] =	wrdreg s16  }
0xbd: {  	[dreg:$0x8] =	wrdreg s17  }
0xbe: {  	[dreg:$0x9] =	wrdreg s18  }
0xbf: {  	[dreg:$0xa] =	wrdreg $0x9  }
0xc0: {  	_ =	task.clear_ibuf [dreg:s13], $0xBFFFF;
	_ =	strace $0x90000046  }
0xc1: {  	s29 =	simm.s32 $0x9;
	_ =	strace $0x80000048  }
0xc2: {  	_ =	swait.ge [sflag:s29], $0x1  }
0xc3: {  	[sflag:s29] =	ssyncadd.s32 $0xFFFFFFFF  }
0xc4: {  	_ =	strace $0x90000048  }
0xc5: {  	_ =	sfence  }
0xc6: {  	s30 =	sld [smem:$0x0];
	_ =	sdelay $0x2  }
0xc7: {  	s31 =	sshll.u32 s1, $0xD;
	s1 =	sshrl.u32 s1, $0x2  }
0xc8: {  	s3 =	sand.u32 $0x4000, s31;
	s1 =	sadd.s32 s1, s30  }
0xc9: {  	s0 =	sor.u32 s3, s0;
	s1 =	sshll.u32 s1, $0x11  }
0xca: {  	s0 =	sor.u32 s1, s0  }
0xcb: {  	s0 =	sadd.s32 $0x8F2B, s0  }
0xcc: {  	[sflag:s0] =	ssyncadd.remote.s32 $0x1  }
0xcd: {  	_ =	sfence.sel $0xFFFF  }
0xce: {  	[dreg:$0x0] =	wrdreg $0xFFFFFFFF;
	(pc) =	sbr.abs _section_cstart, $3  }
0xcf: {  	[dreg:$0x1] =	wrdreg $0xFFFFFFFF  }
0xd0: {  	_ =	task.clear_ibuf [dreg:s13], $0x2FFFF;
	_ =	strace $0x9FFFFFFF  }
0xd1: {  	(tm) =	ssettm $0x7FFFFFFF  }
tec
execute0_lowered:
.L_overlay_start_1:
0x0: {  	(tag) =	ssettag $0x1  }
0x1: {  	s0 =	rddreg [dreg:$0x0]  }
0x2: {  	s5 =	rddreg [dreg:$0x1]  }
0x3: {  	s15 =	rddreg [dreg:$0x3];
	s1 =	srdreg.scid  }
0x4: {  	s2 =	simm.s32 $0x0;
	s4 =	stileid.u32;
	s7 =	simm.s32 $0x5  }
0x5: {  	s17 =	simm.s32 $0x800;
	s9 =	simm.s32 $0x6;
	s28 =	simm.s32 $0x19A00  }
0x6: {  	s29 =	simm.s32 $0x5080;
	s30 =	simm.s32 $0x20;
	s31 =	simm.s32 $0x1EA00  }
0x7: {  	s8 =	simm.s32 $0x3;
	s12 =	simm.s32 $0xD500;
	s13 =	simm.s32 $0x15500  }
0x8: {  	s14 =	simm.s32 $0x15700;
	s16 =	simm.s32 $0x1;
	s11 =	simm.s32 $0x0  }
0x9: {  	s1 =	sand.u32 $0x1, s1;
	[smem:$0x7FF] =	sst s2;
	s20 =	sadd.s32 $0x100, s5  }
0xa: {  	s21 =	sadd.s32 $0x200, s5;
	_ =	strace $0x80000047;
	[dreg:$0xa] =	wrdreg s20  }
0xb: {  	s4 =	sshll.u32 s4, $0x1;
	s22 =	sadd.s32 $0x300, s5;
	[dreg:$0xb] =	wrdreg s21  }
0xc: {  	s10 =	sadd.s32 $0x800, s0;
	s23 =	sadd.s32 $0x400, s5;
	[dreg:$0xc] =	wrdreg s22  }
0xd: {  	s24 =	sadd.s32 $0x500, s5;
	s25 =	sadd.s32 $0x600, s5;
	[dreg:$0xd] =	wrdreg s23  }
0xe: {  	s26 =	sadd.s32 $0x700, s5;
	s2 =	simm.s32 $0x1DA00;
	[dreg:$0xe] =	wrdreg s24  }
.Ltmp0:
0xf: {  	s18 =	ssub.s32 $0x2, s1;
	[dreg:$0xf] =	wrdreg s25;
	(pc) =	sbr.rel .LBB2_1-.Ltmp0, $4  }
0x10: {  	s6 =	sor.u32 s1, s4;
	[dreg:$0x10] =	wrdreg s26;
	s3 =	sshrl.u32 s18, $0x1  }
0x11: {  	v1 =	vimm.f32 $0.0e+00;
	v2 =	vimm.s32 $0x0;
	s22 =	simm.s32 $0x1000;
	s25 =	simm.s32 $0x15A00;
	s19 =	ssub.s32 s18, s3  }
0x12: {  	v3 =	vlaneseq.u32;
	v4 =	vimm.f32 $1.000000000e+00;
	s26 =	simm.s32 $0x1EA80;
	v0 =	vmov s6;
	[dreg:$0x9] =	wrdreg s6;
	s0 =	smax.u32 s19, $0x1  }
0x13: {  	v5 =	vimm.s32 $0x20;
	v6 =	vimm.s32 $0x40;
	vm0 =	veq.s32 v0, $0x3;
	s18 =	simm.s32 $0x2;
	[dreg:$0x11] =	wrdreg s0;
	s0 =	simm.s32 $0x5500  }
.LBB2_59:
0x14: {  	s11 =	rddreg [dreg:$0x12]  }
0x15: {  	s1 =	rddreg [dreg:$0x11];
	s11 =	sadd.s32 $0x1, s11  }
0x16: {  	p0 =	sne.s32 s11, s1  }
.Ltmp1:
0x17: {  	_ = 	snop;
	(pc) =	sbr.rel @!p0 .LBB2_60-.Ltmp1, $2  }
0x18: {  	_ =	sdelay $0x2  }
0x19: {  	s7 =	simm.s32 $0x5;
	s9 =	simm.s32 $0x6  }
.LBB2_1:
0x1a: {  	s1 =	rddreg [dreg:$0x1];
	s3 =	simm.s32 $0x0  }
0x1b: {  	[tilespmem:s3], [sflag:$0x5] =	stream.linear.gather [hbm4b:s1+s3], $0x800, $0x38;
	[tilespmem:$0x1EC80] =	vst v63  }
0x1c: {  	s1 =	simm.s32 $0x40;
	s3 =	simm.s32 $0x0  }
.LBB2_2:
0x1d: {  	p0 =	sne.s32 s1, $0x1FFC0;
	[tilespmem:s3+$0x5500] =	vst v1;
	s4 =	smov.u32 s1;
	s1 =	sadd.s32 $0x40, s1  }
.Ltmp2:
0x1e: {  	[tilespmem:s3+$0xD500] =	vst v1;
	(pc) =	sbr.rel @p0 .LBB2_2-.Ltmp2, $2  }
0x1f: {  	_ =	sdelay $0x2  }
0x20: {  	s3 =	sshra.s32 s4, $0x2  }
0x21: {  	[tilespmem:s3+$0x5500] =	vst v1  }
0x22: {  	[tilespmem:s3+$0xD500] =	vst v1  }
0x23: {  	[tilespmem:$0x15500] =	vst v1  }
0x24: {  	[tilespmem:$0x15510] =	vst v1  }
0x25: {  	[tilespmem:$0x15520] =	vst v1  }
0x26: {  	[tilespmem:$0x15530] =	vst v1  }
0x27: {  	[tilespmem:$0x15540] =	vst v1  }
0x28: {  	[tilespmem:$0x15550] =	vst v1  }
0x29: {  	[tilespmem:$0x15560] =	vst v1  }
0x2a: {  	[tilespmem:$0x15570] =	vst v1  }
0x2b: {  	[tilespmem:$0x15580] =	vst v1  }
0x2c: {  	[tilespmem:$0x15590] =	vst v1  }
0x2d: {  	[tilespmem:$0x155A0] =	vst v1  }
0x2e: {  	[tilespmem:$0x155B0] =	vst v1  }
0x2f: {  	[tilespmem:$0x155C0] =	vst v1  }
0x30: {  	[tilespmem:$0x155D0] =	vst v1  }
0x31: {  	[tilespmem:$0x155E0] =	vst v1  }
0x32: {  	[tilespmem:$0x155F0] =	vst v1  }
0x33: {  	[tilespmem:$0x15600] =	vst v1  }
0x34: {  	[tilespmem:$0x15610] =	vst v1  }
0x35: {  	[tilespmem:$0x15620] =	vst v1  }
0x36: {  	[tilespmem:$0x15630] =	vst v1  }
0x37: {  	[tilespmem:$0x15640] =	vst v1  }
0x38: {  	[tilespmem:$0x15650] =	vst v1  }
0x39: {  	[tilespmem:$0x15660] =	vst v1  }
0x3a: {  	[tilespmem:$0x15670] =	vst v1  }
0x3b: {  	[tilespmem:$0x15680] =	vst v1  }
0x3c: {  	[tilespmem:$0x15690] =	vst v1  }
0x3d: {  	[tilespmem:$0x156A0] =	vst v1  }
0x3e: {  	[tilespmem:$0x156B0] =	vst v1  }
0x3f: {  	[tilespmem:$0x156C0] =	vst v1  }
0x40: {  	[tilespmem:$0x156D0] =	vst v1  }
0x41: {  	[tilespmem:$0x156E0] =	vst v1  }
0x42: {  	[tilespmem:$0x156F0] =	vst v1  }
0x43: {  	_ =	swait.ge [sflag:s7], $0x800  }
0x44: {  	s1 =	simm.s32 $0x0;
	s3 =	simm.s32 $0xFFFFFFFC;
	[sflag:s7] =	ssyncset.done $0x0  }
0x45: {  	s4 =	simm.s32 $0x20;
	s24 =	rddreg [dreg:$0xa];
	[sflag:s7] =	ssyncadd.s32 $0xFFFFF800  }
0x46: {  	v7 =	vimm.s32 $0x0;
	[tilespmem:s17], [sflag:$0x6] =	stream.linear.gather [hbm4b:s24+s1], $0x800, $0x38;
	[tilespmem:$0x1EC80] =	vst v63  }
.LBB2_4:
0x47: {  	v8 =	vld [tilespmem:s4+$0xFFFFFFE0];
	_ =	sdelay $0x4  }
0x48: {  	v9 =	vshrl.u32 v8, $0x9  }
0x49: {  	vm1 =	vgt.s32 v8, $0x184FF;
	v9 =	vand.u32 $0x1F, v9  }
0x4a: {  	vm1 =	vmand vm0, vm1;
	vm2 =	veq.s32 v9, v0  }
0x4b: {  	vm1 =	vmor vm1, vm2  }
0x4c: {  	v51 =	vsel vm1, $0x1, v2  }
0x4d: {  	(xrf0) =	vadd.scan.msk.s32 $0xffff, v51;
	_ =	sdelay $0x5  }
0x4e: {  	v9, _, _ =	vpop (xrf0)  }
0x4f: {  	v9 =	vadd.s32 v9, v7  }
0x50: {  	v9 =	vadd.s32 $0xFFFFFFFF, v9;
	_ =	sdelay $0x1  }
0x51: {  	v8 =	vshll.u32 v8, $0xE  }
0x52: {  	v8 =	vadd.s32 s1, v8  }
0x53: {  	v8 =	vadd.s32 v3, v8  }
0x54: {  	[tilespmem:v9+s22+$0x0] =	vst.idx.msk vm1, v8  }
0x55: {  	v8 =	vld [tilespmem:s4+$0xFFFFFFF0];
	_ =	sdelay $0x4  }
0x56: {  	v52 =	vshrl.u32 v8, $0x9  }
0x57: {  	vm2 =	vgt.s32 v8, $0x184FF;
	v9 =	vand.u32 $0x1F, v52  }
0x58: {  	vm2 =	vmand vm0, vm2;
	vm3 =	veq.s32 v9, v0  }
0x59: {  	vm2 =	vmor vm2, vm3  }
0x5a: {  	v53 =	vsel vm2, $0x1, v2  }
0x5b: {  	(xrf0) =	vadd.scan.msk.s32 $0xffff, v53;
	_ =	sdelay $0x3  }
0x5c: {  	v54 =	vmpcnt.ones.xlane vm1;
	_ =	sdelay $0x1  }
0x5d: {  	v7 =	vadd.s32 v7, v54;
	v55, _, _ =	vpop (xrf0)  }
0x5e: {  	v9 =	vadd.s32 v55, v7  }
0x5f: {  	v9 =	vadd.s32 $0xFFFFFFFF, v9;
	_ =	sdelay $0x1  }
0x60: {  	s5 =	sadd.s32 $0x10, s1;
	v8 =	vshll.u32 v8, $0xE  }
0x61: {  	v8 =	vadd.s32 s5, v8  }
0x62: {  	v8 =	vadd.s32 v3, v8  }
0x63: {  	[tilespmem:v9+s22+$0x0] =	vst.idx.msk vm2, v8  }
0x64: {  	v8 =	vld [tilespmem:s4+$0x0];
	_ =	sdelay $0x4  }
0x65: {  	v56 =	vshrl.u32 v8, $0x9  }
0x66: {  	vm1 =	vgt.s32 v8, $0x184FF;
	v9 =	vand.u32 $0x1F, v56  }
0x67: {  	vm1 =	vmand vm0, vm1;
	vm3 =	veq.s32 v9, v0  }
0x68: {  	vm1 =	vmor vm1, vm3  }
0x69: {  	v57 =	vsel vm1, $0x1, v2  }
0x6a: {  	(xrf0) =	vadd.scan.msk.s32 $0xffff, v57;
	_ =	sdelay $0x3  }
0x6b: {  	v58 =	vmpcnt.ones.xlane vm2;
	_ =	sdelay $0x1  }
0x6c: {  	v7 =	vadd.s32 v7, v58;
	v59, _, _ =	vpop (xrf0)  }
0x6d: {  	v9 =	vadd.s32 v59, v7  }
0x6e: {  	v9 =	vadd.s32 $0xFFFFFFFF, v9;
	_ =	sdelay $0x1  }
0x6f: {  	s23 =	sadd.s32 $0x20, s1;
	v8 =	vshll.u32 v8, $0xE  }
0x70: {  	v8 =	vadd.s32 s23, v8  }
0x71: {  	v8 =	vadd.s32 v3, v8  }
0x72: {  	[tilespmem:v9+s22+$0x0] =	vst.idx.msk vm1, v8  }
0x73: {  	v8 =	vld [tilespmem:s4+$0x10];
	_ =	sdelay $0x4  }
0x74: {  	v60 =	vshrl.u32 v8, $0x9  }
0x75: {  	vm2 =	vgt.s32 v8, $0x184FF;
	v9 =	vand.u32 $0x1F, v60  }
0x76: {  	vm2 =	vmand vm0, vm2;
	vm3 =	veq.s32 v9, v0  }
0x77: {  	vm2 =	vmor vm2, vm3  }
0x78: {  	v61 =	vsel vm2, $0x1, v2  }
0x79: {  	(xrf0) =	vadd.scan.msk.s32 $0xffff, v61;
	_ =	sdelay $0x3  }
0x7a: {  	v62 =	vmpcnt.ones.xlane vm1;
	_ =	sdelay $0x1  }
0x7b: {  	v7 =	vadd.s32 v7, v62;
	v63, _, _ =	vpop (xrf0)  }
0x7c: {  	s3 =	sadd.s32 $0x4, s3;
	v9 =	vadd.s32 v63, v7  }
0x7d: {  	p0 =	slt.u32 s3, $0x7C;
	v9 =	vadd.s32 $0xFFFFFFFF, v9  }
.Ltmp3:
0x7e: {  	_ = 	snop;
	(pc) =	sbr.rel @p0 .LBB2_4-.Ltmp3, $4  }
0x7f: {  	s24 =	sadd.s32 $0x30, s1;
	v8 =	vshll.u32 v8, $0xE  }
0x80: {  	v8 =	vadd.s32 s24, v8;
	v10 =	vmpcnt.ones.xlane vm2  }
0x81: {  	v8 =	vadd.s32 v3, v8  }
0x82: {  	s1 =	sadd.s32 $0x40, s1;
	s4 =	sadd.s32 $0x40, s4;
	v7 =	vadd.s32 v7, v10;
	[tilespmem:v9+s22+$0x0] =	vst.idx.msk vm2, v8  }
0x83: {  	_ =	swait.ge [sflag:s9], $0x800  }
0x84: {  	[sflag:s9] =	ssyncset.done $0x0  }
0x85: {  	s1 =	simm.s32 $0x0;
	s3 =	rddreg [dreg:$0xb];
	[sflag:s9] =	ssyncadd.s32 $0xFFFFF800  }
0x86: {  	[tilespmem:s1], [sflag:$0x5] =	stream.linear.gather [hbm4b:s3+s1], $0x800, $0x38;
	[tilespmem:$0x1EC80] =	vst v63  }
0x87: {  	s4 =	simm.s32 $0x820;
	s1 =	simm.s32 $0xFFFFFFFC;
	s3 =	simm.s32 $0x830  }
.LBB2_6:
0x88: {  	v8 =	vld [tilespmem:s4+$0xFFFFFFE0];
	_ =	sdelay $0x4  }
0x89: {  	v9 =	vshrl.u32 v8, $0x9  }
0x8a: {  	vm1 =	vgt.s32 v8, $0x184FF;
	v9 =	vand.u32 $0x1F, v9  }
0x8b: {  	vm1 =	vmand vm0, vm1;
	vm2 =	veq.s32 v9, v0  }
0x8c: {  	vm1 =	vmor vm1, vm2  }
0x8d: {  	v51 =	vsel vm1, $0x1, v2  }
0x8e: {  	(xrf0) =	vadd.scan.msk.s32 $0xffff, v51;
	_ =	sdelay $0x5  }
0x8f: {  	v9, _, _ =	vpop (xrf0)  }
0x90: {  	v9 =	vadd.s32 v9, v7  }
0x91: {  	v9 =	vadd.s32 $0xFFFFFFFF, v9;
	_ =	sdelay $0x1  }
0x92: {  	s5 =	sadd.s32 $0xFFFFFFD0, s3;
	v8 =	vshll.u32 v8, $0xE  }
0x93: {  	v8 =	vadd.s32 s5, v8  }
0x94: {  	v8 =	vadd.s32 v3, v8  }
0x95: {  	[tilespmem:v9+s22+$0x0] =	vst.idx.msk vm1, v8  }
0x96: {  	v8 =	vld [tilespmem:s4+$0xFFFFFFF0];
	_ =	sdelay $0x4  }
0x97: {  	v52 =	vshrl.u32 v8, $0x9  }
0x98: {  	vm2 =	vgt.s32 v8, $0x184FF;
	v9 =	vand.u32 $0x1F, v52  }
0x99: {  	vm2 =	vmand vm0, vm2;
	vm3 =	veq.s32 v9, v0  }
0x9a: {  	vm2 =	vmor vm2, vm3  }
0x9b: {  	v53 =	vsel vm2, $0x1, v2  }
0x9c: {  	(xrf0) =	vadd.scan.msk.s32 $0xffff, v53;
	_ =	sdelay $0x3  }
0x9d: {  	v54 =	vmpcnt.ones.xlane vm1;
	_ =	sdelay $0x1  }
0x9e: {  	v7 =	vadd.s32 v7, v54;
	v55, _, _ =	vpop (xrf0)  }
0x9f: {  	v9 =	vadd.s32 v55, v7  }
0xa0: {  	v9 =	vadd.s32 $0xFFFFFFFF, v9;
	_ =	sdelay $0x1  }
0xa1: {  	s23 =	sadd.s32 $0xFFFFFFE0, s3;
	v8 =	vshll.u32 v8, $0xE  }
0xa2: {  	v8 =	vadd.s32 s23, v8  }
0xa3: {  	v8 =	vadd.s32 v3, v8  }
0xa4: {  	[tilespmem:v9+s22+$0x0] =	vst.idx.msk vm2, v8  }
0xa5: {  	v8 =	vld [tilespmem:s4+$0x0];
	_ =	sdelay $0x4  }
0xa6: {  	v56 =	vshrl.u32 v8, $0x9  }
0xa7: {  	vm1 =	vgt.s32 v8, $0x184FF;
	v9 =	vand.u32 $0x1F, v56  }
0xa8: {  	vm1 =	vmand vm0, vm1;
	vm3 =	veq.s32 v9, v0  }
0xa9: {  	vm1 =	vmor vm1, vm3  }
0xaa: {  	v57 =	vsel vm1, $0x1, v2  }
0xab: {  	(xrf0) =	vadd.scan.msk.s32 $0xffff, v57;
	_ =	sdelay $0x3  }
0xac: {  	v58 =	vmpcnt.ones.xlane vm2;
	_ =	sdelay $0x1  }
0xad: {  	v7 =	vadd.s32 v7, v58;
	v59, _, _ =	vpop (xrf0)  }
0xae: {  	v9 =	vadd.s32 v59, v7  }
0xaf: {  	v9 =	vadd.s32 $0xFFFFFFFF, v9;
	_ =	sdelay $0x1  }
0xb0: {  	s24 =	sadd.s32 $0xFFFFFFF0, s3;
	v8 =	vshll.u32 v8, $0xE  }
0xb1: {  	v8 =	vadd.s32 s24, v8  }
0xb2: {  	v8 =	vadd.s32 v3, v8  }
0xb3: {  	[tilespmem:v9+s22+$0x0] =	vst.idx.msk vm1, v8  }
0xb4: {  	v8 =	vld [tilespmem:s4+$0x10];
	_ =	sdelay $0x4  }
0xb5: {  	v60 =	vshrl.u32 v8, $0x9  }
0xb6: {  	vm2 =	vgt.s32 v8, $0x184FF;
	v9 =	vand.u32 $0x1F, v60  }
0xb7: {  	vm2 =	vmand vm0, vm2;
	vm3 =	veq.s32 v9, v0  }
0xb8: {  	vm2 =	vmor vm2, vm3  }
0xb9: {  	v61 =	vsel vm2, $0x1, v2  }
0xba: {  	(xrf0) =	vadd.scan.msk.s32 $0xffff, v61;
	_ =	sdelay $0x3  }
0xbb: {  	v62 =	vmpcnt.ones.xlane vm1;
	_ =	sdelay $0x1  }
0xbc: {  	v7 =	vadd.s32 v7, v62;
	v63, _, _ =	vpop (xrf0)  }
0xbd: {  	s1 =	sadd.s32 $0x4, s1;
	v9 =	vadd.s32 v63, v7  }
0xbe: {  	p0 =	slt.u32 s1, $0x7C;
	v9 =	vadd.s32 $0xFFFFFFFF, v9  }
.Ltmp4:
0xbf: {  	_ = 	snop;
	(pc) =	sbr.rel @p0 .LBB2_6-.Ltmp4, $4  }
0xc0: {  	v8 =	vshll.u32 v8, $0xE  }
0xc1: {  	v8 =	vadd.s32 s3, v8;
	v10 =	vmpcnt.ones.xlane vm2  }
0xc2: {  	v8 =	vadd.s32 v3, v8  }
0xc3: {  	s4 =	sadd.s32 $0x40, s4;
	s3 =	sadd.s32 $0x40, s3;
	v7 =	vadd.s32 v7, v10;
	[tilespmem:v9+s22+$0x0] =	vst.idx.msk vm2, v8  }
0xc4: {  	_ =	swait.ge [sflag:s7], $0x800  }
0xc5: {  	[sflag:s7] =	ssyncset.done $0x0  }
0xc6: {  	s1 =	simm.s32 $0x0;
	s3 =	rddreg [dreg:$0xc];
	[sflag:s7] =	ssyncadd.s32 $0xFFFFF800  }
0xc7: {  	[tilespmem:s17], [sflag:$0x6] =	stream.linear.gather [hbm4b:s3+s1], $0x800, $0x38;
	[tilespmem:$0x1EC80] =	vst v63  }
0xc8: {  	s4 =	simm.s32 $0x20;
	s1 =	simm.s32 $0xFFFFFFFC;
	s3 =	simm.s32 $0x1030  }
.LBB2_8:
0xc9: {  	v8 =	vld [tilespmem:s4+$0xFFFFFFE0];
	_ =	sdelay $0x4  }
0xca: {  	v9 =	vshrl.u32 v8, $0x9  }
0xcb: {  	vm1 =	vgt.s32 v8, $0x184FF;
	v9 =	vand.u32 $0x1F, v9  }
0xcc: {  	vm1 =	vmand vm0, vm1;
	vm2 =	veq.s32 v9, v0  }
0xcd: {  	vm1 =	vmor vm1, vm2  }
0xce: {  	v51 =	vsel vm1, $0x1, v2  }
0xcf: {  	(xrf0) =	vadd.scan.msk.s32 $0xffff, v51;
	_ =	sdelay $0x5  }
0xd0: {  	v9, _, _ =	vpop (xrf0)  }
0xd1: {  	v9 =	vadd.s32 v9, v7  }
0xd2: {  	v9 =	vadd.s32 $0xFFFFFFFF, v9;
	_ =	sdelay $0x1  }
0xd3: {  	s5 =	sadd.s32 $0xFFFFFFD0, s3;
	v8 =	vshll.u32 v8, $0xE  }
0xd4: {  	v8 =	vadd.s32 s5, v8  }
0xd5: {  	v8 =	vadd.s32 v3, v8  }
0xd6: {  	[tilespmem:v9+s22+$0x0] =	vst.idx.msk vm1, v8  }
0xd7: {  	v8 =	vld [tilespmem:s4+$0xFFFFFFF0];
	_ =	sdelay $0x4  }
0xd8: {  	v52 =	vshrl.u32 v8, $0x9  }
0xd9: {  	vm2 =	vgt.s32 v8, $0x184FF;
	v9 =	vand.u32 $0x1F, v52  }
0xda: {  	vm2 =	vmand vm0, vm2;
	vm3 =	veq.s32 v9, v0  }
0xdb: {  	vm2 =	vmor vm2, vm3  }
0xdc: {  	v53 =	vsel vm2, $0x1, v2  }
0xdd: {  	(xrf0) =	vadd.scan.msk.s32 $0xffff, v53;
	_ =	sdelay $0x3  }
0xde: {  	v54 =	vmpcnt.ones.xlane vm1;
	_ =	sdelay $0x1  }
0xdf: {  	v7 =	vadd.s32 v7, v54;
	v55, _, _ =	vpop (xrf0)  }
0xe0: {  	v9 =	vadd.s32 v55, v7  }
0xe1: {  	v9 =	vadd.s32 $0xFFFFFFFF, v9;
	_ =	sdelay $0x1  }
0xe2: {  	s23 =	sadd.s32 $0xFFFFFFE0, s3;
	v8 =	vshll.u32 v8, $0xE  }
0xe3: {  	v8 =	vadd.s32 s23, v8  }
0xe4: {  	v8 =	vadd.s32 v3, v8  }
0xe5: {  	[tilespmem:v9+s22+$0x0] =	vst.idx.msk vm2, v8  }
0xe6: {  	v8 =	vld [tilespmem:s4+$0x0];
	_ =	sdelay $0x4  }
0xe7: {  	v56 =	vshrl.u32 v8, $0x9  }
0xe8: {  	vm1 =	vgt.s32 v8, $0x184FF;
	v9 =	vand.u32 $0x1F, v56  }
0xe9: {  	vm1 =	vmand vm0, vm1;
	vm3 =	veq.s32 v9, v0  }
0xea: {  	vm1 =	vmor vm1, vm3  }
0xeb: {  	v57 =	vsel vm1, $0x1, v2  }
0xec: {  	(xrf0) =	vadd.scan.msk.s32 $0xffff, v57;
	_ =	sdelay $0x3  }
0xed: {  	v58 =	vmpcnt.ones.xlane vm2;
	_ =	sdelay $0x1  }
0xee: {  	v7 =	vadd.s32 v7, v58;
	v59, _, _ =	vpop (xrf0)  }
0xef: {  	v9 =	vadd.s32 v59, v7  }
0xf0: {  	v9 =	vadd.s32 $0xFFFFFFFF, v9;
	_ =	sdelay $0x1  }
0xf1: {  	s24 =	sadd.s32 $0xFFFFFFF0, s3;
	v8 =	vshll.u32 v8, $0xE  }
0xf2: {  	v8 =	vadd.s32 s24, v8  }
0xf3: {  	v8 =	vadd.s32 v3, v8  }
0xf4: {  	[tilespmem:v9+s22+$0x0] =	vst.idx.msk vm1, v8  }
0xf5: {  	v8 =	vld [tilespmem:s4+$0x10];
	_ =	sdelay $0x4  }
0xf6: {  	v60 =	vshrl.u32 v8, $0x9  }
0xf7: {  	vm2 =	vgt.s32 v8, $0x184FF;
	v9 =	vand.u32 $0x1F, v60  }
0xf8: {  	vm2 =	vmand vm0, vm2;
	vm3 =	veq.s32 v9, v0  }
0xf9: {  	vm2 =	vmor vm2, vm3  }
0xfa: {  	v61 =	vsel vm2, $0x1, v2  }
0xfb: {  	(xrf0) =	vadd.scan.msk.s32 $0xffff, v61;
	_ =	sdelay $0x3  }
0xfc: {  	v62 =	vmpcnt.ones.xlane vm1;
	_ =	sdelay $0x1  }
0xfd: {  	v7 =	vadd.s32 v7, v62;
	v63, _, _ =	vpop (xrf0)  }
0xfe: {  	s1 =	sadd.s32 $0x4, s1;
	v9 =	vadd.s32 v63, v7  }
0xff: {  	p0 =	slt.u32 s1, $0x7C;
	v9 =	vadd.s32 $0xFFFFFFFF, v9  }
.Ltmp5:
0x100: {  	_ = 	snop;
	(pc) =	sbr.rel @p0 .LBB2_8-.Ltmp5, $4  }
0x101: {  	v8 =	vshll.u32 v8, $0xE  }
0x102: {  	v8 =	vadd.s32 s3, v8;
	v10 =	vmpcnt.ones.xlane vm2  }
0x103: {  	v8 =	vadd.s32 v3, v8  }
0x104: {  	s4 =	sadd.s32 $0x40, s4;
	s3 =	sadd.s32 $0x40, s3;
	v7 =	vadd.s32 v7, v10;
	[tilespmem:v9+s22+$0x0] =	vst.idx.msk vm2, v8  }
0x105: {  	_ =	swait.ge [sflag:s9], $0x800  }
0x106: {  	[sflag:s9] =	ssyncset.done $0x0  }
0x107: {  	s1 =	simm.s32 $0x0;
	s3 =	rddreg [dreg:$0xd];
	[sflag:s9] =	ssyncadd.s32 $0xFFFFF800  }
0x108: {  	[tilespmem:s1], [sflag:$0x5] =	stream.linear.gather [hbm4b:s3+s1], $0x800, $0x38;
	[tilespmem:$0x1EC80] =	vst v63  }
0x109: {  	s4 =	simm.s32 $0x820;
	s1 =	simm.s32 $0xFFFFFFFC;
	s3 =	simm.s32 $0x1830  }
.LBB2_10:
0x10a: {  	v8 =	vld [tilespmem:s4+$0xFFFFFFE0];
	_ =	sdelay $0x4  }
0x10b: {  	v9 =	vshrl.u32 v8, $0x9  }
0x10c: {  	vm1 =	vgt.s32 v8, $0x184FF;
	v9 =	vand.u32 $0x1F, v9  }
0x10d: {  	vm1 =	vmand vm0, vm1;
	vm2 =	veq.s32 v9, v0  }
0x10e: {  	vm1 =	vmor vm1, vm2  }
0x10f: {  	v51 =	vsel vm1, $0x1, v2  }
0x110: {  	(xrf0) =	vadd.scan.msk.s32 $0xffff, v51;
	_ =	sdelay $0x5  }
0x111: {  	v9, _, _ =	vpop (xrf0)  }
0x112: {  	v9 =	vadd.s32 v9, v7  }
0x113: {  	v9 =	vadd.s32 $0xFFFFFFFF, v9;
	_ =	sdelay $0x1  }
0x114: {  	s5 =	sadd.s32 $0xFFFFFFD0, s3;
	v8 =	vshll.u32 v8, $0xE  }
0x115: {  	v8 =	vadd.s32 s5, v8  }
0x116: {  	v8 =	vadd.s32 v3, v8  }
0x117: {  	[tilespmem:v9+s22+$0x0] =	vst.idx.msk vm1, v8  }
0x118: {  	v8 =	vld [tilespmem:s4+$0xFFFFFFF0];
	_ =	sdelay $0x4  }
0x119: {  	v52 =	vshrl.u32 v8, $0x9  }
0x11a: {  	vm2 =	vgt.s32 v8, $0x184FF;
	v9 =	vand.u32 $0x1F, v52  }
0x11b: {  	vm2 =	vmand vm0, vm2;
	vm3 =	veq.s32 v9, v0  }
0x11c: {  	vm2 =	vmor vm2, vm3  }
0x11d: {  	v53 =	vsel vm2, $0x1, v2  }
0x11e: {  	(xrf0) =	vadd.scan.msk.s32 $0xffff, v53;
	_ =	sdelay $0x3  }
0x11f: {  	v54 =	vmpcnt.ones.xlane vm1;
	_ =	sdelay $0x1  }
0x120: {  	v7 =	vadd.s32 v7, v54;
	v55, _, _ =	vpop (xrf0)  }
0x121: {  	v9 =	vadd.s32 v55, v7  }
0x122: {  	v9 =	vadd.s32 $0xFFFFFFFF, v9;
	_ =	sdelay $0x1  }
0x123: {  	s23 =	sadd.s32 $0xFFFFFFE0, s3;
	v8 =	vshll.u32 v8, $0xE  }
0x124: {  	v8 =	vadd.s32 s23, v8  }
0x125: {  	v8 =	vadd.s32 v3, v8  }
0x126: {  	[tilespmem:v9+s22+$0x0] =	vst.idx.msk vm2, v8  }
0x127: {  	v8 =	vld [tilespmem:s4+$0x0];
	_ =	sdelay $0x4  }
0x128: {  	v56 =	vshrl.u32 v8, $0x9  }
0x129: {  	vm1 =	vgt.s32 v8, $0x184FF;
	v9 =	vand.u32 $0x1F, v56  }
0x12a: {  	vm1 =	vmand vm0, vm1;
	vm3 =	veq.s32 v9, v0  }
0x12b: {  	vm1 =	vmor vm1, vm3  }
0x12c: {  	v57 =	vsel vm1, $0x1, v2  }
0x12d: {  	(xrf0) =	vadd.scan.msk.s32 $0xffff, v57;
	_ =	sdelay $0x3  }
0x12e: {  	v58 =	vmpcnt.ones.xlane vm2;
	_ =	sdelay $0x1  }
0x12f: {  	v7 =	vadd.s32 v7, v58;
	v59, _, _ =	vpop (xrf0)  }
0x130: {  	v9 =	vadd.s32 v59, v7  }
0x131: {  	v9 =	vadd.s32 $0xFFFFFFFF, v9;
	_ =	sdelay $0x1  }
0x132: {  	s24 =	sadd.s32 $0xFFFFFFF0, s3;
	v8 =	vshll.u32 v8, $0xE  }
0x133: {  	v8 =	vadd.s32 s24, v8  }
0x134: {  	v8 =	vadd.s32 v3, v8  }
0x135: {  	[tilespmem:v9+s22+$0x0] =	vst.idx.msk vm1, v8  }
0x136: {  	v8 =	vld [tilespmem:s4+$0x10];
	_ =	sdelay $0x4  }
0x137: {  	v60 =	vshrl.u32 v8, $0x9  }
0x138: {  	vm2 =	vgt.s32 v8, $0x184FF;
	v9 =	vand.u32 $0x1F, v60  }
0x139: {  	vm2 =	vmand vm0, vm2;
	vm3 =	veq.s32 v9, v0  }
0x13a: {  	vm2 =	vmor vm2, vm3  }
0x13b: {  	v61 =	vsel vm2, $0x1, v2  }
0x13c: {  	(xrf0) =	vadd.scan.msk.s32 $0xffff, v61;
	_ =	sdelay $0x3  }
0x13d: {  	v62 =	vmpcnt.ones.xlane vm1;
	_ =	sdelay $0x1  }
0x13e: {  	v7 =	vadd.s32 v7, v62;
	v63, _, _ =	vpop (xrf0)  }
0x13f: {  	s1 =	sadd.s32 $0x4, s1;
	v9 =	vadd.s32 v63, v7  }
0x140: {  	p0 =	slt.u32 s1, $0x7C;
	v9 =	vadd.s32 $0xFFFFFFFF, v9  }
.Ltmp6:
0x141: {  	_ = 	snop;
	(pc) =	sbr.rel @p0 .LBB2_10-.Ltmp6, $4  }
0x142: {  	v8 =	vshll.u32 v8, $0xE  }
0x143: {  	v8 =	vadd.s32 s3, v8;
	v10 =	vmpcnt.ones.xlane vm2  }
0x144: {  	v8 =	vadd.s32 v3, v8  }
0x145: {  	s4 =	sadd.s32 $0x40, s4;
	s3 =	sadd.s32 $0x40, s3;
	v7 =	vadd.s32 v7, v10;
	[tilespmem:v9+s22+$0x0] =	vst.idx.msk vm2, v8  }
0x146: {  	_ =	swait.ge [sflag:s7], $0x800  }
0x147: {  	[sflag:s7] =	ssyncset.done $0x0  }
0x148: {  	s1 =	simm.s32 $0x0;
	s3 =	rddreg [dreg:$0xe];
	[sflag:s7] =	ssyncadd.s32 $0xFFFFF800  }
0x149: {  	[tilespmem:s17], [sflag:$0x6] =	stream.linear.gather [hbm4b:s3+s1], $0x800, $0x38;
	[tilespmem:$0x1EC80] =	vst v63  }
0x14a: {  	s4 =	simm.s32 $0x20;
	s1 =	simm.s32 $0xFFFFFFFC;
	s3 =	simm.s32 $0x2030  }
.LBB2_12:
0x14b: {  	v8 =	vld [tilespmem:s4+$0xFFFFFFE0];
	_ =	sdelay $0x4  }
0x14c: {  	v9 =	vshrl.u32 v8, $0x9  }
0x14d: {  	vm1 =	vgt.s32 v8, $0x184FF;
	v9 =	vand.u32 $0x1F, v9  }
0x14e: {  	vm1 =	vmand vm0, vm1;
	vm2 =	veq.s32 v9, v0  }
0x14f: {  	vm1 =	vmor vm1, vm2  }
0x150: {  	v51 =	vsel vm1, $0x1, v2  }
0x151: {  	(xrf0) =	vadd.scan.msk.s32 $0xffff, v51;
	_ =	sdelay $0x5  }
0x152: {  	v9, _, _ =	vpop (xrf0)  }
0x153: {  	v9 =	vadd.s32 v9, v7  }
0x154: {  	v9 =	vadd.s32 $0xFFFFFFFF, v9;
	_ =	sdelay $0x1  }
0x155: {  	s5 =	sadd.s32 $0xFFFFFFD0, s3;
	v8 =	vshll.u32 v8, $0xE  }
0x156: {  	v8 =	vadd.s32 s5, v8  }
0x157: {  	v8 =	vadd.s32 v3, v8  }
0x158: {  	[tilespmem:v9+s22+$0x0] =	vst.idx.msk vm1, v8  }
0x159: {  	v8 =	vld [tilespmem:s4+$0xFFFFFFF0];
	_ =	sdelay $0x4  }
0x15a: {  	v52 =	vshrl.u32 v8, $0x9  }
0x15b: {  	vm2 =	vgt.s32 v8, $0x184FF;
	v9 =	vand.u32 $0x1F, v52  }
0x15c: {  	vm2 =	vmand vm0, vm2;
	vm3 =	veq.s32 v9, v0  }
0x15d: {  	vm2 =	vmor vm2, vm3  }
0x15e: {  	v53 =	vsel vm2, $0x1, v2  }
0x15f: {  	(xrf0) =	vadd.scan.msk.s32 $0xffff, v53;
	_ =	sdelay $0x3  }
0x160: {  	v54 =	vmpcnt.ones.xlane vm1;
	_ =	sdelay $0x1  }
0x161: {  	v7 =	vadd.s32 v7, v54;
	v55, _, _ =	vpop (xrf0)  }
0x162: {  	v9 =	vadd.s32 v55, v7  }
0x163: {  	v9 =	vadd.s32 $0xFFFFFFFF, v9;
	_ =	sdelay $0x1  }
0x164: {  	s23 =	sadd.s32 $0xFFFFFFE0, s3;
	v8 =	vshll.u32 v8, $0xE  }
0x165: {  	v8 =	vadd.s32 s23, v8  }
0x166: {  	v8 =	vadd.s32 v3, v8  }
0x167: {  	[tilespmem:v9+s22+$0x0] =	vst.idx.msk vm2, v8  }
0x168: {  	v8 =	vld [tilespmem:s4+$0x0];
	_ =	sdelay $0x4  }
0x169: {  	v56 =	vshrl.u32 v8, $0x9  }
0x16a: {  	vm1 =	vgt.s32 v8, $0x184FF;
	v9 =	vand.u32 $0x1F, v56  }
0x16b: {  	vm1 =	vmand vm0, vm1;
	vm3 =	veq.s32 v9, v0  }
0x16c: {  	vm1 =	vmor vm1, vm3  }
0x16d: {  	v57 =	vsel vm1, $0x1, v2  }
0x16e: {  	(xrf0) =	vadd.scan.msk.s32 $0xffff, v57;
	_ =	sdelay $0x3  }
0x16f: {  	v58 =	vmpcnt.ones.xlane vm2;
	_ =	sdelay $0x1  }
0x170: {  	v7 =	vadd.s32 v7, v58;
	v59, _, _ =	vpop (xrf0)  }
0x171: {  	v9 =	vadd.s32 v59, v7  }
0x172: {  	v9 =	vadd.s32 $0xFFFFFFFF, v9;
	_ =	sdelay $0x1  }
0x173: {  	s24 =	sadd.s32 $0xFFFFFFF0, s3;
	v8 =	vshll.u32 v8, $0xE  }
0x174: {  	v8 =	vadd.s32 s24, v8  }
0x175: {  	v8 =	vadd.s32 v3, v8  }
0x176: {  	[tilespmem:v9+s22+$0x0] =	vst.idx.msk vm1, v8  }
0x177: {  	v8 =	vld [tilespmem:s4+$0x10];
	_ =	sdelay $0x4  }
0x178: {  	v60 =	vshrl.u32 v8, $0x9  }
0x179: {  	vm2 =	vgt.s32 v8, $0x184FF;
	v9 =	vand.u32 $0x1F, v60  }
0x17a: {  	vm2 =	vmand vm0, vm2;
	vm3 =	veq.s32 v9, v0  }
0x17b: {  	vm2 =	vmor vm2, vm3  }
0x17c: {  	v61 =	vsel vm2, $0x1, v2  }
0x17d: {  	(xrf0) =	vadd.scan.msk.s32 $0xffff, v61;
	_ =	sdelay $0x3  }
0x17e: {  	v62 =	vmpcnt.ones.xlane vm1;
	_ =	sdelay $0x1  }
0x17f: {  	v7 =	vadd.s32 v7, v62;
	v63, _, _ =	vpop (xrf0)  }
0x180: {  	s1 =	sadd.s32 $0x4, s1;
	v9 =	vadd.s32 v63, v7  }
0x181: {  	p0 =	slt.u32 s1, $0x7C;
	v9 =	vadd.s32 $0xFFFFFFFF, v9  }
.Ltmp7:
0x182: {  	_ = 	snop;
	(pc) =	sbr.rel @p0 .LBB2_12-.Ltmp7, $4  }
0x183: {  	v8 =	vshll.u32 v8, $0xE  }
0x184: {  	v8 =	vadd.s32 s3, v8;
	v10 =	vmpcnt.ones.xlane vm2  }
0x185: {  	v8 =	vadd.s32 v3, v8  }
0x186: {  	s4 =	sadd.s32 $0x40, s4;
	s3 =	sadd.s32 $0x40, s3;
	v7 =	vadd.s32 v7, v10;
	[tilespmem:v9+s22+$0x0] =	vst.idx.msk vm2, v8  }
0x187: {  	_ =	swait.ge [sflag:s9], $0x800  }
0x188: {  	[sflag:s9] =	ssyncset.done $0x0  }
0x189: {  	s1 =	simm.s32 $0x0;
	s3 =	rddreg [dreg:$0xf];
	[sflag:s9] =	ssyncadd.s32 $0xFFFFF800  }
0x18a: {  	[tilespmem:s1], [sflag:$0x5] =	stream.linear.gather [hbm4b:s3+s1], $0x800, $0x38;
	[tilespmem:$0x1EC80] =	vst v63  }
0x18b: {  	s4 =	simm.s32 $0x820;
	s1 =	simm.s32 $0xFFFFFFFC;
	s3 =	simm.s32 $0x2830  }
.LBB2_14:
0x18c: {  	v8 =	vld [tilespmem:s4+$0xFFFFFFE0];
	_ =	sdelay $0x4  }
0x18d: {  	v9 =	vshrl.u32 v8, $0x9  }
0x18e: {  	vm1 =	vgt.s32 v8, $0x184FF;
	v9 =	vand.u32 $0x1F, v9  }
0x18f: {  	vm1 =	vmand vm0, vm1;
	vm2 =	veq.s32 v9, v0  }
0x190: {  	vm1 =	vmor vm1, vm2  }
0x191: {  	v51 =	vsel vm1, $0x1, v2  }
0x192: {  	(xrf0) =	vadd.scan.msk.s32 $0xffff, v51;
	_ =	sdelay $0x5  }
0x193: {  	v9, _, _ =	vpop (xrf0)  }
0x194: {  	v9 =	vadd.s32 v9, v7  }
0x195: {  	v9 =	vadd.s32 $0xFFFFFFFF, v9;
	_ =	sdelay $0x1  }
0x196: {  	s5 =	sadd.s32 $0xFFFFFFD0, s3;
	v8 =	vshll.u32 v8, $0xE  }
0x197: {  	v8 =	vadd.s32 s5, v8  }
0x198: {  	v8 =	vadd.s32 v3, v8  }
0x199: {  	[tilespmem:v9+s22+$0x0] =	vst.idx.msk vm1, v8  }
0x19a: {  	v8 =	vld [tilespmem:s4+$0xFFFFFFF0];
	_ =	sdelay $0x4  }
0x19b: {  	v52 =	vshrl.u32 v8, $0x9  }
0x19c: {  	vm2 =	vgt.s32 v8, $0x184FF;
	v9 =	vand.u32 $0x1F, v52  }
0x19d: {  	vm2 =	vmand vm0, vm2;
	vm3 =	veq.s32 v9, v0  }
0x19e: {  	vm2 =	vmor vm2, vm3  }
0x19f: {  	v53 =	vsel vm2, $0x1, v2  }
0x1a0: {  	(xrf0) =	vadd.scan.msk.s32 $0xffff, v53;
	_ =	sdelay $0x3  }
0x1a1: {  	v54 =	vmpcnt.ones.xlane vm1;
	_ =	sdelay $0x1  }
0x1a2: {  	v7 =	vadd.s32 v7, v54;
	v55, _, _ =	vpop (xrf0)  }
0x1a3: {  	v9 =	vadd.s32 v55, v7  }
0x1a4: {  	v9 =	vadd.s32 $0xFFFFFFFF, v9;
	_ =	sdelay $0x1  }
0x1a5: {  	s23 =	sadd.s32 $0xFFFFFFE0, s3;
	v8 =	vshll.u32 v8, $0xE  }
0x1a6: {  	v8 =	vadd.s32 s23, v8  }
0x1a7: {  	v8 =	vadd.s32 v3, v8  }
0x1a8: {  	[tilespmem:v9+s22+$0x0] =	vst.idx.msk vm2, v8  }
0x1a9: {  	v8 =	vld [tilespmem:s4+$0x0];
	_ =	sdelay $0x4  }
0x1aa: {  	v56 =	vshrl.u32 v8, $0x9  }
0x1ab: {  	vm1 =	vgt.s32 v8, $0x184FF;
	v9 =	vand.u32 $0x1F, v56  }
0x1ac: {  	vm1 =	vmand vm0, vm1;
	vm3 =	veq.s32 v9, v0  }
0x1ad: {  	vm1 =	vmor vm1, vm3  }
0x1ae: {  	v57 =	vsel vm1, $0x1, v2  }
0x1af: {  	(xrf0) =	vadd.scan.msk.s32 $0xffff, v57;
	_ =	sdelay $0x3  }
0x1b0: {  	v58 =	vmpcnt.ones.xlane vm2;
	_ =	sdelay $0x1  }
0x1b1: {  	v7 =	vadd.s32 v7, v58;
	v59, _, _ =	vpop (xrf0)  }
0x1b2: {  	v9 =	vadd.s32 v59, v7  }
0x1b3: {  	v9 =	vadd.s32 $0xFFFFFFFF, v9;
	_ =	sdelay $0x1  }
0x1b4: {  	s24 =	sadd.s32 $0xFFFFFFF0, s3;
	v8 =	vshll.u32 v8, $0xE  }
0x1b5: {  	v8 =	vadd.s32 s24, v8  }
0x1b6: {  	v8 =	vadd.s32 v3, v8  }
0x1b7: {  	[tilespmem:v9+s22+$0x0] =	vst.idx.msk vm1, v8  }
0x1b8: {  	v8 =	vld [tilespmem:s4+$0x10];
	_ =	sdelay $0x4  }
0x1b9: {  	v60 =	vshrl.u32 v8, $0x9  }
0x1ba: {  	vm2 =	vgt.s32 v8, $0x184FF;
	v9 =	vand.u32 $0x1F, v60  }
0x1bb: {  	vm2 =	vmand vm0, vm2;
	vm3 =	veq.s32 v9, v0  }
0x1bc: {  	vm2 =	vmor vm2, vm3  }
0x1bd: {  	v61 =	vsel vm2, $0x1, v2  }
0x1be: {  	(xrf0) =	vadd.scan.msk.s32 $0xffff, v61;
	_ =	sdelay $0x3  }
0x1bf: {  	v62 =	vmpcnt.ones.xlane vm1;
	_ =	sdelay $0x1  }
0x1c0: {  	v7 =	vadd.s32 v7, v62;
	v63, _, _ =	vpop (xrf0)  }
0x1c1: {  	s1 =	sadd.s32 $0x4, s1;
	v9 =	vadd.s32 v63, v7  }
0x1c2: {  	p0 =	slt.u32 s1, $0x7C;
	v9 =	vadd.s32 $0xFFFFFFFF, v9  }
.Ltmp8:
0x1c3: {  	_ = 	snop;
	(pc) =	sbr.rel @p0 .LBB2_14-.Ltmp8, $4  }
0x1c4: {  	v8 =	vshll.u32 v8, $0xE  }
0x1c5: {  	v8 =	vadd.s32 s3, v8;
	v10 =	vmpcnt.ones.xlane vm2  }
0x1c6: {  	v8 =	vadd.s32 v3, v8  }
0x1c7: {  	s4 =	sadd.s32 $0x40, s4;
	s3 =	sadd.s32 $0x40, s3;
	v7 =	vadd.s32 v7, v10;
	[tilespmem:v9+s22+$0x0] =	vst.idx.msk vm2, v8  }
0x1c8: {  	_ =	swait.ge [sflag:s7], $0x800  }
0x1c9: {  	[sflag:s7] =	ssyncset.done $0x0  }
0x1ca: {  	s1 =	simm.s32 $0x0;
	s3 =	rddreg [dreg:$0x10];
	[sflag:s7] =	ssyncadd.s32 $0xFFFFF800  }
0x1cb: {  	[tilespmem:s17], [sflag:$0x6] =	stream.linear.gather [hbm4b:s3+s1], $0x800, $0x38;
	[tilespmem:$0x1EC80] =	vst v63  }
0x1cc: {  	s4 =	simm.s32 $0x20;
	s1 =	simm.s32 $0xFFFFFFFC;
	s3 =	simm.s32 $0x3030  }
.LBB2_16:
0x1cd: {  	v8 =	vld [tilespmem:s4+$0xFFFFFFE0];
	_ =	sdelay $0x4  }
0x1ce: {  	v9 =	vshrl.u32 v8, $0x9  }
0x1cf: {  	vm1 =	vgt.s32 v8, $0x184FF;
	v9 =	vand.u32 $0x1F, v9  }
0x1d0: {  	vm1 =	vmand vm0, vm1;
	vm2 =	veq.s32 v9, v0  }
0x1d1: {  	vm1 =	vmor vm1, vm2  }
0x1d2: {  	v51 =	vsel vm1, $0x1, v2  }
0x1d3: {  	(xrf0) =	vadd.scan.msk.s32 $0xffff, v51;
	_ =	sdelay $0x5  }
0x1d4: {  	v9, _, _ =	vpop (xrf0)  }
0x1d5: {  	v9 =	vadd.s32 v9, v7  }
0x1d6: {  	v9 =	vadd.s32 $0xFFFFFFFF, v9;
	_ =	sdelay $0x1  }
0x1d7: {  	s5 =	sadd.s32 $0xFFFFFFD0, s3;
	v8 =	vshll.u32 v8, $0xE  }
0x1d8: {  	v8 =	vadd.s32 s5, v8  }
0x1d9: {  	v8 =	vadd.s32 v3, v8  }
0x1da: {  	[tilespmem:v9+s22+$0x0] =	vst.idx.msk vm1, v8  }
0x1db: {  	v8 =	vld [tilespmem:s4+$0xFFFFFFF0];
	_ =	sdelay $0x4  }
0x1dc: {  	v52 =	vshrl.u32 v8, $0x9  }
0x1dd: {  	vm2 =	vgt.s32 v8, $0x184FF;
	v9 =	vand.u32 $0x1F, v52  }
0x1de: {  	vm2 =	vmand vm0, vm2;
	vm3 =	veq.s32 v9, v0  }
0x1df: {  	vm2 =	vmor vm2, vm3  }
0x1e0: {  	v53 =	vsel vm2, $0x1, v2  }
0x1e1: {  	(xrf0) =	vadd.scan.msk.s32 $0xffff, v53;
	_ =	sdelay $0x3  }
0x1e2: {  	v54 =	vmpcnt.ones.xlane vm1;
	_ =	sdelay $0x1  }
0x1e3: {  	v7 =	vadd.s32 v7, v54;
	v55, _, _ =	vpop (xrf0)  }
0x1e4: {  	v9 =	vadd.s32 v55, v7  }
0x1e5: {  	v9 =	vadd.s32 $0xFFFFFFFF, v9;
	_ =	sdelay $0x1  }
0x1e6: {  	s23 =	sadd.s32 $0xFFFFFFE0, s3;
	v8 =	vshll.u32 v8, $0xE  }
0x1e7: {  	v8 =	vadd.s32 s23, v8  }
0x1e8: {  	v8 =	vadd.s32 v3, v8  }
0x1e9: {  	[tilespmem:v9+s22+$0x0] =	vst.idx.msk vm2, v8  }
0x1ea: {  	v8 =	vld [tilespmem:s4+$0x0];
	_ =	sdelay $0x4  }
0x1eb: {  	v56 =	vshrl.u32 v8, $0x9  }
0x1ec: {  	vm1 =	vgt.s32 v8, $0x184FF;
	v9 =	vand.u32 $0x1F, v56  }
0x1ed: {  	vm1 =	vmand vm0, vm1;
	vm3 =	veq.s32 v9, v0  }
0x1ee: {  	vm1 =	vmor vm1, vm3  }
0x1ef: {  	v57 =	vsel vm1, $0x1, v2  }
0x1f0: {  	(xrf0) =	vadd.scan.msk.s32 $0xffff, v57;
	_ =	sdelay $0x3  }
0x1f1: {  	v58 =	vmpcnt.ones.xlane vm2;
	_ =	sdelay $0x1  }
0x1f2: {  	v7 =	vadd.s32 v7, v58;
	v59, _, _ =	vpop (xrf0)  }
0x1f3: {  	v9 =	vadd.s32 v59, v7  }
0x1f4: {  	v9 =	vadd.s32 $0xFFFFFFFF, v9;
	_ =	sdelay $0x1  }
0x1f5: {  	s24 =	sadd.s32 $0xFFFFFFF0, s3;
	v8 =	vshll.u32 v8, $0xE  }
0x1f6: {  	v8 =	vadd.s32 s24, v8  }
0x1f7: {  	v8 =	vadd.s32 v3, v8  }
0x1f8: {  	[tilespmem:v9+s22+$0x0] =	vst.idx.msk vm1, v8  }
0x1f9: {  	v8 =	vld [tilespmem:s4+$0x10];
	_ =	sdelay $0x4  }
0x1fa: {  	v60 =	vshrl.u32 v8, $0x9  }
0x1fb: {  	vm2 =	vgt.s32 v8, $0x184FF;
	v9 =	vand.u32 $0x1F, v60  }
0x1fc: {  	vm2 =	vmand vm0, vm2;
	vm3 =	veq.s32 v9, v0  }
0x1fd: {  	vm2 =	vmor vm2, vm3  }
0x1fe: {  	v61 =	vsel vm2, $0x1, v2  }
0x1ff: {  	(xrf0) =	vadd.scan.msk.s32 $0xffff, v61;
	_ =	sdelay $0x3  }
0x200: {  	v62 =	vmpcnt.ones.xlane vm1;
	_ =	sdelay $0x1  }
0x201: {  	v7 =	vadd.s32 v7, v62;
	v63, _, _ =	vpop (xrf0)  }
0x202: {  	s1 =	sadd.s32 $0x4, s1;
	v9 =	vadd.s32 v63, v7  }
0x203: {  	p0 =	slt.u32 s1, $0x7C;
	v9 =	vadd.s32 $0xFFFFFFFF, v9  }
.Ltmp9:
0x204: {  	_ = 	snop;
	(pc) =	sbr.rel @p0 .LBB2_16-.Ltmp9, $4  }
0x205: {  	v8 =	vshll.u32 v8, $0xE  }
0x206: {  	v8 =	vadd.s32 s3, v8;
	v10 =	vmpcnt.ones.xlane vm2  }
0x207: {  	v8 =	vadd.s32 v3, v8  }
0x208: {  	s4 =	sadd.s32 $0x40, s4;
	s3 =	sadd.s32 $0x40, s3;
	v7 =	vadd.s32 v7, v10;
	[tilespmem:v9+s22+$0x0] =	vst.idx.msk vm2, v8  }
0x209: {  	[dreg:$0x12] =	wrdreg s11  }
0x20a: {  	_ =	swait.ge [sflag:s9], $0x800  }
0x20b: {  	s1 =	simm.s32 $0xFFFFFFFC;
	[sflag:s9] =	ssyncset.done $0x0  }
0x20c: {  	s3 =	simm.s32 $0x3830;
	s4 =	simm.s32 $0x820;
	[sflag:s9] =	ssyncadd.s32 $0xFFFFF800  }
.LBB2_18:
0x20d: {  	v8 =	vld [tilespmem:s4+$0xFFFFFFE0];
	_ =	sdelay $0x4  }
0x20e: {  	v9 =	vshrl.u32 v8, $0x9  }
0x20f: {  	vm1 =	vgt.s32 v8, $0x184FF;
	v9 =	vand.u32 $0x1F, v9  }
0x210: {  	vm1 =	vmand vm0, vm1;
	vm2 =	veq.s32 v9, v0  }
0x211: {  	vm1 =	vmor vm1, vm2  }
0x212: {  	v51 =	vsel vm1, $0x1, v2  }
0x213: {  	(xrf0) =	vadd.scan.msk.s32 $0xffff, v51;
	_ =	sdelay $0x5  }
0x214: {  	v9, _, _ =	vpop (xrf0)  }
0x215: {  	v9 =	vadd.s32 v9, v7  }
0x216: {  	v9 =	vadd.s32 $0xFFFFFFFF, v9;
	_ =	sdelay $0x1  }
0x217: {  	s5 =	sadd.s32 $0xFFFFFFD0, s3;
	v8 =	vshll.u32 v8, $0xE  }
0x218: {  	v8 =	vadd.s32 s5, v8  }
0x219: {  	v8 =	vadd.s32 v3, v8  }
0x21a: {  	[tilespmem:v9+s22+$0x0] =	vst.idx.msk vm1, v8  }
0x21b: {  	v8 =	vld [tilespmem:s4+$0xFFFFFFF0];
	_ =	sdelay $0x4  }
0x21c: {  	v52 =	vshrl.u32 v8, $0x9  }
0x21d: {  	vm2 =	vgt.s32 v8, $0x184FF;
	v9 =	vand.u32 $0x1F, v52  }
0x21e: {  	vm2 =	vmand vm0, vm2;
	vm3 =	veq.s32 v9, v0  }
0x21f: {  	vm2 =	vmor vm2, vm3  }
0x220: {  	v53 =	vsel vm2, $0x1, v2  }
0x221: {  	(xrf0) =	vadd.scan.msk.s32 $0xffff, v53;
	_ =	sdelay $0x3  }
0x222: {  	v54 =	vmpcnt.ones.xlane vm1;
	_ =	sdelay $0x1  }
0x223: {  	v7 =	vadd.s32 v7, v54;
	v55, _, _ =	vpop (xrf0)  }
0x224: {  	v9 =	vadd.s32 v55, v7  }
0x225: {  	v9 =	vadd.s32 $0xFFFFFFFF, v9;
	_ =	sdelay $0x1  }
0x226: {  	s23 =	sadd.s32 $0xFFFFFFE0, s3;
	v8 =	vshll.u32 v8, $0xE  }
0x227: {  	v8 =	vadd.s32 s23, v8  }
0x228: {  	v8 =	vadd.s32 v3, v8  }
0x229: {  	[tilespmem:v9+s22+$0x0] =	vst.idx.msk vm2, v8  }
0x22a: {  	v8 =	vld [tilespmem:s4+$0x0];
	_ =	sdelay $0x4  }
0x22b: {  	v56 =	vshrl.u32 v8, $0x9  }
0x22c: {  	vm1 =	vgt.s32 v8, $0x184FF;
	v9 =	vand.u32 $0x1F, v56  }
0x22d: {  	vm1 =	vmand vm0, vm1;
	vm3 =	veq.s32 v9, v0  }
0x22e: {  	vm1 =	vmor vm1, vm3  }
0x22f: {  	v57 =	vsel vm1, $0x1, v2  }
0x230: {  	(xrf0) =	vadd.scan.msk.s32 $0xffff, v57;
	_ =	sdelay $0x3  }
0x231: {  	v58 =	vmpcnt.ones.xlane vm2;
	_ =	sdelay $0x1  }
0x232: {  	v7 =	vadd.s32 v7, v58;
	v59, _, _ =	vpop (xrf0)  }
0x233: {  	v9 =	vadd.s32 v59, v7  }
0x234: {  	v9 =	vadd.s32 $0xFFFFFFFF, v9;
	_ =	sdelay $0x1  }
0x235: {  	s24 =	sadd.s32 $0xFFFFFFF0, s3;
	v8 =	vshll.u32 v8, $0xE  }
0x236: {  	v8 =	vadd.s32 s24, v8  }
0x237: {  	v8 =	vadd.s32 v3, v8  }
0x238: {  	[tilespmem:v9+s22+$0x0] =	vst.idx.msk vm1, v8  }
0x239: {  	v8 =	vld [tilespmem:s4+$0x10];
	_ =	sdelay $0x4  }
0x23a: {  	v60 =	vshrl.u32 v8, $0x9  }
0x23b: {  	vm2 =	vgt.s32 v8, $0x184FF;
	v9 =	vand.u32 $0x1F, v60  }
0x23c: {  	vm2 =	vmand vm0, vm2;
	vm3 =	veq.s32 v9, v0  }
0x23d: {  	vm2 =	vmor vm2, vm3  }
0x23e: {  	v61 =	vsel vm2, $0x1, v2  }
0x23f: {  	(xrf0) =	vadd.scan.msk.s32 $0xffff, v61;
	_ =	sdelay $0x3  }
0x240: {  	v62 =	vmpcnt.ones.xlane vm1;
	_ =	sdelay $0x1  }
0x241: {  	v7 =	vadd.s32 v7, v62;
	v63, _, _ =	vpop (xrf0)  }
0x242: {  	s1 =	sadd.s32 $0x4, s1;
	v9 =	vadd.s32 v63, v7  }
0x243: {  	p0 =	slt.u32 s1, $0x7C;
	v9 =	vadd.s32 $0xFFFFFFFF, v9  }
.Ltmp10:
0x244: {  	_ = 	snop;
	(pc) =	sbr.rel @p0 .LBB2_18-.Ltmp10, $4  }
0x245: {  	v8 =	vshll.u32 v8, $0xE  }
0x246: {  	v8 =	vadd.s32 s3, v8;
	v10 =	vmpcnt.ones.xlane vm2  }
0x247: {  	v8 =	vadd.s32 v3, v8  }
0x248: {  	s4 =	sadd.s32 $0x40, s4;
	s3 =	sadd.s32 $0x40, s3;
	v7 =	vadd.s32 v7, v10;
	[tilespmem:v9+s22+$0x0] =	vst.idx.msk vm2, v8  }
0x249: {  	v7 =	vxor.u32 $0x80000000, v7  }
0x24a: {  	(xrf0) =	vmax.scan.msk.u32 $0xffff, v7;
	_ =	sdelay $0x5  }
0x24b: {  	v7, _, _ =	vpop (xrf0)  }
0x24c: {  	(v2sf) =	vpush v7, $0xF;
	_ =	sdelay $0xc  }
.Ltmp11:
0x24d: {  	_ = 	snop;
	(pc) =	sbr.rel .LBB2_20-.Ltmp11, $4  }
0x24e: {  	_ = 	snop  }
0x24f: {  	s1 =	spop (v2sf)  }
0x250: {  	s20 =	sxor.u32 $0x80000000, s1  }
0x251: {  	s23 =	simm.s32 $0x0;
	v7 =	vmov s20  }
.LBB2_57:
0x252: {  	s1 =	rddreg [dreg:$0x6]  }
0x253: {  	s1 =	sadd.s32 s1, s7  }
0x254: {  	[hbm4b:s1+s17] =	stream.strided.scatter [tilespmem:s28], [sflag:$0x2], $0x4000, s19, s17, $0x38;
	[tilespmem:$0x1EC80] =	vst v63  }
0x255: {  	_ =	swait.ge [sflag:s18], $0x4000  }
0x256: {  	[sflag:s18] =	ssyncset.done $0x0  }
0x257: {  	s3 =	rddreg [dreg:$0x13];
	[sflag:s18] =	ssyncadd.s32 $0xFFFFC000  }
0x258: {  	s19 =	rddreg [dreg:$0x7]  }
0x259: {  	s21 =	simm.s32 $0x0;
	s24 =	simm.s32 $0x4;
	s1 =	sadd.s32 s19, s3  }
0x25a: {  	[hbm4b:s1+s21] =	stream.linear.scatter [tilespmem:s26], [sflag:$0x4], $0x200, $0x38;
	[tilespmem:$0x1EC80] =	vst v63  }
0x25b: {  	_ =	swait.ge [sflag:s24], $0x200  }
0x25c: {  	[sflag:s24] =	ssyncset.done $0x0  }
0x25d: {  	[sflag:s24] =	ssyncadd.s32 $0xFFFFFE00  }
0x25e: {  	_ =	swait.ge [sflag:s16], $0x4000  }
0x25f: {  	[sflag:s16] =	ssyncset.done $0x0  }
0x260: {  	s6 =	rddreg [dreg:$0x9];
	[sflag:s16] =	ssyncadd.s32 $0xFFFFC000  }
.LBB2_58:
0x261: {  	s23 =	sadd.s32 $0x1, s23  }
0x262: {  	p0 =	sne.s32 s23, $0x7  }
.Ltmp12:
0x263: {  	_ = 	snop;
	(pc) =	sbr.rel @!p0 .LBB2_59-.Ltmp12, $1  }
0x264: {  	_ =	sdelay $0x3  }
.LBB2_20:
0x265: {  	s1 =	sshll.u32 s23, $0x5  }
0x266: {  	s1 =	sor.u32 s6, s1  }
0x267: {  	p0 =	sgt.u32 s1, $0xC3  }
.Ltmp13:
0x268: {  	_ = 	snop;
	(pc) =	sbr.rel @p0 .LBB2_58-.Ltmp13, $1  }
0x269: {  	_ =	sdelay $0x3  }
0x26a: {  	s1 =	sshll.u32 s1, $0x9  }
0x26b: {  	s19 =	rddreg [dreg:$0x2];
	s4 =	smin.u32 s1, $0x18500  }
0x26c: {  	s3 =	simm.s32 $0x800;
	s5 =	simm.s32 $0xC3800;
	s1 =	sadd.s32 s19, s4  }
0x26d: {  	[tilespmem:s25], [sflag:$0x1] =	stream.strided.gather [hbm4b:s1+s3], $0x4000, s5, s3, $0x38;
	[tilespmem:$0x1EC80] =	vst v63  }
.Ltmp14:
0x26e: {  	s21 =	rddreg [dreg:$0x4];
	s6 =	sshrl.u32 s4, $0x3;
	(pc) =	sbr.rel .LBB2_22-.Ltmp14, $4  }
0x26f: {  	s7 =	simm.s32 $0x0;
	s1 =	sadd.s32 s21, s6  }
0x270: {  	[tilespmem:s26], [sflag:$0x4] =	stream.linear.gather [hbm4b:s1+s7], $0x200, $0x38;
	[tilespmem:$0x1EC80] =	vst v63  }
0x271: {  	s9 =	simm.s32 $0x0;
	s24 =	sadd.s32 s15, s4;
	[dreg:$0x13] =	wrdreg s6  }
0x272: {  	v8 =	vmov s4;
	[tilespmem:s28], [sflag:$0x2] =	stream.strided.gather [hbm4b:s24+s3], $0x4000, s5, s3, $0x38;
	[tilespmem:$0x1EC80] =	vst v63  }
.LBB2_34:
0x273: {  	s9 =	sadd.s32 $0x1, s9  }
0x274: {  	p0 =	sne.s32 s9, $0x10  }
.Ltmp15:
0x275: {  	_ = 	snop;
	(pc) =	sbr.rel @!p0 .LBB2_35-.Ltmp15, $2  }
0x276: {  	_ =	sdelay $0x2  }
0x277: {  	s7 =	sadd.s32 $0x400, s7  }
.LBB2_22:
0x278: {  	s1 =	sshll.u32 s9, $0xA  }
0x279: {  	p0 =	sge.s32 s1, s20  }
.Ltmp16:
0x27a: {  	_ = 	snop;
	(pc) =	sbr.rel @p0 .LBB2_34-.Ltmp16, $1  }
0x27b: {  	_ =	sdelay $0x3  }
0x27c: {  	v9 =	vimm.s32 $0x0;
	s1 =	simm.s32 $0xFFFFFFFC;
	s3 =	simm.s32 $0x0  }
.LBB2_24:
0x27d: {  	s5 =	sadd.s32 s3, s7  }
0x27e: {  	s11 =	sand.u32 $0x40, s3;
	s6 =	sand.u32 $0x3F80, s5  }
0x27f: {  	s6 =	sor.u32 s11, s6  }
0x280: {  	v10 =	vld [tilespmem:s6+$0x1000];
	_ =	sdelay $0x4  }
0x281: {  	v11 =	vshrl.u32 v10, $0xE  }
0x282: {  	v12 =	vor.u32 s5, v3;
	v11 =	vsub.s32 v11, v8  }
0x283: {  	vm2 =	vlt.s32 v12, v7;
	vm1 =	vlt.u32 v11, $0x200  }
0x284: {  	vm1 =	vmand vm2, vm1  }
0x285: {  	v51 =	vsel vm1, $0x1, v2  }
0x286: {  	(xrf0) =	vadd.scan.msk.s32 $0xffff, v51;
	_ =	sdelay $0x5  }
0x287: {  	v12, _, _ =	vpop (xrf0)  }
0x288: {  	v12 =	vadd.s32 v12, v9  }
0x289: {  	v12 =	vadd.s32 $0xFFFFFFFF, v12;
	_ =	sdelay $0x2  }
0x28a: {  	s21 =	sadd.s32 $0x10, s3;
	s24 =	sadd.s32 $0x10, s5;
	v10 =	vand.u32 $0x3FFF, v10;
	v11 =	vshll.u32 v11, $0xE  }
0x28b: {  	s15 =	sand.u32 $0x3F80, s24;
	s6 =	sand.u32 $0x50, s21;
	v10 =	vor.u32 v10, v11  }
0x28c: {  	s6 =	sor.u32 s6, s15;
	[tilespmem:v12+s29+$0x0] =	vst.idx.msk vm1, v10  }
0x28d: {  	v10 =	vld [tilespmem:s6+$0x1000];
	_ =	sdelay $0x4  }
0x28e: {  	v11 =	vshrl.u32 v10, $0xE  }
0x28f: {  	v52 =	vor.u32 s24, v3;
	v11 =	vsub.s32 v11, v8  }
0x290: {  	vm3 =	vlt.s32 v52, v7;
	vm2 =	vlt.u32 v11, $0x200  }
0x291: {  	vm2 =	vmand vm3, vm2  }
0x292: {  	v53 =	vsel vm2, $0x1, v2  }
0x293: {  	(xrf0) =	vadd.scan.msk.s32 $0xffff, v53;
	_ =	sdelay $0x3  }
0x294: {  	v54 =	vmpcnt.ones.xlane vm1;
	_ =	sdelay $0x1  }
0x295: {  	v9 =	vadd.s32 v9, v54;
	v55, _, _ =	vpop (xrf0)  }
0x296: {  	v12 =	vadd.s32 v55, v9  }
0x297: {  	v12 =	vadd.s32 $0xFFFFFFFF, v12;
	_ =	sdelay $0x2  }
0x298: {  	s17 =	sadd.s32 $0x20, s5;
	s15 =	sadd.s32 $0x20, s3;
	v10 =	vand.u32 $0x3FFF, v10;
	v11 =	vshll.u32 v11, $0xE  }
0x299: {  	s19 =	sand.u32 $0x3F80, s17;
	s6 =	sand.u32 $0x60, s15;
	v10 =	vor.u32 v10, v11  }
0x29a: {  	s6 =	sor.u32 s6, s19;
	[tilespmem:v12+s29+$0x0] =	vst.idx.msk vm2, v10  }
0x29b: {  	v10 =	vld [tilespmem:s6+$0x1000];
	_ =	sdelay $0x4  }
0x29c: {  	v11 =	vshrl.u32 v10, $0xE  }
0x29d: {  	v56 =	vor.u32 s17, v3;
	v11 =	vsub.s32 v11, v8  }
0x29e: {  	vm3 =	vlt.s32 v56, v7;
	vm1 =	vlt.u32 v11, $0x200  }
0x29f: {  	vm1 =	vmand vm3, vm1  }
0x2a0: {  	v57 =	vsel vm1, $0x1, v2  }
0x2a1: {  	(xrf0) =	vadd.scan.msk.s32 $0xffff, v57;
	_ =	sdelay $0x3  }
0x2a2: {  	v58 =	vmpcnt.ones.xlane vm2;
	_ =	sdelay $0x1  }
0x2a3: {  	v9 =	vadd.s32 v9, v58;
	v59, _, _ =	vpop (xrf0)  }
0x2a4: {  	v12 =	vadd.s32 v59, v9  }
0x2a5: {  	v12 =	vadd.s32 $0xFFFFFFFF, v12;
	_ =	sdelay $0x2  }
0x2a6: {  	s5 =	sadd.s32 $0x30, s5;
	s21 =	sadd.s32 $0x30, s3;
	v10 =	vand.u32 $0x3FFF, v10;
	v11 =	vshll.u32 v11, $0xE  }
0x2a7: {  	s24 =	sand.u32 $0x3F80, s5;
	s6 =	sand.u32 $0x70, s21;
	v10 =	vor.u32 v10, v11  }
0x2a8: {  	s6 =	sor.u32 s6, s24;
	[tilespmem:v12+s29+$0x0] =	vst.idx.msk vm1, v10  }
0x2a9: {  	v10 =	vld [tilespmem:s6+$0x1000];
	_ =	sdelay $0x4  }
0x2aa: {  	v11 =	vshrl.u32 v10, $0xE  }
0x2ab: {  	v60 =	vor.u32 s5, v3;
	v11 =	vsub.s32 v11, v8  }
0x2ac: {  	vm3 =	vlt.s32 v60, v7;
	vm2 =	vlt.u32 v11, $0x200  }
0x2ad: {  	vm2 =	vmand vm3, vm2  }
0x2ae: {  	v61 =	vsel vm2, $0x1, v2  }
0x2af: {  	(xrf0) =	vadd.scan.msk.s32 $0xffff, v61;
	_ =	sdelay $0x3  }
0x2b0: {  	v62 =	vmpcnt.ones.xlane vm1;
	_ =	sdelay $0x1  }
0x2b1: {  	v9 =	vadd.s32 v9, v62;
	v63, _, _ =	vpop (xrf0)  }
0x2b2: {  	s1 =	sadd.s32 $0x4, s1;
	v12 =	vadd.s32 v63, v9  }
0x2b3: {  	p0 =	slt.u32 s1, $0x3C;
	v12 =	vadd.s32 $0xFFFFFFFF, v12  }
.Ltmp17:
0x2b4: {  	_ = 	snop;
	(pc) =	sbr.rel @p0 .LBB2_24-.Ltmp17, $4  }
0x2b5: {  	_ = 	snop  }
0x2b6: {  	v10 =	vand.u32 $0x3FFF, v10;
	v11 =	vshll.u32 v11, $0xE;
	v13 =	vmpcnt.ones.xlane vm2  }
0x2b7: {  	v10 =	vor.u32 v10, v11  }
0x2b8: {  	s3 =	sadd.s32 $0x40, s3;
	v9 =	vadd.s32 v9, v13;
	[tilespmem:v12+s29+$0x0] =	vst.idx.msk vm2, v10  }
0x2b9: {  	v9 =	vxor.u32 $0x80000000, v9  }
0x2ba: {  	(xrf0) =	vmax.scan.msk.u32 $0xffff, v9;
	_ =	sdelay $0x5  }
0x2bb: {  	v9, _, _ =	vpop (xrf0)  }
0x2bc: {  	(v2sf) =	vpush v9, $0xF;
	_ =	sdelay $0xe  }
0x2bd: {  	s1 =	spop (v2sf)  }
0x2be: {  	s3 =	sadd.s32 $0x8000001F, s1  }
0x2bf: {  	p0 =	slt.s32 s3, $0x20  }
.Ltmp18:
0x2c0: {  	_ = 	snop;
	(pc) =	sbr.rel @p0 .LBB2_34-.Ltmp18, $1  }
0x2c1: {  	_ =	sdelay $0x3  }
.Ltmp19:
0x2c2: {  	(pc) =	sbr.rel .LBB2_27-.Ltmp19, $4  }
0x2c3: {  	s5 =	sshra.s32 s3, $0x1F  }
0x2c4: {  	s5 =	sshrl.u32 s5, $0x1B  }
0x2c5: {  	s6 =	sxor.u32 $0x80000000, s1;
	s11 =	simm.s32 $0x0;
	s24 =	sadd.s32 s5, s3  }
0x2c6: {  	s1 =	smov.u32 s6;
	s5 =	simm.s32 $0x0;
	s3 =	sshra.s32 s24, $0x5  }
.LBB2_29:
0x2c7: {  	s15 =	simm.s32 $0x0  }
.LBB2_32:
0x2c8: {  	_ =	sdelay $0x3  }
0x2c9: {  	[tilespmem:v13+s13+$0x0] =	vst.idx.add.f32.msk @p0 $0x1, v4  }
0x2ca: {  	v9 =	vld.idx.msk [tilespmem:v17+s29+$0x0], $0xffff;
	_ =	sdelay $0x4  }
0x2cb: {  	v10 =	vshll.u32 v9, $0x6  }
0x2cc: {  	s15 =	sshll.u32 s15, $0x7;
	v10 =	vand.u32 $0x40, v10  }
0x2cd: {  	v10 =	vor.u32 s15, v10  }
0x2ce: {  	v11 =	vor.u32 v3, v10;
	_ =	sdelay $0x1  }
0x2cf: {  	v12 =	vmul.u32 $0x200, v3  }
0x2d0: {  	v9 =	vshrl.u32 v9, $0xE  }
0x2d1: {  	v54 =	vadd.s32 v12, v9  }
0x2d2: {  	v14 =	vand.u32 $0x7F, v9;
	v13 =	vand.u32 $0x7FF80, v54;
	v11 =	vld.idx.msk [tilespmem:v11+s2+$0x0], $0xffff  }
0x2d3: {  	v13 =	vor.u32 v14, v13  }
0x2d4: {  	v15 =	vor.u32 $0x10, v3  }
0x2d5: {  	v15 =	vor.u32 v15, v10;
	_ =	sdelay $0x1  }
0x2d6: {  	v16 =	vmul.f32 v11, v11  }
0x2d7: {  	v55 =	vor.u32 $0x2000, v12;
	[tilespmem:v13+s0+$0x0] =	vst.idx.add.f32.msk $0xffff, v11  }
0x2d8: {  	v11 =	vadd.s32 v55, v9;
	[tilespmem:v13+s12+$0x0] =	vst.idx.add.f32.msk $0xffff, v16  }
0x2d9: {  	v11 =	vand.u32 $0x7FF80, v11;
	v13 =	vld.idx.msk [tilespmem:v15+s2+$0x0], $0xffff  }
0x2da: {  	v11 =	vor.u32 v14, v11  }
0x2db: {  	v56 =	vor.u32 $0x20, v3  }
0x2dc: {  	v15 =	vor.u32 v56, v10;
	_ =	sdelay $0x1  }
0x2dd: {  	v57 =	vmul.f32 v13, v13  }
0x2de: {  	v58 =	vor.u32 $0x4000, v12;
	[tilespmem:v11+s0+$0x0] =	vst.idx.add.f32.msk $0xffff, v13  }
0x2df: {  	v59 =	vadd.s32 v58, v9;
	[tilespmem:v11+s12+$0x0] =	vst.idx.add.f32.msk $0xffff, v57  }
0x2e0: {  	v11 =	vand.u32 $0x7FF80, v59;
	v60 =	vld.idx.msk [tilespmem:v15+s2+$0x0], $0xffff  }
0x2e1: {  	v11 =	vor.u32 v14, v11  }
0x2e2: {  	v61 =	vor.u32 $0x30, v3  }
0x2e3: {  	v10 =	vor.u32 v61, v10;
	_ =	sdelay $0x1  }
0x2e4: {  	v62 =	vmul.f32 v60, v60  }
0x2e5: {  	v12 =	vor.u32 $0x6000, v12;
	[tilespmem:v11+s0+$0x0] =	vst.idx.add.f32.msk $0xffff, v60  }
0x2e6: {  	v12 =	vadd.s32 v12, v9;
	[tilespmem:v11+s12+$0x0] =	vst.idx.add.f32.msk $0xffff, v62  }
0x2e7: {  	v11 =	vand.u32 $0x7FF80, v12;
	v10 =	vld.idx.msk [tilespmem:v10+s2+$0x0], $0xffff  }
0x2e8: {  	v11 =	vor.u32 v14, v11;
	_ =	sdelay $0x3  }
0x2e9: {  	v63 =	vmul.f32 v10, v10  }
0x2ea: {  	[tilespmem:v11+s0+$0x0] =	vst.idx.add.f32.msk $0xffff, v10  }
0x2eb: {  	[tilespmem:v11+s12+$0x0] =	vst.idx.add.f32.msk $0xffff, v63  }
0x2ec: {  	[tilespmem:v9+s13+$0x0] =	vst.idx.add.f32.msk $0x1, v4  }
.LBB2_33:
0x2ed: {  	s11 =	sadd.s32 $0x1, s11  }
0x2ee: {  	p0 =	sne.s32 s11, s3  }
.Ltmp20:
0x2ef: {  	_ = 	snop;
	(pc) =	sbr.rel @!p0 .LBB2_34-.Ltmp20, $2  }
0x2f0: {  	_ =	sdelay $0x2  }
0x2f1: {  	s1 =	sadd.s32 $0xFFFFFFE0, s1;
	s5 =	sadd.s32 $0x20, s5  }
.LBB2_27:
0x2f2: {  	s15 =	sshll.u32 s11, $0x5  }
0x2f3: {  	v9 =	vld [tilespmem:s15+$0x5080];
	_ =	sdelay $0x4  }
0x2f4: {  	v9 =	vshrl.u32 v9, $0x1  }
0x2f5: {  	v9 =	vand.u32 $0x1FFF, v9  }
0x2f6: {  	[tilespmem:$0x1EA00] =	vst v9  }
0x2f7: {  	v9 =	vld [tilespmem:s15+$0x5090];
	_ =	sdelay $0x4  }
0x2f8: {  	s15 =	ssub.s32 s6, s15;
	v9 =	vshrl.u32 v9, $0x1  }
0x2f9: {  	p0 =	slt.s32 s15, $0x1;
	v9 =	vand.u32 $0x1FFF, v9  }
.Ltmp21:
0x2fa: {  	[tilespmem:$0x1EA10] =	vst v9;
	(pc) =	sbr.rel @p0 .LBB2_33-.Ltmp21, $4  }
0x2fb: {  	[tilespmem:s2], [sflag:$0x3] =	stream.indirect.gather [hbm4b:s10+s30], $0x80, s31, s30, $0xb8;
	[tilespmem:$0x1EC80] =	vst v63  }
0x2fc: {  	_ =	swait.ge [sflag:s8], $0x1000  }
0x2fd: {  	[sflag:s8] =	ssyncset.done $0x0  }
0x2fe: {  	[sflag:s8] =	ssyncadd.s32 $0xFFFFF000  }
0x2ff: {  	p0 =	sgt.s32 s1, $0x1;
	s15 =	smov.u32 s1  }
0x300: {  	s15 =	simm.s32 @!p0 $0x1  }
0x301: {  	s24 =	smin.u32 s15, $0x20  }
0x302: {  	p1 =	sne.s32 s24, $0x1  }
.Ltmp22:
0x303: {  	_ = 	snop;
	(pc) =	sbr.rel @!p1 .LBB2_29-.Ltmp22, $3  }
0x304: {  	_ =	sdelay $0x1  }
0x305: {  	s17 =	sadd.s32 $0x0, s5  }
0x306: {  	v17 =	vmov s17;
	p0 =	por $0x0, $0x0;
	s15 =	simm.s32 $0x1  }
0x307: {  	_ =	sdelay $0x3  }
0x308: {  	v10 =	vld.idx.msk [tilespmem:v17+s29+$0x0], $0xffff;
	_ =	sdelay $0x4  }
0x309: {  	v9 =	vshll.u32 v10, $0x6  }
0x30a: {  	s17 =	simm.s32 $0x0;
	v9 =	vand.u32 $0x40, v9  }
0x30b: {  	v16 =	vor.u32 s17, v9  }
0x30c: {  	v11 =	vor.u32 v3, v16;
	_ =	sdelay $0x1  }
0x30d: {  	v9 =	vmul.u32 $0x200, v3  }
0x30e: {  	v13 =	vshrl.u32 v10, $0xE  }
0x30f: {  	v10 =	vadd.s32 v9, v13  }
0x310: {  	v17 =	vand.u32 $0x7F, v13;
	v10 =	vand.u32 $0x7FF80, v10;
	v12 =	vld.idx.msk [tilespmem:v11+s2+$0x0], $0xffff  }
0x311: {  	v14 =	vor.u32 v17, v10  }
0x312: {  	v10 =	vor.u32 $0x10, v3  }
0x313: {  	v15 =	vor.u32 v10, v16;
	_ =	sdelay $0x1  }
0x314: {  	v18 =	vmul.f32 v12, v12  }
0x315: {  	v11 =	vor.u32 $0x2000, v9;
	[tilespmem:v14+s0+$0x0] =	vst.idx.add.f32.msk $0xffff, v12  }
0x316: {  	v12 =	vadd.s32 v11, v13;
	[tilespmem:v14+s12+$0x0] =	vst.idx.add.f32.msk $0xffff, v18  }
0x317: {  	v12 =	vand.u32 $0x7FF80, v12;
	v15 =	vld.idx.msk [tilespmem:v15+s2+$0x0], $0xffff  }
0x318: {  	v18 =	vor.u32 v17, v12  }
0x319: {  	v12 =	vor.u32 $0x20, v3  }
0x31a: {  	v19 =	vor.u32 v12, v16;
	_ =	sdelay $0x1  }
0x31b: {  	v20 =	vmul.f32 v15, v15  }
0x31c: {  	v14 =	vor.u32 $0x4000, v9;
	[tilespmem:v18+s0+$0x0] =	vst.idx.add.f32.msk $0xffff, v15  }
0x31d: {  	v15 =	vadd.s32 v14, v13;
	[tilespmem:v18+s12+$0x0] =	vst.idx.add.f32.msk $0xffff, v20  }
0x31e: {  	v15 =	vand.u32 $0x7FF80, v15;
	v18 =	vld.idx.msk [tilespmem:v19+s2+$0x0], $0xffff  }
0x31f: {  	v19 =	vor.u32 v17, v15  }
0x320: {  	v15 =	vor.u32 $0x30, v3  }
0x321: {  	v63 =	vor.u32 v15, v16;
	_ =	sdelay $0x1  }
0x322: {  	v21 =	vmul.f32 v18, v18  }
0x323: {  	v16 =	vor.u32 $0x6000, v9;
	[tilespmem:v19+s0+$0x0] =	vst.idx.add.f32.msk $0xffff, v18  }
0x324: {  	v18 =	vadd.s32 v16, v13;
	[tilespmem:v19+s12+$0x0] =	vst.idx.add.f32.msk $0xffff, v21  }
0x325: {  	v18 =	vand.u32 $0x7FF80, v18;
	v19 =	vld.idx.msk [tilespmem:v63+s2+$0x0], $0xffff  }
0x326: {  	v18 =	vor.u32 v17, v18  }
0x327: {  	p1 =	sne.s32 s24, $0x2  }
.Ltmp23:
0x328: {  	s21 =	sadd.s32 $0x1, s5;
	(pc) =	sbr.rel @!p1 .LBB2_32-.Ltmp23, $4  }
0x329: {  	v17 =	vmov s21  }
0x32a: {  	v20 =	vmul.f32 v19, v19  }
0x32b: {  	[tilespmem:v18+s0+$0x0] =	vst.idx.add.f32.msk $0xffff, v19  }
0x32c: {  	p0 =	por $0x1, $0x1;
	s17 =	simm.s32 $0x2;
	[tilespmem:v18+s12+$0x0] =	vst.idx.add.f32.msk $0xffff, v20  }
.LBB2_31:
0x32d: {  	[tilespmem:v13+s13+$0x0] =	vst.idx.add.f32.msk $0x1, v4;
	s21 =	smov.u32 s17;
	s17 =	sadd.s32 $0x1, s17  }
0x32e: {  	p1 =	sne.s32 s24, s17;
	v13 =	vld.idx.msk [tilespmem:v17+s29+$0x0], $0xffff;
	_ =	sdelay $0x5  }
0x32f: {  	v17 =	vshll.u32 v13, $0x6  }
0x330: {  	s19 =	sshll.u32 s15, $0x7;
	s15 =	smov.u32 s21;
	v17 =	vand.u32 $0x40, v17  }
0x331: {  	v17 =	vor.u32 s19, v17  }
0x332: {  	v18 =	vor.u32 v3, v17;
	_ =	sdelay $0x3  }
0x333: {  	v13 =	vshrl.u32 v13, $0xE  }
0x334: {  	v19 =	vadd.s32 v9, v13;
	v20 =	vadd.s32 v11, v13;
	v21 =	vadd.s32 v14, v13;
	v18 =	vld.idx.msk [tilespmem:v18+s2+$0x0], $0xffff  }
0x335: {  	v22 =	vand.u32 $0x7F, v13;
	v19 =	vand.u32 $0x7FF80, v19  }
0x336: {  	v23 =	vadd.s32 v16, v13;
	v21 =	vand.u32 $0x7FF80, v21;
	v19 =	vor.u32 v22, v19  }
0x337: {  	v23 =	vand.u32 $0x7FF80, v23  }
0x338: {  	v24 =	vor.u32 v10, v17;
	_ =	sdelay $0x1  }
0x339: {  	v25 =	vmul.f32 v18, v18  }
0x33a: {  	[tilespmem:v19+s0+$0x0] =	vst.idx.add.f32.msk $0xffff, v18  }
0x33b: {  	[tilespmem:v19+s12+$0x0] =	vst.idx.add.f32.msk $0xffff, v25  }
0x33c: {  	v18 =	vld.idx.msk [tilespmem:v24+s2+$0x0], $0xffff  }
0x33d: {  	v19 =	vand.u32 $0x7FF80, v20  }
0x33e: {  	v19 =	vor.u32 v22, v19;
	_ =	sdelay $0x1  }
0x33f: {  	v20 =	vor.u32 v12, v17;
	_ =	sdelay $0x1  }
0x340: {  	v24 =	vmul.f32 v18, v18  }
0x341: {  	[tilespmem:v19+s0+$0x0] =	vst.idx.add.f32.msk $0xffff, v18  }
0x342: {  	[tilespmem:v19+s12+$0x0] =	vst.idx.add.f32.msk $0xffff, v24  }
0x343: {  	v18 =	vld.idx.msk [tilespmem:v20+s2+$0x0], $0xffff  }
0x344: {  	v19 =	vor.u32 v22, v21;
	_ =	sdelay $0x2  }
0x345: {  	v17 =	vor.u32 v15, v17;
	_ =	sdelay $0x1  }
0x346: {  	[tilespmem:v19+s0+$0x0] =	vst.idx.add.f32.msk $0xffff, v18;
	v18 =	vmul.f32 v18, v18;
	_ =	sdelay $0x1  }
0x347: {  	[tilespmem:v19+s12+$0x0] =	vst.idx.add.f32.msk $0xffff, v18  }
0x348: {  	v18 =	vld.idx.msk [tilespmem:v17+s2+$0x0], $0xffff  }
0x349: {  	v19 =	vor.u32 v22, v23;
	_ =	sdelay $0x2  }
.Ltmp24:
0x34a: {  	s19 =	sadd.s32 s15, s5;
	(pc) =	sbr.rel @p1 .LBB2_31-.Ltmp24, $3  }
0x34b: {  	v17 =	vmov s19  }
0x34c: {  	[tilespmem:v19+s0+$0x0] =	vst.idx.add.f32.msk $0xffff, v18;
	v18 =	vmul.f32 v18, v18;
	_ =	sdelay $0x1  }
0x34d: {  	[tilespmem:v19+s12+$0x0] =	vst.idx.add.f32.msk $0xffff, v18  }
.Ltmp25:
0x34e: {  	_ = 	snop;
	(pc) =	sbr.rel .LBB2_32-.Ltmp25, $1  }
0x34f: {  	_ =	sdelay $0x3  }
.LBB2_35:
0x350: {  	v8 =	vimm.s32 $0x0  }
0x351: {  	s1 =	simm.s32 $0x15500;
	[tilespmem:$0x15980] =	vst v8  }
0x352: {  	v9 =	vld [tilespmem:s1+$0x0];
	_ =	sdelay $0x4  }
0x353: {  	vm1 =	vgt.f32 v9, $0.0e+00  }
0x354: {  	v9 =	vsel vm1, $0x1, v2  }
0x355: {  	(xrf0) =	vadd.scan.msk.s32 $0xffff, v9;
	_ =	sdelay $0x3  }
0x356: {  	s1 =	simm.s32 $0x0  }
0x357: {  	s3 =	sand.u32 $0x7, s1  }
0x358: {  	p0 =	sne.s32 s3, $0x7;
	v9, _, _ =	vpop (xrf0)  }
0x359: {  	s3 =	sand.u32 @!p0 $0x30, s1;
	v9 =	vadd.s32 v9, v8  }
0x35a: {  	v10 =	vlaneseq.u32 @!p0;
	s3 =	sadd.s32 @!p0 $0x10, s3;
	v9 =	vadd.s32 $0xFFFFFFFF, v9  }
0x35b: {  	v10 =	vor.u32 @!p0 s3, v10;
	_ =	sdelay $0x1  }
0x35c: {  	v11 =	vmpcnt.ones.xlane vm1  }
0x35d: {  	v12 =	vor.u32 s1, v3  }
0x35e: {  	s5 =	simm.s32 @!p0 $0x15980;
	v8 =	vadd.s32 v8, v11;
	[tilespmem:v9+s14+$0x0] =	vst.idx.msk vm1, v12  }
0x35f: {  	s6 =	simm.s32 $0x0;
	s3 =	simm.s32 $0x1;
	[tilespmem:v10+s5+$0x0] =	vst.idx.msk @!p0 $0xffff, v8;
	s5 =	simm.s32 $0x15510  }
.LBB2_36:
0x360: {  	v9 =	vld [tilespmem:s5+$0x0];
	s7 =	smov.u32 s3  }
0x361: {  	s3 =	sadd.s32 $0x1, s3  }
0x362: {  	p0 =	sne.s32 s3, $0x20;
	_ =	sdelay $0x2  }
0x363: {  	vm1 =	vgt.f32 v9, $0.0e+00  }
0x364: {  	v9 =	vsel vm1, $0x1, v2  }
0x365: {  	(xrf0) =	vadd.scan.msk.s32 $0xffff, v9;
	_ =	sdelay $0x4  }
0x366: {  	s7 =	sand.u32 $0x7, s7  }
0x367: {  	s1 =	sadd.s32 $0x2, s1;
	p1 =	sne.s32 s7, $0x7;
	v9, _, _ =	vpop (xrf0)  }
0x368: {  	s7 =	sand.u32 @!p1 $0x30, s1;
	v9 =	vadd.s32 v9, v8  }
0x369: {  	v10 =	vlaneseq.u32 @!p1;
	s7 =	sadd.s32 @!p1 $0x10, s7;
	v9 =	vadd.s32 $0xFFFFFFFF, v9  }
0x36a: {  	v10 =	vor.u32 @!p1 s7, v10  }
.Ltmp26:
0x36b: {  	(pc) =	sbr.rel @p0 .LBB2_36-.Ltmp26, $4  }
0x36c: {  	s6 =	sadd.s32 $0x10, s6;
	v11 =	vmpcnt.ones.xlane vm1  }
0x36d: {  	v12 =	vor.u32 s6, v3  }
0x36e: {  	s7 =	simm.s32 @!p1 $0x15980;
	v8 =	vadd.s32 v8, v11;
	[tilespmem:v9+s14+$0x0] =	vst.idx.msk vm1, v12  }
0x36f: {  	s5 =	sadd.s32 $0x10, s5;
	[tilespmem:v10+s7+$0x0] =	vst.idx.msk @!p1 $0xffff, v8  }
0x370: {  	v8 =	vxor.u32 $0x80000000, v8  }
0x371: {  	(xrf0) =	vmax.scan.msk.u32 $0xffff, v8;
	_ =	sdelay $0x5  }
0x372: {  	v8, _, _ =	vpop (xrf0)  }
0x373: {  	(v2sf) =	vpush v8, $0xF;
	_ =	sdelay $0xe  }
0x374: {  	s3 =	simm.s32 $0x4;
	s1 =	spop (v2sf)  }
0x375: {  	_ =	swait.ge [sflag:s3], $0x200  }
0x376: {  	[sflag:s3] =	ssyncset.done $0x0  }
0x377: {  	[sflag:s3] =	ssyncadd.s32 $0xFFFFFE00  }
0x378: {  	_ =	swait.ge [sflag:s16], $0x4000  }
0x379: {  	[sflag:s16] =	ssyncset.done $0x0  }
0x37a: {  	s21 =	simm.s32 $0x15980;
	[sflag:s16] =	ssyncadd.s32 $0xFFFFC000  }
0x37b: {  	v8 =	vld.msk [tilespmem:s21+$0x0], $0xffff  }
0x37c: {  	v9 =	vld.idx.msk [tilespmem:v5+s21+$0x0], $0xffff;
	_ =	sdelay $0x3  }
0x37d: {  	v8 =	vxor.u32 $0x80000000, v8  }
0x37e: {  	(xrf0) =	vmax.scan.msk.u32 $0xffff, v8;
	v8 =	vxor.u32 $0x80000000, v9  }
0x37f: {  	(xrf0) =	vmax.scan.msk.u32 $0xffff, v8;
	_ =	sdelay $0x4  }
0x380: {  	v8, _, _ =	vpop (xrf0)  }
0x381: {  	(v2sf) =	vpush v8, $0xF;
	v8, _, _ =	vpop (xrf0)  }
0x382: {  	(v2sf) =	vpush v8, $0xF;
	_ =	sdelay $0xd  }
0x383: {  	s24 =	spop (v2sf)  }
0x384: {  	s5 =	spop (v2sf)  }
0x385: {  	s9 =	sxor.u32 $0x80000000, s1;
	s1 =	sxor.u32 $0x80000000, s5  }
0x386: {  	s5 =	smov.u32 s9;
	p0 =	slt.s32 s1, s9  }
0x387: {  	s5 =	smov.u32 @p0 s1  }
0x388: {  	s1 =	sadd.s32 $0xF, s5  }
0x389: {  	s5 =	sshra.s32 s1, $0x1F  }
0x38a: {  	s5 =	sshrl.u32 s5, $0x1C  }
0x38b: {  	s3 =	sshrl.u32 s24, $0x4;
	s5 =	sadd.s32 s5, s1  }
0x38c: {  	s1 =	sxor.u32 $0x8000000, s3;
	s3 =	sshra.s32 s5, $0x4  }
0x38d: {  	p0 =	sge.s32 s1, s3  }
.Ltmp27:
0x38e: {  	_ = 	snop;
	(pc) =	sbr.rel @p0 .LBB2_42-.Ltmp27, $1  }
0x38f: {  	_ =	sdelay $0x3  }
0x390: {  	v8 =	vmov s9  }
.LBB2_39:
0x391: {  	s5 =	sshll.u32 s1, $0x4  }
0x392: {  	v9 =	vld [tilespmem:s5+$0x15700];
	_ =	sdelay $0x3  }
0x393: {  	v10 =	vor.u32 s5, v3  }
0x394: {  	vm1 =	vlt.s32 v10, v8;
	vm2 =	vlt.u32 v9, $0x100  }
0x395: {  	vm1 =	vmand vm1, vm2  }
0x396: {  	v10 =	vnsel vm1, $0x0, v9;
	_ =	sdelay $0x4  }
0x397: {  	v9 =	vld.idx.msk [tilespmem:v10+s13+$0x0], $0xffff  }
0x398: {  	s21 =	simm.s32 $0x0  }
0x399: {  	v12 =	vmov s21  }
0x39a: {  	v13 =	vshll.u32 v12, $0x8;
	v14 =	vshll.u32 v12, $0x7;
	v11 =	vshll.u32 v10, $0x3  }
0x39b: {  	v13 =	vand.u32 $0x3800, v13;
	v14 =	vand.u32 $0x380, v14;
	v11 =	vand.u32 $0xFFFFFC00, v11  }
0x39c: {  	v12 =	vadd.s32 s21, v10;
	v15 =	vadd.s32 v11, v13;
	(erf) = vrcp.f32 v9  }
0x39d: {  	v13 =	vand.u32 $0x7F, v10;
	v14 =	vor.u32 v14, v15  }
0x39e: {  	v15 =	vor.u32 v13, v14;
	_ =	sdelay $0x2  }
0x39f: {  	v16 =	vld.idx.msk [tilespmem:v12+s0+$0x0], $0xffff;
	_ =	sdelay $0x1  }
0x3a0: {  	v17 =	vld.idx.msk [tilespmem:v15+s25+$0x0], $0xffff;
	_ =	sdelay $0x1  }
0x3a1: {  	v18 =	vld.idx.msk [tilespmem:v10+s26+$0x0], $0xffff;
	v14 =	vpop (erf)  }
0x3a2: {  	v19 =	vmul.f32 v16, v14;
	_ =	sdelay $0x1  }
0x3a3: {  	v17 =	vmul.f32 $8.999999760e-01, v17;
	v20 =	vmul.f32 $1.000000010e-01, v19;
	_ =	sdelay $0x1  }
0x3a4: {  	vm2 =	vlt.f32 v18, $0.0e+00;
	vm3 =	vgt.f32 v18, $0.0e+00;
	v17 =	vadd.f32 v17, v20  }
0x3a5: {  	vm2 =	vmor vm3, vm2  }
0x3a6: {  	v17 =	vsel vm2, v17, v19  }
0x3a7: {  	[tilespmem:v15+s25+$0x0] =	vst.idx.msk vm1, v17  }
0x3a8: {  	v15 =	vld.idx.msk [tilespmem:v12+s12+$0x0], $0xffff  }
0x3a9: {  	v18 =	vadd.f32 v17, v17  }
0x3aa: {  	s24 =	simm.s32 $0x1;
	v19 =	vmul.f32 v17, v9  }
0x3ab: {  	v16 =	vmul.f32 v18, v16;
	v18 =	vmov s24  }
0x3ac: {  	v17 =	vmul.f32 v19, v17;
	v19 =	vshll.u32 v18, $0x8  }
0x3ad: {  	v15 =	vsub.f32 v15, v16;
	v16 =	vshll.u32 v18, $0x7;
	v18 =	vand.u32 $0x3800, v19  }
0x3ae: {  	v18 =	vadd.s32 v11, v18;
	v16 =	vand.u32 $0x380, v16  }
0x3af: {  	v17 =	vadd.f32 v15, v17;
	v15 =	vor.u32 v16, v18  }
0x3b0: {  	s5 =	simm.s32 $0x200;
	v15 =	vor.u32 v13, v15  }
0x3b1: {  	s6 =	simm.s32 $0x2;
	v16 =	vadd.s32 s5, v10;
	[tilespmem:v12+s12+$0x0] =	vst.idx.msk vm1, v17  }
.LBB2_40:
0x3b2: {  	p0 =	sne.s32 s6, $0x3F;
	[tilespmem:v12+s0+$0x0] =	vst.idx.msk vm1, v1;
	v12 =	vmov v16;
	s7 =	smov.u32 s6;
	s6 =	sadd.s32 $0x1, s6  }
0x3b3: {  	v16 =	vld.idx.msk [tilespmem:v16+s0+$0x0], $0xffff;
	_ =	sdelay $0x1  }
0x3b4: {  	v17 =	vld.idx.msk [tilespmem:v15+s25+$0x0], $0xffff;
	_ =	sdelay $0x3  }
0x3b5: {  	v18 =	vmul.f32 v16, v14;
	_ =	sdelay $0x1  }
0x3b6: {  	v19 =	vmul.f32 $1.000000010e-01, v18;
	v17 =	vmul.f32 $8.999999760e-01, v17;
	_ =	sdelay $0x1  }
0x3b7: {  	v17 =	vadd.f32 v17, v19;
	_ =	sdelay $0x1  }
0x3b8: {  	v17 =	vsel vm2, v17, v18  }
0x3b9: {  	v18 =	vmul.f32 v17, v9;
	[tilespmem:v15+s25+$0x0] =	vst.idx.msk vm1, v17;
	v15 =	vadd.f32 v17, v17  }
0x3ba: {  	v19 =	vld.idx.msk [tilespmem:v12+s12+$0x0], $0xffff  }
0x3bb: {  	v17 =	vmul.f32 v18, v17;
	v15 =	vmul.f32 v15, v16;
	_ =	sdelay $0x2  }
0x3bc: {  	v16 =	vmov s7  }
0x3bd: {  	v18 =	vshll.u32 v16, $0x8;
	v20 =	vshll.u32 v16, $0x7  }
.Ltmp28:
0x3be: {  	s5 =	sadd.s32 $0x200, s5;
	v18 =	vand.u32 $0x3800, v18;
	v15 =	vsub.f32 v19, v15;
	(pc) =	sbr.rel @p0 .LBB2_40-.Ltmp28, $4  }
0x3bf: {  	v16 =	vadd.s32 s5, v10;
	v18 =	vadd.s32 v11, v18;
	v19 =	vand.u32 $0x380, v20  }
0x3c0: {  	v18 =	vor.u32 v19, v18;
	v17 =	vadd.f32 v15, v17  }
0x3c1: {  	v15 =	vor.u32 v13, v18  }
0x3c2: {  	[tilespmem:v12+s12+$0x0] =	vst.idx.msk vm1, v17  }
0x3c3: {  	_ =	sdelay $0x4  }
0x3c4: {  	[tilespmem:v12+s0+$0x0] =	vst.idx.msk vm1, v1  }
0x3c5: {  	v10 =	vld.idx.msk [tilespmem:v16+s0+$0x0], $0xffff;
	_ =	sdelay $0x1  }
0x3c6: {  	v11 =	vld.idx.msk [tilespmem:v15+s25+$0x0], $0xffff;
	_ =	sdelay $0x2  }
0x3c7: {  	v61 =	vmul.f32 v10, v14;
	_ =	sdelay $0x1  }
0x3c8: {  	v11 =	vmul.f32 $8.999999760e-01, v11;
	v13 =	vmul.f32 $1.000000010e-01, v61;
	_ =	sdelay $0x1  }
0x3c9: {  	v11 =	vadd.f32 v11, v13;
	_ =	sdelay $0x1  }
0x3ca: {  	v11 =	vsel vm2, v11, v61  }
0x3cb: {  	[tilespmem:v15+s25+$0x0] =	vst.idx.msk vm1, v11  }
0x3cc: {  	v62 =	vld.idx.msk [tilespmem:v16+s12+$0x0], $0xffff  }
0x3cd: {  	v63 =	vadd.f32 v11, v11;
	_ =	sdelay $0x1  }
0x3ce: {  	v9 =	vmul.f32 v11, v9;
	v10 =	vmul.f32 v63, v10  }
0x3cf: {  	s1 =	sadd.s32 $0x1, s1  }
0x3d0: {  	p0 =	sne.s32 s1, s3;
	v9 =	vmul.f32 v9, v11;
	v10 =	vsub.f32 v62, v10  }
.Ltmp29:
0x3d1: {  	_ = 	snop;
	(pc) =	sbr.rel @p0 .LBB2_39-.Ltmp29, $3  }
0x3d2: {  	v9 =	vadd.f32 v10, v9;
	_ =	sdelay $0x1  }
0x3d3: {  	[tilespmem:v16+s12+$0x0] =	vst.idx.msk vm1, v9  }
0x3d4: {  	[tilespmem:v16+s0+$0x0] =	vst.idx.msk vm1, v1  }
.LBB2_42:
0x3d5: {  	s1 =	rddreg [dreg:$0x5]  }
0x3d6: {  	s3 =	simm.s32 $0x800;
	s5 =	simm.s32 $0xC3800;
	s1 =	sadd.s32 s1, s4  }
0x3d7: {  	[hbm4b:s1+s3] =	stream.strided.scatter [tilespmem:s25], [sflag:$0x1], $0x4000, s5, s3, $0x38;
	[tilespmem:$0x1EC80] =	vst v63  }
0x3d8: {  	_ =	swait.ge [sflag:s16], $0x4000  }
0x3d9: {  	[sflag:s16] =	ssyncset.done $0x0  }
0x3da: {  	[sflag:s16] =	ssyncadd.s32 $0xFFFFC000  }
0x3db: {  	s7 =	sadd.s32 $0x100, s4;
	s17 =	rddreg [dreg:$0x2]  }
0x3dc: {  	s1 =	sadd.s32 s17, s7  }
0x3dd: {  	[tilespmem:s25], [sflag:$0x1] =	stream.strided.gather [hbm4b:s1+s3], $0x4000, s5, s3, $0x38;
	[tilespmem:$0x1EC80] =	vst v63  }
0x3de: {  	_ =	swait.ge [sflag:s16], $0x4000  }
0x3df: {  	[sflag:s16] =	ssyncset.done $0x0  }
0x3e0: {  	s19 =	simm.s32 $0x15980;
	[sflag:s16] =	ssyncadd.s32 $0xFFFFC000  }
0x3e1: {  	v8 =	vld.idx.msk [tilespmem:v5+s19+$0x0], $0xffff  }
0x3e2: {  	v9 =	vld.idx.msk [tilespmem:v6+s19+$0x0], $0xffff;
	_ =	sdelay $0x3  }
0x3e3: {  	v8 =	vxor.u32 $0x80000000, v8  }
0x3e4: {  	(xrf0) =	vmax.scan.msk.u32 $0xffff, v8;
	v8 =	vxor.u32 $0x80000000, v9  }
0x3e5: {  	(xrf0) =	vmax.scan.msk.u32 $0xffff, v8;
	_ =	sdelay $0x4  }
0x3e6: {  	v8, _, _ =	vpop (xrf0)  }
0x3e7: {  	(v2sf) =	vpush v8, $0xF;
	v8, _, _ =	vpop (xrf0)  }
0x3e8: {  	(v2sf) =	vpush v8, $0xF;
	_ =	sdelay $0xd  }
0x3e9: {  	s21 =	spop (v2sf)  }
0x3ea: {  	s24 =	spop (v2sf)  }
0x3eb: {  	s3 =	sxor.u32 $0x80000000, s24  }
0x3ec: {  	s5 =	smov.u32 s9;
	p0 =	slt.s32 s3, s9  }
0x3ed: {  	s5 =	smov.u32 @p0 s3  }
0x3ee: {  	s3 =	sadd.s32 $0xF, s5  }
0x3ef: {  	s5 =	sshra.s32 s3, $0x1F  }
0x3f0: {  	s5 =	sshrl.u32 s5, $0x1C  }
0x3f1: {  	s1 =	sshrl.u32 s21, $0x4;
	s3 =	sadd.s32 s5, s3  }
0x3f2: {  	s1 =	sxor.u32 $0x8000000, s1;
	s3 =	sshra.s32 s3, $0x4  }
0x3f3: {  	p0 =	sge.s32 s1, s3  }
.Ltmp30:
0x3f4: {  	_ = 	snop;
	(pc) =	sbr.rel @p0 .LBB2_47-.Ltmp30, $2  }
0x3f5: {  	_ =	sdelay $0x2  }
0x3f6: {  	s15 =	simm.s32 $0x800;
	s17 =	simm.s32 $0xC3800  }
0x3f7: {  	v8 =	vmov s9  }
.LBB2_44:
0x3f8: {  	s5 =	sshll.u32 s1, $0x4  }
0x3f9: {  	v11 =	vld [tilespmem:s5+$0x15700];
	_ =	sdelay $0x4  }
0x3fa: {  	v9 =	vor.u32 s5, v3;
	v10 =	vand.u32 $0xFFFFFF00, v11  }
0x3fb: {  	vm1 =	vlt.s32 v9, v8;
	vm2 =	veq.s32 v10, $0x100  }
0x3fc: {  	vm1 =	vmand vm1, vm2  }
0x3fd: {  	v10 =	vnsel vm1, $0x0, v11;
	_ =	sdelay $0x4  }
0x3fe: {  	v9 =	vld.idx.msk [tilespmem:v10+s13+$0x0], $0xffff  }
0x3ff: {  	s21 =	simm.s32 $0x0;
	v11 =	vadd.s32 $0xFFFFFF00, v11  }
0x400: {  	v12 =	vmov s21;
	v13 =	vnsel vm1, $0x0, v11  }
0x401: {  	v14 =	vshll.u32 v12, $0x8;
	v15 =	vshll.u32 v12, $0x7;
	v11 =	vshll.u32 v13, $0x3  }
0x402: {  	v14 =	vand.u32 $0x3800, v14;
	v15 =	vand.u32 $0x380, v15;
	v11 =	vand.u32 $0xFFFFFC00, v11  }
0x403: {  	v12 =	vadd.s32 s21, v10;
	v14 =	vadd.s32 v11, v14;
	(erf) = vrcp.f32 v9  }
0x404: {  	v13 =	vand.u32 $0x7F, v13;
	v14 =	vor.u32 v15, v14  }
0x405: {  	v15 =	vor.u32 v13, v14;
	_ =	sdelay $0x2  }
0x406: {  	v16 =	vld.idx.msk [tilespmem:v12+s0+$0x0], $0xffff;
	_ =	sdelay $0x1  }
0x407: {  	v17 =	vld.idx.msk [tilespmem:v15+s25+$0x0], $0xffff;
	_ =	sdelay $0x1  }
0x408: {  	v18 =	vld.idx.msk [tilespmem:v10+s26+$0x0], $0xffff;
	v14 =	vpop (erf)  }
0x409: {  	v19 =	vmul.f32 v16, v14;
	_ =	sdelay $0x1  }
0x40a: {  	v17 =	vmul.f32 $8.999999760e-01, v17;
	v20 =	vmul.f32 $1.000000010e-01, v19;
	_ =	sdelay $0x1  }
0x40b: {  	vm2 =	vlt.f32 v18, $0.0e+00;
	vm3 =	vgt.f32 v18, $0.0e+00;
	v17 =	vadd.f32 v17, v20  }
0x40c: {  	vm2 =	vmor vm3, vm2  }
0x40d: {  	v17 =	vsel vm2, v17, v19  }
0x40e: {  	[tilespmem:v15+s25+$0x0] =	vst.idx.msk vm1, v17  }
0x40f: {  	v15 =	vld.idx.msk [tilespmem:v12+s12+$0x0], $0xffff  }
0x410: {  	v18 =	vadd.f32 v17, v17  }
0x411: {  	s24 =	simm.s32 $0x1;
	v19 =	vmul.f32 v17, v9  }
0x412: {  	v16 =	vmul.f32 v18, v16;
	v18 =	vmov s24  }
0x413: {  	v17 =	vmul.f32 v19, v17;
	v19 =	vshll.u32 v18, $0x8  }
0x414: {  	v15 =	vsub.f32 v15, v16;
	v16 =	vshll.u32 v18, $0x7;
	v18 =	vand.u32 $0x3800, v19  }
0x415: {  	v18 =	vadd.s32 v11, v18;
	v16 =	vand.u32 $0x380, v16  }
0x416: {  	v17 =	vadd.f32 v15, v17;
	v15 =	vor.u32 v16, v18  }
0x417: {  	s5 =	simm.s32 $0x200;
	v15 =	vor.u32 v13, v15  }
0x418: {  	s6 =	simm.s32 $0x2;
	v16 =	vadd.s32 s5, v10;
	[tilespmem:v12+s12+$0x0] =	vst.idx.msk vm1, v17  }
.LBB2_45:
0x419: {  	p0 =	sne.s32 s6, $0x3F;
	[tilespmem:v12+s0+$0x0] =	vst.idx.msk vm1, v1;
	v12 =	vmov v16;
	s11 =	smov.u32 s6;
	s6 =	sadd.s32 $0x1, s6  }
0x41a: {  	v16 =	vld.idx.msk [tilespmem:v16+s0+$0x0], $0xffff;
	_ =	sdelay $0x1  }
0x41b: {  	v17 =	vld.idx.msk [tilespmem:v15+s25+$0x0], $0xffff;
	_ =	sdelay $0x3  }
0x41c: {  	v18 =	vmul.f32 v16, v14;
	_ =	sdelay $0x1  }
0x41d: {  	v19 =	vmul.f32 $1.000000010e-01, v18;
	v17 =	vmul.f32 $8.999999760e-01, v17;
	_ =	sdelay $0x1  }
0x41e: {  	v17 =	vadd.f32 v17, v19;
	_ =	sdelay $0x1  }
0x41f: {  	v17 =	vsel vm2, v17, v18  }
0x420: {  	v18 =	vmul.f32 v17, v9;
	[tilespmem:v15+s25+$0x0] =	vst.idx.msk vm1, v17;
	v15 =	vadd.f32 v17, v17  }
0x421: {  	v19 =	vld.idx.msk [tilespmem:v12+s12+$0x0], $0xffff  }
0x422: {  	v17 =	vmul.f32 v18, v17;
	v15 =	vmul.f32 v15, v16;
	_ =	sdelay $0x2  }
0x423: {  	v16 =	vmov s11  }
0x424: {  	v18 =	vshll.u32 v16, $0x8;
	v20 =	vshll.u32 v16, $0x7  }
.Ltmp31:
0x425: {  	s5 =	sadd.s32 $0x200, s5;
	v18 =	vand.u32 $0x3800, v18;
	v15 =	vsub.f32 v19, v15;
	(pc) =	sbr.rel @p0 .LBB2_45-.Ltmp31, $4  }
0x426: {  	v16 =	vadd.s32 s5, v10;
	v18 =	vadd.s32 v11, v18;
	v19 =	vand.u32 $0x380, v20  }
0x427: {  	v18 =	vor.u32 v19, v18;
	v17 =	vadd.f32 v15, v17  }
0x428: {  	v15 =	vor.u32 v13, v18  }
0x429: {  	[tilespmem:v12+s12+$0x0] =	vst.idx.msk vm1, v17  }
0x42a: {  	_ =	sdelay $0x4  }
0x42b: {  	[tilespmem:v12+s0+$0x0] =	vst.idx.msk vm1, v1  }
0x42c: {  	v10 =	vld.idx.msk [tilespmem:v16+s0+$0x0], $0xffff;
	_ =	sdelay $0x1  }
0x42d: {  	v11 =	vld.idx.msk [tilespmem:v15+s25+$0x0], $0xffff;
	_ =	sdelay $0x2  }
0x42e: {  	v61 =	vmul.f32 v10, v14;
	_ =	sdelay $0x1  }
0x42f: {  	v11 =	vmul.f32 $8.999999760e-01, v11;
	v13 =	vmul.f32 $1.000000010e-01, v61;
	_ =	sdelay $0x1  }
0x430: {  	v11 =	vadd.f32 v11, v13;
	_ =	sdelay $0x1  }
0x431: {  	v11 =	vsel vm2, v11, v61  }
0x432: {  	[tilespmem:v15+s25+$0x0] =	vst.idx.msk vm1, v11  }
0x433: {  	v62 =	vld.idx.msk [tilespmem:v16+s12+$0x0], $0xffff  }
0x434: {  	v63 =	vadd.f32 v11, v11;
	_ =	sdelay $0x1  }
0x435: {  	v9 =	vmul.f32 v11, v9;
	v10 =	vmul.f32 v63, v10  }
0x436: {  	s1 =	sadd.s32 $0x1, s1  }
0x437: {  	p0 =	sne.s32 s1, s3;
	v9 =	vmul.f32 v9, v11;
	v10 =	vsub.f32 v62, v10  }
.Ltmp32:
0x438: {  	_ = 	snop;
	(pc) =	sbr.rel @p0 .LBB2_44-.Ltmp32, $3  }
0x439: {  	v9 =	vadd.f32 v10, v9;
	_ =	sdelay $0x1  }
0x43a: {  	[tilespmem:v16+s12+$0x0] =	vst.idx.msk vm1, v9  }
0x43b: {  	[tilespmem:v16+s0+$0x0] =	vst.idx.msk vm1, v1  }
.LBB2_47:
0x43c: {  	s1 =	rddreg [dreg:$0x5]  }
0x43d: {  	s1 =	sadd.s32 s1, s7  }
0x43e: {  	[hbm4b:s1+s15] =	stream.strided.scatter [tilespmem:s25], [sflag:$0x1], $0x4000, s17, s15, $0x38;
	[tilespmem:$0x1EC80] =	vst v63  }
0x43f: {  	_ =	swait.ge [sflag:s18], $0x4000  }
0x440: {  	[sflag:s18] =	ssyncset.done $0x0  }
0x441: {  	s21 =	simm.s32 $0x15980;
	[sflag:s18] =	ssyncadd.s32 $0xFFFFC000  }
0x442: {  	v8 =	vld.msk [tilespmem:s21+$0x0], $0xffff  }
0x443: {  	v9 =	vld.idx.msk [tilespmem:v5+s21+$0x0], $0xffff;
	_ =	sdelay $0x3  }
0x444: {  	v8 =	vxor.u32 $0x80000000, v8  }
0x445: {  	(xrf0) =	vmax.scan.msk.u32 $0xffff, v8;
	v8 =	vxor.u32 $0x80000000, v9  }
0x446: {  	(xrf0) =	vmax.scan.msk.u32 $0xffff, v8;
	_ =	sdelay $0x4  }
0x447: {  	v8, _, _ =	vpop (xrf0)  }
0x448: {  	(v2sf) =	vpush v8, $0xF;
	v8, _, _ =	vpop (xrf0)  }
0x449: {  	(v2sf) =	vpush v8, $0xF;
	_ =	sdelay $0xd  }
0x44a: {  	s24 =	spop (v2sf)  }
0x44b: {  	s3 =	spop (v2sf)  }
0x44c: {  	s3 =	sxor.u32 $0x80000000, s3  }
0x44d: {  	s5 =	smov.u32 s9;
	p0 =	slt.s32 s3, s9  }
0x44e: {  	s5 =	smov.u32 @p0 s3  }
0x44f: {  	s3 =	sadd.s32 $0xF, s5  }
0x450: {  	s5 =	sshra.s32 s3, $0x1F  }
0x451: {  	s5 =	sshrl.u32 s5, $0x1C  }
0x452: {  	s1 =	sshrl.u32 s24, $0x4;
	s3 =	sadd.s32 s5, s3  }
0x453: {  	s1 =	sxor.u32 $0x8000000, s1;
	s3 =	sshra.s32 s3, $0x4  }
0x454: {  	p0 =	sge.s32 s1, s3  }
.Ltmp33:
0x455: {  	_ = 	snop;
	(pc) =	sbr.rel @p0 .LBB2_52-.Ltmp33, $1  }
0x456: {  	_ =	sdelay $0x3  }
0x457: {  	v8 =	vmov s9  }
.LBB2_49:
0x458: {  	s5 =	sshll.u32 s1, $0x4  }
0x459: {  	v9 =	vld [tilespmem:s5+$0x15700];
	_ =	sdelay $0x3  }
0x45a: {  	v10 =	vor.u32 s5, v3  }
0x45b: {  	vm1 =	vlt.s32 v10, v8;
	vm2 =	vlt.u32 v9, $0x100  }
0x45c: {  	vm1 =	vmand vm1, vm2  }
0x45d: {  	v9 =	vnsel vm1, $0x0, v9;
	_ =	sdelay $0x4  }
0x45e: {  	v13 =	vld.idx.msk [tilespmem:v9+s13+$0x0], $0xffff;
	_ =	sdelay $0x3  }
0x45f: {  	s24 =	simm.s32 $0x0  }
0x460: {  	v10 =	vmov s24;
	v12 =	vadd.f32 $-1.000000000e+00, v13  }
0x461: {  	v14 =	vshll.u32 v10, $0x8;
	v10 =	vshll.u32 v10, $0x7;
	v11 =	vshll.u32 v9, $0x3  }
0x462: {  	s6 =	simm.s32 $0x0;
	v14 =	vand.u32 $0x3800, v14;
	v11 =	vand.u32 $0xFFFFFC00, v11;
	(erf) = vrcp.f32 v12  }
0x463: {  	v10 =	vand.u32 $0x200, v10;
	v15 =	vadd.s32 s6, v9;
	v14 =	vadd.s32 v11, v14  }
0x464: {  	v10 =	vor.u32 v10, v14;
	v12 =	vand.u32 $0x7F, v9  }
0x465: {  	v14 =	vor.u32 v12, v10;
	_ =	sdelay $0x2  }
0x466: {  	v16 =	vld.idx.msk [tilespmem:v15+s12+$0x0], $0xffff;
	_ =	sdelay $0x1  }
0x467: {  	v17 =	vld.idx.msk [tilespmem:v14+s28+$0x0], $0xffff  }
0x468: {  	vm2 =	vgt.f32 v13, $1.000000000e+00;
	v13 =	vpop (erf)  }
0x469: {  	s11 =	simm.s32 $0x1;
	v10 =	vld.idx.msk [tilespmem:v9+s26+$0x0], $0xffff;
	v13 =	vnsel vm2, $0x3F800000, v13  }
0x46a: {  	v18 =	vmov s11;
	v16 =	vmul.f32 v16, v13  }
0x46b: {  	v19 =	vshll.u32 v18, $0x8;
	v18 =	vshll.u32 v18, $0x7  }
0x46c: {  	s15 =	simm.s32 $0x200;
	v19 =	vand.u32 $0x3800, v19;
	v17 =	vmul.f32 $8.999999760e-01, v17;
	v20 =	vmul.f32 $1.000000010e-01, v16  }
0x46d: {  	v18 =	vand.u32 $0x280, v18;
	v21 =	vadd.s32 s15, v9;
	v19 =	vadd.s32 v11, v19  }
0x46e: {  	vm3 =	vgt.f32 v10, $0.0e+00;
	vm2 =	vlt.f32 v10, $0.0e+00;
	v17 =	vadd.f32 v17, v20  }
0x46f: {  	v18 =	vor.u32 v18, v19;
	vm2 =	vmor vm3, vm2  }
0x470: {  	v18 =	vor.u32 v12, v18;
	v16 =	vsel vm2, v17, v16  }
0x471: {  	[tilespmem:v14+s28+$0x0] =	vst.idx.msk vm1, v16  }
0x472: {  	[tilespmem:v15+s12+$0x0] =	vst.idx.msk vm1, v1  }
0x473: {  	v14 =	vld.idx.msk [tilespmem:v21+s12+$0x0], $0xffff;
	_ =	sdelay $0x1  }
0x474: {  	v15 =	vld.idx.msk [tilespmem:v18+s28+$0x0], $0xffff;
	_ =	sdelay $0x1  }
0x475: {  	s17 =	simm.s32 $0x2  }
0x476: {  	v16 =	vmov s17;
	v14 =	vmul.f32 v14, v13  }
0x477: {  	v17 =	vshll.u32 v16, $0x8;
	v16 =	vshll.u32 v16, $0x7  }
0x478: {  	v17 =	vand.u32 $0x3800, v17;
	v15 =	vmul.f32 $8.999999760e-01, v15;
	v19 =	vmul.f32 $1.000000010e-01, v14  }
0x479: {  	s19 =	simm.s32 $0x400;
	v16 =	vand.u32 $0x300, v16;
	v17 =	vadd.s32 v11, v17  }
0x47a: {  	v20 =	vadd.s32 s19, v9;
	v16 =	vor.u32 v16, v17;
	v15 =	vadd.f32 v15, v19  }
0x47b: {  	v17 =	vor.u32 v12, v16  }
0x47c: {  	v14 =	vsel vm2, v15, v14  }
0x47d: {  	[tilespmem:v18+s28+$0x0] =	vst.idx.msk vm1, v14  }
0x47e: {  	[tilespmem:v21+s12+$0x0] =	vst.idx.msk vm1, v1  }
0x47f: {  	v14 =	vld.idx.msk [tilespmem:v20+s12+$0x0], $0xffff  }
0x480: {  	v15 =	vld.idx.msk [tilespmem:v17+s28+$0x0], $0xffff;
	_ =	sdelay $0x2  }
0x481: {  	s21 =	simm.s32 $0x3  }
0x482: {  	v18 =	vmul.f32 v14, v13;
	v14 =	vmov s21  }
0x483: {  	v15 =	vmul.f32 $8.999999760e-01, v15;
	v16 =	vshll.u32 v14, $0x8  }
0x484: {  	v63 =	vshll.u32 v14, $0x7;
	v19 =	vmul.f32 $1.000000010e-01, v18;
	v16 =	vand.u32 $0x3800, v16  }
0x485: {  	s24 =	simm.s32 $0x600;
	v21 =	vand.u32 $0x380, v63;
	v16 =	vadd.s32 v11, v16  }
0x486: {  	v14 =	vadd.s32 s24, v9;
	v15 =	vadd.f32 v15, v19;
	v16 =	vor.u32 v21, v16  }
0x487: {  	v16 =	vor.u32 v12, v16  }
0x488: {  	v15 =	vsel vm2, v15, v18  }
0x489: {  	[tilespmem:v17+s28+$0x0] =	vst.idx.msk vm1, v15  }
0x48a: {  	[tilespmem:v20+s12+$0x0] =	vst.idx.msk vm1, v1  }
0x48b: {  	v15 =	vld.idx.msk [tilespmem:v14+s12+$0x0], $0xffff  }
0x48c: {  	v17 =	vld.idx.msk [tilespmem:v16+s28+$0x0], $0xffff;
	_ =	sdelay $0x2  }
0x48d: {  	s5 =	simm.s32 $0x4  }
0x48e: {  	v18 =	vmul.f32 v15, v13;
	v15 =	vmov s5  }
0x48f: {  	v19 =	vshll.u32 v15, $0x8;
	v17 =	vmul.f32 $8.999999760e-01, v17  }
0x490: {  	v15 =	vshll.u32 v15, $0x7;
	v20 =	vmul.f32 $1.000000010e-01, v18;
	v19 =	vand.u32 $0x3800, v19  }
0x491: {  	s15 =	simm.s32 $0x800;
	v15 =	vand.u32 $0x200, v15;
	v19 =	vadd.s32 v11, v19  }
0x492: {  	v20 =	vadd.f32 v17, v20;
	v17 =	vor.u32 v15, v19;
	v15 =	vadd.s32 s15, v9  }
0x493: {  	v17 =	vor.u32 v12, v17  }
0x494: {  	s11 =	simm.s32 $0x8;
	s6 =	simm.s32 $0xE00;
	v18 =	vsel vm2, v20, v18  }
.LBB2_50:
0x495: {  	p0 =	slt.u32 s11, $0x3C;
	[tilespmem:v16+s28+$0x0] =	vst.idx.msk vm1, v18;
	s15 =	smov.u32 s11;
	s11 =	sadd.s32 $0x4, s11  }
0x496: {  	[tilespmem:v14+s12+$0x0] =	vst.idx.msk vm1, v1  }
0x497: {  	v14 =	vld.idx.msk [tilespmem:v15+s12+$0x0], $0xffff  }
0x498: {  	v16 =	vld.idx.msk [tilespmem:v17+s28+$0x0], $0xffff;
	_ =	sdelay $0x3  }
0x499: {  	s17 =	sadd.s32 $0x1, s5  }
0x49a: {  	v18 =	vmov s17;
	v14 =	vmul.f32 v14, v13  }
0x49b: {  	v19 =	vshll.u32 v18, $0x8;
	v18 =	vshll.u32 v18, $0x7;
	v16 =	vmul.f32 $8.999999760e-01, v16  }
0x49c: {  	s17 =	sadd.s32 $0xFFFFFC00, s6;
	v19 =	vand.u32 $0x3800, v19;
	v20 =	vmul.f32 $1.000000010e-01, v14  }
0x49d: {  	v21 =	vadd.s32 s17, v9;
	v18 =	vand.u32 $0x280, v18;
	v19 =	vadd.s32 v11, v19  }
0x49e: {  	v18 =	vor.u32 v18, v19;
	v16 =	vadd.f32 v16, v20  }
0x49f: {  	v18 =	vor.u32 v12, v18  }
0x4a0: {  	v14 =	vsel vm2, v16, v14  }
0x4a1: {  	[tilespmem:v17+s28+$0x0] =	vst.idx.msk vm1, v14  }
0x4a2: {  	[tilespmem:v15+s12+$0x0] =	vst.idx.msk vm1, v1  }
0x4a3: {  	v14 =	vld.idx.msk [tilespmem:v21+s12+$0x0], $0xffff  }
0x4a4: {  	v15 =	vld.idx.msk [tilespmem:v18+s28+$0x0], $0xffff;
	_ =	sdelay $0x3  }
0x4a5: {  	s17 =	sadd.s32 $0x2, s5  }
0x4a6: {  	v16 =	vmov s17;
	v14 =	vmul.f32 v14, v13  }
0x4a7: {  	v17 =	vshll.u32 v16, $0x8;
	v16 =	vshll.u32 v16, $0x7;
	v15 =	vmul.f32 $8.999999760e-01, v15  }
0x4a8: {  	s17 =	sadd.s32 $0xFFFFFE00, s6;
	v17 =	vand.u32 $0x3800, v17;
	v19 =	vmul.f32 $1.000000010e-01, v14  }
0x4a9: {  	v20 =	vadd.s32 s17, v9;
	v16 =	vand.u32 $0x300, v16;
	v17 =	vadd.s32 v11, v17  }
0x4aa: {  	v16 =	vor.u32 v16, v17;
	v15 =	vadd.f32 v15, v19  }
0x4ab: {  	v17 =	vor.u32 v12, v16  }
0x4ac: {  	v14 =	vsel vm2, v15, v14  }
0x4ad: {  	[tilespmem:v18+s28+$0x0] =	vst.idx.msk vm1, v14  }
0x4ae: {  	[tilespmem:v21+s12+$0x0] =	vst.idx.msk vm1, v1  }
0x4af: {  	v14 =	vld.idx.msk [tilespmem:v20+s12+$0x0], $0xffff  }
0x4b0: {  	v15 =	vld.idx.msk [tilespmem:v17+s28+$0x0], $0xffff;
	_ =	sdelay $0x3  }
0x4b1: {  	s17 =	sadd.s32 $0x3, s5;
	s5 =	smov.u32 s15  }
0x4b2: {  	v18 =	vmul.f32 v14, v13;
	v14 =	vmov s17  }
0x4b3: {  	v15 =	vmul.f32 $8.999999760e-01, v15;
	v16 =	vshll.u32 v14, $0x8;
	v19 =	vshll.u32 v14, $0x7  }
0x4b4: {  	v21 =	vmul.f32 $1.000000010e-01, v18;
	v16 =	vand.u32 $0x3800, v16  }
0x4b5: {  	v14 =	vadd.s32 s6, v9;
	v19 =	vand.u32 $0x380, v19;
	v16 =	vadd.s32 v11, v16  }
0x4b6: {  	v15 =	vadd.f32 v15, v21;
	v16 =	vor.u32 v19, v16  }
0x4b7: {  	v16 =	vor.u32 v12, v16  }
0x4b8: {  	v15 =	vsel vm2, v15, v18  }
0x4b9: {  	[tilespmem:v17+s28+$0x0] =	vst.idx.msk vm1, v15  }
0x4ba: {  	[tilespmem:v20+s12+$0x0] =	vst.idx.msk vm1, v1  }
0x4bb: {  	v15 =	vld.idx.msk [tilespmem:v14+s12+$0x0], $0xffff  }
0x4bc: {  	v17 =	vld.idx.msk [tilespmem:v16+s28+$0x0], $0xffff;
	_ =	sdelay $0x4  }
0x4bd: {  	v18 =	vmov s5;
	v19 =	vmul.f32 v15, v13  }
0x4be: {  	s6 =	sadd.s32 $0x800, s6;
	v15 =	vshll.u32 v18, $0x8;
	v18 =	vshll.u32 v18, $0x7;
	v17 =	vmul.f32 $8.999999760e-01, v17  }
.Ltmp34:
0x4bf: {  	s15 =	sadd.s32 $0xFFFFFA00, s6;
	v15 =	vand.u32 $0x3800, v15;
	v20 =	vmul.f32 $1.000000010e-01, v19;
	(pc) =	sbr.rel @p0 .LBB2_50-.Ltmp34, $4  }
0x4c0: {  	v18 =	vand.u32 $0x200, v18;
	v21 =	vadd.s32 v11, v15  }
0x4c1: {  	v15 =	vadd.s32 s15, v9;
	v18 =	vor.u32 v18, v21;
	v20 =	vadd.f32 v17, v20  }
0x4c2: {  	v17 =	vor.u32 v12, v18  }
0x4c3: {  	v18 =	vsel vm2, v20, v19  }
0x4c4: {  	_ =	sdelay $0x4  }
0x4c5: {  	[tilespmem:v16+s28+$0x0] =	vst.idx.msk vm1, v18  }
0x4c6: {  	[tilespmem:v14+s12+$0x0] =	vst.idx.msk vm1, v1  }
0x4c7: {  	v14 =	vld.idx.msk [tilespmem:v15+s12+$0x0], $0xffff;
	_ =	sdelay $0x1  }
0x4c8: {  	v16 =	vld.idx.msk [tilespmem:v17+s28+$0x0], $0xffff;
	_ =	sdelay $0x2  }
0x4c9: {  	s11 =	sadd.s32 $0x1, s5;
	v14 =	vmul.f32 v14, v13  }
0x4ca: {  	v50 =	vmov s11  }
0x4cb: {  	s17 =	sadd.s32 $0xFFFFFC00, s6;
	v19 =	vshll.u32 v50, $0x8;
	v16 =	vmul.f32 $8.999999760e-01, v16;
	v20 =	vmul.f32 $1.000000010e-01, v14  }
0x4cc: {  	v21 =	vadd.s32 s17, v9;
	v18 =	vshll.u32 v50, $0x7;
	v19 =	vand.u32 $0x3800, v19  }
0x4cd: {  	v18 =	vand.u32 $0x280, v18;
	v19 =	vadd.s32 v11, v19;
	v16 =	vadd.f32 v16, v20  }
0x4ce: {  	v18 =	vor.u32 v18, v19  }
0x4cf: {  	v18 =	vor.u32 v12, v18;
	v14 =	vsel vm2, v16, v14  }
0x4d0: {  	[tilespmem:v17+s28+$0x0] =	vst.idx.msk vm1, v14  }
0x4d1: {  	[tilespmem:v15+s12+$0x0] =	vst.idx.msk vm1, v1  }
0x4d2: {  	v14 =	vld.idx.msk [tilespmem:v21+s12+$0x0], $0xffff;
	_ =	sdelay $0x1  }
0x4d3: {  	v15 =	vld.idx.msk [tilespmem:v18+s28+$0x0], $0xffff;
	_ =	sdelay $0x2  }
0x4d4: {  	s19 =	sadd.s32 $0x2, s5;
	v14 =	vmul.f32 v14, v13  }
0x4d5: {  	v51 =	vmov s19  }
0x4d6: {  	s21 =	sadd.s32 $0xFFFFFE00, s6;
	v52 =	vshll.u32 v51, $0x8;
	v15 =	vmul.f32 $8.999999760e-01, v15;
	v53 =	vmul.f32 $1.000000010e-01, v14  }
0x4d7: {  	v54 =	vadd.s32 s21, v9;
	v16 =	vshll.u32 v51, $0x7;
	v17 =	vand.u32 $0x3800, v52  }
0x4d8: {  	v16 =	vand.u32 $0x300, v16;
	v17 =	vadd.s32 v11, v17;
	v15 =	vadd.f32 v15, v53  }
0x4d9: {  	v16 =	vor.u32 v16, v17  }
0x4da: {  	v16 =	vor.u32 v12, v16;
	v14 =	vsel vm2, v15, v14  }
0x4db: {  	[tilespmem:v18+s28+$0x0] =	vst.idx.msk vm1, v14  }
0x4dc: {  	[tilespmem:v21+s12+$0x0] =	vst.idx.msk vm1, v1  }
0x4dd: {  	v14 =	vld.idx.msk [tilespmem:v54+s12+$0x0], $0xffff;
	_ =	sdelay $0x1  }
0x4de: {  	v55 =	vld.idx.msk [tilespmem:v16+s28+$0x0], $0xffff;
	_ =	sdelay $0x2  }
0x4df: {  	s24 =	sadd.s32 $0x3, s5;
	v14 =	vmul.f32 v14, v13  }
0x4e0: {  	v56 =	vmov s24  }
0x4e1: {  	v57 =	vshll.u32 v56, $0x8;
	v15 =	vmul.f32 $8.999999760e-01, v55;
	v58 =	vmul.f32 $1.000000010e-01, v14  }
0x4e2: {  	v59 =	vadd.s32 s6, v9;
	v17 =	vshll.u32 v56, $0x7;
	v18 =	vand.u32 $0x3800, v57  }
0x4e3: {  	v17 =	vand.u32 $0x380, v17;
	v11 =	vadd.s32 v11, v18;
	v15 =	vadd.f32 v15, v58  }
0x4e4: {  	v11 =	vor.u32 v17, v11  }
0x4e5: {  	v11 =	vor.u32 v12, v11;
	v60 =	vsel vm2, v15, v14  }
0x4e6: {  	[tilespmem:v16+s28+$0x0] =	vst.idx.msk vm1, v60  }
0x4e7: {  	[tilespmem:v54+s12+$0x0] =	vst.idx.msk vm1, v1  }
0x4e8: {  	v12 =	vld.idx.msk [tilespmem:v59+s12+$0x0], $0xffff;
	_ =	sdelay $0x1  }
0x4e9: {  	v61 =	vld.idx.msk [tilespmem:v11+s28+$0x0], $0xffff;
	_ =	sdelay $0x2  }
0x4ea: {  	v12 =	vmul.f32 v12, v13;
	_ =	sdelay $0x1  }
0x4eb: {  	v62 =	vmul.f32 $8.999999760e-01, v61;
	v63 =	vmul.f32 $1.000000010e-01, v12;
	_ =	sdelay $0x1  }
0x4ec: {  	s1 =	sadd.s32 $0x1, s1;
	v13 =	vadd.f32 v62, v63  }
0x4ed: {  	p0 =	sne.s32 s1, s3  }
.Ltmp35:
0x4ee: {  	v12 =	vsel vm2, v13, v12;
	(pc) =	sbr.rel @p0 .LBB2_49-.Ltmp35, $4  }
0x4ef: {  	[tilespmem:v11+s28+$0x0] =	vst.idx.msk vm1, v12  }
0x4f0: {  	v10 =	vnsel vm2, $0x3F800000, v10;
	[tilespmem:v59+s12+$0x0] =	vst.idx.msk vm1, v1  }
0x4f1: {  	[tilespmem:v9+s26+$0x0] =	vst.idx.msk vm1, v10  }
0x4f2: {  	[tilespmem:v9+s13+$0x0] =	vst.idx.msk vm1, v1  }
.LBB2_52:
0x4f3: {  	s1 =	rddreg [dreg:$0x6]  }
0x4f4: {  	s3 =	simm.s32 $0x800;
	s5 =	simm.s32 $0xC3800;
	s1 =	sadd.s32 s1, s4  }
0x4f5: {  	[hbm4b:s1+s3] =	stream.strided.scatter [tilespmem:s28], [sflag:$0x2], $0x4000, s5, s3, $0x38;
	[tilespmem:$0x1EC80] =	vst v63  }
0x4f6: {  	_ =	swait.ge [sflag:s18], $0x4000  }
0x4f7: {  	[sflag:s18] =	ssyncset.done $0x0  }
0x4f8: {  	[sflag:s18] =	ssyncadd.s32 $0xFFFFC000  }
0x4f9: {  	s15 =	rddreg [dreg:$0x3]  }
0x4fa: {  	s6 =	sadd.s32 s15, s7  }
0x4fb: {  	[tilespmem:s28], [sflag:$0x2] =	stream.strided.gather [hbm4b:s6+s3], $0x4000, s5, s3, $0x38;
	[tilespmem:$0x1EC80] =	vst v63  }
0x4fc: {  	_ =	swait.ge [sflag:s18], $0x4000  }
0x4fd: {  	[sflag:s18] =	ssyncset.done $0x0  }
0x4fe: {  	s11 =	simm.s32 $0x15980;
	[sflag:s18] =	ssyncadd.s32 $0xFFFFC000  }
0x4ff: {  	v8 =	vld.idx.msk [tilespmem:v5+s11+$0x0], $0xffff  }
0x500: {  	v9 =	vld.idx.msk [tilespmem:v6+s11+$0x0], $0xffff;
	_ =	sdelay $0x3  }
0x501: {  	v8 =	vxor.u32 $0x80000000, v8  }
0x502: {  	(xrf0) =	vmax.scan.msk.u32 $0xffff, v8;
	v8 =	vxor.u32 $0x80000000, v9  }
0x503: {  	(xrf0) =	vmax.scan.msk.u32 $0xffff, v8;
	_ =	sdelay $0x4  }
0x504: {  	v8, _, _ =	vpop (xrf0)  }
0x505: {  	(v2sf) =	vpush v8, $0xF;
	v8, _, _ =	vpop (xrf0)  }
0x506: {  	(v2sf) =	vpush v8, $0xF;
	_ =	sdelay $0xd  }
0x507: {  	s21 =	spop (v2sf)  }
0x508: {  	s24 =	spop (v2sf)  }
0x509: {  	s3 =	sxor.u32 $0x80000000, s24  }
0x50a: {  	s4 =	smov.u32 s9;
	p0 =	slt.s32 s3, s9  }
0x50b: {  	s4 =	smov.u32 @p0 s3  }
0x50c: {  	s3 =	sadd.s32 $0xF, s4  }
0x50d: {  	s4 =	sshra.s32 s3, $0x1F  }
0x50e: {  	s4 =	sshrl.u32 s4, $0x1C  }
0x50f: {  	s1 =	sshrl.u32 s21, $0x4;
	s3 =	sadd.s32 s4, s3  }
0x510: {  	s4 =	sxor.u32 $0x8000000, s1;
	s1 =	sshra.s32 s3, $0x4  }
0x511: {  	p0 =	sge.s32 s4, s1  }
.Ltmp36:
0x512: {  	_ = 	snop;
	(pc) =	sbr.rel @p0 .LBB2_57-.Ltmp36, $2  }
0x513: {  	_ =	sdelay $0x2  }
0x514: {  	s17 =	simm.s32 $0x800;
	s19 =	simm.s32 $0xC3800  }
0x515: {  	v8 =	vmov s9  }
.LBB2_54:
0x516: {  	s3 =	sshll.u32 s4, $0x4  }
0x517: {  	v10 =	vld [tilespmem:s3+$0x15700];
	_ =	sdelay $0x4  }
0x518: {  	v9 =	vor.u32 s3, v3;
	v11 =	vand.u32 $0xFFFFFF00, v10  }
0x519: {  	vm1 =	vlt.s32 v9, v8;
	vm2 =	veq.s32 v11, $0x100  }
0x51a: {  	vm1 =	vmand vm1, vm2  }
0x51b: {  	v9 =	vnsel vm1, $0x0, v10;
	_ =	sdelay $0x4  }
0x51c: {  	v13 =	vld.idx.msk [tilespmem:v9+s13+$0x0], $0xffff;
	_ =	sdelay $0x3  }
0x51d: {  	s21 =	simm.s32 $0x0;
	v10 =	vadd.s32 $0xFFFFFF00, v10  }
0x51e: {  	v12 =	vmov s21;
	v10 =	vnsel vm1, $0x0, v10;
	v14 =	vadd.f32 $-1.000000000e+00, v13  }
0x51f: {  	v15 =	vshll.u32 v12, $0x8;
	v12 =	vshll.u32 v12, $0x7;
	v11 =	vshll.u32 v10, $0x3  }
0x520: {  	s24 =	simm.s32 $0x0;
	v15 =	vand.u32 $0x3800, v15;
	v11 =	vand.u32 $0xFFFFFC00, v11;
	(erf) = vrcp.f32 v14  }
0x521: {  	v16 =	vadd.s32 s24, v9;
	v14 =	vadd.s32 v11, v15;
	v15 =	vand.u32 $0x200, v12  }
0x522: {  	v12 =	vand.u32 $0x7F, v10;
	v10 =	vor.u32 v15, v14  }
0x523: {  	v14 =	vor.u32 v12, v10;
	_ =	sdelay $0x2  }
0x524: {  	v15 =	vld.idx.msk [tilespmem:v16+s12+$0x0], $0xffff;
	_ =	sdelay $0x1  }
0x525: {  	v17 =	vld.idx.msk [tilespmem:v14+s28+$0x0], $0xffff  }
0x526: {  	vm2 =	vgt.f32 v13, $1.000000000e+00;
	v13 =	vpop (erf)  }
0x527: {  	s5 =	simm.s32 $0x1;
	v10 =	vld.idx.msk [tilespmem:v9+s26+$0x0], $0xffff;
	v13 =	vnsel vm2, $0x3F800000, v13  }
0x528: {  	v18 =	vmov s5;
	v15 =	vmul.f32 v15, v13  }
0x529: {  	v19 =	vshll.u32 v18, $0x8;
	v18 =	vshll.u32 v18, $0x7  }
0x52a: {  	s6 =	simm.s32 $0x200;
	v19 =	vand.u32 $0x3800, v19;
	v17 =	vmul.f32 $8.999999760e-01, v17;
	v20 =	vmul.f32 $1.000000010e-01, v15  }
0x52b: {  	v18 =	vand.u32 $0x280, v18;
	v21 =	vadd.s32 s6, v9;
	v19 =	vadd.s32 v11, v19  }
0x52c: {  	vm3 =	vgt.f32 v10, $0.0e+00;
	vm2 =	vlt.f32 v10, $0.0e+00;
	v17 =	vadd.f32 v17, v20  }
0x52d: {  	v18 =	vor.u32 v18, v19;
	vm2 =	vmor vm3, vm2  }
0x52e: {  	v18 =	vor.u32 v12, v18;
	v15 =	vsel vm2, v17, v15  }
0x52f: {  	[tilespmem:v14+s28+$0x0] =	vst.idx.msk vm1, v15  }
0x530: {  	[tilespmem:v16+s12+$0x0] =	vst.idx.msk vm1, v1  }
0x531: {  	v14 =	vld.idx.msk [tilespmem:v21+s12+$0x0], $0xffff;
	_ =	sdelay $0x1  }
0x532: {  	v15 =	vld.idx.msk [tilespmem:v18+s28+$0x0], $0xffff;
	_ =	sdelay $0x1  }
0x533: {  	s9 =	simm.s32 $0x2  }
0x534: {  	v16 =	vmov s9;
	v14 =	vmul.f32 v14, v13  }
0x535: {  	v17 =	vshll.u32 v16, $0x8;
	v16 =	vshll.u32 v16, $0x7  }
0x536: {  	v17 =	vand.u32 $0x3800, v17;
	v15 =	vmul.f32 $8.999999760e-01, v15;
	v19 =	vmul.f32 $1.000000010e-01, v14  }
0x537: {  	s11 =	simm.s32 $0x400;
	v16 =	vand.u32 $0x300, v16;
	v17 =	vadd.s32 v11, v17  }
0x538: {  	v20 =	vadd.s32 s11, v9;
	v16 =	vor.u32 v16, v17;
	v15 =	vadd.f32 v15, v19  }
0x539: {  	v17 =	vor.u32 v12, v16  }
0x53a: {  	v14 =	vsel vm2, v15, v14  }
0x53b: {  	[tilespmem:v18+s28+$0x0] =	vst.idx.msk vm1, v14  }
0x53c: {  	[tilespmem:v21+s12+$0x0] =	vst.idx.msk vm1, v1  }
0x53d: {  	v14 =	vld.idx.msk [tilespmem:v20+s12+$0x0], $0xffff  }
0x53e: {  	v15 =	vld.idx.msk [tilespmem:v17+s28+$0x0], $0xffff;
	_ =	sdelay $0x2  }
0x53f: {  	s21 =	simm.s32 $0x3  }
0x540: {  	v18 =	vmul.f32 v14, v13;
	v14 =	vmov s21  }
0x541: {  	v15 =	vmul.f32 $8.999999760e-01, v15;
	v16 =	vshll.u32 v14, $0x8  }
0x542: {  	v63 =	vshll.u32 v14, $0x7;
	v19 =	vmul.f32 $1.000000010e-01, v18;
	v16 =	vand.u32 $0x3800, v16  }
0x543: {  	s24 =	simm.s32 $0x600;
	v21 =	vand.u32 $0x380, v63;
	v16 =	vadd.s32 v11, v16  }
0x544: {  	v14 =	vadd.s32 s24, v9;
	v15 =	vadd.f32 v15, v19;
	v16 =	vor.u32 v21, v16  }
0x545: {  	v16 =	vor.u32 v12, v16  }
0x546: {  	v15 =	vsel vm2, v15, v18  }
0x547: {  	[tilespmem:v17+s28+$0x0] =	vst.idx.msk vm1, v15  }
0x548: {  	[tilespmem:v20+s12+$0x0] =	vst.idx.msk vm1, v1  }
0x549: {  	v15 =	vld.idx.msk [tilespmem:v14+s12+$0x0], $0xffff  }
0x54a: {  	v17 =	vld.idx.msk [tilespmem:v16+s28+$0x0], $0xffff;
	_ =	sdelay $0x2  }
0x54b: {  	s3 =	simm.s32 $0x4  }
0x54c: {  	v18 =	vmul.f32 v15, v13;
	v15 =	vmov s3  }
0x54d: {  	v19 =	vshll.u32 v15, $0x8;
	v17 =	vmul.f32 $8.999999760e-01, v17  }
0x54e: {  	v15 =	vshll.u32 v15, $0x7;
	v20 =	vmul.f32 $1.000000010e-01, v18;
	v19 =	vand.u32 $0x3800, v19  }
0x54f: {  	s9 =	simm.s32 $0x800;
	v15 =	vand.u32 $0x200, v15;
	v19 =	vadd.s32 v11, v19  }
0x550: {  	v20 =	vadd.f32 v17, v20;
	v17 =	vor.u32 v15, v19;
	v15 =	vadd.s32 s9, v9  }
0x551: {  	v17 =	vor.u32 v12, v17  }
0x552: {  	s5 =	simm.s32 $0xE00;
	s6 =	simm.s32 $0x8;
	v18 =	vsel vm2, v20, v18  }
.LBB2_55:
0x553: {  	p0 =	slt.u32 s6, $0x3C;
	[tilespmem:v16+s28+$0x0] =	vst.idx.msk vm1, v18;
	s9 =	smov.u32 s6;
	s6 =	sadd.s32 $0x4, s6  }
0x554: {  	[tilespmem:v14+s12+$0x0] =	vst.idx.msk vm1, v1  }
0x555: {  	v14 =	vld.idx.msk [tilespmem:v15+s12+$0x0], $0xffff  }
0x556: {  	v16 =	vld.idx.msk [tilespmem:v17+s28+$0x0], $0xffff;
	_ =	sdelay $0x3  }
0x557: {  	s11 =	sadd.s32 $0x1, s3  }
0x558: {  	v18 =	vmov s11;
	v14 =	vmul.f32 v14, v13  }
0x559: {  	v19 =	vshll.u32 v18, $0x8;
	v18 =	vshll.u32 v18, $0x7;
	v16 =	vmul.f32 $8.999999760e-01, v16  }
0x55a: {  	s11 =	sadd.s32 $0xFFFFFC00, s5;
	v19 =	vand.u32 $0x3800, v19;
	v20 =	vmul.f32 $1.000000010e-01, v14  }
0x55b: {  	v21 =	vadd.s32 s11, v9;
	v18 =	vand.u32 $0x280, v18;
	v19 =	vadd.s32 v11, v19  }
0x55c: {  	v18 =	vor.u32 v18, v19;
	v16 =	vadd.f32 v16, v20  }
0x55d: {  	v18 =	vor.u32 v12, v18  }
0x55e: {  	v14 =	vsel vm2, v16, v14  }
0x55f: {  	[tilespmem:v17+s28+$0x0] =	vst.idx.msk vm1, v14  }
0x560: {  	[tilespmem:v15+s12+$0x0] =	vst.idx.msk vm1, v1  }
0x561: {  	v14 =	vld.idx.msk [tilespmem:v21+s12+$0x0], $0xffff  }
0x562: {  	v15 =	vld.idx.msk [tilespmem:v18+s28+$0x0], $0xffff;
	_ =	sdelay $0x3  }
0x563: {  	s11 =	sadd.s32 $0x2, s3  }
0x564: {  	v16 =	vmov s11;
	v14 =	vmul.f32 v14, v13  }
0x565: {  	v17 =	vshll.u32 v16, $0x8;
	v16 =	vshll.u32 v16, $0x7;
	v15 =	vmul.f32 $8.999999760e-01, v15  }
0x566: {  	s11 =	sadd.s32 $0xFFFFFE00, s5;
	v17 =	vand.u32 $0x3800, v17;
	v19 =	vmul.f32 $1.000000010e-01, v14  }
0x567: {  	v20 =	vadd.s32 s11, v9;
	v16 =	vand.u32 $0x300, v16;
	v17 =	vadd.s32 v11, v17  }
0x568: {  	v16 =	vor.u32 v16, v17;
	v15 =	vadd.f32 v15, v19  }
0x569: {  	v17 =	vor.u32 v12, v16  }
0x56a: {  	v14 =	vsel vm2, v15, v14  }
0x56b: {  	[tilespmem:v18+s28+$0x0] =	vst.idx.msk vm1, v14  }
0x56c: {  	[tilespmem:v21+s12+$0x0] =	vst.idx.msk vm1, v1  }
0x56d: {  	v14 =	vld.idx.msk [tilespmem:v20+s12+$0x0], $0xffff  }
0x56e: {  	v15 =	vld.idx.msk [tilespmem:v17+s28+$0x0], $0xffff;
	_ =	sdelay $0x3  }
0x56f: {  	s11 =	sadd.s32 $0x3, s3;
	s3 =	smov.u32 s9  }
0x570: {  	v18 =	vmul.f32 v14, v13;
	v14 =	vmov s11  }
0x571: {  	v15 =	vmul.f32 $8.999999760e-01, v15;
	v16 =	vshll.u32 v14, $0x8;
	v19 =	vshll.u32 v14, $0x7  }
0x572: {  	v21 =	vmul.f32 $1.000000010e-01, v18;
	v16 =	vand.u32 $0x3800, v16  }
0x573: {  	v14 =	vadd.s32 s5, v9;
	v19 =	vand.u32 $0x380, v19;
	v16 =	vadd.s32 v11, v16  }
0x574: {  	v15 =	vadd.f32 v15, v21;
	v16 =	vor.u32 v19, v16  }
0x575: {  	v16 =	vor.u32 v12, v16  }
0x576: {  	v15 =	vsel vm2, v15, v18  }
0x577: {  	[tilespmem:v17+s28+$0x0] =	vst.idx.msk vm1, v15  }
0x578: {  	[tilespmem:v20+s12+$0x0] =	vst.idx.msk vm1, v1  }
0x579: {  	v15 =	vld.idx.msk [tilespmem:v14+s12+$0x0], $0xffff  }
0x57a: {  	v17 =	vld.idx.msk [tilespmem:v16+s28+$0x0], $0xffff;
	_ =	sdelay $0x4  }
0x57b: {  	v18 =	vmov s3;
	v19 =	vmul.f32 v15, v13  }
0x57c: {  	s5 =	sadd.s32 $0x800, s5;
	v15 =	vshll.u32 v18, $0x8;
	v18 =	vshll.u32 v18, $0x7;
	v17 =	vmul.f32 $8.999999760e-01, v17  }
.Ltmp37:
0x57d: {  	s9 =	sadd.s32 $0xFFFFFA00, s5;
	v15 =	vand.u32 $0x3800, v15;
	v20 =	vmul.f32 $1.000000010e-01, v19;
	(pc) =	sbr.rel @p0 .LBB2_55-.Ltmp37, $4  }
0x57e: {  	v18 =	vand.u32 $0x200, v18;
	v21 =	vadd.s32 v11, v15  }
0x57f: {  	v15 =	vadd.s32 s9, v9;
	v18 =	vor.u32 v18, v21;
	v20 =	vadd.f32 v17, v20  }
0x580: {  	v17 =	vor.u32 v12, v18  }
0x581: {  	v18 =	vsel vm2, v20, v19  }
0x582: {  	_ =	sdelay $0x4  }
0x583: {  	[tilespmem:v16+s28+$0x0] =	vst.idx.msk vm1, v18  }
0x584: {  	[tilespmem:v14+s12+$0x0] =	vst.idx.msk vm1, v1  }
0x585: {  	v14 =	vld.idx.msk [tilespmem:v15+s12+$0x0], $0xffff;
	_ =	sdelay $0x1  }
0x586: {  	v16 =	vld.idx.msk [tilespmem:v17+s28+$0x0], $0xffff;
	_ =	sdelay $0x2  }
0x587: {  	s6 =	sadd.s32 $0x1, s3;
	v14 =	vmul.f32 v14, v13  }
0x588: {  	v50 =	vmov s6  }
0x589: {  	s9 =	sadd.s32 $0xFFFFFC00, s5;
	v19 =	vshll.u32 v50, $0x8;
	v16 =	vmul.f32 $8.999999760e-01, v16;
	v20 =	vmul.f32 $1.000000010e-01, v14  }
0x58a: {  	v21 =	vadd.s32 s9, v9;
	v18 =	vshll.u32 v50, $0x7;
	v19 =	vand.u32 $0x3800, v19  }
0x58b: {  	v18 =	vand.u32 $0x280, v18;
	v19 =	vadd.s32 v11, v19;
	v16 =	vadd.f32 v16, v20  }
0x58c: {  	v18 =	vor.u32 v18, v19  }
0x58d: {  	v18 =	vor.u32 v12, v18;
	v14 =	vsel vm2, v16, v14  }
0x58e: {  	[tilespmem:v17+s28+$0x0] =	vst.idx.msk vm1, v14  }
0x58f: {  	[tilespmem:v15+s12+$0x0] =	vst.idx.msk vm1, v1  }
0x590: {  	v14 =	vld.idx.msk [tilespmem:v21+s12+$0x0], $0xffff;
	_ =	sdelay $0x1  }
0x591: {  	v15 =	vld.idx.msk [tilespmem:v18+s28+$0x0], $0xffff;
	_ =	sdelay $0x2  }
0x592: {  	s11 =	sadd.s32 $0x2, s3;
	v14 =	vmul.f32 v14, v13  }
0x593: {  	v51 =	vmov s11  }
0x594: {  	s21 =	sadd.s32 $0xFFFFFE00, s5;
	v52 =	vshll.u32 v51, $0x8;
	v15 =	vmul.f32 $8.999999760e-01, v15;
	v53 =	vmul.f32 $1.000000010e-01, v14  }
0x595: {  	v54 =	vadd.s32 s21, v9;
	v16 =	vshll.u32 v51, $0x7;
	v17 =	vand.u32 $0x3800, v52  }
0x596: {  	v16 =	vand.u32 $0x300, v16;
	v17 =	vadd.s32 v11, v17;
	v15 =	vadd.f32 v15, v53  }
0x597: {  	v16 =	vor.u32 v16, v17  }
0x598: {  	v16 =	vor.u32 v12, v16;
	v14 =	vsel vm2, v15, v14  }
0x599: {  	[tilespmem:v18+s28+$0x0] =	vst.idx.msk vm1, v14  }
0x59a: {  	[tilespmem:v21+s12+$0x0] =	vst.idx.msk vm1, v1  }
0x59b: {  	v14 =	vld.idx.msk [tilespmem:v54+s12+$0x0], $0xffff;
	_ =	sdelay $0x1  }
0x59c: {  	v55 =	vld.idx.msk [tilespmem:v16+s28+$0x0], $0xffff;
	_ =	sdelay $0x2  }
0x59d: {  	s24 =	sadd.s32 $0x3, s3;
	v14 =	vmul.f32 v14, v13  }
0x59e: {  	v56 =	vmov s24  }
0x59f: {  	v57 =	vshll.u32 v56, $0x8;
	v15 =	vmul.f32 $8.999999760e-01, v55;
	v58 =	vmul.f32 $1.000000010e-01, v14  }
0x5a0: {  	v59 =	vadd.s32 s5, v9;
	v17 =	vshll.u32 v56, $0x7;
	v18 =	vand.u32 $0x3800, v57  }
0x5a1: {  	v17 =	vand.u32 $0x380, v17;
	v11 =	vadd.s32 v11, v18;
	v15 =	vadd.f32 v15, v58  }
0x5a2: {  	v11 =	vor.u32 v17, v11  }
0x5a3: {  	v11 =	vor.u32 v12, v11;
	v60 =	vsel vm2, v15, v14  }
0x5a4: {  	[tilespmem:v16+s28+$0x0] =	vst.idx.msk vm1, v60  }
0x5a5: {  	[tilespmem:v54+s12+$0x0] =	vst.idx.msk vm1, v1  }
0x5a6: {  	v12 =	vld.idx.msk [tilespmem:v59+s12+$0x0], $0xffff;
	_ =	sdelay $0x1  }
0x5a7: {  	v61 =	vld.idx.msk [tilespmem:v11+s28+$0x0], $0xffff;
	_ =	sdelay $0x2  }
0x5a8: {  	v12 =	vmul.f32 v12, v13;
	_ =	sdelay $0x1  }
0x5a9: {  	v62 =	vmul.f32 $8.999999760e-01, v61;
	v63 =	vmul.f32 $1.000000010e-01, v12;
	_ =	sdelay $0x1  }
0x5aa: {  	s4 =	sadd.s32 $0x1, s4;
	v13 =	vadd.f32 v62, v63  }
0x5ab: {  	p0 =	sne.s32 s4, s1  }
.Ltmp38:
0x5ac: {  	v12 =	vsel vm2, v13, v12;
	(pc) =	sbr.rel @p0 .LBB2_54-.Ltmp38, $4  }
.Ltmp39:
0x5ad: {  	[tilespmem:v11+s28+$0x0] =	vst.idx.msk vm1, v12;
	(pc) =	sbr.rel @!p0 .LBB2_57-.Ltmp39, $4  }
0x5ae: {  	v10 =	vnsel vm2, $0x3F800000, v10;
	[tilespmem:v59+s12+$0x0] =	vst.idx.msk vm1, v1  }
0x5af: {  	[tilespmem:v9+s26+$0x0] =	vst.idx.msk vm1, v10  }
0x5b0: {  	[tilespmem:v9+s13+$0x0] =	vst.idx.msk vm1, v1  }
0x5b1: {  	_ = 	snop  }
.LBB2_60:
0x5b2: {  	_ =	sfence.sel $0x180000  }
0x5b3: {  	[bflag:$0x0] =	sbarrier.arrive $0xFFFF  }
0x5b4: {  	_ =	strace $0x90000047  }
0x5b5: {  	s0 =	stileid.u32;
	[bflag:$0x2] =	sbarrier.arrive $0xFFFF  }
0x5b6: {  	p0 =	sne.s32 s0, $0x0;
	s0 =	rddreg [dreg:$0x8]  }
0x5b7: {  	s0 =	sadd.s32 @!p0 $0x100000, s0  }
0x5b8: {  	[sflag:s0] =	ssyncadd.tile.s32 @!p0 $0x1;
	_ =	shalt  }
.Lfunc_end2:
_tile_overlayer_lowered:
.L_overlay_start_2:
0x5b9: {  	(tag) =	ssettag $0x2  }
0x5ba: {  	s0 =	rddreg [dreg:$0x0];
	s2 =	stileid.u32  }
0x5bb: {  	s1 =	rddreg [dreg:$0x1];
	p0 =	sne.s32 s2, $0x0  }
0x5bc: {  	s3 =	rddreg [dreg:$0x2];
	[bflag:$0x3] =	sbarrier.arrive $0xFFFF;
	s2 =	simm.s32 @!p0 $0x1C07  }
0x5bd: {  	[timem:s3], [sflag:s2] =	dma.local @!p0 [hbm:s0], s1  }
0x5be: {  	s0 =	simm.s32 @!p0 $0x7  }
0x5bf: {  	_ =	swait.ge @!p0 [sflag:s0], s1  }
0x5c0: {  	s1 =	ssub.s32 @!p0 $0x0, s1;
	[sflag:s0] =	ssyncset.done @!p0 $0x0  }
0x5c1: {  	[sflag:s0] =	ssyncadd.s32 @!p0 s1  }
0x5c2: {  	[bflag:$0x3] =	sbarrier.arrive $0xFFFF  }
0x5c3: {  	_ =	shalt  }

</sc_bundles>
